<compile_context>
chip_gen: v7x
topology: tpu7x:2x2x1
jax: 0.10.2.dev20260603
libtpu: 0.0.44.dev20260713+nightly
codegen_flags: <defaults>
</compile_context>

<pallas_src>
import functools

import jax
import jax.numpy as jnp
from jax import lax
from jax.experimental import pallas as pl
from jax.experimental.pallas import tpu as pltpu
from jax.experimental.pallas import tpu_sc as plsc

N = 10000
E = 320000
H = 128
B = 64
NC = 2
NS = 16
EPT = E // (NC * NS)
CH = 80
NT = EPT // CH
RPT = 624
F32 = jnp.float32

_mesh = plsc.VectorSubcoreMesh(core_axis_name="c", subcore_axis_name="s")



def _edge_body(a_hbm, b_hbm, dst_hbm, src_hbm, out_hbm, di, si, ra, rb, acc,
               sem_a, sem_b):
    c = lax.axis_index("c")
    s = lax.axis_index("s")

    @pl.loop(0, CH)
    def _z(i):
        for j in range(H // 16):
            ra[i, pl.ds(j * 16, 16)] = jnp.zeros((16,), F32)

    rbase = pl.multiple_of(s * RPT, 8)
    rem = RPT - (RPT // CH) * CH

    def _stripe_copy(dst_of_rows):
        for k in range(RPT // CH):
            dst_of_rows(rbase + k * CH, CH)
        if rem:
            dst_of_rows(rbase + RPT - rem, rem)
        @pl.when(s == NS - 1)
        def _tail():
            dst_of_rows(pl.multiple_of(NS * RPT, 8), N - NS * RPT)

    _stripe_copy(lambda r0, nr: pltpu.sync_copy(ra.at[pl.ds(0, nr)],
                                                acc.at[pl.ds(r0, nr)]))
    plsc.subcore_barrier()

    ebase = (c * NS + s) * EPT

    @pl.loop(0, NT)
    def _t(t):
        eo = pl.multiple_of(ebase + t * CH, 8)
        pltpu.sync_copy(dst_hbm.at[pl.ds(eo, CH)], di)
        pltpu.sync_copy(src_hbm.at[pl.ds(eo, CH)], si)
        cpa = pltpu.async_copy(a_hbm.at[di], ra, sem_a)
        cpb = pltpu.async_copy(b_hbm.at[si], rb, sem_b)
        cpa.wait()
        cpb.wait()

        @pl.loop(0, CH)
        def _e(e):
            for j in range(H // 16):
                sl = pl.ds(j * 16, 16)
                rb[e, sl] = jnp.maximum(ra[e, sl] + rb[e, sl], 0.0)

        pltpu.sync_copy(rb, acc.at[di], add=True)

    plsc.subcore_barrier()
    _stripe_copy(lambda r0, nr: pltpu.sync_copy(acc.at[pl.ds(r0, nr)],
                                                out_hbm.at[c, pl.ds(r0, nr)]))


@functools.partial(
    pl.kernel,
    out_type=jax.ShapeDtypeStruct((NC, N, H), F32),
    mesh=_mesh,
    scratch_types=[
        pltpu.VMEM((CH,), jnp.int32),
        pltpu.VMEM((CH,), jnp.int32),
        pltpu.VMEM((CH, H), F32),
        pltpu.VMEM((CH, H), F32),
        pltpu.VMEM_SHARED((N, H), F32),
        pltpu.SemaphoreType.DMA,
        pltpu.SemaphoreType.DMA,
    ],
)
def _edge_pass(a_hbm, b_hbm, dst_hbm, src_hbm, out_hbm, di, si, ra, rb, acc,
               sem_a, sem_b):
    _edge_body(a_hbm, b_hbm, dst_hbm, src_hbm, out_hbm, di, si, ra, rb, acc,
               sem_a, sem_b)



def _dot(a, b):
    return jnp.dot(a, b, preferred_element_type=F32)


def _prologue_body(x_ref, w0_ref, b0_ref, m1t_ref, m1s_ref, m1b_ref,
                   h_ref, a_ref, b_ref):
    h = jnp.maximum(_dot(x_ref[...], w0_ref[...]) + b0_ref[...], 0.0)
    h_ref[...] = h
    a_ref[...] = _dot(h, m1t_ref[...]) + m1b_ref[...]
    b_ref[...] = _dot(h, m1s_ref[...])


def _update(h, p0, p1, m2_ref, uwt_ref, uwb_ref, ub_ref, g_ref, bb_ref):
    aggp = p0 + p1
    wagg = _dot(m2_ref[...], uwb_ref[...])
    u = jnp.maximum(_dot(h, uwt_ref[...]) + _dot(aggp, wagg) + ub_ref[...],
                    0.0)
    mu = jnp.mean(u, axis=-1, keepdims=True)
    var = jnp.mean((u - mu) ** 2, axis=-1, keepdims=True)
    return (u - mu) * lax.rsqrt(var + 1e-5) * g_ref[...] + bb_ref[...]


def _mid_body(h_ref, p_ref, m2_ref, uwt_ref, uwb_ref, ub_ref, g_ref, bb_ref,
              m1t_ref, m1s_ref, m1b_ref, h2_ref, a_ref, b_ref):
    hn = _update(h_ref[...], p_ref[0], p_ref[1], m2_ref, uwt_ref, uwb_ref,
                 ub_ref, g_ref, bb_ref)
    h2_ref[...] = hn
    a_ref[...] = _dot(hn, m1t_ref[...]) + m1b_ref[...]
    b_ref[...] = _dot(hn, m1s_ref[...])


def _final_body(h_ref, p_ref, m2_ref, uwt_ref, uwb_ref, ub_ref, g_ref, bb_ref,
                gw1_ref, gb1_ref, gw2r_ref, gb2_ref,
                fc1w_ref, fc1b_ref, fc2r_ref, fc2b_ref,
                bat_ref, batt_ref, out_ref):
    hn = _update(h_ref[...], p_ref[0], p_ref[1], m2_ref, uwt_ref, uwb_ref,
                 ub_ref, g_ref, bb_ref)
    g1 = jnp.maximum(_dot(hn, gw1_ref[...]) + gb1_ref[...], 0.0)
    gate = jnp.sum(g1 * gw2r_ref[...], axis=1, keepdims=True) + gb2_ref[...]
    segs = lax.broadcasted_iota(jnp.int32, (N, B), 1)
    maskb = bat_ref[...] == segs
    gmax_row = jnp.max(jnp.where(maskb, gate, F32(-1e30)), axis=0,
                       keepdims=True)
    gmax_pn = jnp.sum(jnp.where(maskb, gmax_row, 0.0), axis=1, keepdims=True)
    gexp = jnp.exp(gate - gmax_pn)
    gden_row = jnp.sum(jnp.where(maskb, gexp, 0.0), axis=0, keepdims=True)
    den_pn = jnp.sum(jnp.where(maskb, gden_row, 0.0), axis=1, keepdims=True)
    attn = gexp / den_pn
    segs2 = lax.broadcasted_iota(jnp.int32, (B, N), 0)
    maskt = (batt_ref[...] == segs2).astype(F32)
    pooled = _dot(maskt, attn * hn)
    p1 = jnp.maximum(_dot(pooled, fc1w_ref[...]) + fc1b_ref[...], 0.0)
    out_ref[...] = (jnp.sum(p1 * fc2r_ref[...], axis=1, keepdims=True)
                    + fc2b_ref[...])


_nh = jax.ShapeDtypeStruct((N, H), F32)

_tc_prologue = pl.pallas_call(_prologue_body, out_shape=[_nh, _nh, _nh])
_tc_mid = pl.pallas_call(_mid_body, out_shape=[_nh, _nh, _nh])
_tc_final = pl.pallas_call(_final_body,
                           out_shape=jax.ShapeDtypeStruct((B, 1), F32))


def kernel(x, edge_index, batch, W0, b0, m1W, m1b, m2W, m2b, uW, ub, lnG, lnB,
           gW1, gb1, gW2, gb2, fc1W, fc1b, fc2W, fc2b):
    src = edge_index[0]
    dst = edge_index[1]
    h, a, bs = _tc_prologue(x, W0, b0.reshape(1, H), m1W[0, :H], m1W[0, H:],
                            m1b[0].reshape(1, H))
    out = None
    for i in range(4):
        p = _edge_pass(a, bs, dst, src)
        if i < 3:
            h, a, bs = _tc_mid(h, p, m2W[i], uW[i, :H], uW[i, H:],
                               ub[i].reshape(1, H), lnG[i].reshape(1, H),
                               lnB[i].reshape(1, H), m1W[i + 1, :H],
                               m1W[i + 1, H:], m1b[i + 1].reshape(1, H))
        else:
            out = _tc_final(h, p, m2W[i], uW[i, :H], uW[i, H:],
                            ub[i].reshape(1, H), lnG[i].reshape(1, H),
                            lnB[i].reshape(1, H),
                            gW1, gb1.reshape(1, B), gW2.reshape(1, B),
                            gb2.reshape(1, 1), fc1W, fc1b.reshape(1, H),
                            fc2W.reshape(1, H), fc2b.reshape(1, 1),
                            batch.reshape(N, 1), batch.reshape(1, N))
    return out.reshape(-1)

# --- scband reference (transcript-rebuilt; emitter-appended) ---
"""Pipeline reference for scband-gnnmodel-38774964748834 (READ-ONLY COPY).

The authoritative reference and input builder live on the scoring server;
editing this copy changes nothing except your own understanding.
"""

import jax, jax.numpy as jnp
import numpy as np

N = 10000
E = 320000
DIN = 128
H = 128
B = 64


def setup_inputs(seed: int = 0) -> dict:
    key = jax.random.key(seed)
    ks = jax.random.split(key, 32)
    s = 0.05
    inp = {}
    inp["x"] = jax.random.normal(ks[0], (N, DIN), dtype=jnp.float32)
    inp["edge_index"] = jax.random.randint(ks[1], (2, E), 0, N, dtype=jnp.int32)
    inp["batch"] = jnp.sort(jax.random.randint(ks[2], (N,), 0, B, dtype=jnp.int32))
    inp["W0"] = jax.random.normal(ks[3], (DIN, H), dtype=jnp.float32) * s
    inp["b0"] = jnp.zeros((H,), dtype=jnp.float32)
    inp["m1W"] = jax.random.normal(ks[4], (4, 2 * H, H), dtype=jnp.float32) * s
    inp["m1b"] = jnp.zeros((4, H), dtype=jnp.float32)
    inp["m2W"] = jax.random.normal(ks[5], (4, H, H), dtype=jnp.float32) * s
    inp["m2b"] = jnp.zeros((4, H), dtype=jnp.float32)
    inp["uW"] = jax.random.normal(ks[6], (4, 2 * H, H), dtype=jnp.float32) * s
    inp["ub"] = jnp.zeros((4, H), dtype=jnp.float32)
    inp["lnG"] = jnp.ones((4, H), dtype=jnp.float32)
    inp["lnB"] = jnp.zeros((4, H), dtype=jnp.float32)
    inp["gW1"] = jax.random.normal(ks[7], (H, 64), dtype=jnp.float32) * s
    inp["gb1"] = jnp.zeros((64,), dtype=jnp.float32)
    inp["gW2"] = jax.random.normal(ks[8], (64, 1), dtype=jnp.float32) * s
    inp["gb2"] = jnp.zeros((1,), dtype=jnp.float32)
    inp["fc1W"] = jax.random.normal(ks[9], (H, H), dtype=jnp.float32) * s
    inp["fc1b"] = jnp.zeros((H,), dtype=jnp.float32)
    inp["fc2W"] = jax.random.normal(ks[10], (H, 1), dtype=jnp.float32) * s
    inp["fc2b"] = jnp.zeros((1,), dtype=jnp.float32)
    return inp


def _layernorm(h, g, b):
    mu = jnp.mean(h, axis=-1, keepdims=True)
    var = jnp.var(h, axis=-1, keepdims=True)
    return (h - mu) / jnp.sqrt(var + 1e-5) * g + b


def reference(x, edge_index, batch, W0, b0, m1W, m1b, m2W, m2b, uW, ub, lnG, lnB, gW1, gb1, gW2, gb2, fc1W, fc1b, fc2W, fc2b):
    src = edge_index[0]
    dst = edge_index[1]
    h = jax.nn.relu(x @ W0 + b0)
    for i in range(4):
        x_i = h[dst]  # target node feats (PyG x_i)
        x_j = h[src]  # source node feats (PyG x_j)
        m = jnp.concatenate([x_i, x_j], axis=-1) @ m1W[i] + m1b[i]
        m = jax.nn.relu(m)
        m = m @ m2W[i] + m2b[i]
        agg = jax.ops.segment_sum(m, dst, num_segments=N)
        u = jnp.concatenate([h, agg], axis=-1) @ uW[i] + ub[i]
        u = jax.nn.relu(u)
        h = _layernorm(u, lnG[i], lnB[i])
    # dropout is identity at inference
    gate = jax.nn.relu(h @ gW1 + gb1) @ gW2 + gb2  # [N, 1]
    gmax = jax.ops.segment_max(gate, batch, num_segments=B)  # [B, 1]
    gexp = jnp.exp(gate - gmax[batch])
    gden = jax.ops.segment_sum(gexp, batch, num_segments=B)
    attn = gexp / gden[batch]
    pooled = jax.ops.segment_sum(attn * h, batch, num_segments=B)  # [B, H]
    out = jax.nn.relu(pooled @ fc1W + fc1b) @ fc2W + fc2b  # [B, 1]
    return out.reshape(-1)

if __name__ == "__main__":
    import jax
    _d = setup_inputs()
    print(jax.jit(kernel)(*tuple(_d.values())))

</pallas_src>

<mosaic_0001>
#map = affine_map<(d0, d1) -> (0, 0)>
#map1 = affine_map<(d0, d1) -> (0)>
#map2 = affine_map<(d0, d1) -> (0, 0, 0)>
module attributes {stable_mosaic.version = 14 : i64} {
  func.func @_edge_pass(%arg0: i32, %arg1: i32, %arg2: memref<10000x128xf32, #tpu.memory_space<hbm>>, %arg3: memref<10000x128xf32, #tpu.memory_space<hbm>>, %arg4: memref<320000xi32, #tpu.memory_space<hbm>>, %arg5: memref<320000xi32, #tpu.memory_space<hbm>>, %arg6: memref<2x10000x128xf32, #tpu.memory_space<hbm>>, %arg7: memref<80xi32, #tpu.memory_space<vmem>>, %arg8: memref<80xi32, #tpu.memory_space<vmem>>, %arg9: memref<80x128xf32, #tpu.memory_space<vmem>>, %arg10: memref<80x128xf32, #tpu.memory_space<vmem>>, %arg11: memref<10000x128xf32, #tpu.memory_space<vmem_shared>>, %arg12: memref<!tpu.dma_semaphore, #tpu.memory_space<semaphore_mem>>, %arg13: memref<!tpu.dma_semaphore, #tpu.memory_space<semaphore_mem>>) attributes {dimension_semantics = [#tpu.dimension_semantics<core_parallel>, #tpu.dimension_semantics<subcore_parallel>], iteration_bounds = array<i64: 2, 16>, scalar_prefetch = 0 : i64, scratch_operands = 7 : i64, tpu.core_type = #tpu.core_type<sc_vector_subcore>, window_params = [{transform_indices = #map}, {transform_indices = #map}, {transform_indices = #map1}, {transform_indices = #map1}, {transform_indices = #map2}]} {
    %scan3A = arith.constant 0 : i32
    %scan3A_0 = arith.constant 80 : i32
    %scan3A_1 = arith.addi %scan3A, %scan3A_0 : i32
    %scan3A_2 = arith.constant 1 : i32
    scf.for %scan3A_57 = %scan3A to %scan3A_1 step %scan3A_2  : i32 {
      %mul3A_58 = arith.constant 1 : i32
      %mul3A_59 = arith.muli %scan3A_57, %mul3A_58 : i32
      %add3A_60 = arith.constant 0 : i32
      %add3A_61 = arith.addi %add3A_60, %mul3A_59 : i32
      %broadcast_in_dim3A = arith.constant 0.000000e+00 : f32
      %broadcast_in_dim3A_62 = vector.broadcast %broadcast_in_dim3A : f32 to vector<16xf32>
      %swap3A = arith.index_cast %add3A_61 : i32 to index
      %swap3A_63 = arith.constant 0 : index
      %swap3A_64 = tpu.vector_load %arg9[%swap3A, %swap3A_63] {strides = array<i32>} : memref<80x128xf32, #tpu.memory_space<vmem>>, vector<1x16xf32>,
      %swap3A_65 = vector.shape_cast %swap3A_64 : vector<1x16xf32> to vector<16xf32>
      %swap3A_66 = vector.shape_cast %broadcast_in_dim3A_62 : vector<16xf32> to vector<1x16xf32>
      tpu.vector_store %arg9[%swap3A, %swap3A_63], %swap3A_66 {strides = array<i32>} : memref<80x128xf32, #tpu.memory_space<vmem>>, vector<1x16xf32>,
      %broadcast_in_dim3A_67 = arith.constant 0.000000e+00 : f32
      %broadcast_in_dim3A_68 = vector.broadcast %broadcast_in_dim3A_67 : f32 to vector<16xf32>
      %swap3A_69 = arith.index_cast %add3A_61 : i32 to index
      %swap3A_70 = arith.constant 16 : index
      %swap3A_71 = tpu.vector_load %arg9[%swap3A_69, %swap3A_70] {strides = array<i32>} : memref<80x128xf32, #tpu.memory_space<vmem>>, vector<1x16xf32>,
      %swap3A_72 = vector.shape_cast %swap3A_71 : vector<1x16xf32> to vector<16xf32>
      %swap3A_73 = vector.shape_cast %broadcast_in_dim3A_68 : vector<16xf32> to vector<1x16xf32>
      tpu.vector_store %arg9[%swap3A_69, %swap3A_70], %swap3A_73 {strides = array<i32>} : memref<80x128xf32, #tpu.memory_space<vmem>>, vector<1x16xf32>,
      %broadcast_in_dim3A_74 = arith.constant 0.000000e+00 : f32
      %broadcast_in_dim3A_75 = vector.broadcast %broadcast_in_dim3A_74 : f32 to vector<16xf32>
      %swap3A_76 = arith.index_cast %add3A_61 : i32 to index
      %swap3A_77 = arith.constant 32 : index
      %swap3A_78 = tpu.vector_load %arg9[%swap3A_76, %swap3A_77] {strides = array<i32>} : memref<80x128xf32, #tpu.memory_space<vmem>>, vector<1x16xf32>,
      %swap3A_79 = vector.shape_cast %swap3A_78 : vector<1x16xf32> to vector<16xf32>
      %swap3A_80 = vector.shape_cast %broadcast_in_dim3A_75 : vector<16xf32> to vector<1x16xf32>
      tpu.vector_store %arg9[%swap3A_76, %swap3A_77], %swap3A_80 {strides = array<i32>} : memref<80x128xf32, #tpu.memory_space<vmem>>, vector<1x16xf32>,
      %broadcast_in_dim3A_81 = arith.constant 0.000000e+00 : f32
      %broadcast_in_dim3A_82 = vector.broadcast %broadcast_in_dim3A_81 : f32 to vector<16xf32>
      %swap3A_83 = arith.index_cast %add3A_61 : i32 to index
      %swap3A_84 = arith.constant 48 : index
      %swap3A_85 = tpu.vector_load %arg9[%swap3A_83, %swap3A_84] {strides = array<i32>} : memref<80x128xf32, #tpu.memory_space<vmem>>, vector<1x16xf32>,
      %swap3A_86 = vector.shape_cast %swap3A_85 : vector<1x16xf32> to vector<16xf32>
      %swap3A_87 = vector.shape_cast %broadcast_in_dim3A_82 : vector<16xf32> to vector<1x16xf32>
      tpu.vector_store %arg9[%swap3A_83, %swap3A_84], %swap3A_87 {strides = array<i32>} : memref<80x128xf32, #tpu.memory_space<vmem>>, vector<1x16xf32>,
      %broadcast_in_dim3A_88 = arith.constant 0.000000e+00 : f32
      %broadcast_in_dim3A_89 = vector.broadcast %broadcast_in_dim3A_88 : f32 to vector<16xf32>
      %swap3A_90 = arith.index_cast %add3A_61 : i32 to index
      %swap3A_91 = arith.constant 64 : index
      %swap3A_92 = tpu.vector_load %arg9[%swap3A_90, %swap3A_91] {strides = array<i32>} : memref<80x128xf32, #tpu.memory_space<vmem>>, vector<1x16xf32>,
      %swap3A_93 = vector.shape_cast %swap3A_92 : vector<1x16xf32> to vector<16xf32>
      %swap3A_94 = vector.shape_cast %broadcast_in_dim3A_89 : vector<16xf32> to vector<1x16xf32>
      tpu.vector_store %arg9[%swap3A_90, %swap3A_91], %swap3A_94 {strides = array<i32>} : memref<80x128xf32, #tpu.memory_space<vmem>>, vector<1x16xf32>,
      %broadcast_in_dim3A_95 = arith.constant 0.000000e+00 : f32
      %broadcast_in_dim3A_96 = vector.broadcast %broadcast_in_dim3A_95 : f32 to vector<16xf32>
      %swap3A_97 = arith.index_cast %add3A_61 : i32 to index
      %swap3A_98 = arith.constant 80 : index
      %swap3A_99 = tpu.vector_load %arg9[%swap3A_97, %swap3A_98] {strides = array<i32>} : memref<80x128xf32, #tpu.memory_space<vmem>>, vector<1x16xf32>,
      %swap3A_100 = vector.shape_cast %swap3A_99 : vector<1x16xf32> to vector<16xf32>
      %swap3A_101 = vector.shape_cast %broadcast_in_dim3A_96 : vector<16xf32> to vector<1x16xf32>
      tpu.vector_store %arg9[%swap3A_97, %swap3A_98], %swap3A_101 {strides = array<i32>} : memref<80x128xf32, #tpu.memory_space<vmem>>, vector<1x16xf32>,
      %broadcast_in_dim3A_102 = arith.constant 0.000000e+00 : f32
      %broadcast_in_dim3A_103 = vector.broadcast %broadcast_in_dim3A_102 : f32 to vector<16xf32>
      %swap3A_104 = arith.index_cast %add3A_61 : i32 to index
      %swap3A_105 = arith.constant 96 : index
      %swap3A_106 = tpu.vector_load %arg9[%swap3A_104, %swap3A_105] {strides = array<i32>} : memref<80x128xf32, #tpu.memory_space<vmem>>, vector<1x16xf32>,
      %swap3A_107 = vector.shape_cast %swap3A_106 : vector<1x16xf32> to vector<16xf32>
      %swap3A_108 = vector.shape_cast %broadcast_in_dim3A_103 : vector<16xf32> to vector<1x16xf32>
      tpu.vector_store %arg9[%swap3A_104, %swap3A_105], %swap3A_108 {strides = array<i32>} : memref<80x128xf32, #tpu.memory_space<vmem>>, vector<1x16xf32>,
      %broadcast_in_dim3A_109 = arith.constant 0.000000e+00 : f32
      %broadcast_in_dim3A_110 = vector.broadcast %broadcast_in_dim3A_109 : f32 to vector<16xf32>
      %swap3A_111 = arith.index_cast %add3A_61 : i32 to index
      %swap3A_112 = arith.constant 112 : index
      %swap3A_113 = tpu.vector_load %arg9[%swap3A_111, %swap3A_112] {strides = array<i32>} : memref<80x128xf32, #tpu.memory_space<vmem>>, vector<1x16xf32>,
      %swap3A_114 = vector.shape_cast %swap3A_113 : vector<1x16xf32> to vector<16xf32>
      %swap3A_115 = vector.shape_cast %broadcast_in_dim3A_110 : vector<16xf32> to vector<1x16xf32>
      tpu.vector_store %arg9[%swap3A_111, %swap3A_112], %swap3A_115 {strides = array<i32>} : memref<80x128xf32, #tpu.memory_space<vmem>>, vector<1x16xf32>,
    }
    %scan3A_3 = arith.constant 80 : i32
    %mul3A = arith.constant 624 : i32
    %mul3A_4 = arith.muli %arg1, %mul3A : i32
    %multiple_of3A = tpu.assume_multiple %mul3A_4, 8 : i32
    %add3A = arith.constant 0 : i32
    %add3A_5 = arith.addi %multiple_of3A, %add3A : i32
    "tpu.region"() ({
      %run_scoped3A = tpu.sem_alloc : memref<!tpu.dma_semaphore, #tpu.memory_space<semaphore_mem>>
      %dma_start3A = arith.constant 0 : i32
      %dma_start3A_57 = arith.constant 0 : i32
      %dma_start3A_58 = tpu.memref_slice %arg9[%dma_start3A, %dma_start3A_57] : memref<80x128xf32, #tpu.memory_space<vmem>> -> memref<80x128xf32, #tpu.memory_space<vmem>>
      %dma_start3A_59 = arith.constant 0 : i32
      %dma_start3A_60 = tpu.memref_slice %arg11[%add3A_5, %dma_start3A_59] : memref<10000x128xf32, #tpu.memory_space<vmem_shared>> -> memref<80x128xf32, #tpu.memory_space<vmem_shared>>
      %dma_start3A_61 = arith.constant 0 : i32
      %dma_start3A_62 = tpu.memref_slice %arg11[%add3A_5, %dma_start3A_61] : memref<10000x128xf32, #tpu.memory_space<vmem_shared>> -> memref<80x128xf32, #tpu.memory_space<vmem_shared>>
      %dma_start3A_63 = arith.constant 0 : i32
      %dma_start3A_64 = arith.constant 0 : i32
      %dma_start3A_65 = tpu.memref_slice %arg9[%dma_start3A_63, %dma_start3A_64] : memref<80x128xf32, #tpu.memory_space<vmem>> -> memref<80x128xf32, #tpu.memory_space<vmem>>
      tpu.enqueue_dma source(%dma_start3A_65 : memref<80x128xf32, #tpu.memory_space<vmem>>) target(%dma_start3A_62 : memref<80x128xf32, #tpu.memory_space<vmem_shared>>) target_semaphore(%run_scoped3A : memref<!tpu.dma_semaphore, #tpu.memory_space<semaphore_mem>>)
      %dma_wait3A = arith.constant 0 : i32
      %dma_wait3A_66 = arith.constant 0 : i32
      %dma_wait3A_67 = tpu.memref_slice %arg9[%dma_wait3A, %dma_wait3A_66] : memref<80x128xf32, #tpu.memory_space<vmem>> -> memref<80x128xf32, #tpu.memory_space<vmem>>
      %dma_wait3A_68 = arith.constant 0 : i32
      %dma_wait3A_69 = tpu.memref_slice %arg11[%add3A_5, %dma_wait3A_68] : memref<10000x128xf32, #tpu.memory_space<vmem_shared>> -> memref<80x128xf32, #tpu.memory_space<vmem_shared>>
      %dma_wait3A_70 = arith.constant 0 : i32
      %dma_wait3A_71 = tpu.memref_slice %arg11[%add3A_5, %dma_wait3A_70] : memref<10000x128xf32, #tpu.memory_space<vmem_shared>> -> memref<80x128xf32, #tpu.memory_space<vmem_shared>>
      %dma_wait3A_72 = arith.constant 0 : i32
      %dma_wait3A_73 = arith.constant 0 : i32
      %dma_wait3A_74 = tpu.memref_slice %arg9[%dma_wait3A_72, %dma_wait3A_73] : memref<80x128xf32, #tpu.memory_space<vmem>> -> memref<80x128xf32, #tpu.memory_space<vmem>>
      tpu.wait_dma2 semaphore(%run_scoped3A : memref<!tpu.dma_semaphore, #tpu.memory_space<semaphore_mem>>) src(%dma_wait3A_74 : memref<80x128xf32, #tpu.memory_space<vmem>>) dst(%dma_wait3A_71 : memref<80x128xf32, #tpu.memory_space<vmem_shared>>)
      tpu.yield
    }) : () -> ()
    %add3A_6 = arith.constant 80 : i32
    %add3A_7 = arith.addi %multiple_of3A, %add3A_6 : i32
    "tpu.region"() ({
      %run_scoped3A = tpu.sem_alloc : memref<!tpu.dma_semaphore, #tpu.memory_space<semaphore_mem>>
      %dma_start3A = arith.constant 0 : i32
      %dma_start3A_57 = arith.constant 0 : i32
      %dma_start3A_58 = tpu.memref_slice %arg9[%dma_start3A, %dma_start3A_57] : memref<80x128xf32, #tpu.memory_space<vmem>> -> memref<80x128xf32, #tpu.memory_space<vmem>>
      %dma_start3A_59 = arith.constant 0 : i32
      %dma_start3A_60 = tpu.memref_slice %arg11[%add3A_7, %dma_start3A_59] : memref<10000x128xf32, #tpu.memory_space<vmem_shared>> -> memref<80x128xf32, #tpu.memory_space<vmem_shared>>
      %dma_start3A_61 = arith.constant 0 : i32
      %dma_start3A_62 = tpu.memref_slice %arg11[%add3A_7, %dma_start3A_61] : memref<10000x128xf32, #tpu.memory_space<vmem_shared>> -> memref<80x128xf32, #tpu.memory_space<vmem_shared>>
      %dma_start3A_63 = arith.constant 0 : i32
      %dma_start3A_64 = arith.constant 0 : i32
      %dma_start3A_65 = tpu.memref_slice %arg9[%dma_start3A_63, %dma_start3A_64] : memref<80x128xf32, #tpu.memory_space<vmem>> -> memref<80x128xf32, #tpu.memory_space<vmem>>
      tpu.enqueue_dma source(%dma_start3A_65 : memref<80x128xf32, #tpu.memory_space<vmem>>) target(%dma_start3A_62 : memref<80x128xf32, #tpu.memory_space<vmem_shared>>) target_semaphore(%run_scoped3A : memref<!tpu.dma_semaphore, #tpu.memory_space<semaphore_mem>>)
      %dma_wait3A = arith.constant 0 : i32
      %dma_wait3A_66 = arith.constant 0 : i32
      %dma_wait3A_67 = tpu.memref_slice %arg9[%dma_wait3A, %dma_wait3A_66] : memref<80x128xf32, #tpu.memory_space<vmem>> -> memref<80x128xf32, #tpu.memory_space<vmem>>
      %dma_wait3A_68 = arith.constant 0 : i32
      %dma_wait3A_69 = tpu.memref_slice %arg11[%add3A_7, %dma_wait3A_68] : memref<10000x128xf32, #tpu.memory_space<vmem_shared>> -> memref<80x128xf32, #tpu.memory_space<vmem_shared>>
      %dma_wait3A_70 = arith.constant 0 : i32
      %dma_wait3A_71 = tpu.memref_slice %arg11[%add3A_7, %dma_wait3A_70] : memref<10000x128xf32, #tpu.memory_space<vmem_shared>> -> memref<80x128xf32, #tpu.memory_space<vmem_shared>>
      %dma_wait3A_72 = arith.constant 0 : i32
      %dma_wait3A_73 = arith.constant 0 : i32
      %dma_wait3A_74 = tpu.memref_slice %arg9[%dma_wait3A_72, %dma_wait3A_73] : memref<80x128xf32, #tpu.memory_space<vmem>> -> memref<80x128xf32, #tpu.memory_space<vmem>>
      tpu.wait_dma2 semaphore(%run_scoped3A : memref<!tpu.dma_semaphore, #tpu.memory_space<semaphore_mem>>) src(%dma_wait3A_74 : memref<80x128xf32, #tpu.memory_space<vmem>>) dst(%dma_wait3A_71 : memref<80x128xf32, #tpu.memory_space<vmem_shared>>)
      tpu.yield
    }) : () -> ()
    %add3A_8 = arith.constant 160 : i32
    %add3A_9 = arith.addi %multiple_of3A, %add3A_8 : i32
    "tpu.region"() ({
      %run_scoped3A = tpu.sem_alloc : memref<!tpu.dma_semaphore, #tpu.memory_space<semaphore_mem>>
      %dma_start3A = arith.constant 0 : i32
      %dma_start3A_57 = arith.constant 0 : i32
      %dma_start3A_58 = tpu.memref_slice %arg9[%dma_start3A, %dma_start3A_57] : memref<80x128xf32, #tpu.memory_space<vmem>> -> memref<80x128xf32, #tpu.memory_space<vmem>>
      %dma_start3A_59 = arith.constant 0 : i32
      %dma_start3A_60 = tpu.memref_slice %arg11[%add3A_9, %dma_start3A_59] : memref<10000x128xf32, #tpu.memory_space<vmem_shared>> -> memref<80x128xf32, #tpu.memory_space<vmem_shared>>
      %dma_start3A_61 = arith.constant 0 : i32
      %dma_start3A_62 = tpu.memref_slice %arg11[%add3A_9, %dma_start3A_61] : memref<10000x128xf32, #tpu.memory_space<vmem_shared>> -> memref<80x128xf32, #tpu.memory_space<vmem_shared>>
      %dma_start3A_63 = arith.constant 0 : i32
      %dma_start3A_64 = arith.constant 0 : i32
      %dma_start3A_65 = tpu.memref_slice %arg9[%dma_start3A_63, %dma_start3A_64] : memref<80x128xf32, #tpu.memory_space<vmem>> -> memref<80x128xf32, #tpu.memory_space<vmem>>
      tpu.enqueue_dma source(%dma_start3A_65 : memref<80x128xf32, #tpu.memory_space<vmem>>) target(%dma_start3A_62 : memref<80x128xf32, #tpu.memory_space<vmem_shared>>) target_semaphore(%run_scoped3A : memref<!tpu.dma_semaphore, #tpu.memory_space<semaphore_mem>>)
      %dma_wait3A = arith.constant 0 : i32
      %dma_wait3A_66 = arith.constant 0 : i32
      %dma_wait3A_67 = tpu.memref_slice %arg9[%dma_wait3A, %dma_wait3A_66] : memref<80x128xf32, #tpu.memory_space<vmem>> -> memref<80x128xf32, #tpu.memory_space<vmem>>
      %dma_wait3A_68 = arith.constant 0 : i32
      %dma_wait3A_69 = tpu.memref_slice %arg11[%add3A_9, %dma_wait3A_68] : memref<10000x128xf32, #tpu.memory_space<vmem_shared>> -> memref<80x128xf32, #tpu.memory_space<vmem_shared>>
      %dma_wait3A_70 = arith.constant 0 : i32
      %dma_wait3A_71 = tpu.memref_slice %arg11[%add3A_9, %dma_wait3A_70] : memref<10000x128xf32, #tpu.memory_space<vmem_shared>> -> memref<80x128xf32, #tpu.memory_space<vmem_shared>>
      %dma_wait3A_72 = arith.constant 0 : i32
      %dma_wait3A_73 = arith.constant 0 : i32
      %dma_wait3A_74 = tpu.memref_slice %arg9[%dma_wait3A_72, %dma_wait3A_73] : memref<80x128xf32, #tpu.memory_space<vmem>> -> memref<80x128xf32, #tpu.memory_space<vmem>>
      tpu.wait_dma2 semaphore(%run_scoped3A : memref<!tpu.dma_semaphore, #tpu.memory_space<semaphore_mem>>) src(%dma_wait3A_74 : memref<80x128xf32, #tpu.memory_space<vmem>>) dst(%dma_wait3A_71 : memref<80x128xf32, #tpu.memory_space<vmem_shared>>)
      tpu.yield
    }) : () -> ()
    %add3A_10 = arith.constant 240 : i32
    %add3A_11 = arith.addi %multiple_of3A, %add3A_10 : i32
    "tpu.region"() ({
      %run_scoped3A = tpu.sem_alloc : memref<!tpu.dma_semaphore, #tpu.memory_space<semaphore_mem>>
      %dma_start3A = arith.constant 0 : i32
      %dma_start3A_57 = arith.constant 0 : i32
      %dma_start3A_58 = tpu.memref_slice %arg9[%dma_start3A, %dma_start3A_57] : memref<80x128xf32, #tpu.memory_space<vmem>> -> memref<80x128xf32, #tpu.memory_space<vmem>>
      %dma_start3A_59 = arith.constant 0 : i32
      %dma_start3A_60 = tpu.memref_slice %arg11[%add3A_11, %dma_start3A_59] : memref<10000x128xf32, #tpu.memory_space<vmem_shared>> -> memref<80x128xf32, #tpu.memory_space<vmem_shared>>
      %dma_start3A_61 = arith.constant 0 : i32
      %dma_start3A_62 = tpu.memref_slice %arg11[%add3A_11, %dma_start3A_61] : memref<10000x128xf32, #tpu.memory_space<vmem_shared>> -> memref<80x128xf32, #tpu.memory_space<vmem_shared>>
      %dma_start3A_63 = arith.constant 0 : i32
      %dma_start3A_64 = arith.constant 0 : i32
      %dma_start3A_65 = tpu.memref_slice %arg9[%dma_start3A_63, %dma_start3A_64] : memref<80x128xf32, #tpu.memory_space<vmem>> -> memref<80x128xf32, #tpu.memory_space<vmem>>
      tpu.enqueue_dma source(%dma_start3A_65 : memref<80x128xf32, #tpu.memory_space<vmem>>) target(%dma_start3A_62 : memref<80x128xf32, #tpu.memory_space<vmem_shared>>) target_semaphore(%run_scoped3A : memref<!tpu.dma_semaphore, #tpu.memory_space<semaphore_mem>>)
      %dma_wait3A = arith.constant 0 : i32
      %dma_wait3A_66 = arith.constant 0 : i32
      %dma_wait3A_67 = tpu.memref_slice %arg9[%dma_wait3A, %dma_wait3A_66] : memref<80x128xf32, #tpu.memory_space<vmem>> -> memref<80x128xf32, #tpu.memory_space<vmem>>
      %dma_wait3A_68 = arith.constant 0 : i32
      %dma_wait3A_69 = tpu.memref_slice %arg11[%add3A_11, %dma_wait3A_68] : memref<10000x128xf32, #tpu.memory_space<vmem_shared>> -> memref<80x128xf32, #tpu.memory_space<vmem_shared>>
      %dma_wait3A_70 = arith.constant 0 : i32
      %dma_wait3A_71 = tpu.memref_slice %arg11[%add3A_11, %dma_wait3A_70] : memref<10000x128xf32, #tpu.memory_space<vmem_shared>> -> memref<80x128xf32, #tpu.memory_space<vmem_shared>>
      %dma_wait3A_72 = arith.constant 0 : i32
      %dma_wait3A_73 = arith.constant 0 : i32
      %dma_wait3A_74 = tpu.memref_slice %arg9[%dma_wait3A_72, %dma_wait3A_73] : memref<80x128xf32, #tpu.memory_space<vmem>> -> memref<80x128xf32, #tpu.memory_space<vmem>>
      tpu.wait_dma2 semaphore(%run_scoped3A : memref<!tpu.dma_semaphore, #tpu.memory_space<semaphore_mem>>) src(%dma_wait3A_74 : memref<80x128xf32, #tpu.memory_space<vmem>>) dst(%dma_wait3A_71 : memref<80x128xf32, #tpu.memory_space<vmem_shared>>)
      tpu.yield
    }) : () -> ()
    %add3A_12 = arith.constant 320 : i32
    %add3A_13 = arith.addi %multiple_of3A, %add3A_12 : i32
    "tpu.region"() ({
      %run_scoped3A = tpu.sem_alloc : memref<!tpu.dma_semaphore, #tpu.memory_space<semaphore_mem>>
      %dma_start3A = arith.constant 0 : i32
      %dma_start3A_57 = arith.constant 0 : i32
      %dma_start3A_58 = tpu.memref_slice %arg9[%dma_start3A, %dma_start3A_57] : memref<80x128xf32, #tpu.memory_space<vmem>> -> memref<80x128xf32, #tpu.memory_space<vmem>>
      %dma_start3A_59 = arith.constant 0 : i32
      %dma_start3A_60 = tpu.memref_slice %arg11[%add3A_13, %dma_start3A_59] : memref<10000x128xf32, #tpu.memory_space<vmem_shared>> -> memref<80x128xf32, #tpu.memory_space<vmem_shared>>
      %dma_start3A_61 = arith.constant 0 : i32
      %dma_start3A_62 = tpu.memref_slice %arg11[%add3A_13, %dma_start3A_61] : memref<10000x128xf32, #tpu.memory_space<vmem_shared>> -> memref<80x128xf32, #tpu.memory_space<vmem_shared>>
      %dma_start3A_63 = arith.constant 0 : i32
      %dma_start3A_64 = arith.constant 0 : i32
      %dma_start3A_65 = tpu.memref_slice %arg9[%dma_start3A_63, %dma_start3A_64] : memref<80x128xf32, #tpu.memory_space<vmem>> -> memref<80x128xf32, #tpu.memory_space<vmem>>
      tpu.enqueue_dma source(%dma_start3A_65 : memref<80x128xf32, #tpu.memory_space<vmem>>) target(%dma_start3A_62 : memref<80x128xf32, #tpu.memory_space<vmem_shared>>) target_semaphore(%run_scoped3A : memref<!tpu.dma_semaphore, #tpu.memory_space<semaphore_mem>>)
      %dma_wait3A = arith.constant 0 : i32
      %dma_wait3A_66 = arith.constant 0 : i32
      %dma_wait3A_67 = tpu.memref_slice %arg9[%dma_wait3A, %dma_wait3A_66] : memref<80x128xf32, #tpu.memory_space<vmem>> -> memref<80x128xf32, #tpu.memory_space<vmem>>
      %dma_wait3A_68 = arith.constant 0 : i32
      %dma_wait3A_69 = tpu.memref_slice %arg11[%add3A_13, %dma_wait3A_68] : memref<10000x128xf32, #tpu.memory_space<vmem_shared>> -> memref<80x128xf32, #tpu.memory_space<vmem_shared>>
      %dma_wait3A_70 = arith.constant 0 : i32
      %dma_wait3A_71 = tpu.memref_slice %arg11[%add3A_13, %dma_wait3A_70] : memref<10000x128xf32, #tpu.memory_space<vmem_shared>> -> memref<80x128xf32, #tpu.memory_space<vmem_shared>>
      %dma_wait3A_72 = arith.constant 0 : i32
      %dma_wait3A_73 = arith.constant 0 : i32
      %dma_wait3A_74 = tpu.memref_slice %arg9[%dma_wait3A_72, %dma_wait3A_73] : memref<80x128xf32, #tpu.memory_space<vmem>> -> memref<80x128xf32, #tpu.memory_space<vmem>>
      tpu.wait_dma2 semaphore(%run_scoped3A : memref<!tpu.dma_semaphore, #tpu.memory_space<semaphore_mem>>) src(%dma_wait3A_74 : memref<80x128xf32, #tpu.memory_space<vmem>>) dst(%dma_wait3A_71 : memref<80x128xf32, #tpu.memory_space<vmem_shared>>)
      tpu.yield
    }) : () -> ()
    %add3A_14 = arith.constant 400 : i32
    %add3A_15 = arith.addi %multiple_of3A, %add3A_14 : i32
    "tpu.region"() ({
      %run_scoped3A = tpu.sem_alloc : memref<!tpu.dma_semaphore, #tpu.memory_space<semaphore_mem>>
      %dma_start3A = arith.constant 0 : i32
      %dma_start3A_57 = arith.constant 0 : i32
      %dma_start3A_58 = tpu.memref_slice %arg9[%dma_start3A, %dma_start3A_57] : memref<80x128xf32, #tpu.memory_space<vmem>> -> memref<80x128xf32, #tpu.memory_space<vmem>>
      %dma_start3A_59 = arith.constant 0 : i32
      %dma_start3A_60 = tpu.memref_slice %arg11[%add3A_15, %dma_start3A_59] : memref<10000x128xf32, #tpu.memory_space<vmem_shared>> -> memref<80x128xf32, #tpu.memory_space<vmem_shared>>
      %dma_start3A_61 = arith.constant 0 : i32
      %dma_start3A_62 = tpu.memref_slice %arg11[%add3A_15, %dma_start3A_61] : memref<10000x128xf32, #tpu.memory_space<vmem_shared>> -> memref<80x128xf32, #tpu.memory_space<vmem_shared>>
      %dma_start3A_63 = arith.constant 0 : i32
      %dma_start3A_64 = arith.constant 0 : i32
      %dma_start3A_65 = tpu.memref_slice %arg9[%dma_start3A_63, %dma_start3A_64] : memref<80x128xf32, #tpu.memory_space<vmem>> -> memref<80x128xf32, #tpu.memory_space<vmem>>
      tpu.enqueue_dma source(%dma_start3A_65 : memref<80x128xf32, #tpu.memory_space<vmem>>) target(%dma_start3A_62 : memref<80x128xf32, #tpu.memory_space<vmem_shared>>) target_semaphore(%run_scoped3A : memref<!tpu.dma_semaphore, #tpu.memory_space<semaphore_mem>>)
      %dma_wait3A = arith.constant 0 : i32
      %dma_wait3A_66 = arith.constant 0 : i32
      %dma_wait3A_67 = tpu.memref_slice %arg9[%dma_wait3A, %dma_wait3A_66] : memref<80x128xf32, #tpu.memory_space<vmem>> -> memref<80x128xf32, #tpu.memory_space<vmem>>
      %dma_wait3A_68 = arith.constant 0 : i32
      %dma_wait3A_69 = tpu.memref_slice %arg11[%add3A_15, %dma_wait3A_68] : memref<10000x128xf32, #tpu.memory_space<vmem_shared>> -> memref<80x128xf32, #tpu.memory_space<vmem_shared>>
      %dma_wait3A_70 = arith.constant 0 : i32
      %dma_wait3A_71 = tpu.memref_slice %arg11[%add3A_15, %dma_wait3A_70] : memref<10000x128xf32, #tpu.memory_space<vmem_shared>> -> memref<80x128xf32, #tpu.memory_space<vmem_shared>>
      %dma_wait3A_72 = arith.constant 0 : i32
      %dma_wait3A_73 = arith.constant 0 : i32
      %dma_wait3A_74 = tpu.memref_slice %arg9[%dma_wait3A_72, %dma_wait3A_73] : memref<80x128xf32, #tpu.memory_space<vmem>> -> memref<80x128xf32, #tpu.memory_space<vmem>>
      tpu.wait_dma2 semaphore(%run_scoped3A : memref<!tpu.dma_semaphore, #tpu.memory_space<semaphore_mem>>) src(%dma_wait3A_74 : memref<80x128xf32, #tpu.memory_space<vmem>>) dst(%dma_wait3A_71 : memref<80x128xf32, #tpu.memory_space<vmem_shared>>)
      tpu.yield
    }) : () -> ()
    %add3A_16 = arith.constant 480 : i32
    %add3A_17 = arith.addi %multiple_of3A, %add3A_16 : i32
    "tpu.region"() ({
      %run_scoped3A = tpu.sem_alloc : memref<!tpu.dma_semaphore, #tpu.memory_space<semaphore_mem>>
      %dma_start3A = arith.constant 0 : i32
      %dma_start3A_57 = arith.constant 0 : i32
      %dma_start3A_58 = tpu.memref_slice %arg9[%dma_start3A, %dma_start3A_57] : memref<80x128xf32, #tpu.memory_space<vmem>> -> memref<80x128xf32, #tpu.memory_space<vmem>>
      %dma_start3A_59 = arith.constant 0 : i32
      %dma_start3A_60 = tpu.memref_slice %arg11[%add3A_17, %dma_start3A_59] : memref<10000x128xf32, #tpu.memory_space<vmem_shared>> -> memref<80x128xf32, #tpu.memory_space<vmem_shared>>
      %dma_start3A_61 = arith.constant 0 : i32
      %dma_start3A_62 = tpu.memref_slice %arg11[%add3A_17, %dma_start3A_61] : memref<10000x128xf32, #tpu.memory_space<vmem_shared>> -> memref<80x128xf32, #tpu.memory_space<vmem_shared>>
      %dma_start3A_63 = arith.constant 0 : i32
      %dma_start3A_64 = arith.constant 0 : i32
      %dma_start3A_65 = tpu.memref_slice %arg9[%dma_start3A_63, %dma_start3A_64] : memref<80x128xf32, #tpu.memory_space<vmem>> -> memref<80x128xf32, #tpu.memory_space<vmem>>
      tpu.enqueue_dma source(%dma_start3A_65 : memref<80x128xf32, #tpu.memory_space<vmem>>) target(%dma_start3A_62 : memref<80x128xf32, #tpu.memory_space<vmem_shared>>) target_semaphore(%run_scoped3A : memref<!tpu.dma_semaphore, #tpu.memory_space<semaphore_mem>>)
      %dma_wait3A = arith.constant 0 : i32
      %dma_wait3A_66 = arith.constant 0 : i32
      %dma_wait3A_67 = tpu.memref_slice %arg9[%dma_wait3A, %dma_wait3A_66] : memref<80x128xf32, #tpu.memory_space<vmem>> -> memref<80x128xf32, #tpu.memory_space<vmem>>
      %dma_wait3A_68 = arith.constant 0 : i32
      %dma_wait3A_69 = tpu.memref_slice %arg11[%add3A_17, %dma_wait3A_68] : memref<10000x128xf32, #tpu.memory_space<vmem_shared>> -> memref<80x128xf32, #tpu.memory_space<vmem_shared>>
      %dma_wait3A_70 = arith.constant 0 : i32
      %dma_wait3A_71 = tpu.memref_slice %arg11[%add3A_17, %dma_wait3A_70] : memref<10000x128xf32, #tpu.memory_space<vmem_shared>> -> memref<80x128xf32, #tpu.memory_space<vmem_shared>>
      %dma_wait3A_72 = arith.constant 0 : i32
      %dma_wait3A_73 = arith.constant 0 : i32
      %dma_wait3A_74 = tpu.memref_slice %arg9[%dma_wait3A_72, %dma_wait3A_73] : memref<80x128xf32, #tpu.memory_space<vmem>> -> memref<80x128xf32, #tpu.memory_space<vmem>>
      tpu.wait_dma2 semaphore(%run_scoped3A : memref<!tpu.dma_semaphore, #tpu.memory_space<semaphore_mem>>) src(%dma_wait3A_74 : memref<80x128xf32, #tpu.memory_space<vmem>>) dst(%dma_wait3A_71 : memref<80x128xf32, #tpu.memory_space<vmem_shared>>)
      tpu.yield
    }) : () -> ()
    %add3A_18 = arith.constant 624 : i32
    %add3A_19 = arith.addi %multiple_of3A, %add3A_18 : i32
    %sub3A = arith.constant 64 : i32
    %sub3A_20 = arith.subi %add3A_19, %sub3A : i32
    "tpu.region"() ({
      %run_scoped3A = tpu.sem_alloc : memref<!tpu.dma_semaphore, #tpu.memory_space<semaphore_mem>>
      %dma_start3A = arith.constant 0 : i32
      %dma_start3A_57 = arith.constant 0 : i32
      %dma_start3A_58 = tpu.memref_slice %arg9[%dma_start3A, %dma_start3A_57] : memref<80x128xf32, #tpu.memory_space<vmem>> -> memref<64x128xf32, #tpu.memory_space<vmem>>
      %dma_start3A_59 = arith.constant 0 : i32
      %dma_start3A_60 = tpu.memref_slice %arg11[%sub3A_20, %dma_start3A_59] : memref<10000x128xf32, #tpu.memory_space<vmem_shared>> -> memref<64x128xf32, #tpu.memory_space<vmem_shared>>
      %dma_start3A_61 = arith.constant 0 : i32
      %dma_start3A_62 = tpu.memref_slice %arg11[%sub3A_20, %dma_start3A_61] : memref<10000x128xf32, #tpu.memory_space<vmem_shared>> -> memref<64x128xf32, #tpu.memory_space<vmem_shared>>
      %dma_start3A_63 = arith.constant 0 : i32
      %dma_start3A_64 = arith.constant 0 : i32
      %dma_start3A_65 = tpu.memref_slice %arg9[%dma_start3A_63, %dma_start3A_64] : memref<80x128xf32, #tpu.memory_space<vmem>> -> memref<64x128xf32, #tpu.memory_space<vmem>>
      tpu.enqueue_dma source(%dma_start3A_65 : memref<64x128xf32, #tpu.memory_space<vmem>>) target(%dma_start3A_62 : memref<64x128xf32, #tpu.memory_space<vmem_shared>>) target_semaphore(%run_scoped3A : memref<!tpu.dma_semaphore, #tpu.memory_space<semaphore_mem>>)
      %dma_wait3A = arith.constant 0 : i32
      %dma_wait3A_66 = arith.constant 0 : i32
      %dma_wait3A_67 = tpu.memref_slice %arg9[%dma_wait3A, %dma_wait3A_66] : memref<80x128xf32, #tpu.memory_space<vmem>> -> memref<64x128xf32, #tpu.memory_space<vmem>>
      %dma_wait3A_68 = arith.constant 0 : i32
      %dma_wait3A_69 = tpu.memref_slice %arg11[%sub3A_20, %dma_wait3A_68] : memref<10000x128xf32, #tpu.memory_space<vmem_shared>> -> memref<64x128xf32, #tpu.memory_space<vmem_shared>>
      %dma_wait3A_70 = arith.constant 0 : i32
      %dma_wait3A_71 = tpu.memref_slice %arg11[%sub3A_20, %dma_wait3A_70] : memref<10000x128xf32, #tpu.memory_space<vmem_shared>> -> memref<64x128xf32, #tpu.memory_space<vmem_shared>>
      %dma_wait3A_72 = arith.constant 0 : i32
      %dma_wait3A_73 = arith.constant 0 : i32
      %dma_wait3A_74 = tpu.memref_slice %arg9[%dma_wait3A_72, %dma_wait3A_73] : memref<80x128xf32, #tpu.memory_space<vmem>> -> memref<64x128xf32, #tpu.memory_space<vmem>>
      tpu.wait_dma2 semaphore(%run_scoped3A : memref<!tpu.dma_semaphore, #tpu.memory_space<semaphore_mem>>) src(%dma_wait3A_74 : memref<64x128xf32, #tpu.memory_space<vmem>>) dst(%dma_wait3A_71 : memref<64x128xf32, #tpu.memory_space<vmem_shared>>)
      tpu.yield
    }) : () -> ()
    %eq3A = arith.constant 15 : i32
    %eq3A_21 = arith.cmpi eq, %arg1, %eq3A : i32
    %convert_element_type3A = arith.extui %eq3A_21 : i1 to i32
    %cond3A = arith.constant 0 : i32
    %cond3A_22 = arith.cmpi ne, %convert_element_type3A, %cond3A : i32
    scf.if %cond3A_22 {
      %multiple_of3A_57 = arith.constant 9984 : i32
      %multiple_of3A_58 = tpu.assume_multiple %multiple_of3A_57, 8 : i32
      "tpu.region"() ({
        %run_scoped3A = tpu.sem_alloc : memref<!tpu.dma_semaphore, #tpu.memory_space<semaphore_mem>>
        %dma_start3A = arith.constant 0 : i32
        %dma_start3A_59 = arith.constant 0 : i32
        %dma_start3A_60 = tpu.memref_slice %arg9[%dma_start3A, %dma_start3A_59] : memref<80x128xf32, #tpu.memory_space<vmem>> -> memref<16x128xf32, #tpu.memory_space<vmem>>
        %dma_start3A_61 = arith.constant 0 : i32
        %dma_start3A_62 = tpu.memref_slice %arg11[%multiple_of3A_58, %dma_start3A_61] : memref<10000x128xf32, #tpu.memory_space<vmem_shared>> -> memref<16x128xf32, #tpu.memory_space<vmem_shared>>
        %dma_start3A_63 = arith.constant 0 : i32
        %dma_start3A_64 = tpu.memref_slice %arg11[%multiple_of3A_58, %dma_start3A_63] : memref<10000x128xf32, #tpu.memory_space<vmem_shared>> -> memref<16x128xf32, #tpu.memory_space<vmem_shared>>
        %dma_start3A_65 = arith.constant 0 : i32
        %dma_start3A_66 = arith.constant 0 : i32
        %dma_start3A_67 = tpu.memref_slice %arg9[%dma_start3A_65, %dma_start3A_66] : memref<80x128xf32, #tpu.memory_space<vmem>> -> memref<16x128xf32, #tpu.memory_space<vmem>>
        tpu.enqueue_dma source(%dma_start3A_67 : memref<16x128xf32, #tpu.memory_space<vmem>>) target(%dma_start3A_64 : memref<16x128xf32, #tpu.memory_space<vmem_shared>>) target_semaphore(%run_scoped3A : memref<!tpu.dma_semaphore, #tpu.memory_space<semaphore_mem>>)
        %dma_wait3A = arith.constant 0 : i32
        %dma_wait3A_68 = arith.constant 0 : i32
        %dma_wait3A_69 = tpu.memref_slice %arg9[%dma_wait3A, %dma_wait3A_68] : memref<80x128xf32, #tpu.memory_space<vmem>> -> memref<16x128xf32, #tpu.memory_space<vmem>>
        %dma_wait3A_70 = arith.constant 0 : i32
        %dma_wait3A_71 = tpu.memref_slice %arg11[%multiple_of3A_58, %dma_wait3A_70] : memref<10000x128xf32, #tpu.memory_space<vmem_shared>> -> memref<16x128xf32, #tpu.memory_space<vmem_shared>>
        %dma_wait3A_72 = arith.constant 0 : i32
        %dma_wait3A_73 = tpu.memref_slice %arg11[%multiple_of3A_58, %dma_wait3A_72] : memref<10000x128xf32, #tpu.memory_space<vmem_shared>> -> memref<16x128xf32, #tpu.memory_space<vmem_shared>>
        %dma_wait3A_74 = arith.constant 0 : i32
        %dma_wait3A_75 = arith.constant 0 : i32
        %dma_wait3A_76 = tpu.memref_slice %arg9[%dma_wait3A_74, %dma_wait3A_75] : memref<80x128xf32, #tpu.memory_space<vmem>> -> memref<16x128xf32, #tpu.memory_space<vmem>>
        tpu.wait_dma2 semaphore(%run_scoped3A : memref<!tpu.dma_semaphore, #tpu.memory_space<semaphore_mem>>) src(%dma_wait3A_76 : memref<16x128xf32, #tpu.memory_space<vmem>>) dst(%dma_wait3A_73 : memref<16x128xf32, #tpu.memory_space<vmem_shared>>)
        tpu.yield
      }) : () -> ()
    } else {
    }
    %barrier3A = arith.constant 0 : index
    tpu.barrier barrier_id(%barrier3A)
    %mul3A_23 = arith.constant 16 : i32
    %mul3A_24 = arith.muli %arg0, %mul3A_23 : i32
    %add3A_25 = arith.addi %mul3A_24, %arg1 : i32
    %mul3A_26 = arith.constant 10000 : i32
    %mul3A_27 = arith.muli %add3A_25, %mul3A_26 : i32
    %scan3A_28 = arith.constant 0 : i32
    %scan3A_29 = arith.constant 125 : i32
    %scan3A_30 = arith.addi %scan3A_28, %scan3A_29 : i32
    %scan3A_31 = arith.constant 1 : i32
    scf.for %scan3A_57 = %scan3A_28 to %scan3A_30 step %scan3A_31  : i32 {
      %mul3A_58 = arith.constant 1 : i32
      %mul3A_59 = arith.muli %scan3A_57, %mul3A_58 : i32
      %add3A_60 = arith.constant 0 : i32
      %add3A_61 = arith.addi %add3A_60, %mul3A_59 : i32
      %mul3A_62 = arith.constant 80 : i32
      %mul3A_63 = arith.muli %add3A_61, %mul3A_62 : i32
      %add3A_64 = arith.addi %mul3A_27, %mul3A_63 : i32
      %multiple_of3A_65 = tpu.assume_multiple %add3A_64, 8 : i32
      "tpu.region"() ({
        %run_scoped3A = tpu.sem_alloc : memref<!tpu.dma_semaphore, #tpu.memory_space<semaphore_mem>>
        %dma_start3A_81 = tpu.memref_slice %arg4[%multiple_of3A_65] : memref<320000xi32, #tpu.memory_space<hbm>> -> memref<80xi32, #tpu.memory_space<hbm>>
        %dma_start3A_82 = tpu.memref_slice %arg4[%multiple_of3A_65] : memref<320000xi32, #tpu.memory_space<hbm>> -> memref<80xi32, #tpu.memory_space<hbm>>
        tpu.enqueue_dma source(%dma_start3A_82 : memref<80xi32, #tpu.memory_space<hbm>>) target(%arg7 : memref<80xi32, #tpu.memory_space<vmem>>) target_semaphore(%run_scoped3A : memref<!tpu.dma_semaphore, #tpu.memory_space<semaphore_mem>>)
        %dma_wait3A_83 = tpu.memref_slice %arg4[%multiple_of3A_65] : memref<320000xi32, #tpu.memory_space<hbm>> -> memref<80xi32, #tpu.memory_space<hbm>>
        %dma_wait3A_84 = tpu.memref_slice %arg4[%multiple_of3A_65] : memref<320000xi32, #tpu.memory_space<hbm>> -> memref<80xi32, #tpu.memory_space<hbm>>
        tpu.wait_dma2 semaphore(%run_scoped3A : memref<!tpu.dma_semaphore, #tpu.memory_space<semaphore_mem>>) src(%dma_wait3A_84 : memref<80xi32, #tpu.memory_space<hbm>>) dst(%arg7 : memref<80xi32, #tpu.memory_space<vmem>>)
        tpu.yield
      }) : () -> ()
      "tpu.region"() ({
        %run_scoped3A = tpu.sem_alloc : memref<!tpu.dma_semaphore, #tpu.memory_space<semaphore_mem>>
        %dma_start3A_81 = tpu.memref_slice %arg5[%multiple_of3A_65] : memref<320000xi32, #tpu.memory_space<hbm>> -> memref<80xi32, #tpu.memory_space<hbm>>
        %dma_start3A_82 = tpu.memref_slice %arg5[%multiple_of3A_65] : memref<320000xi32, #tpu.memory_space<hbm>> -> memref<80xi32, #tpu.memory_space<hbm>>
        tpu.enqueue_dma source(%dma_start3A_82 : memref<80xi32, #tpu.memory_space<hbm>>) target(%arg8 : memref<80xi32, #tpu.memory_space<vmem>>) target_semaphore(%run_scoped3A : memref<!tpu.dma_semaphore, #tpu.memory_space<semaphore_mem>>)
        %dma_wait3A_83 = tpu.memref_slice %arg5[%multiple_of3A_65] : memref<320000xi32, #tpu.memory_space<hbm>> -> memref<80xi32, #tpu.memory_space<hbm>>
        %dma_wait3A_84 = tpu.memref_slice %arg5[%multiple_of3A_65] : memref<320000xi32, #tpu.memory_space<hbm>> -> memref<80xi32, #tpu.memory_space<hbm>>
        tpu.wait_dma2 semaphore(%run_scoped3A : memref<!tpu.dma_semaphore, #tpu.memory_space<semaphore_mem>>) src(%dma_wait3A_84 : memref<80xi32, #tpu.memory_space<hbm>>) dst(%arg8 : memref<80xi32, #tpu.memory_space<vmem>>)
        tpu.yield
      }) : () -> ()
      %dma_start3A = arith.constant 0 : i32
      %dma_start3A_66 = arith.constant 0 : i32
      %dma_start3A_67 = tpu.memref_slice %arg2[%dma_start3A, %dma_start3A_66] : memref<10000x128xf32, #tpu.memory_space<hbm>> -> memref<10000x128xf32, #tpu.memory_space<hbm>>
      tpu.enqueue_indirect_dma source(%dma_start3A_67 : memref<10000x128xf32, #tpu.memory_space<hbm>>) target(%arg9 : memref<80x128xf32, #tpu.memory_space<vmem>>) offsets(%arg7 : memref<80xi32, #tpu.memory_space<vmem>>) semaphore(%arg12 : memref<!tpu.dma_semaphore, #tpu.memory_space<semaphore_mem>>)
      %dma_start3A_68 = arith.constant 0 : i32
      %dma_start3A_69 = arith.constant 0 : i32
      %dma_start3A_70 = tpu.memref_slice %arg3[%dma_start3A_68, %dma_start3A_69] : memref<10000x128xf32, #tpu.memory_space<hbm>> -> memref<10000x128xf32, #tpu.memory_space<hbm>>
      tpu.enqueue_indirect_dma source(%dma_start3A_70 : memref<10000x128xf32, #tpu.memory_space<hbm>>) target(%arg10 : memref<80x128xf32, #tpu.memory_space<vmem>>) offsets(%arg8 : memref<80xi32, #tpu.memory_space<vmem>>) semaphore(%arg13 : memref<!tpu.dma_semaphore, #tpu.memory_space<semaphore_mem>>)
      %dma_wait3A = arith.constant 0 : i32
      %dma_wait3A_71 = arith.constant 0 : i32
      %dma_wait3A_72 = tpu.memref_slice %arg2[%dma_wait3A, %dma_wait3A_71] : memref<10000x128xf32, #tpu.memory_space<hbm>> -> memref<10000x128xf32, #tpu.memory_space<hbm>>
      tpu.wait_indirect_dma semaphore(%arg12 : memref<!tpu.dma_semaphore, #tpu.memory_space<semaphore_mem>>) src(%dma_wait3A_72 : memref<10000x128xf32, #tpu.memory_space<hbm>>) dst(%arg9 : memref<80x128xf32, #tpu.memory_space<vmem>>)
      %dma_wait3A_73 = arith.constant 0 : i32
      %dma_wait3A_74 = arith.constant 0 : i32
      %dma_wait3A_75 = tpu.memref_slice %arg3[%dma_wait3A_73, %dma_wait3A_74] : memref<10000x128xf32, #tpu.memory_space<hbm>> -> memref<10000x128xf32, #tpu.memory_space<hbm>>
      tpu.wait_indirect_dma semaphore(%arg13 : memref<!tpu.dma_semaphore, #tpu.memory_space<semaphore_mem>>) src(%dma_wait3A_75 : memref<10000x128xf32, #tpu.memory_space<hbm>>) dst(%arg10 : memref<80x128xf32, #tpu.memory_space<vmem>>)
      %scan3A_76 = arith.constant 0 : i32
      %scan3A_77 = arith.constant 80 : i32
      %scan3A_78 = arith.addi %scan3A_76, %scan3A_77 : i32
      %scan3A_79 = arith.constant 1 : i32
      scf.for %scan3A_81 = %scan3A_76 to %scan3A_78 step %scan3A_79  : i32 {
        %mul3A_82 = arith.constant 1 : i32
        %mul3A_83 = arith.muli %scan3A_81, %mul3A_82 : i32
        %add3A_84 = arith.constant 0 : i32
        %add3A_85 = arith.addi %add3A_84, %mul3A_83 : i32
        %get3A = arith.index_cast %add3A_85 : i32 to index
        %get3A_86 = arith.constant 0 : index
        %get3A_87 = tpu.vector_load %arg9[%get3A, %get3A_86] {strides = array<i32>} : memref<80x128xf32, #tpu.memory_space<vmem>>, vector<1x16xf32>,
        %get3A_88 = vector.shape_cast %get3A_87 : vector<1x16xf32> to vector<16xf32>
        %get3A_89 = arith.index_cast %add3A_85 : i32 to index
        %get3A_90 = arith.constant 0 : index
        %get3A_91 = tpu.vector_load %arg10[%get3A_89, %get3A_90] {strides = array<i32>} : memref<80x128xf32, #tpu.memory_space<vmem>>, vector<1x16xf32>,
        %get3A_92 = vector.shape_cast %get3A_91 : vector<1x16xf32> to vector<16xf32>
        %add3A_93 = arith.addf %get3A_88, %get3A_92 : vector<16xf32>
        %max3A = arith.constant 0.000000e+00 : f32
        %max3A_94 = vector.broadcast %max3A : f32 to vector<16xf32>
        %max3A_95 = arith.maximumf %add3A_93, %max3A_94 : vector<16xf32>
        %swap3A = arith.index_cast %add3A_85 : i32 to index
        %swap3A_96 = arith.constant 0 : index
        %swap3A_97 = tpu.vector_load %arg10[%swap3A, %swap3A_96] {strides = array<i32>} : memref<80x128xf32, #tpu.memory_space<vmem>>, vector<1x16xf32>,
        %swap3A_98 = vector.shape_cast %swap3A_97 : vector<1x16xf32> to vector<16xf32>
        %swap3A_99 = vector.shape_cast %max3A_95 : vector<16xf32> to vector<1x16xf32>
        tpu.vector_store %arg10[%swap3A, %swap3A_96], %swap3A_99 {strides = array<i32>} : memref<80x128xf32, #tpu.memory_space<vmem>>, vector<1x16xf32>,
        %get3A_100 = arith.index_cast %add3A_85 : i32 to index
        %get3A_101 = arith.constant 16 : index
        %get3A_102 = tpu.vector_load %arg9[%get3A_100, %get3A_101] {strides = array<i32>} : memref<80x128xf32, #tpu.memory_space<vmem>>, vector<1x16xf32>,
        %get3A_103 = vector.shape_cast %get3A_102 : vector<1x16xf32> to vector<16xf32>
        %get3A_104 = arith.index_cast %add3A_85 : i32 to index
        %get3A_105 = arith.constant 16 : index
        %get3A_106 = tpu.vector_load %arg10[%get3A_104, %get3A_105] {strides = array<i32>} : memref<80x128xf32, #tpu.memory_space<vmem>>, vector<1x16xf32>,
        %get3A_107 = vector.shape_cast %get3A_106 : vector<1x16xf32> to vector<16xf32>
        %add3A_108 = arith.addf %get3A_103, %get3A_107 : vector<16xf32>
        %max3A_109 = arith.constant 0.000000e+00 : f32
        %max3A_110 = vector.broadcast %max3A_109 : f32 to vector<16xf32>
        %max3A_111 = arith.maximumf %add3A_108, %max3A_110 : vector<16xf32>
        %swap3A_112 = arith.index_cast %add3A_85 : i32 to index
        %swap3A_113 = arith.constant 16 : index
        %swap3A_114 = tpu.vector_load %arg10[%swap3A_112, %swap3A_113] {strides = array<i32>} : memref<80x128xf32, #tpu.memory_space<vmem>>, vector<1x16xf32>,
        %swap3A_115 = vector.shape_cast %swap3A_114 : vector<1x16xf32> to vector<16xf32>
        %swap3A_116 = vector.shape_cast %max3A_111 : vector<16xf32> to vector<1x16xf32>
        tpu.vector_store %arg10[%swap3A_112, %swap3A_113], %swap3A_116 {strides = array<i32>} : memref<80x128xf32, #tpu.memory_space<vmem>>, vector<1x16xf32>,
        %get3A_117 = arith.index_cast %add3A_85 : i32 to index
        %get3A_118 = arith.constant 32 : index
        %get3A_119 = tpu.vector_load %arg9[%get3A_117, %get3A_118] {strides = array<i32>} : memref<80x128xf32, #tpu.memory_space<vmem>>, vector<1x16xf32>,
        %get3A_120 = vector.shape_cast %get3A_119 : vector<1x16xf32> to vector<16xf32>
        %get3A_121 = arith.index_cast %add3A_85 : i32 to index
        %get3A_122 = arith.constant 32 : index
        %get3A_123 = tpu.vector_load %arg10[%get3A_121, %get3A_122] {strides = array<i32>} : memref<80x128xf32, #tpu.memory_space<vmem>>, vector<1x16xf32>,
        %get3A_124 = vector.shape_cast %get3A_123 : vector<1x16xf32> to vector<16xf32>
        %add3A_125 = arith.addf %get3A_120, %get3A_124 : vector<16xf32>
        %max3A_126 = arith.constant 0.000000e+00 : f32
        %max3A_127 = vector.broadcast %max3A_126 : f32 to vector<16xf32>
        %max3A_128 = arith.maximumf %add3A_125, %max3A_127 : vector<16xf32>
        %swap3A_129 = arith.index_cast %add3A_85 : i32 to index
        %swap3A_130 = arith.constant 32 : index
        %swap3A_131 = tpu.vector_load %arg10[%swap3A_129, %swap3A_130] {strides = array<i32>} : memref<80x128xf32, #tpu.memory_space<vmem>>, vector<1x16xf32>,
        %swap3A_132 = vector.shape_cast %swap3A_131 : vector<1x16xf32> to vector<16xf32>
        %swap3A_133 = vector.shape_cast %max3A_128 : vector<16xf32> to vector<1x16xf32>
        tpu.vector_store %arg10[%swap3A_129, %swap3A_130], %swap3A_133 {strides = array<i32>} : memref<80x128xf32, #tpu.memory_space<vmem>>, vector<1x16xf32>,
        %get3A_134 = arith.index_cast %add3A_85 : i32 to index
        %get3A_135 = arith.constant 48 : index
        %get3A_136 = tpu.vector_load %arg9[%get3A_134, %get3A_135] {strides = array<i32>} : memref<80x128xf32, #tpu.memory_space<vmem>>, vector<1x16xf32>,
        %get3A_137 = vector.shape_cast %get3A_136 : vector<1x16xf32> to vector<16xf32>
        %get3A_138 = arith.index_cast %add3A_85 : i32 to index
        %get3A_139 = arith.constant 48 : index
        %get3A_140 = tpu.vector_load %arg10[%get3A_138, %get3A_139] {strides = array<i32>} : memref<80x128xf32, #tpu.memory_space<vmem>>, vector<1x16xf32>,
        %get3A_141 = vector.shape_cast %get3A_140 : vector<1x16xf32> to vector<16xf32>
        %add3A_142 = arith.addf %get3A_137, %get3A_141 : vector<16xf32>
        %max3A_143 = arith.constant 0.000000e+00 : f32
        %max3A_144 = vector.broadcast %max3A_143 : f32 to vector<16xf32>
        %max3A_145 = arith.maximumf %add3A_142, %max3A_144 : vector<16xf32>
        %swap3A_146 = arith.index_cast %add3A_85 : i32 to index
        %swap3A_147 = arith.constant 48 : index
        %swap3A_148 = tpu.vector_load %arg10[%swap3A_146, %swap3A_147] {strides = array<i32>} : memref<80x128xf32, #tpu.memory_space<vmem>>, vector<1x16xf32>,
        %swap3A_149 = vector.shape_cast %swap3A_148 : vector<1x16xf32> to vector<16xf32>
        %swap3A_150 = vector.shape_cast %max3A_145 : vector<16xf32> to vector<1x16xf32>
        tpu.vector_store %arg10[%swap3A_146, %swap3A_147], %swap3A_150 {strides = array<i32>} : memref<80x128xf32, #tpu.memory_space<vmem>>, vector<1x16xf32>,
        %get3A_151 = arith.index_cast %add3A_85 : i32 to index
        %get3A_152 = arith.constant 64 : index
        %get3A_153 = tpu.vector_load %arg9[%get3A_151, %get3A_152] {strides = array<i32>} : memref<80x128xf32, #tpu.memory_space<vmem>>, vector<1x16xf32>,
        %get3A_154 = vector.shape_cast %get3A_153 : vector<1x16xf32> to vector<16xf32>
        %get3A_155 = arith.index_cast %add3A_85 : i32 to index
        %get3A_156 = arith.constant 64 : index
        %get3A_157 = tpu.vector_load %arg10[%get3A_155, %get3A_156] {strides = array<i32>} : memref<80x128xf32, #tpu.memory_space<vmem>>, vector<1x16xf32>,
        %get3A_158 = vector.shape_cast %get3A_157 : vector<1x16xf32> to vector<16xf32>
        %add3A_159 = arith.addf %get3A_154, %get3A_158 : vector<16xf32>
        %max3A_160 = arith.constant 0.000000e+00 : f32
        %max3A_161 = vector.broadcast %max3A_160 : f32 to vector<16xf32>
        %max3A_162 = arith.maximumf %add3A_159, %max3A_161 : vector<16xf32>
        %swap3A_163 = arith.index_cast %add3A_85 : i32 to index
        %swap3A_164 = arith.constant 64 : index
        %swap3A_165 = tpu.vector_load %arg10[%swap3A_163, %swap3A_164] {strides = array<i32>} : memref<80x128xf32, #tpu.memory_space<vmem>>, vector<1x16xf32>,
        %swap3A_166 = vector.shape_cast %swap3A_165 : vector<1x16xf32> to vector<16xf32>
        %swap3A_167 = vector.shape_cast %max3A_162 : vector<16xf32> to vector<1x16xf32>
        tpu.vector_store %arg10[%swap3A_163, %swap3A_164], %swap3A_167 {strides = array<i32>} : memref<80x128xf32, #tpu.memory_space<vmem>>, vector<1x16xf32>,
        %get3A_168 = arith.index_cast %add3A_85 : i32 to index
        %get3A_169 = arith.constant 80 : index
        %get3A_170 = tpu.vector_load %arg9[%get3A_168, %get3A_169] {strides = array<i32>} : memref<80x128xf32, #tpu.memory_space<vmem>>, vector<1x16xf32>,
        %get3A_171 = vector.shape_cast %get3A_170 : vector<1x16xf32> to vector<16xf32>
        %get3A_172 = arith.index_cast %add3A_85 : i32 to index
        %get3A_173 = arith.constant 80 : index
        %get3A_174 = tpu.vector_load %arg10[%get3A_172, %get3A_173] {strides = array<i32>} : memref<80x128xf32, #tpu.memory_space<vmem>>, vector<1x16xf32>,
        %get3A_175 = vector.shape_cast %get3A_174 : vector<1x16xf32> to vector<16xf32>
        %add3A_176 = arith.addf %get3A_171, %get3A_175 : vector<16xf32>
        %max3A_177 = arith.constant 0.000000e+00 : f32
        %max3A_178 = vector.broadcast %max3A_177 : f32 to vector<16xf32>
        %max3A_179 = arith.maximumf %add3A_176, %max3A_178 : vector<16xf32>
        %swap3A_180 = arith.index_cast %add3A_85 : i32 to index
        %swap3A_181 = arith.constant 80 : index
        %swap3A_182 = tpu.vector_load %arg10[%swap3A_180, %swap3A_181] {strides = array<i32>} : memref<80x128xf32, #tpu.memory_space<vmem>>, vector<1x16xf32>,
        %swap3A_183 = vector.shape_cast %swap3A_182 : vector<1x16xf32> to vector<16xf32>
        %swap3A_184 = vector.shape_cast %max3A_179 : vector<16xf32> to vector<1x16xf32>
        tpu.vector_store %arg10[%swap3A_180, %swap3A_181], %swap3A_184 {strides = array<i32>} : memref<80x128xf32, #tpu.memory_space<vmem>>, vector<1x16xf32>,
        %get3A_185 = arith.index_cast %add3A_85 : i32 to index
        %get3A_186 = arith.constant 96 : index
        %get3A_187 = tpu.vector_load %arg9[%get3A_185, %get3A_186] {strides = array<i32>} : memref<80x128xf32, #tpu.memory_space<vmem>>, vector<1x16xf32>,
        %get3A_188 = vector.shape_cast %get3A_187 : vector<1x16xf32> to vector<16xf32>
        %get3A_189 = arith.index_cast %add3A_85 : i32 to index
        %get3A_190 = arith.constant 96 : index
        %get3A_191 = tpu.vector_load %arg10[%get3A_189, %get3A_190] {strides = array<i32>} : memref<80x128xf32, #tpu.memory_space<vmem>>, vector<1x16xf32>,
        %get3A_192 = vector.shape_cast %get3A_191 : vector<1x16xf32> to vector<16xf32>
        %add3A_193 = arith.addf %get3A_188, %get3A_192 : vector<16xf32>
        %max3A_194 = arith.constant 0.000000e+00 : f32
        %max3A_195 = vector.broadcast %max3A_194 : f32 to vector<16xf32>
        %max3A_196 = arith.maximumf %add3A_193, %max3A_195 : vector<16xf32>
        %swap3A_197 = arith.index_cast %add3A_85 : i32 to index
        %swap3A_198 = arith.constant 96 : index
        %swap3A_199 = tpu.vector_load %arg10[%swap3A_197, %swap3A_198] {strides = array<i32>} : memref<80x128xf32, #tpu.memory_space<vmem>>, vector<1x16xf32>,
        %swap3A_200 = vector.shape_cast %swap3A_199 : vector<1x16xf32> to vector<16xf32>
        %swap3A_201 = vector.shape_cast %max3A_196 : vector<16xf32> to vector<1x16xf32>
        tpu.vector_store %arg10[%swap3A_197, %swap3A_198], %swap3A_201 {strides = array<i32>} : memref<80x128xf32, #tpu.memory_space<vmem>>, vector<1x16xf32>,
        %get3A_202 = arith.index_cast %add3A_85 : i32 to index
        %get3A_203 = arith.constant 112 : index
        %get3A_204 = tpu.vector_load %arg9[%get3A_202, %get3A_203] {strides = array<i32>} : memref<80x128xf32, #tpu.memory_space<vmem>>, vector<1x16xf32>,
        %get3A_205 = vector.shape_cast %get3A_204 : vector<1x16xf32> to vector<16xf32>
        %get3A_206 = arith.index_cast %add3A_85 : i32 to index
        %get3A_207 = arith.constant 112 : index
        %get3A_208 = tpu.vector_load %arg10[%get3A_206, %get3A_207] {strides = array<i32>} : memref<80x128xf32, #tpu.memory_space<vmem>>, vector<1x16xf32>,
        %get3A_209 = vector.shape_cast %get3A_208 : vector<1x16xf32> to vector<16xf32>
        %add3A_210 = arith.addf %get3A_205, %get3A_209 : vector<16xf32>
        %max3A_211 = arith.constant 0.000000e+00 : f32
        %max3A_212 = vector.broadcast %max3A_211 : f32 to vector<16xf32>
        %max3A_213 = arith.maximumf %add3A_210, %max3A_212 : vector<16xf32>
        %swap3A_214 = arith.index_cast %add3A_85 : i32 to index
        %swap3A_215 = arith.constant 112 : index
        %swap3A_216 = tpu.vector_load %arg10[%swap3A_214, %swap3A_215] {strides = array<i32>} : memref<80x128xf32, #tpu.memory_space<vmem>>, vector<1x16xf32>,
        %swap3A_217 = vector.shape_cast %swap3A_216 : vector<1x16xf32> to vector<16xf32>
        %swap3A_218 = vector.shape_cast %max3A_213 : vector<16xf32> to vector<1x16xf32>
        tpu.vector_store %arg10[%swap3A_214, %swap3A_215], %swap3A_218 {strides = array<i32>} : memref<80x128xf32, #tpu.memory_space<vmem>>, vector<1x16xf32>,
      }
      %scan3A_80 = arith.constant 80 : i32
      "tpu.region"() ({
        %run_scoped3A = tpu.sem_alloc : memref<!tpu.dma_semaphore, #tpu.memory_space<semaphore_mem>>
        %dma_start3A_81 = arith.constant 0 : i32
        %dma_start3A_82 = arith.constant 0 : i32
        %dma_start3A_83 = tpu.memref_slice %arg11[%dma_start3A_81, %dma_start3A_82] : memref<10000x128xf32, #tpu.memory_space<vmem_shared>> -> memref<10000x128xf32, #tpu.memory_space<vmem_shared>>
        tpu.enqueue_indirect_dma source(%arg10 : memref<80x128xf32, #tpu.memory_space<vmem>>) target(%dma_start3A_83 : memref<10000x128xf32, #tpu.memory_space<vmem_shared>>) offsets(%arg7 : memref<80xi32, #tpu.memory_space<vmem>>) semaphore(%run_scoped3A : memref<!tpu.dma_semaphore, #tpu.memory_space<semaphore_mem>>) {add = true}
        %dma_wait3A_84 = arith.constant 0 : i32
        %dma_wait3A_85 = arith.constant 0 : i32
        %dma_wait3A_86 = tpu.memref_slice %arg11[%dma_wait3A_84, %dma_wait3A_85] : memref<10000x128xf32, #tpu.memory_space<vmem_shared>> -> memref<10000x128xf32, #tpu.memory_space<vmem_shared>>
        tpu.wait_indirect_dma semaphore(%run_scoped3A : memref<!tpu.dma_semaphore, #tpu.memory_space<semaphore_mem>>) src(%arg10 : memref<80x128xf32, #tpu.memory_space<vmem>>) dst(%dma_wait3A_86 : memref<10000x128xf32, #tpu.memory_space<vmem_shared>>)
        tpu.yield
      }) : () -> ()
    }
    %scan3A_32 = arith.constant 125 : i32
    %barrier3A_33 = arith.constant 0 : index
    tpu.barrier barrier_id(%barrier3A_33)
    %add3A_34 = arith.constant 0 : i32
    %add3A_35 = arith.addi %multiple_of3A, %add3A_34 : i32
    "tpu.region"() ({
      %run_scoped3A = tpu.sem_alloc : memref<!tpu.dma_semaphore, #tpu.memory_space<semaphore_mem>>
      %dma_start3A = arith.constant 0 : i32
      %dma_start3A_57 = tpu.memref_slice %arg6[%arg0, %add3A_35, %dma_start3A] : memref<2x10000x128xf32, #tpu.memory_space<hbm>> -> memref<1x80x128xf32, #tpu.memory_space<hbm>>
      %dma_start3A_58 = tpu.memref_squeeze %dma_start3A_57 : memref<1x80x128xf32, #tpu.memory_space<hbm>> -> memref<80x128xf32, #tpu.memory_space<hbm>>
      %dma_start3A_59 = arith.constant 0 : i32
      %dma_start3A_60 = tpu.memref_slice %arg11[%add3A_35, %dma_start3A_59] : memref<10000x128xf32, #tpu.memory_space<vmem_shared>> -> memref<80x128xf32, #tpu.memory_space<vmem_shared>>
      tpu.enqueue_dma source(%dma_start3A_60 : memref<80x128xf32, #tpu.memory_space<vmem_shared>>) target(%dma_start3A_58 : memref<80x128xf32, #tpu.memory_space<hbm>>) target_semaphore(%run_scoped3A : memref<!tpu.dma_semaphore, #tpu.memory_space<semaphore_mem>>)
      %dma_wait3A = arith.constant 0 : i32
      %dma_wait3A_61 = tpu.memref_slice %arg6[%arg0, %add3A_35, %dma_wait3A] : memref<2x10000x128xf32, #tpu.memory_space<hbm>> -> memref<1x80x128xf32, #tpu.memory_space<hbm>>
      %dma_wait3A_62 = tpu.memref_squeeze %dma_wait3A_61 : memref<1x80x128xf32, #tpu.memory_space<hbm>> -> memref<80x128xf32, #tpu.memory_space<hbm>>
      %dma_wait3A_63 = arith.constant 0 : i32
      %dma_wait3A_64 = tpu.memref_slice %arg11[%add3A_35, %dma_wait3A_63] : memref<10000x128xf32, #tpu.memory_space<vmem_shared>> -> memref<80x128xf32, #tpu.memory_space<vmem_shared>>
      tpu.wait_dma2 semaphore(%run_scoped3A : memref<!tpu.dma_semaphore, #tpu.memory_space<semaphore_mem>>) src(%dma_wait3A_64 : memref<80x128xf32, #tpu.memory_space<vmem_shared>>) dst(%dma_wait3A_62 : memref<80x128xf32, #tpu.memory_space<hbm>>)
      tpu.yield
    }) : () -> ()
    %add3A_36 = arith.constant 80 : i32
    %add3A_37 = arith.addi %multiple_of3A, %add3A_36 : i32
    "tpu.region"() ({
      %run_scoped3A = tpu.sem_alloc : memref<!tpu.dma_semaphore, #tpu.memory_space<semaphore_mem>>
      %dma_start3A = arith.constant 0 : i32
      %dma_start3A_57 = tpu.memref_slice %arg6[%arg0, %add3A_37, %dma_start3A] : memref<2x10000x128xf32, #tpu.memory_space<hbm>> -> memref<1x80x128xf32, #tpu.memory_space<hbm>>
      %dma_start3A_58 = tpu.memref_squeeze %dma_start3A_57 : memref<1x80x128xf32, #tpu.memory_space<hbm>> -> memref<80x128xf32, #tpu.memory_space<hbm>>
      %dma_start3A_59 = arith.constant 0 : i32
      %dma_start3A_60 = tpu.memref_slice %arg11[%add3A_37, %dma_start3A_59] : memref<10000x128xf32, #tpu.memory_space<vmem_shared>> -> memref<80x128xf32, #tpu.memory_space<vmem_shared>>
      tpu.enqueue_dma source(%dma_start3A_60 : memref<80x128xf32, #tpu.memory_space<vmem_shared>>) target(%dma_start3A_58 : memref<80x128xf32, #tpu.memory_space<hbm>>) target_semaphore(%run_scoped3A : memref<!tpu.dma_semaphore, #tpu.memory_space<semaphore_mem>>)
      %dma_wait3A = arith.constant 0 : i32
      %dma_wait3A_61 = tpu.memref_slice %arg6[%arg0, %add3A_37, %dma_wait3A] : memref<2x10000x128xf32, #tpu.memory_space<hbm>> -> memref<1x80x128xf32, #tpu.memory_space<hbm>>
      %dma_wait3A_62 = tpu.memref_squeeze %dma_wait3A_61 : memref<1x80x128xf32, #tpu.memory_space<hbm>> -> memref<80x128xf32, #tpu.memory_space<hbm>>
      %dma_wait3A_63 = arith.constant 0 : i32
      %dma_wait3A_64 = tpu.memref_slice %arg11[%add3A_37, %dma_wait3A_63] : memref<10000x128xf32, #tpu.memory_space<vmem_shared>> -> memref<80x128xf32, #tpu.memory_space<vmem_shared>>
      tpu.wait_dma2 semaphore(%run_scoped3A : memref<!tpu.dma_semaphore, #tpu.memory_space<semaphore_mem>>) src(%dma_wait3A_64 : memref<80x128xf32, #tpu.memory_space<vmem_shared>>) dst(%dma_wait3A_62 : memref<80x128xf32, #tpu.memory_space<hbm>>)
      tpu.yield
    }) : () -> ()
    %add3A_38 = arith.constant 160 : i32
    %add3A_39 = arith.addi %multiple_of3A, %add3A_38 : i32
    "tpu.region"() ({
      %run_scoped3A = tpu.sem_alloc : memref<!tpu.dma_semaphore, #tpu.memory_space<semaphore_mem>>
      %dma_start3A = arith.constant 0 : i32
      %dma_start3A_57 = tpu.memref_slice %arg6[%arg0, %add3A_39, %dma_start3A] : memref<2x10000x128xf32, #tpu.memory_space<hbm>> -> memref<1x80x128xf32, #tpu.memory_space<hbm>>
      %dma_start3A_58 = tpu.memref_squeeze %dma_start3A_57 : memref<1x80x128xf32, #tpu.memory_space<hbm>> -> memref<80x128xf32, #tpu.memory_space<hbm>>
      %dma_start3A_59 = arith.constant 0 : i32
      %dma_start3A_60 = tpu.memref_slice %arg11[%add3A_39, %dma_start3A_59] : memref<10000x128xf32, #tpu.memory_space<vmem_shared>> -> memref<80x128xf32, #tpu.memory_space<vmem_shared>>
      tpu.enqueue_dma source(%dma_start3A_60 : memref<80x128xf32, #tpu.memory_space<vmem_shared>>) target(%dma_start3A_58 : memref<80x128xf32, #tpu.memory_space<hbm>>) target_semaphore(%run_scoped3A : memref<!tpu.dma_semaphore, #tpu.memory_space<semaphore_mem>>)
      %dma_wait3A = arith.constant 0 : i32
      %dma_wait3A_61 = tpu.memref_slice %arg6[%arg0, %add3A_39, %dma_wait3A] : memref<2x10000x128xf32, #tpu.memory_space<hbm>> -> memref<1x80x128xf32, #tpu.memory_space<hbm>>
      %dma_wait3A_62 = tpu.memref_squeeze %dma_wait3A_61 : memref<1x80x128xf32, #tpu.memory_space<hbm>> -> memref<80x128xf32, #tpu.memory_space<hbm>>
      %dma_wait3A_63 = arith.constant 0 : i32
      %dma_wait3A_64 = tpu.memref_slice %arg11[%add3A_39, %dma_wait3A_63] : memref<10000x128xf32, #tpu.memory_space<vmem_shared>> -> memref<80x128xf32, #tpu.memory_space<vmem_shared>>
      tpu.wait_dma2 semaphore(%run_scoped3A : memref<!tpu.dma_semaphore, #tpu.memory_space<semaphore_mem>>) src(%dma_wait3A_64 : memref<80x128xf32, #tpu.memory_space<vmem_shared>>) dst(%dma_wait3A_62 : memref<80x128xf32, #tpu.memory_space<hbm>>)
      tpu.yield
    }) : () -> ()
    %add3A_40 = arith.constant 240 : i32
    %add3A_41 = arith.addi %multiple_of3A, %add3A_40 : i32
    "tpu.region"() ({
      %run_scoped3A = tpu.sem_alloc : memref<!tpu.dma_semaphore, #tpu.memory_space<semaphore_mem>>
      %dma_start3A = arith.constant 0 : i32
      %dma_start3A_57 = tpu.memref_slice %arg6[%arg0, %add3A_41, %dma_start3A] : memref<2x10000x128xf32, #tpu.memory_space<hbm>> -> memref<1x80x128xf32, #tpu.memory_space<hbm>>
      %dma_start3A_58 = tpu.memref_squeeze %dma_start3A_57 : memref<1x80x128xf32, #tpu.memory_space<hbm>> -> memref<80x128xf32, #tpu.memory_space<hbm>>
      %dma_start3A_59 = arith.constant 0 : i32
      %dma_start3A_60 = tpu.memref_slice %arg11[%add3A_41, %dma_start3A_59] : memref<10000x128xf32, #tpu.memory_space<vmem_shared>> -> memref<80x128xf32, #tpu.memory_space<vmem_shared>>
      tpu.enqueue_dma source(%dma_start3A_60 : memref<80x128xf32, #tpu.memory_space<vmem_shared>>) target(%dma_start3A_58 : memref<80x128xf32, #tpu.memory_space<hbm>>) target_semaphore(%run_scoped3A : memref<!tpu.dma_semaphore, #tpu.memory_space<semaphore_mem>>)
      %dma_wait3A = arith.constant 0 : i32
      %dma_wait3A_61 = tpu.memref_slice %arg6[%arg0, %add3A_41, %dma_wait3A] : memref<2x10000x128xf32, #tpu.memory_space<hbm>> -> memref<1x80x128xf32, #tpu.memory_space<hbm>>
      %dma_wait3A_62 = tpu.memref_squeeze %dma_wait3A_61 : memref<1x80x128xf32, #tpu.memory_space<hbm>> -> memref<80x128xf32, #tpu.memory_space<hbm>>
      %dma_wait3A_63 = arith.constant 0 : i32
      %dma_wait3A_64 = tpu.memref_slice %arg11[%add3A_41, %dma_wait3A_63] : memref<10000x128xf32, #tpu.memory_space<vmem_shared>> -> memref<80x128xf32, #tpu.memory_space<vmem_shared>>
      tpu.wait_dma2 semaphore(%run_scoped3A : memref<!tpu.dma_semaphore, #tpu.memory_space<semaphore_mem>>) src(%dma_wait3A_64 : memref<80x128xf32, #tpu.memory_space<vmem_shared>>) dst(%dma_wait3A_62 : memref<80x128xf32, #tpu.memory_space<hbm>>)
      tpu.yield
    }) : () -> ()
    %add3A_42 = arith.constant 320 : i32
    %add3A_43 = arith.addi %multiple_of3A, %add3A_42 : i32
    "tpu.region"() ({
      %run_scoped3A = tpu.sem_alloc : memref<!tpu.dma_semaphore, #tpu.memory_space<semaphore_mem>>
      %dma_start3A = arith.constant 0 : i32
      %dma_start3A_57 = tpu.memref_slice %arg6[%arg0, %add3A_43, %dma_start3A] : memref<2x10000x128xf32, #tpu.memory_space<hbm>> -> memref<1x80x128xf32, #tpu.memory_space<hbm>>
      %dma_start3A_58 = tpu.memref_squeeze %dma_start3A_57 : memref<1x80x128xf32, #tpu.memory_space<hbm>> -> memref<80x128xf32, #tpu.memory_space<hbm>>
      %dma_start3A_59 = arith.constant 0 : i32
      %dma_start3A_60 = tpu.memref_slice %arg11[%add3A_43, %dma_start3A_59] : memref<10000x128xf32, #tpu.memory_space<vmem_shared>> -> memref<80x128xf32, #tpu.memory_space<vmem_shared>>
      tpu.enqueue_dma source(%dma_start3A_60 : memref<80x128xf32, #tpu.memory_space<vmem_shared>>) target(%dma_start3A_58 : memref<80x128xf32, #tpu.memory_space<hbm>>) target_semaphore(%run_scoped3A : memref<!tpu.dma_semaphore, #tpu.memory_space<semaphore_mem>>)
      %dma_wait3A = arith.constant 0 : i32
      %dma_wait3A_61 = tpu.memref_slice %arg6[%arg0, %add3A_43, %dma_wait3A] : memref<2x10000x128xf32, #tpu.memory_space<hbm>> -> memref<1x80x128xf32, #tpu.memory_space<hbm>>
      %dma_wait3A_62 = tpu.memref_squeeze %dma_wait3A_61 : memref<1x80x128xf32, #tpu.memory_space<hbm>> -> memref<80x128xf32, #tpu.memory_space<hbm>>
      %dma_wait3A_63 = arith.constant 0 : i32
      %dma_wait3A_64 = tpu.memref_slice %arg11[%add3A_43, %dma_wait3A_63] : memref<10000x128xf32, #tpu.memory_space<vmem_shared>> -> memref<80x128xf32, #tpu.memory_space<vmem_shared>>
      tpu.wait_dma2 semaphore(%run_scoped3A : memref<!tpu.dma_semaphore, #tpu.memory_space<semaphore_mem>>) src(%dma_wait3A_64 : memref<80x128xf32, #tpu.memory_space<vmem_shared>>) dst(%dma_wait3A_62 : memref<80x128xf32, #tpu.memory_space<hbm>>)
      tpu.yield
    }) : () -> ()
    %add3A_44 = arith.constant 400 : i32
    %add3A_45 = arith.addi %multiple_of3A, %add3A_44 : i32
    "tpu.region"() ({
      %run_scoped3A = tpu.sem_alloc : memref<!tpu.dma_semaphore, #tpu.memory_space<semaphore_mem>>
      %dma_start3A = arith.constant 0 : i32
      %dma_start3A_57 = tpu.memref_slice %arg6[%arg0, %add3A_45, %dma_start3A] : memref<2x10000x128xf32, #tpu.memory_space<hbm>> -> memref<1x80x128xf32, #tpu.memory_space<hbm>>
      %dma_start3A_58 = tpu.memref_squeeze %dma_start3A_57 : memref<1x80x128xf32, #tpu.memory_space<hbm>> -> memref<80x128xf32, #tpu.memory_space<hbm>>
      %dma_start3A_59 = arith.constant 0 : i32
      %dma_start3A_60 = tpu.memref_slice %arg11[%add3A_45, %dma_start3A_59] : memref<10000x128xf32, #tpu.memory_space<vmem_shared>> -> memref<80x128xf32, #tpu.memory_space<vmem_shared>>
      tpu.enqueue_dma source(%dma_start3A_60 : memref<80x128xf32, #tpu.memory_space<vmem_shared>>) target(%dma_start3A_58 : memref<80x128xf32, #tpu.memory_space<hbm>>) target_semaphore(%run_scoped3A : memref<!tpu.dma_semaphore, #tpu.memory_space<semaphore_mem>>)
      %dma_wait3A = arith.constant 0 : i32
      %dma_wait3A_61 = tpu.memref_slice %arg6[%arg0, %add3A_45, %dma_wait3A] : memref<2x10000x128xf32, #tpu.memory_space<hbm>> -> memref<1x80x128xf32, #tpu.memory_space<hbm>>
      %dma_wait3A_62 = tpu.memref_squeeze %dma_wait3A_61 : memref<1x80x128xf32, #tpu.memory_space<hbm>> -> memref<80x128xf32, #tpu.memory_space<hbm>>
      %dma_wait3A_63 = arith.constant 0 : i32
      %dma_wait3A_64 = tpu.memref_slice %arg11[%add3A_45, %dma_wait3A_63] : memref<10000x128xf32, #tpu.memory_space<vmem_shared>> -> memref<80x128xf32, #tpu.memory_space<vmem_shared>>
      tpu.wait_dma2 semaphore(%run_scoped3A : memref<!tpu.dma_semaphore, #tpu.memory_space<semaphore_mem>>) src(%dma_wait3A_64 : memref<80x128xf32, #tpu.memory_space<vmem_shared>>) dst(%dma_wait3A_62 : memref<80x128xf32, #tpu.memory_space<hbm>>)
      tpu.yield
    }) : () -> ()
    %add3A_46 = arith.constant 480 : i32
    %add3A_47 = arith.addi %multiple_of3A, %add3A_46 : i32
    "tpu.region"() ({
      %run_scoped3A = tpu.sem_alloc : memref<!tpu.dma_semaphore, #tpu.memory_space<semaphore_mem>>
      %dma_start3A = arith.constant 0 : i32
      %dma_start3A_57 = tpu.memref_slice %arg6[%arg0, %add3A_47, %dma_start3A] : memref<2x10000x128xf32, #tpu.memory_space<hbm>> -> memref<1x80x128xf32, #tpu.memory_space<hbm>>
      %dma_start3A_58 = tpu.memref_squeeze %dma_start3A_57 : memref<1x80x128xf32, #tpu.memory_space<hbm>> -> memref<80x128xf32, #tpu.memory_space<hbm>>
      %dma_start3A_59 = arith.constant 0 : i32
      %dma_start3A_60 = tpu.memref_slice %arg11[%add3A_47, %dma_start3A_59] : memref<10000x128xf32, #tpu.memory_space<vmem_shared>> -> memref<80x128xf32, #tpu.memory_space<vmem_shared>>
      tpu.enqueue_dma source(%dma_start3A_60 : memref<80x128xf32, #tpu.memory_space<vmem_shared>>) target(%dma_start3A_58 : memref<80x128xf32, #tpu.memory_space<hbm>>) target_semaphore(%run_scoped3A : memref<!tpu.dma_semaphore, #tpu.memory_space<semaphore_mem>>)
      %dma_wait3A = arith.constant 0 : i32
      %dma_wait3A_61 = tpu.memref_slice %arg6[%arg0, %add3A_47, %dma_wait3A] : memref<2x10000x128xf32, #tpu.memory_space<hbm>> -> memref<1x80x128xf32, #tpu.memory_space<hbm>>
      %dma_wait3A_62 = tpu.memref_squeeze %dma_wait3A_61 : memref<1x80x128xf32, #tpu.memory_space<hbm>> -> memref<80x128xf32, #tpu.memory_space<hbm>>
      %dma_wait3A_63 = arith.constant 0 : i32
      %dma_wait3A_64 = tpu.memref_slice %arg11[%add3A_47, %dma_wait3A_63] : memref<10000x128xf32, #tpu.memory_space<vmem_shared>> -> memref<80x128xf32, #tpu.memory_space<vmem_shared>>
      tpu.wait_dma2 semaphore(%run_scoped3A : memref<!tpu.dma_semaphore, #tpu.memory_space<semaphore_mem>>) src(%dma_wait3A_64 : memref<80x128xf32, #tpu.memory_space<vmem_shared>>) dst(%dma_wait3A_62 : memref<80x128xf32, #tpu.memory_space<hbm>>)
      tpu.yield
    }) : () -> ()
    %add3A_48 = arith.constant 624 : i32
    %add3A_49 = arith.addi %multiple_of3A, %add3A_48 : i32
    %sub3A_50 = arith.constant 64 : i32
    %sub3A_51 = arith.subi %add3A_49, %sub3A_50 : i32
    "tpu.region"() ({
      %run_scoped3A = tpu.sem_alloc : memref<!tpu.dma_semaphore, #tpu.memory_space<semaphore_mem>>
      %dma_start3A = arith.constant 0 : i32
      %dma_start3A_57 = tpu.memref_slice %arg6[%arg0, %sub3A_51, %dma_start3A] : memref<2x10000x128xf32, #tpu.memory_space<hbm>> -> memref<1x64x128xf32, #tpu.memory_space<hbm>>
      %dma_start3A_58 = tpu.memref_squeeze %dma_start3A_57 : memref<1x64x128xf32, #tpu.memory_space<hbm>> -> memref<64x128xf32, #tpu.memory_space<hbm>>
      %dma_start3A_59 = arith.constant 0 : i32
      %dma_start3A_60 = tpu.memref_slice %arg11[%sub3A_51, %dma_start3A_59] : memref<10000x128xf32, #tpu.memory_space<vmem_shared>> -> memref<64x128xf32, #tpu.memory_space<vmem_shared>>
      tpu.enqueue_dma source(%dma_start3A_60 : memref<64x128xf32, #tpu.memory_space<vmem_shared>>) target(%dma_start3A_58 : memref<64x128xf32, #tpu.memory_space<hbm>>) target_semaphore(%run_scoped3A : memref<!tpu.dma_semaphore, #tpu.memory_space<semaphore_mem>>)
      %dma_wait3A = arith.constant 0 : i32
      %dma_wait3A_61 = tpu.memref_slice %arg6[%arg0, %sub3A_51, %dma_wait3A] : memref<2x10000x128xf32, #tpu.memory_space<hbm>> -> memref<1x64x128xf32, #tpu.memory_space<hbm>>
      %dma_wait3A_62 = tpu.memref_squeeze %dma_wait3A_61 : memref<1x64x128xf32, #tpu.memory_space<hbm>> -> memref<64x128xf32, #tpu.memory_space<hbm>>
      %dma_wait3A_63 = arith.constant 0 : i32
      %dma_wait3A_64 = tpu.memref_slice %arg11[%sub3A_51, %dma_wait3A_63] : memref<10000x128xf32, #tpu.memory_space<vmem_shared>> -> memref<64x128xf32, #tpu.memory_space<vmem_shared>>
      tpu.wait_dma2 semaphore(%run_scoped3A : memref<!tpu.dma_semaphore, #tpu.memory_space<semaphore_mem>>) src(%dma_wait3A_64 : memref<64x128xf32, #tpu.memory_space<vmem_shared>>) dst(%dma_wait3A_62 : memref<64x128xf32, #tpu.memory_space<hbm>>)
      tpu.yield
    }) : () -> ()
    %eq3A_52 = arith.constant 15 : i32
    %eq3A_53 = arith.cmpi eq, %arg1, %eq3A_52 : i32
    %convert_element_type3A_54 = arith.extui %eq3A_53 : i1 to i32
    %cond3A_55 = arith.constant 0 : i32
    %cond3A_56 = arith.cmpi ne, %convert_element_type3A_54, %cond3A_55 : i32
    scf.if %cond3A_56 {
      %multiple_of3A_57 = arith.constant 9984 : i32
      %multiple_of3A_58 = tpu.assume_multiple %multiple_of3A_57, 8 : i32
      "tpu.region"() ({
        %run_scoped3A = tpu.sem_alloc : memref<!tpu.dma_semaphore, #tpu.memory_space<semaphore_mem>>
        %dma_start3A = arith.constant 0 : i32
        %dma_start3A_59 = tpu.memref_slice %arg6[%arg0, %multiple_of3A_58, %dma_start3A] : memref<2x10000x128xf32, #tpu.memory_space<hbm>> -> memref<1x16x128xf32, #tpu.memory_space<hbm>>
        %dma_start3A_60 = tpu.memref_squeeze %dma_start3A_59 : memref<1x16x128xf32, #tpu.memory_space<hbm>> -> memref<16x128xf32, #tpu.memory_space<hbm>>
        %dma_start3A_61 = arith.constant 0 : i32
        %dma_start3A_62 = tpu.memref_slice %arg11[%multiple_of3A_58, %dma_start3A_61] : memref<10000x128xf32, #tpu.memory_space<vmem_shared>> -> memref<16x128xf32, #tpu.memory_space<vmem_shared>>
        tpu.enqueue_dma source(%dma_start3A_62 : memref<16x128xf32, #tpu.memory_space<vmem_shared>>) target(%dma_start3A_60 : memref<16x128xf32, #tpu.memory_space<hbm>>) target_semaphore(%run_scoped3A : memref<!tpu.dma_semaphore, #tpu.memory_space<semaphore_mem>>)
        %dma_wait3A = arith.constant 0 : i32
        %dma_wait3A_63 = tpu.memref_slice %arg6[%arg0, %multiple_of3A_58, %dma_wait3A] : memref<2x10000x128xf32, #tpu.memory_space<hbm>> -> memref<1x16x128xf32, #tpu.memory_space<hbm>>
        %dma_wait3A_64 = tpu.memref_squeeze %dma_wait3A_63 : memref<1x16x128xf32, #tpu.memory_space<hbm>> -> memref<16x128xf32, #tpu.memory_space<hbm>>
        %dma_wait3A_65 = arith.constant 0 : i32
        %dma_wait3A_66 = tpu.memref_slice %arg11[%multiple_of3A_58, %dma_wait3A_65] : memref<10000x128xf32, #tpu.memory_space<vmem_shared>> -> memref<16x128xf32, #tpu.memory_space<vmem_shared>>
        tpu.wait_dma2 semaphore(%run_scoped3A : memref<!tpu.dma_semaphore, #tpu.memory_space<semaphore_mem>>) src(%dma_wait3A_66 : memref<16x128xf32, #tpu.memory_space<vmem_shared>>) dst(%dma_wait3A_64 : memref<16x128xf32, #tpu.memory_space<hbm>>)
        tpu.yield
      }) : () -> ()
    } else {
    }
    return
  }
}

#map = affine_map<(d0, d1) -> (0, 0)>
#map1 = affine_map<(d0, d1) -> (0)>
#map2 = affine_map<(d0, d1) -> (0, 0, 0)>
module attributes {stable_mosaic.version = 14 : i64} {
  func.func @_edge_pass(%arg0: i32, %arg1: i32, %arg2: memref<10000x128xf32, #tpu.memory_space<hbm>>, %arg3: memref<10000x128xf32, #tpu.memory_space<hbm>>, %arg4: memref<320000xi32, #tpu.memory_space<hbm>>, %arg5: memref<320000xi32, #tpu.memory_space<hbm>>, %arg6: memref<2x10000x128xf32, #tpu.memory_space<hbm>>, %arg7: memref<80xi32, #tpu.memory_space<vmem>>, %arg8: memref<80xi32, #tpu.memory_space<vmem>>, %arg9: memref<80x128xf32, #tpu.memory_space<vmem>>, %arg10: memref<80x128xf32, #tpu.memory_space<vmem>>, %arg11: memref<10000x128xf32, #tpu.memory_space<vmem_shared>>, %arg12: memref<!tpu.dma_semaphore, #tpu.memory_space<semaphore_mem>>, %arg13: memref<!tpu.dma_semaphore, #tpu.memory_space<semaphore_mem>>) attributes {dimension_semantics = [#tpu.dimension_semantics<core_parallel>, #tpu.dimension_semantics<subcore_parallel>], iteration_bounds = array<i64: 2, 16>, scalar_prefetch = 0 : i64, scratch_operands = 7 : i64, tpu.core_type = #tpu.core_type<sc_vector_subcore>, window_params = [{transform_indices = #map}, {transform_indices = #map}, {transform_indices = #map1}, {transform_indices = #map1}, {transform_indices = #map2}]} {
    %scan3A = arith.constant 0 : i32
    %scan3A_0 = arith.constant 80 : i32
    %scan3A_1 = arith.addi %scan3A, %scan3A_0 : i32
    %scan3A_2 = arith.constant 1 : i32
    scf.for %scan3A_57 = %scan3A to %scan3A_1 step %scan3A_2  : i32 {
      %mul3A_58 = arith.constant 1 : i32
      %mul3A_59 = arith.muli %scan3A_57, %mul3A_58 : i32
      %add3A_60 = arith.constant 0 : i32
      %add3A_61 = arith.addi %add3A_60, %mul3A_59 : i32
      %broadcast_in_dim3A = arith.constant 0.000000e+00 : f32
      %broadcast_in_dim3A_62 = vector.broadcast %broadcast_in_dim3A : f32 to vector<16xf32>
      %swap3A = arith.index_cast %add3A_61 : i32 to index
      %swap3A_63 = arith.constant 0 : index
      %swap3A_64 = tpu.vector_load %arg9[%swap3A, %swap3A_63] {strides = array<i32>} : memref<80x128xf32, #tpu.memory_space<vmem>>, vector<1x16xf32>,
      %swap3A_65 = vector.shape_cast %swap3A_64 : vector<1x16xf32> to vector<16xf32>
      %swap3A_66 = vector.shape_cast %broadcast_in_dim3A_62 : vector<16xf32> to vector<1x16xf32>
      tpu.vector_store %arg9[%swap3A, %swap3A_63], %swap3A_66 {strides = array<i32>} : memref<80x128xf32, #tpu.memory_space<vmem>>, vector<1x16xf32>,
      %broadcast_in_dim3A_67 = arith.constant 0.000000e+00 : f32
      %broadcast_in_dim3A_68 = vector.broadcast %broadcast_in_dim3A_67 : f32 to vector<16xf32>
      %swap3A_69 = arith.index_cast %add3A_61 : i32 to index
      %swap3A_70 = arith.constant 16 : index
      %swap3A_71 = tpu.vector_load %arg9[%swap3A_69, %swap3A_70] {strides = array<i32>} : memref<80x128xf32, #tpu.memory_space<vmem>>, vector<1x16xf32>,
      %swap3A_72 = vector.shape_cast %swap3A_71 : vector<1x16xf32> to vector<16xf32>
      %swap3A_73 = vector.shape_cast %broadcast_in_dim3A_68 : vector<16xf32> to vector<1x16xf32>
      tpu.vector_store %arg9[%swap3A_69, %swap3A_70], %swap3A_73 {strides = array<i32>} : memref<80x128xf32, #tpu.memory_space<vmem>>, vector<1x16xf32>,
      %broadcast_in_dim3A_74 = arith.constant 0.000000e+00 : f32
      %broadcast_in_dim3A_75 = vector.broadcast %broadcast_in_dim3A_74 : f32 to vector<16xf32>
      %swap3A_76 = arith.index_cast %add3A_61 : i32 to index
      %swap3A_77 = arith.constant 32 : index
      %swap3A_78 = tpu.vector_load %arg9[%swap3A_76, %swap3A_77] {strides = array<i32>} : memref<80x128xf32, #tpu.memory_space<vmem>>, vector<1x16xf32>,
      %swap3A_79 = vector.shape_cast %swap3A_78 : vector<1x16xf32> to vector<16xf32>
      %swap3A_80 = vector.shape_cast %broadcast_in_dim3A_75 : vector<16xf32> to vector<1x16xf32>
      tpu.vector_store %arg9[%swap3A_76, %swap3A_77], %swap3A_80 {strides = array<i32>} : memref<80x128xf32, #tpu.memory_space<vmem>>, vector<1x16xf32>,
      %broadcast_in_dim3A_81 = arith.constant 0.000000e+00 : f32
      %broadcast_in_dim3A_82 = vector.broadcast %broadcast_in_dim3A_81 : f32 to vector<16xf32>
      %swap3A_83 = arith.index_cast %add3A_61 : i32 to index
      %swap3A_84 = arith.constant 48 : index
      %swap3A_85 = tpu.vector_load %arg9[%swap3A_83, %swap3A_84] {strides = array<i32>} : memref<80x128xf32, #tpu.memory_space<vmem>>, vector<1x16xf32>,
      %swap3A_86 = vector.shape_cast %swap3A_85 : vector<1x16xf32> to vector<16xf32>
      %swap3A_87 = vector.shape_cast %broadcast_in_dim3A_82 : vector<16xf32> to vector<1x16xf32>
      tpu.vector_store %arg9[%swap3A_83, %swap3A_84], %swap3A_87 {strides = array<i32>} : memref<80x128xf32, #tpu.memory_space<vmem>>, vector<1x16xf32>,
      %broadcast_in_dim3A_88 = arith.constant 0.000000e+00 : f32
      %broadcast_in_dim3A_89 = vector.broadcast %broadcast_in_dim3A_88 : f32 to vector<16xf32>
      %swap3A_90 = arith.index_cast %add3A_61 : i32 to index
      %swap3A_91 = arith.constant 64 : index
      %swap3A_92 = tpu.vector_load %arg9[%swap3A_90, %swap3A_91] {strides = array<i32>} : memref<80x128xf32, #tpu.memory_space<vmem>>, vector<1x16xf32>,
      %swap3A_93 = vector.shape_cast %swap3A_92 : vector<1x16xf32> to vector<16xf32>
      %swap3A_94 = vector.shape_cast %broadcast_in_dim3A_89 : vector<16xf32> to vector<1x16xf32>
      tpu.vector_store %arg9[%swap3A_90, %swap3A_91], %swap3A_94 {strides = array<i32>} : memref<80x128xf32, #tpu.memory_space<vmem>>, vector<1x16xf32>,
      %broadcast_in_dim3A_95 = arith.constant 0.000000e+00 : f32
      %broadcast_in_dim3A_96 = vector.broadcast %broadcast_in_dim3A_95 : f32 to vector<16xf32>
      %swap3A_97 = arith.index_cast %add3A_61 : i32 to index
      %swap3A_98 = arith.constant 80 : index
      %swap3A_99 = tpu.vector_load %arg9[%swap3A_97, %swap3A_98] {strides = array<i32>} : memref<80x128xf32, #tpu.memory_space<vmem>>, vector<1x16xf32>,
      %swap3A_100 = vector.shape_cast %swap3A_99 : vector<1x16xf32> to vector<16xf32>
      %swap3A_101 = vector.shape_cast %broadcast_in_dim3A_96 : vector<16xf32> to vector<1x16xf32>
      tpu.vector_store %arg9[%swap3A_97, %swap3A_98], %swap3A_101 {strides = array<i32>} : memref<80x128xf32, #tpu.memory_space<vmem>>, vector<1x16xf32>,
      %broadcast_in_dim3A_102 = arith.constant 0.000000e+00 : f32
      %broadcast_in_dim3A_103 = vector.broadcast %broadcast_in_dim3A_102 : f32 to vector<16xf32>
      %swap3A_104 = arith.index_cast %add3A_61 : i32 to index
      %swap3A_105 = arith.constant 96 : index
      %swap3A_106 = tpu.vector_load %arg9[%swap3A_104, %swap3A_105] {strides = array<i32>} : memref<80x128xf32, #tpu.memory_space<vmem>>, vector<1x16xf32>,
      %swap3A_107 = vector.shape_cast %swap3A_106 : vector<1x16xf32> to vector<16xf32>
      %swap3A_108 = vector.shape_cast %broadcast_in_dim3A_103 : vector<16xf32> to vector<1x16xf32>
      tpu.vector_store %arg9[%swap3A_104, %swap3A_105], %swap3A_108 {strides = array<i32>} : memref<80x128xf32, #tpu.memory_space<vmem>>, vector<1x16xf32>,
      %broadcast_in_dim3A_109 = arith.constant 0.000000e+00 : f32
      %broadcast_in_dim3A_110 = vector.broadcast %broadcast_in_dim3A_109 : f32 to vector<16xf32>
      %swap3A_111 = arith.index_cast %add3A_61 : i32 to index
      %swap3A_112 = arith.constant 112 : index
      %swap3A_113 = tpu.vector_load %arg9[%swap3A_111, %swap3A_112] {strides = array<i32>} : memref<80x128xf32, #tpu.memory_space<vmem>>, vector<1x16xf32>,
      %swap3A_114 = vector.shape_cast %swap3A_113 : vector<1x16xf32> to vector<16xf32>
      %swap3A_115 = vector.shape_cast %broadcast_in_dim3A_110 : vector<16xf32> to vector<1x16xf32>
      tpu.vector_store %arg9[%swap3A_111, %swap3A_112], %swap3A_115 {strides = array<i32>} : memref<80x128xf32, #tpu.memory_space<vmem>>, vector<1x16xf32>,
    }
    %scan3A_3 = arith.constant 80 : i32
    %mul3A = arith.constant 624 : i32
    %mul3A_4 = arith.muli %arg1, %mul3A : i32
    %multiple_of3A = tpu.assume_multiple %mul3A_4, 8 : i32
    %add3A = arith.constant 0 : i32
    %add3A_5 = arith.addi %multiple_of3A, %add3A : i32
    "tpu.region"() ({
      %run_scoped3A = tpu.sem_alloc : memref<!tpu.dma_semaphore, #tpu.memory_space<semaphore_mem>>
      %dma_start3A = arith.constant 0 : i32
      %dma_start3A_57 = arith.constant 0 : i32
      %dma_start3A_58 = tpu.memref_slice %arg9[%dma_start3A, %dma_start3A_57] : memref<80x128xf32, #tpu.memory_space<vmem>> -> memref<80x128xf32, #tpu.memory_space<vmem>>
      %dma_start3A_59 = arith.constant 0 : i32
      %dma_start3A_60 = tpu.memref_slice %arg11[%add3A_5, %dma_start3A_59] : memref<10000x128xf32, #tpu.memory_space<vmem_shared>> -> memref<80x128xf32, #tpu.memory_space<vmem_shared>>
      %dma_start3A_61 = arith.constant 0 : i32
      %dma_start3A_62 = tpu.memref_slice %arg11[%add3A_5, %dma_start3A_61] : memref<10000x128xf32, #tpu.memory_space<vmem_shared>> -> memref<80x128xf32, #tpu.memory_space<vmem_shared>>
      %dma_start3A_63 = arith.constant 0 : i32
      %dma_start3A_64 = arith.constant 0 : i32
      %dma_start3A_65 = tpu.memref_slice %arg9[%dma_start3A_63, %dma_start3A_64] : memref<80x128xf32, #tpu.memory_space<vmem>> -> memref<80x128xf32, #tpu.memory_space<vmem>>
      tpu.enqueue_dma source(%dma_start3A_65 : memref<80x128xf32, #tpu.memory_space<vmem>>) target(%dma_start3A_62 : memref<80x128xf32, #tpu.memory_space<vmem_shared>>) target_semaphore(%run_scoped3A : memref<!tpu.dma_semaphore, #tpu.memory_space<semaphore_mem>>)
      %dma_wait3A = arith.constant 0 : i32
      %dma_wait3A_66 = arith.constant 0 : i32
      %dma_wait3A_67 = tpu.memref_slice %arg9[%dma_wait3A, %dma_wait3A_66] : memref<80x128xf32, #tpu.memory_space<vmem>> -> memref<80x128xf32, #tpu.memory_space<vmem>>
      %dma_wait3A_68 = arith.constant 0 : i32
      %dma_wait3A_69 = tpu.memref_slice %arg11[%add3A_5, %dma_wait3A_68] : memref<10000x128xf32, #tpu.memory_space<vmem_shared>> -> memref<80x128xf32, #tpu.memory_space<vmem_shared>>
      %dma_wait3A_70 = arith.constant 0 : i32
      %dma_wait3A_71 = tpu.memref_slice %arg11[%add3A_5, %dma_wait3A_70] : memref<10000x128xf32, #tpu.memory_space<vmem_shared>> -> memref<80x128xf32, #tpu.memory_space<vmem_shared>>
      %dma_wait3A_72 = arith.constant 0 : i32
      %dma_wait3A_73 = arith.constant 0 : i32
      %dma_wait3A_74 = tpu.memref_slice %arg9[%dma_wait3A_72, %dma_wait3A_73] : memref<80x128xf32, #tpu.memory_space<vmem>> -> memref<80x128xf32, #tpu.memory_space<vmem>>
      tpu.wait_dma2 semaphore(%run_scoped3A : memref<!tpu.dma_semaphore, #tpu.memory_space<semaphore_mem>>) src(%dma_wait3A_74 : memref<80x128xf32, #tpu.memory_space<vmem>>) dst(%dma_wait3A_71 : memref<80x128xf32, #tpu.memory_space<vmem_shared>>)
      tpu.yield
    }) : () -> ()
    %add3A_6 = arith.constant 80 : i32
    %add3A_7 = arith.addi %multiple_of3A, %add3A_6 : i32
    "tpu.region"() ({
      %run_scoped3A = tpu.sem_alloc : memref<!tpu.dma_semaphore, #tpu.memory_space<semaphore_mem>>
      %dma_start3A = arith.constant 0 : i32
      %dma_start3A_57 = arith.constant 0 : i32
      %dma_start3A_58 = tpu.memref_slice %arg9[%dma_start3A, %dma_start3A_57] : memref<80x128xf32, #tpu.memory_space<vmem>> -> memref<80x128xf32, #tpu.memory_space<vmem>>
      %dma_start3A_59 = arith.constant 0 : i32
      %dma_start3A_60 = tpu.memref_slice %arg11[%add3A_7, %dma_start3A_59] : memref<10000x128xf32, #tpu.memory_space<vmem_shared>> -> memref<80x128xf32, #tpu.memory_space<vmem_shared>>
      %dma_start3A_61 = arith.constant 0 : i32
      %dma_start3A_62 = tpu.memref_slice %arg11[%add3A_7, %dma_start3A_61] : memref<10000x128xf32, #tpu.memory_space<vmem_shared>> -> memref<80x128xf32, #tpu.memory_space<vmem_shared>>
      %dma_start3A_63 = arith.constant 0 : i32
      %dma_start3A_64 = arith.constant 0 : i32
      %dma_start3A_65 = tpu.memref_slice %arg9[%dma_start3A_63, %dma_start3A_64] : memref<80x128xf32, #tpu.memory_space<vmem>> -> memref<80x128xf32, #tpu.memory_space<vmem>>
      tpu.enqueue_dma source(%dma_start3A_65 : memref<80x128xf32, #tpu.memory_space<vmem>>) target(%dma_start3A_62 : memref<80x128xf32, #tpu.memory_space<vmem_shared>>) target_semaphore(%run_scoped3A : memref<!tpu.dma_semaphore, #tpu.memory_space<semaphore_mem>>)
      %dma_wait3A = arith.constant 0 : i32
      %dma_wait3A_66 = arith.constant 0 : i32
      %dma_wait3A_67 = tpu.memref_slice %arg9[%dma_wait3A, %dma_wait3A_66] : memref<80x128xf32, #tpu.memory_space<vmem>> -> memref<80x128xf32, #tpu.memory_space<vmem>>
      %dma_wait3A_68 = arith.constant 0 : i32
      %dma_wait3A_69 = tpu.memref_slice %arg11[%add3A_7, %dma_wait3A_68] : memref<10000x128xf32, #tpu.memory_space<vmem_shared>> -> memref<80x128xf32, #tpu.memory_space<vmem_shared>>
      %dma_wait3A_70 = arith.constant 0 : i32
      %dma_wait3A_71 = tpu.memref_slice %arg11[%add3A_7, %dma_wait3A_70] : memref<10000x128xf32, #tpu.memory_space<vmem_shared>> -> memref<80x128xf32, #tpu.memory_space<vmem_shared>>
      %dma_wait3A_72 = arith.constant 0 : i32
      %dma_wait3A_73 = arith.constant 0 : i32
      %dma_wait3A_74 = tpu.memref_slice %arg9[%dma_wait3A_72, %dma_wait3A_73] : memref<80x128xf32, #tpu.memory_space<vmem>> -> memref<80x128xf32, #tpu.memory_space<vmem>>
      tpu.wait_dma2 semaphore(%run_scoped3A : memref<!tpu.dma_semaphore, #tpu.memory_space<semaphore_mem>>) src(%dma_wait3A_74 : memref<80x128xf32, #tpu.memory_space<vmem>>) dst(%dma_wait3A_71 : memref<80x128xf32, #tpu.memory_space<vmem_shared>>)
      tpu.yield
    }) : () -> ()
    %add3A_8 = arith.constant 160 : i32
    %add3A_9 = arith.addi %multiple_of3A, %add3A_8 : i32
    "tpu.region"() ({
      %run_scoped3A = tpu.sem_alloc : memref<!tpu.dma_semaphore, #tpu.memory_space<semaphore_mem>>
      %dma_start3A = arith.constant 0 : i32
      %dma_start3A_57 = arith.constant 0 : i32
      %dma_start3A_58 = tpu.memref_slice %arg9[%dma_start3A, %dma_start3A_57] : memref<80x128xf32, #tpu.memory_space<vmem>> -> memref<80x128xf32, #tpu.memory_space<vmem>>
      %dma_start3A_59 = arith.constant 0 : i32
      %dma_start3A_60 = tpu.memref_slice %arg11[%add3A_9, %dma_start3A_59] : memref<10000x128xf32, #tpu.memory_space<vmem_shared>> -> memref<80x128xf32, #tpu.memory_space<vmem_shared>>
      %dma_start3A_61 = arith.constant 0 : i32
      %dma_start3A_62 = tpu.memref_slice %arg11[%add3A_9, %dma_start3A_61] : memref<10000x128xf32, #tpu.memory_space<vmem_shared>> -> memref<80x128xf32, #tpu.memory_space<vmem_shared>>
      %dma_start3A_63 = arith.constant 0 : i32
      %dma_start3A_64 = arith.constant 0 : i32
      %dma_start3A_65 = tpu.memref_slice %arg9[%dma_start3A_63, %dma_start3A_64] : memref<80x128xf32, #tpu.memory_space<vmem>> -> memref<80x128xf32, #tpu.memory_space<vmem>>
      tpu.enqueue_dma source(%dma_start3A_65 : memref<80x128xf32, #tpu.memory_space<vmem>>) target(%dma_start3A_62 : memref<80x128xf32, #tpu.memory_space<vmem_shared>>) target_semaphore(%run_scoped3A : memref<!tpu.dma_semaphore, #tpu.memory_space<semaphore_mem>>)
      %dma_wait3A = arith.constant 0 : i32
      %dma_wait3A_66 = arith.constant 0 : i32
      %dma_wait3A_67 = tpu.memref_slice %arg9[%dma_wait3A, %dma_wait3A_66] : memref<80x128xf32, #tpu.memory_space<vmem>> -> memref<80x128xf32, #tpu.memory_space<vmem>>
      %dma_wait3A_68 = arith.constant 0 : i32
      %dma_wait3A_69 = tpu.memref_slice %arg11[%add3A_9, %dma_wait3A_68] : memref<10000x128xf32, #tpu.memory_space<vmem_shared>> -> memref<80x128xf32, #tpu.memory_space<vmem_shared>>
      %dma_wait3A_70 = arith.constant 0 : i32
      %dma_wait3A_71 = tpu.memref_slice %arg11[%add3A_9, %dma_wait3A_70] : memref<10000x128xf32, #tpu.memory_space<vmem_shared>> -> memref<80x128xf32, #tpu.memory_space<vmem_shared>>
      %dma_wait3A_72 = arith.constant 0 : i32
      %dma_wait3A_73 = arith.constant 0 : i32
      %dma_wait3A_74 = tpu.memref_slice %arg9[%dma_wait3A_72, %dma_wait3A_73] : memref<80x128xf32, #tpu.memory_space<vmem>> -> memref<80x128xf32, #tpu.memory_space<vmem>>
      tpu.wait_dma2 semaphore(%run_scoped3A : memref<!tpu.dma_semaphore, #tpu.memory_space<semaphore_mem>>) src(%dma_wait3A_74 : memref<80x128xf32, #tpu.memory_space<vmem>>) dst(%dma_wait3A_71 : memref<80x128xf32, #tpu.memory_space<vmem_shared>>)
      tpu.yield
    }) : () -> ()
    %add3A_10 = arith.constant 240 : i32
    %add3A_11 = arith.addi %multiple_of3A, %add3A_10 : i32
    "tpu.region"() ({
      %run_scoped3A = tpu.sem_alloc : memref<!tpu.dma_semaphore, #tpu.memory_space<semaphore_mem>>
      %dma_start3A = arith.constant 0 : i32
      %dma_start3A_57 = arith.constant 0 : i32
      %dma_start3A_58 = tpu.memref_slice %arg9[%dma_start3A, %dma_start3A_57] : memref<80x128xf32, #tpu.memory_space<vmem>> -> memref<80x128xf32, #tpu.memory_space<vmem>>
      %dma_start3A_59 = arith.constant 0 : i32
      %dma_start3A_60 = tpu.memref_slice %arg11[%add3A_11, %dma_start3A_59] : memref<10000x128xf32, #tpu.memory_space<vmem_shared>> -> memref<80x128xf32, #tpu.memory_space<vmem_shared>>
      %dma_start3A_61 = arith.constant 0 : i32
      %dma_start3A_62 = tpu.memref_slice %arg11[%add3A_11, %dma_start3A_61] : memref<10000x128xf32, #tpu.memory_space<vmem_shared>> -> memref<80x128xf32, #tpu.memory_space<vmem_shared>>
      %dma_start3A_63 = arith.constant 0 : i32
      %dma_start3A_64 = arith.constant 0 : i32
      %dma_start3A_65 = tpu.memref_slice %arg9[%dma_start3A_63, %dma_start3A_64] : memref<80x128xf32, #tpu.memory_space<vmem>> -> memref<80x128xf32, #tpu.memory_space<vmem>>
      tpu.enqueue_dma source(%dma_start3A_65 : memref<80x128xf32, #tpu.memory_space<vmem>>) target(%dma_start3A_62 : memref<80x128xf32, #tpu.memory_space<vmem_shared>>) target_semaphore(%run_scoped3A : memref<!tpu.dma_semaphore, #tpu.memory_space<semaphore_mem>>)
      %dma_wait3A = arith.constant 0 : i32
      %dma_wait3A_66 = arith.constant 0 : i32
      %dma_wait3A_67 = tpu.memref_slice %arg9[%dma_wait3A, %dma_wait3A_66] : memref<80x128xf32, #tpu.memory_space<vmem>> -> memref<80x128xf32, #tpu.memory_space<vmem>>
      %dma_wait3A_68 = arith.constant 0 : i32
      %dma_wait3A_69 = tpu.memref_slice %arg11[%add3A_11, %dma_wait3A_68] : memref<10000x128xf32, #tpu.memory_space<vmem_shared>> -> memref<80x128xf32, #tpu.memory_space<vmem_shared>>
      %dma_wait3A_70 = arith.constant 0 : i32
      %dma_wait3A_71 = tpu.memref_slice %arg11[%add3A_11, %dma_wait3A_70] : memref<10000x128xf32, #tpu.memory_space<vmem_shared>> -> memref<80x128xf32, #tpu.memory_space<vmem_shared>>
      %dma_wait3A_72 = arith.constant 0 : i32
      %dma_wait3A_73 = arith.constant 0 : i32
      %dma_wait3A_74 = tpu.memref_slice %arg9[%dma_wait3A_72, %dma_wait3A_73] : memref<80x128xf32, #tpu.memory_space<vmem>> -> memref<80x128xf32, #tpu.memory_space<vmem>>
      tpu.wait_dma2 semaphore(%run_scoped3A : memref<!tpu.dma_semaphore, #tpu.memory_space<semaphore_mem>>) src(%dma_wait3A_74 : memref<80x128xf32, #tpu.memory_space<vmem>>) dst(%dma_wait3A_71 : memref<80x128xf32, #tpu.memory_space<vmem_shared>>)
      tpu.yield
    }) : () -> ()
    %add3A_12 = arith.constant 320 : i32
    %add3A_13 = arith.addi %multiple_of3A, %add3A_12 : i32
    "tpu.region"() ({
      %run_scoped3A = tpu.sem_alloc : memref<!tpu.dma_semaphore, #tpu.memory_space<semaphore_mem>>
      %dma_start3A = arith.constant 0 : i32
      %dma_start3A_57 = arith.constant 0 : i32
      %dma_start3A_58 = tpu.memref_slice %arg9[%dma_start3A, %dma_start3A_57] : memref<80x128xf32, #tpu.memory_space<vmem>> -> memref<80x128xf32, #tpu.memory_space<vmem>>
      %dma_start3A_59 = arith.constant 0 : i32
      %dma_start3A_60 = tpu.memref_slice %arg11[%add3A_13, %dma_start3A_59] : memref<10000x128xf32, #tpu.memory_space<vmem_shared>> -> memref<80x128xf32, #tpu.memory_space<vmem_shared>>
      %dma_start3A_61 = arith.constant 0 : i32
      %dma_start3A_62 = tpu.memref_slice %arg11[%add3A_13, %dma_start3A_61] : memref<10000x128xf32, #tpu.memory_space<vmem_shared>> -> memref<80x128xf32, #tpu.memory_space<vmem_shared>>
      %dma_start3A_63 = arith.constant 0 : i32
      %dma_start3A_64 = arith.constant 0 : i32
      %dma_start3A_65 = tpu.memref_slice %arg9[%dma_start3A_63, %dma_start3A_64] : memref<80x128xf32, #tpu.memory_space<vmem>> -> memref<80x128xf32, #tpu.memory_space<vmem>>
      tpu.enqueue_dma source(%dma_start3A_65 : memref<80x128xf32, #tpu.memory_space<vmem>>) target(%dma_start3A_62 : memref<80x128xf32, #tpu.memory_space<vmem_shared>>) target_semaphore(%run_scoped3A : memref<!tpu.dma_semaphore, #tpu.memory_space<semaphore_mem>>)
      %dma_wait3A = arith.constant 0 : i32
      %dma_wait3A_66 = arith.constant 0 : i32
      %dma_wait3A_67 = tpu.memref_slice %arg9[%dma_wait3A, %dma_wait3A_66] : memref<80x128xf32, #tpu.memory_space<vmem>> -> memref<80x128xf32, #tpu.memory_space<vmem>>
      %dma_wait3A_68 = arith.constant 0 : i32
      %dma_wait3A_69 = tpu.memref_slice %arg11[%add3A_13, %dma_wait3A_68] : memref<10000x128xf32, #tpu.memory_space<vmem_shared>> -> memref<80x128xf32, #tpu.memory_space<vmem_shared>>
      %dma_wait3A_70 = arith.constant 0 : i32
      %dma_wait3A_71 = tpu.memref_slice %arg11[%add3A_13, %dma_wait3A_70] : memref<10000x128xf32, #tpu.memory_space<vmem_shared>> -> memref<80x128xf32, #tpu.memory_space<vmem_shared>>
      %dma_wait3A_72 = arith.constant 0 : i32
      %dma_wait3A_73 = arith.constant 0 : i32
      %dma_wait3A_74 = tpu.memref_slice %arg9[%dma_wait3A_72, %dma_wait3A_73] : memref<80x128xf32, #tpu.memory_space<vmem>> -> memref<80x128xf32, #tpu.memory_space<vmem>>
      tpu.wait_dma2 semaphore(%run_scoped3A : memref<!tpu.dma_semaphore, #tpu.memory_space<semaphore_mem>>) src(%dma_wait3A_74 : memref<80x128xf32, #tpu.memory_space<vmem>>) dst(%dma_wait3A_71 : memref<80x128xf32, #tpu.memory_space<vmem_shared>>)
      tpu.yield
    }) : () -> ()
    %add3A_14 = arith.constant 400 : i32
    %add3A_15 = arith.addi %multiple_of3A, %add3A_14 : i32
    "tpu.region"() ({
      %run_scoped3A = tpu.sem_alloc : memref<!tpu.dma_semaphore, #tpu.memory_space<semaphore_mem>>
      %dma_start3A = arith.constant 0 : i32
      %dma_start3A_57 = arith.constant 0 : i32
      %dma_start3A_58 = tpu.memref_slice %arg9[%dma_start3A, %dma_start3A_57] : memref<80x128xf32, #tpu.memory_space<vmem>> -> memref<80x128xf32, #tpu.memory_space<vmem>>
      %dma_start3A_59 = arith.constant 0 : i32
      %dma_start3A_60 = tpu.memref_slice %arg11[%add3A_15, %dma_start3A_59] : memref<10000x128xf32, #tpu.memory_space<vmem_shared>> -> memref<80x128xf32, #tpu.memory_space<vmem_shared>>
      %dma_start3A_61 = arith.constant 0 : i32
      %dma_start3A_62 = tpu.memref_slice %arg11[%add3A_15, %dma_start3A_61] : memref<10000x128xf32, #tpu.memory_space<vmem_shared>> -> memref<80x128xf32, #tpu.memory_space<vmem_shared>>
      %dma_start3A_63 = arith.constant 0 : i32
      %dma_start3A_64 = arith.constant 0 : i32
      %dma_start3A_65 = tpu.memref_slice %arg9[%dma_start3A_63, %dma_start3A_64] : memref<80x128xf32, #tpu.memory_space<vmem>> -> memref<80x128xf32, #tpu.memory_space<vmem>>
      tpu.enqueue_dma source(%dma_start3A_65 : memref<80x128xf32, #tpu.memory_space<vmem>>) target(%dma_start3A_62 : memref<80x128xf32, #tpu.memory_space<vmem_shared>>) target_semaphore(%run_scoped3A : memref<!tpu.dma_semaphore, #tpu.memory_space<semaphore_mem>>)
      %dma_wait3A = arith.constant 0 : i32
      %dma_wait3A_66 = arith.constant 0 : i32
      %dma_wait3A_67 = tpu.memref_slice %arg9[%dma_wait3A, %dma_wait3A_66] : memref<80x128xf32, #tpu.memory_space<vmem>> -> memref<80x128xf32, #tpu.memory_space<vmem>>
      %dma_wait3A_68 = arith.constant 0 : i32
      %dma_wait3A_69 = tpu.memref_slice %arg11[%add3A_15, %dma_wait3A_68] : memref<10000x128xf32, #tpu.memory_space<vmem_shared>> -> memref<80x128xf32, #tpu.memory_space<vmem_shared>>
      %dma_wait3A_70 = arith.constant 0 : i32
      %dma_wait3A_71 = tpu.memref_slice %arg11[%add3A_15, %dma_wait3A_70] : memref<10000x128xf32, #tpu.memory_space<vmem_shared>> -> memref<80x128xf32, #tpu.memory_space<vmem_shared>>
      %dma_wait3A_72 = arith.constant 0 : i32
      %dma_wait3A_73 = arith.constant 0 : i32
      %dma_wait3A_74 = tpu.memref_slice %arg9[%dma_wait3A_72, %dma_wait3A_73] : memref<80x128xf32, #tpu.memory_space<vmem>> -> memref<80x128xf32, #tpu.memory_space<vmem>>
      tpu.wait_dma2 semaphore(%run_scoped3A : memref<!tpu.dma_semaphore, #tpu.memory_space<semaphore_mem>>) src(%dma_wait3A_74 : memref<80x128xf32, #tpu.memory_space<vmem>>) dst(%dma_wait3A_71 : memref<80x128xf32, #tpu.memory_space<vmem_shared>>)
      tpu.yield
    }) : () -> ()
    %add3A_16 = arith.constant 480 : i32
    %add3A_17 = arith.addi %multiple_of3A, %add3A_16 : i32
    "tpu.region"() ({
      %run_scoped3A = tpu.sem_alloc : memref<!tpu.dma_semaphore, #tpu.memory_space<semaphore_mem>>
      %dma_start3A = arith.constant 0 : i32
      %dma_start3A_57 = arith.constant 0 : i32
      %dma_start3A_58 = tpu.memref_slice %arg9[%dma_start3A, %dma_start3A_57] : memref<80x128xf32, #tpu.memory_space<vmem>> -> memref<80x128xf32, #tpu.memory_space<vmem>>
      %dma_start3A_59 = arith.constant 0 : i32
      %dma_start3A_60 = tpu.memref_slice %arg11[%add3A_17, %dma_start3A_59] : memref<10000x128xf32, #tpu.memory_space<vmem_shared>> -> memref<80x128xf32, #tpu.memory_space<vmem_shared>>
      %dma_start3A_61 = arith.constant 0 : i32
      %dma_start3A_62 = tpu.memref_slice %arg11[%add3A_17, %dma_start3A_61] : memref<10000x128xf32, #tpu.memory_space<vmem_shared>> -> memref<80x128xf32, #tpu.memory_space<vmem_shared>>
      %dma_start3A_63 = arith.constant 0 : i32
      %dma_start3A_64 = arith.constant 0 : i32
      %dma_start3A_65 = tpu.memref_slice %arg9[%dma_start3A_63, %dma_start3A_64] : memref<80x128xf32, #tpu.memory_space<vmem>> -> memref<80x128xf32, #tpu.memory_space<vmem>>
      tpu.enqueue_dma source(%dma_start3A_65 : memref<80x128xf32, #tpu.memory_space<vmem>>) target(%dma_start3A_62 : memref<80x128xf32, #tpu.memory_space<vmem_shared>>) target_semaphore(%run_scoped3A : memref<!tpu.dma_semaphore, #tpu.memory_space<semaphore_mem>>)
      %dma_wait3A = arith.constant 0 : i32
      %dma_wait3A_66 = arith.constant 0 : i32
      %dma_wait3A_67 = tpu.memref_slice %arg9[%dma_wait3A, %dma_wait3A_66] : memref<80x128xf32, #tpu.memory_space<vmem>> -> memref<80x128xf32, #tpu.memory_space<vmem>>
      %dma_wait3A_68 = arith.constant 0 : i32
      %dma_wait3A_69 = tpu.memref_slice %arg11[%add3A_17, %dma_wait3A_68] : memref<10000x128xf32, #tpu.memory_space<vmem_shared>> -> memref<80x128xf32, #tpu.memory_space<vmem_shared>>
      %dma_wait3A_70 = arith.constant 0 : i32
      %dma_wait3A_71 = tpu.memref_slice %arg11[%add3A_17, %dma_wait3A_70] : memref<10000x128xf32, #tpu.memory_space<vmem_shared>> -> memref<80x128xf32, #tpu.memory_space<vmem_shared>>
      %dma_wait3A_72 = arith.constant 0 : i32
      %dma_wait3A_73 = arith.constant 0 : i32
      %dma_wait3A_74 = tpu.memref_slice %arg9[%dma_wait3A_72, %dma_wait3A_73] : memref<80x128xf32, #tpu.memory_space<vmem>> -> memref<80x128xf32, #tpu.memory_space<vmem>>
      tpu.wait_dma2 semaphore(%run_scoped3A : memref<!tpu.dma_semaphore, #tpu.memory_space<semaphore_mem>>) src(%dma_wait3A_74 : memref<80x128xf32, #tpu.memory_space<vmem>>) dst(%dma_wait3A_71 : memref<80x128xf32, #tpu.memory_space<vmem_shared>>)
      tpu.yield
    }) : () -> ()
    %add3A_18 = arith.constant 624 : i32
    %add3A_19 = arith.addi %multiple_of3A, %add3A_18 : i32
    %sub3A = arith.constant 64 : i32
    %sub3A_20 = arith.subi %add3A_19, %sub3A : i32
    "tpu.region"() ({
      %run_scoped3A = tpu.sem_alloc : memref<!tpu.dma_semaphore, #tpu.memory_space<semaphore_mem>>
      %dma_start3A = arith.constant 0 : i32
      %dma_start3A_57 = arith.constant 0 : i32
      %dma_start3A_58 = tpu.memref_slice %arg9[%dma_start3A, %dma_start3A_57] : memref<80x128xf32, #tpu.memory_space<vmem>> -> memref<64x128xf32, #tpu.memory_space<vmem>>
      %dma_start3A_59 = arith.constant 0 : i32
      %dma_start3A_60 = tpu.memref_slice %arg11[%sub3A_20, %dma_start3A_59] : memref<10000x128xf32, #tpu.memory_space<vmem_shared>> -> memref<64x128xf32, #tpu.memory_space<vmem_shared>>
      %dma_start3A_61 = arith.constant 0 : i32
      %dma_start3A_62 = tpu.memref_slice %arg11[%sub3A_20, %dma_start3A_61] : memref<10000x128xf32, #tpu.memory_space<vmem_shared>> -> memref<64x128xf32, #tpu.memory_space<vmem_shared>>
      %dma_start3A_63 = arith.constant 0 : i32
      %dma_start3A_64 = arith.constant 0 : i32
      %dma_start3A_65 = tpu.memref_slice %arg9[%dma_start3A_63, %dma_start3A_64] : memref<80x128xf32, #tpu.memory_space<vmem>> -> memref<64x128xf32, #tpu.memory_space<vmem>>
      tpu.enqueue_dma source(%dma_start3A_65 : memref<64x128xf32, #tpu.memory_space<vmem>>) target(%dma_start3A_62 : memref<64x128xf32, #tpu.memory_space<vmem_shared>>) target_semaphore(%run_scoped3A : memref<!tpu.dma_semaphore, #tpu.memory_space<semaphore_mem>>)
      %dma_wait3A = arith.constant 0 : i32
      %dma_wait3A_66 = arith.constant 0 : i32
      %dma_wait3A_67 = tpu.memref_slice %arg9[%dma_wait3A, %dma_wait3A_66] : memref<80x128xf32, #tpu.memory_space<vmem>> -> memref<64x128xf32, #tpu.memory_space<vmem>>
      %dma_wait3A_68 = arith.constant 0 : i32
      %dma_wait3A_69 = tpu.memref_slice %arg11[%sub3A_20, %dma_wait3A_68] : memref<10000x128xf32, #tpu.memory_space<vmem_shared>> -> memref<64x128xf32, #tpu.memory_space<vmem_shared>>
      %dma_wait3A_70 = arith.constant 0 : i32
      %dma_wait3A_71 = tpu.memref_slice %arg11[%sub3A_20, %dma_wait3A_70] : memref<10000x128xf32, #tpu.memory_space<vmem_shared>> -> memref<64x128xf32, #tpu.memory_space<vmem_shared>>
      %dma_wait3A_72 = arith.constant 0 : i32
      %dma_wait3A_73 = arith.constant 0 : i32
      %dma_wait3A_74 = tpu.memref_slice %arg9[%dma_wait3A_72, %dma_wait3A_73] : memref<80x128xf32, #tpu.memory_space<vmem>> -> memref<64x128xf32, #tpu.memory_space<vmem>>
      tpu.wait_dma2 semaphore(%run_scoped3A : memref<!tpu.dma_semaphore, #tpu.memory_space<semaphore_mem>>) src(%dma_wait3A_74 : memref<64x128xf32, #tpu.memory_space<vmem>>) dst(%dma_wait3A_71 : memref<64x128xf32, #tpu.memory_space<vmem_shared>>)
      tpu.yield
    }) : () -> ()
    %eq3A = arith.constant 15 : i32
    %eq3A_21 = arith.cmpi eq, %arg1, %eq3A : i32
    %convert_element_type3A = arith.extui %eq3A_21 : i1 to i32
    %cond3A = arith.constant 0 : i32
    %cond3A_22 = arith.cmpi ne, %convert_element_type3A, %cond3A : i32
    scf.if %cond3A_22 {
      %multiple_of3A_57 = arith.constant 9984 : i32
      %multiple_of3A_58 = tpu.assume_multiple %multiple_of3A_57, 8 : i32
      "tpu.region"() ({
        %run_scoped3A = tpu.sem_alloc : memref<!tpu.dma_semaphore, #tpu.memory_space<semaphore_mem>>
        %dma_start3A = arith.constant 0 : i32
        %dma_start3A_59 = arith.constant 0 : i32
        %dma_start3A_60 = tpu.memref_slice %arg9[%dma_start3A, %dma_start3A_59] : memref<80x128xf32, #tpu.memory_space<vmem>> -> memref<16x128xf32, #tpu.memory_space<vmem>>
        %dma_start3A_61 = arith.constant 0 : i32
        %dma_start3A_62 = tpu.memref_slice %arg11[%multiple_of3A_58, %dma_start3A_61] : memref<10000x128xf32, #tpu.memory_space<vmem_shared>> -> memref<16x128xf32, #tpu.memory_space<vmem_shared>>
        %dma_start3A_63 = arith.constant 0 : i32
        %dma_start3A_64 = tpu.memref_slice %arg11[%multiple_of3A_58, %dma_start3A_63] : memref<10000x128xf32, #tpu.memory_space<vmem_shared>> -> memref<16x128xf32, #tpu.memory_space<vmem_shared>>
        %dma_start3A_65 = arith.constant 0 : i32
        %dma_start3A_66 = arith.constant 0 : i32
        %dma_start3A_67 = tpu.memref_slice %arg9[%dma_start3A_65, %dma_start3A_66] : memref<80x128xf32, #tpu.memory_space<vmem>> -> memref<16x128xf32, #tpu.memory_space<vmem>>
        tpu.enqueue_dma source(%dma_start3A_67 : memref<16x128xf32, #tpu.memory_space<vmem>>) target(%dma_start3A_64 : memref<16x128xf32, #tpu.memory_space<vmem_shared>>) target_semaphore(%run_scoped3A : memref<!tpu.dma_semaphore, #tpu.memory_space<semaphore_mem>>)
        %dma_wait3A = arith.constant 0 : i32
        %dma_wait3A_68 = arith.constant 0 : i32
        %dma_wait3A_69 = tpu.memref_slice %arg9[%dma_wait3A, %dma_wait3A_68] : memref<80x128xf32, #tpu.memory_space<vmem>> -> memref<16x128xf32, #tpu.memory_space<vmem>>
        %dma_wait3A_70 = arith.constant 0 : i32
        %dma_wait3A_71 = tpu.memref_slice %arg11[%multiple_of3A_58, %dma_wait3A_70] : memref<10000x128xf32, #tpu.memory_space<vmem_shared>> -> memref<16x128xf32, #tpu.memory_space<vmem_shared>>
        %dma_wait3A_72 = arith.constant 0 : i32
        %dma_wait3A_73 = tpu.memref_slice %arg11[%multiple_of3A_58, %dma_wait3A_72] : memref<10000x128xf32, #tpu.memory_space<vmem_shared>> -> memref<16x128xf32, #tpu.memory_space<vmem_shared>>
        %dma_wait3A_74 = arith.constant 0 : i32
        %dma_wait3A_75 = arith.constant 0 : i32
        %dma_wait3A_76 = tpu.memref_slice %arg9[%dma_wait3A_74, %dma_wait3A_75] : memref<80x128xf32, #tpu.memory_space<vmem>> -> memref<16x128xf32, #tpu.memory_space<vmem>>
        tpu.wait_dma2 semaphore(%run_scoped3A : memref<!tpu.dma_semaphore, #tpu.memory_space<semaphore_mem>>) src(%dma_wait3A_76 : memref<16x128xf32, #tpu.memory_space<vmem>>) dst(%dma_wait3A_73 : memref<16x128xf32, #tpu.memory_space<vmem_shared>>)
        tpu.yield
      }) : () -> ()
    } else {
    }
    %barrier3A = arith.constant 0 : index
    tpu.barrier barrier_id(%barrier3A)
    %mul3A_23 = arith.constant 16 : i32
    %mul3A_24 = arith.muli %arg0, %mul3A_23 : i32
    %add3A_25 = arith.addi %mul3A_24, %arg1 : i32
    %mul3A_26 = arith.constant 10000 : i32
    %mul3A_27 = arith.muli %add3A_25, %mul3A_26 : i32
    %scan3A_28 = arith.constant 0 : i32
    %scan3A_29 = arith.constant 125 : i32
    %scan3A_30 = arith.addi %scan3A_28, %scan3A_29 : i32
    %scan3A_31 = arith.constant 1 : i32
    scf.for %scan3A_57 = %scan3A_28 to %scan3A_30 step %scan3A_31  : i32 {
      %mul3A_58 = arith.constant 1 : i32
      %mul3A_59 = arith.muli %scan3A_57, %mul3A_58 : i32
      %add3A_60 = arith.constant 0 : i32
      %add3A_61 = arith.addi %add3A_60, %mul3A_59 : i32
      %mul3A_62 = arith.constant 80 : i32
      %mul3A_63 = arith.muli %add3A_61, %mul3A_62 : i32
      %add3A_64 = arith.addi %mul3A_27, %mul3A_63 : i32
      %multiple_of3A_65 = tpu.assume_multiple %add3A_64, 8 : i32
      "tpu.region"() ({
        %run_scoped3A = tpu.sem_alloc : memref<!tpu.dma_semaphore, #tpu.memory_space<semaphore_mem>>
        %dma_start3A_81 = tpu.memref_slice %arg4[%multiple_of3A_65] : memref<320000xi32, #tpu.memory_space<hbm>> -> memref<80xi32, #tpu.memory_space<hbm>>
        %dma_start3A_82 = tpu.memref_slice %arg4[%multiple_of3A_65] : memref<320000xi32, #tpu.memory_space<hbm>> -> memref<80xi32, #tpu.memory_space<hbm>>
        tpu.enqueue_dma source(%dma_start3A_82 : memref<80xi32, #tpu.memory_space<hbm>>) target(%arg7 : memref<80xi32, #tpu.memory_space<vmem>>) target_semaphore(%run_scoped3A : memref<!tpu.dma_semaphore, #tpu.memory_space<semaphore_mem>>)
        %dma_wait3A_83 = tpu.memref_slice %arg4[%multiple_of3A_65] : memref<320000xi32, #tpu.memory_space<hbm>> -> memref<80xi32, #tpu.memory_space<hbm>>
        %dma_wait3A_84 = tpu.memref_slice %arg4[%multiple_of3A_65] : memref<320000xi32, #tpu.memory_space<hbm>> -> memref<80xi32, #tpu.memory_space<hbm>>
        tpu.wait_dma2 semaphore(%run_scoped3A : memref<!tpu.dma_semaphore, #tpu.memory_space<semaphore_mem>>) src(%dma_wait3A_84 : memref<80xi32, #tpu.memory_space<hbm>>) dst(%arg7 : memref<80xi32, #tpu.memory_space<vmem>>)
        tpu.yield
      }) : () -> ()
      "tpu.region"() ({
        %run_scoped3A = tpu.sem_alloc : memref<!tpu.dma_semaphore, #tpu.memory_space<semaphore_mem>>
        %dma_start3A_81 = tpu.memref_slice %arg5[%multiple_of3A_65] : memref<320000xi32, #tpu.memory_space<hbm>> -> memref<80xi32, #tpu.memory_space<hbm>>
        %dma_start3A_82 = tpu.memref_slice %arg5[%multiple_of3A_65] : memref<320000xi32, #tpu.memory_space<hbm>> -> memref<80xi32, #tpu.memory_space<hbm>>
        tpu.enqueue_dma source(%dma_start3A_82 : memref<80xi32, #tpu.memory_space<hbm>>) target(%arg8 : memref<80xi32, #tpu.memory_space<vmem>>) target_semaphore(%run_scoped3A : memref<!tpu.dma_semaphore, #tpu.memory_space<semaphore_mem>>)
        %dma_wait3A_83 = tpu.memref_slice %arg5[%multiple_of3A_65] : memref<320000xi32, #tpu.memory_space<hbm>> -> memref<80xi32, #tpu.memory_space<hbm>>
        %dma_wait3A_84 = tpu.memref_slice %arg5[%multiple_of3A_65] : memref<320000xi32, #tpu.memory_space<hbm>> -> memref<80xi32, #tpu.memory_space<hbm>>
        tpu.wait_dma2 semaphore(%run_scoped3A : memref<!tpu.dma_semaphore, #tpu.memory_space<semaphore_mem>>) src(%dma_wait3A_84 : memref<80xi32, #tpu.memory_space<hbm>>) dst(%arg8 : memref<80xi32, #tpu.memory_space<vmem>>)
        tpu.yield
      }) : () -> ()
      %dma_start3A = arith.constant 0 : i32
      %dma_start3A_66 = arith.constant 0 : i32
      %dma_start3A_67 = tpu.memref_slice %arg2[%dma_start3A, %dma_start3A_66] : memref<10000x128xf32, #tpu.memory_space<hbm>> -> memref<10000x128xf32, #tpu.memory_space<hbm>>
      tpu.enqueue_indirect_dma source(%dma_start3A_67 : memref<10000x128xf32, #tpu.memory_space<hbm>>) target(%arg9 : memref<80x128xf32, #tpu.memory_space<vmem>>) offsets(%arg7 : memref<80xi32, #tpu.memory_space<vmem>>) semaphore(%arg12 : memref<!tpu.dma_semaphore, #tpu.memory_space<semaphore_mem>>)
      %dma_start3A_68 = arith.constant 0 : i32
      %dma_start3A_69 = arith.constant 0 : i32
      %dma_start3A_70 = tpu.memref_slice %arg3[%dma_start3A_68, %dma_start3A_69] : memref<10000x128xf32, #tpu.memory_space<hbm>> -> memref<10000x128xf32, #tpu.memory_space<hbm>>
      tpu.enqueue_indirect_dma source(%dma_start3A_70 : memref<10000x128xf32, #tpu.memory_space<hbm>>) target(%arg10 : memref<80x128xf32, #tpu.memory_space<vmem>>) offsets(%arg8 : memref<80xi32, #tpu.memory_space<vmem>>) semaphore(%arg13 : memref<!tpu.dma_semaphore, #tpu.memory_space<semaphore_mem>>)
      %dma_wait3A = arith.constant 0 : i32
      %dma_wait3A_71 = arith.constant 0 : i32
      %dma_wait3A_72 = tpu.memref_slice %arg2[%dma_wait3A, %dma_wait3A_71] : memref<10000x128xf32, #tpu.memory_space<hbm>> -> memref<10000x128xf32, #tpu.memory_space<hbm>>
      tpu.wait_indirect_dma semaphore(%arg12 : memref<!tpu.dma_semaphore, #tpu.memory_space<semaphore_mem>>) src(%dma_wait3A_72 : memref<10000x128xf32, #tpu.memory_space<hbm>>) dst(%arg9 : memref<80x128xf32, #tpu.memory_space<vmem>>)
      %dma_wait3A_73 = arith.constant 0 : i32
      %dma_wait3A_74 = arith.constant 0 : i32
      %dma_wait3A_75 = tpu.memref_slice %arg3[%dma_wait3A_73, %dma_wait3A_74] : memref<10000x128xf32, #tpu.memory_space<hbm>> -> memref<10000x128xf32, #tpu.memory_space<hbm>>
      tpu.wait_indirect_dma semaphore(%arg13 : memref<!tpu.dma_semaphore, #tpu.memory_space<semaphore_mem>>) src(%dma_wait3A_75 : memref<10000x128xf32, #tpu.memory_space<hbm>>) dst(%arg10 : memref<80x128xf32, #tpu.memory_space<vmem>>)
      %scan3A_76 = arith.constant 0 : i32
      %scan3A_77 = arith.constant 80 : i32
      %scan3A_78 = arith.addi %scan3A_76, %scan3A_77 : i32
      %scan3A_79 = arith.constant 1 : i32
      scf.for %scan3A_81 = %scan3A_76 to %scan3A_78 step %scan3A_79  : i32 {
        %mul3A_82 = arith.constant 1 : i32
        %mul3A_83 = arith.muli %scan3A_81, %mul3A_82 : i32
        %add3A_84 = arith.constant 0 : i32
        %add3A_85 = arith.addi %add3A_84, %mul3A_83 : i32
        %get3A = arith.index_cast %add3A_85 : i32 to index
        %get3A_86 = arith.constant 0 : index
        %get3A_87 = tpu.vector_load %arg9[%get3A, %get3A_86] {strides = array<i32>} : memref<80x128xf32, #tpu.memory_space<vmem>>, vector<1x16xf32>,
        %get3A_88 = vector.shape_cast %get3A_87 : vector<1x16xf32> to vector<16xf32>
        %get3A_89 = arith.index_cast %add3A_85 : i32 to index
        %get3A_90 = arith.constant 0 : index
        %get3A_91 = tpu.vector_load %arg10[%get3A_89, %get3A_90] {strides = array<i32>} : memref<80x128xf32, #tpu.memory_space<vmem>>, vector<1x16xf32>,
        %get3A_92 = vector.shape_cast %get3A_91 : vector<1x16xf32> to vector<16xf32>
        %add3A_93 = arith.addf %get3A_88, %get3A_92 : vector<16xf32>
        %max3A = arith.constant 0.000000e+00 : f32
        %max3A_94 = vector.broadcast %max3A : f32 to vector<16xf32>
        %max3A_95 = arith.maximumf %add3A_93, %max3A_94 : vector<16xf32>
        %swap3A = arith.index_cast %add3A_85 : i32 to index
        %swap3A_96 = arith.constant 0 : index
        %swap3A_97 = tpu.vector_load %arg10[%swap3A, %swap3A_96] {strides = array<i32>} : memref<80x128xf32, #tpu.memory_space<vmem>>, vector<1x16xf32>,
        %swap3A_98 = vector.shape_cast %swap3A_97 : vector<1x16xf32> to vector<16xf32>
        %swap3A_99 = vector.shape_cast %max3A_95 : vector<16xf32> to vector<1x16xf32>
        tpu.vector_store %arg10[%swap3A, %swap3A_96], %swap3A_99 {strides = array<i32>} : memref<80x128xf32, #tpu.memory_space<vmem>>, vector<1x16xf32>,
        %get3A_100 = arith.index_cast %add3A_85 : i32 to index
        %get3A_101 = arith.constant 16 : index
        %get3A_102 = tpu.vector_load %arg9[%get3A_100, %get3A_101] {strides = array<i32>} : memref<80x128xf32, #tpu.memory_space<vmem>>, vector<1x16xf32>,
        %get3A_103 = vector.shape_cast %get3A_102 : vector<1x16xf32> to vector<16xf32>
        %get3A_104 = arith.index_cast %add3A_85 : i32 to index
        %get3A_105 = arith.constant 16 : index
        %get3A_106 = tpu.vector_load %arg10[%get3A_104, %get3A_105] {strides = array<i32>} : memref<80x128xf32, #tpu.memory_space<vmem>>, vector<1x16xf32>,
        %get3A_107 = vector.shape_cast %get3A_106 : vector<1x16xf32> to vector<16xf32>
        %add3A_108 = arith.addf %get3A_103, %get3A_107 : vector<16xf32>
        %max3A_109 = arith.constant 0.000000e+00 : f32
        %max3A_110 = vector.broadcast %max3A_109 : f32 to vector<16xf32>
        %max3A_111 = arith.maximumf %add3A_108, %max3A_110 : vector<16xf32>
        %swap3A_112 = arith.index_cast %add3A_85 : i32 to index
        %swap3A_113 = arith.constant 16 : index
        %swap3A_114 = tpu.vector_load %arg10[%swap3A_112, %swap3A_113] {strides = array<i32>} : memref<80x128xf32, #tpu.memory_space<vmem>>, vector<1x16xf32>,
        %swap3A_115 = vector.shape_cast %swap3A_114 : vector<1x16xf32> to vector<16xf32>
        %swap3A_116 = vector.shape_cast %max3A_111 : vector<16xf32> to vector<1x16xf32>
        tpu.vector_store %arg10[%swap3A_112, %swap3A_113], %swap3A_116 {strides = array<i32>} : memref<80x128xf32, #tpu.memory_space<vmem>>, vector<1x16xf32>,
        %get3A_117 = arith.index_cast %add3A_85 : i32 to index
        %get3A_118 = arith.constant 32 : index
        %get3A_119 = tpu.vector_load %arg9[%get3A_117, %get3A_118] {strides = array<i32>} : memref<80x128xf32, #tpu.memory_space<vmem>>, vector<1x16xf32>,
        %get3A_120 = vector.shape_cast %get3A_119 : vector<1x16xf32> to vector<16xf32>
        %get3A_121 = arith.index_cast %add3A_85 : i32 to index
        %get3A_122 = arith.constant 32 : index
        %get3A_123 = tpu.vector_load %arg10[%get3A_121, %get3A_122] {strides = array<i32>} : memref<80x128xf32, #tpu.memory_space<vmem>>, vector<1x16xf32>,
        %get3A_124 = vector.shape_cast %get3A_123 : vector<1x16xf32> to vector<16xf32>
        %add3A_125 = arith.addf %get3A_120, %get3A_124 : vector<16xf32>
        %max3A_126 = arith.constant 0.000000e+00 : f32
        %max3A_127 = vector.broadcast %max3A_126 : f32 to vector<16xf32>
        %max3A_128 = arith.maximumf %add3A_125, %max3A_127 : vector<16xf32>
        %swap3A_129 = arith.index_cast %add3A_85 : i32 to index
        %swap3A_130 = arith.constant 32 : index
        %swap3A_131 = tpu.vector_load %arg10[%swap3A_129, %swap3A_130] {strides = array<i32>} : memref<80x128xf32, #tpu.memory_space<vmem>>, vector<1x16xf32>,
        %swap3A_132 = vector.shape_cast %swap3A_131 : vector<1x16xf32> to vector<16xf32>
        %swap3A_133 = vector.shape_cast %max3A_128 : vector<16xf32> to vector<1x16xf32>
        tpu.vector_store %arg10[%swap3A_129, %swap3A_130], %swap3A_133 {strides = array<i32>} : memref<80x128xf32, #tpu.memory_space<vmem>>, vector<1x16xf32>,
        %get3A_134 = arith.index_cast %add3A_85 : i32 to index
        %get3A_135 = arith.constant 48 : index
        %get3A_136 = tpu.vector_load %arg9[%get3A_134, %get3A_135] {strides = array<i32>} : memref<80x128xf32, #tpu.memory_space<vmem>>, vector<1x16xf32>,
        %get3A_137 = vector.shape_cast %get3A_136 : vector<1x16xf32> to vector<16xf32>
        %get3A_138 = arith.index_cast %add3A_85 : i32 to index
        %get3A_139 = arith.constant 48 : index
        %get3A_140 = tpu.vector_load %arg10[%get3A_138, %get3A_139] {strides = array<i32>} : memref<80x128xf32, #tpu.memory_space<vmem>>, vector<1x16xf32>,
        %get3A_141 = vector.shape_cast %get3A_140 : vector<1x16xf32> to vector<16xf32>
        %add3A_142 = arith.addf %get3A_137, %get3A_141 : vector<16xf32>
        %max3A_143 = arith.constant 0.000000e+00 : f32
        %max3A_144 = vector.broadcast %max3A_143 : f32 to vector<16xf32>
        %max3A_145 = arith.maximumf %add3A_142, %max3A_144 : vector<16xf32>
        %swap3A_146 = arith.index_cast %add3A_85 : i32 to index
        %swap3A_147 = arith.constant 48 : index
        %swap3A_148 = tpu.vector_load %arg10[%swap3A_146, %swap3A_147] {strides = array<i32>} : memref<80x128xf32, #tpu.memory_space<vmem>>, vector<1x16xf32>,
        %swap3A_149 = vector.shape_cast %swap3A_148 : vector<1x16xf32> to vector<16xf32>
        %swap3A_150 = vector.shape_cast %max3A_145 : vector<16xf32> to vector<1x16xf32>
        tpu.vector_store %arg10[%swap3A_146, %swap3A_147], %swap3A_150 {strides = array<i32>} : memref<80x128xf32, #tpu.memory_space<vmem>>, vector<1x16xf32>,
        %get3A_151 = arith.index_cast %add3A_85 : i32 to index
        %get3A_152 = arith.constant 64 : index
        %get3A_153 = tpu.vector_load %arg9[%get3A_151, %get3A_152] {strides = array<i32>} : memref<80x128xf32, #tpu.memory_space<vmem>>, vector<1x16xf32>,
        %get3A_154 = vector.shape_cast %get3A_153 : vector<1x16xf32> to vector<16xf32>
        %get3A_155 = arith.index_cast %add3A_85 : i32 to index
        %get3A_156 = arith.constant 64 : index
        %get3A_157 = tpu.vector_load %arg10[%get3A_155, %get3A_156] {strides = array<i32>} : memref<80x128xf32, #tpu.memory_space<vmem>>, vector<1x16xf32>,
        %get3A_158 = vector.shape_cast %get3A_157 : vector<1x16xf32> to vector<16xf32>
        %add3A_159 = arith.addf %get3A_154, %get3A_158 : vector<16xf32>
        %max3A_160 = arith.constant 0.000000e+00 : f32
        %max3A_161 = vector.broadcast %max3A_160 : f32 to vector<16xf32>
        %max3A_162 = arith.maximumf %add3A_159, %max3A_161 : vector<16xf32>
        %swap3A_163 = arith.index_cast %add3A_85 : i32 to index
        %swap3A_164 = arith.constant 64 : index
        %swap3A_165 = tpu.vector_load %arg10[%swap3A_163, %swap3A_164] {strides = array<i32>} : memref<80x128xf32, #tpu.memory_space<vmem>>, vector<1x16xf32>,
        %swap3A_166 = vector.shape_cast %swap3A_165 : vector<1x16xf32> to vector<16xf32>
        %swap3A_167 = vector.shape_cast %max3A_162 : vector<16xf32> to vector<1x16xf32>
        tpu.vector_store %arg10[%swap3A_163, %swap3A_164], %swap3A_167 {strides = array<i32>} : memref<80x128xf32, #tpu.memory_space<vmem>>, vector<1x16xf32>,
        %get3A_168 = arith.index_cast %add3A_85 : i32 to index
        %get3A_169 = arith.constant 80 : index
        %get3A_170 = tpu.vector_load %arg9[%get3A_168, %get3A_169] {strides = array<i32>} : memref<80x128xf32, #tpu.memory_space<vmem>>, vector<1x16xf32>,
        %get3A_171 = vector.shape_cast %get3A_170 : vector<1x16xf32> to vector<16xf32>
        %get3A_172 = arith.index_cast %add3A_85 : i32 to index
        %get3A_173 = arith.constant 80 : index
        %get3A_174 = tpu.vector_load %arg10[%get3A_172, %get3A_173] {strides = array<i32>} : memref<80x128xf32, #tpu.memory_space<vmem>>, vector<1x16xf32>,
        %get3A_175 = vector.shape_cast %get3A_174 : vector<1x16xf32> to vector<16xf32>
        %add3A_176 = arith.addf %get3A_171, %get3A_175 : vector<16xf32>
        %max3A_177 = arith.constant 0.000000e+00 : f32
        %max3A_178 = vector.broadcast %max3A_177 : f32 to vector<16xf32>
        %max3A_179 = arith.maximumf %add3A_176, %max3A_178 : vector<16xf32>
        %swap3A_180 = arith.index_cast %add3A_85 : i32 to index
        %swap3A_181 = arith.constant 80 : index
        %swap3A_182 = tpu.vector_load %arg10[%swap3A_180, %swap3A_181] {strides = array<i32>} : memref<80x128xf32, #tpu.memory_space<vmem>>, vector<1x16xf32>,
        %swap3A_183 = vector.shape_cast %swap3A_182 : vector<1x16xf32> to vector<16xf32>
        %swap3A_184 = vector.shape_cast %max3A_179 : vector<16xf32> to vector<1x16xf32>
        tpu.vector_store %arg10[%swap3A_180, %swap3A_181], %swap3A_184 {strides = array<i32>} : memref<80x128xf32, #tpu.memory_space<vmem>>, vector<1x16xf32>,
        %get3A_185 = arith.index_cast %add3A_85 : i32 to index
        %get3A_186 = arith.constant 96 : index
        %get3A_187 = tpu.vector_load %arg9[%get3A_185, %get3A_186] {strides = array<i32>} : memref<80x128xf32, #tpu.memory_space<vmem>>, vector<1x16xf32>,
        %get3A_188 = vector.shape_cast %get3A_187 : vector<1x16xf32> to vector<16xf32>
        %get3A_189 = arith.index_cast %add3A_85 : i32 to index
        %get3A_190 = arith.constant 96 : index
        %get3A_191 = tpu.vector_load %arg10[%get3A_189, %get3A_190] {strides = array<i32>} : memref<80x128xf32, #tpu.memory_space<vmem>>, vector<1x16xf32>,
        %get3A_192 = vector.shape_cast %get3A_191 : vector<1x16xf32> to vector<16xf32>
        %add3A_193 = arith.addf %get3A_188, %get3A_192 : vector<16xf32>
        %max3A_194 = arith.constant 0.000000e+00 : f32
        %max3A_195 = vector.broadcast %max3A_194 : f32 to vector<16xf32>
        %max3A_196 = arith.maximumf %add3A_193, %max3A_195 : vector<16xf32>
        %swap3A_197 = arith.index_cast %add3A_85 : i32 to index
        %swap3A_198 = arith.constant 96 : index
        %swap3A_199 = tpu.vector_load %arg10[%swap3A_197, %swap3A_198] {strides = array<i32>} : memref<80x128xf32, #tpu.memory_space<vmem>>, vector<1x16xf32>,
        %swap3A_200 = vector.shape_cast %swap3A_199 : vector<1x16xf32> to vector<16xf32>
        %swap3A_201 = vector.shape_cast %max3A_196 : vector<16xf32> to vector<1x16xf32>
        tpu.vector_store %arg10[%swap3A_197, %swap3A_198], %swap3A_201 {strides = array<i32>} : memref<80x128xf32, #tpu.memory_space<vmem>>, vector<1x16xf32>,
        %get3A_202 = arith.index_cast %add3A_85 : i32 to index
        %get3A_203 = arith.constant 112 : index
        %get3A_204 = tpu.vector_load %arg9[%get3A_202, %get3A_203] {strides = array<i32>} : memref<80x128xf32, #tpu.memory_space<vmem>>, vector<1x16xf32>,
        %get3A_205 = vector.shape_cast %get3A_204 : vector<1x16xf32> to vector<16xf32>
        %get3A_206 = arith.index_cast %add3A_85 : i32 to index
        %get3A_207 = arith.constant 112 : index
        %get3A_208 = tpu.vector_load %arg10[%get3A_206, %get3A_207] {strides = array<i32>} : memref<80x128xf32, #tpu.memory_space<vmem>>, vector<1x16xf32>,
        %get3A_209 = vector.shape_cast %get3A_208 : vector<1x16xf32> to vector<16xf32>
        %add3A_210 = arith.addf %get3A_205, %get3A_209 : vector<16xf32>
        %max3A_211 = arith.constant 0.000000e+00 : f32
        %max3A_212 = vector.broadcast %max3A_211 : f32 to vector<16xf32>
        %max3A_213 = arith.maximumf %add3A_210, %max3A_212 : vector<16xf32>
        %swap3A_214 = arith.index_cast %add3A_85 : i32 to index
        %swap3A_215 = arith.constant 112 : index
        %swap3A_216 = tpu.vector_load %arg10[%swap3A_214, %swap3A_215] {strides = array<i32>} : memref<80x128xf32, #tpu.memory_space<vmem>>, vector<1x16xf32>,
        %swap3A_217 = vector.shape_cast %swap3A_216 : vector<1x16xf32> to vector<16xf32>
        %swap3A_218 = vector.shape_cast %max3A_213 : vector<16xf32> to vector<1x16xf32>
        tpu.vector_store %arg10[%swap3A_214, %swap3A_215], %swap3A_218 {strides = array<i32>} : memref<80x128xf32, #tpu.memory_space<vmem>>, vector<1x16xf32>,
      }
      %scan3A_80 = arith.constant 80 : i32
      "tpu.region"() ({
        %run_scoped3A = tpu.sem_alloc : memref<!tpu.dma_semaphore, #tpu.memory_space<semaphore_mem>>
        %dma_start3A_81 = arith.constant 0 : i32
        %dma_start3A_82 = arith.constant 0 : i32
        %dma_start3A_83 = tpu.memref_slice %arg11[%dma_start3A_81, %dma_start3A_82] : memref<10000x128xf32, #tpu.memory_space<vmem_shared>> -> memref<10000x128xf32, #tpu.memory_space<vmem_shared>>
        tpu.enqueue_indirect_dma source(%arg10 : memref<80x128xf32, #tpu.memory_space<vmem>>) target(%dma_start3A_83 : memref<10000x128xf32, #tpu.memory_space<vmem_shared>>) offsets(%arg7 : memref<80xi32, #tpu.memory_space<vmem>>) semaphore(%run_scoped3A : memref<!tpu.dma_semaphore, #tpu.memory_space<semaphore_mem>>) {add = true}
        %dma_wait3A_84 = arith.constant 0 : i32
        %dma_wait3A_85 = arith.constant 0 : i32
        %dma_wait3A_86 = tpu.memref_slice %arg11[%dma_wait3A_84, %dma_wait3A_85] : memref<10000x128xf32, #tpu.memory_space<vmem_shared>> -> memref<10000x128xf32, #tpu.memory_space<vmem_shared>>
        tpu.wait_indirect_dma semaphore(%run_scoped3A : memref<!tpu.dma_semaphore, #tpu.memory_space<semaphore_mem>>) src(%arg10 : memref<80x128xf32, #tpu.memory_space<vmem>>) dst(%dma_wait3A_86 : memref<10000x128xf32, #tpu.memory_space<vmem_shared>>)
        tpu.yield
      }) : () -> ()
    }
    %scan3A_32 = arith.constant 125 : i32
    %barrier3A_33 = arith.constant 0 : index
    tpu.barrier barrier_id(%barrier3A_33)
    %add3A_34 = arith.constant 0 : i32
    %add3A_35 = arith.addi %multiple_of3A, %add3A_34 : i32
    "tpu.region"() ({
      %run_scoped3A = tpu.sem_alloc : memref<!tpu.dma_semaphore, #tpu.memory_space<semaphore_mem>>
      %dma_start3A = arith.constant 0 : i32
      %dma_start3A_57 = tpu.memref_slice %arg6[%arg0, %add3A_35, %dma_start3A] : memref<2x10000x128xf32, #tpu.memory_space<hbm>> -> memref<1x80x128xf32, #tpu.memory_space<hbm>>
      %dma_start3A_58 = tpu.memref_squeeze %dma_start3A_57 : memref<1x80x128xf32, #tpu.memory_space<hbm>> -> memref<80x128xf32, #tpu.memory_space<hbm>>
      %dma_start3A_59 = arith.constant 0 : i32
      %dma_start3A_60 = tpu.memref_slice %arg11[%add3A_35, %dma_start3A_59] : memref<10000x128xf32, #tpu.memory_space<vmem_shared>> -> memref<80x128xf32, #tpu.memory_space<vmem_shared>>
      tpu.enqueue_dma source(%dma_start3A_60 : memref<80x128xf32, #tpu.memory_space<vmem_shared>>) target(%dma_start3A_58 : memref<80x128xf32, #tpu.memory_space<hbm>>) target_semaphore(%run_scoped3A : memref<!tpu.dma_semaphore, #tpu.memory_space<semaphore_mem>>)
      %dma_wait3A = arith.constant 0 : i32
      %dma_wait3A_61 = tpu.memref_slice %arg6[%arg0, %add3A_35, %dma_wait3A] : memref<2x10000x128xf32, #tpu.memory_space<hbm>> -> memref<1x80x128xf32, #tpu.memory_space<hbm>>
      %dma_wait3A_62 = tpu.memref_squeeze %dma_wait3A_61 : memref<1x80x128xf32, #tpu.memory_space<hbm>> -> memref<80x128xf32, #tpu.memory_space<hbm>>
      %dma_wait3A_63 = arith.constant 0 : i32
      %dma_wait3A_64 = tpu.memref_slice %arg11[%add3A_35, %dma_wait3A_63] : memref<10000x128xf32, #tpu.memory_space<vmem_shared>> -> memref<80x128xf32, #tpu.memory_space<vmem_shared>>
      tpu.wait_dma2 semaphore(%run_scoped3A : memref<!tpu.dma_semaphore, #tpu.memory_space<semaphore_mem>>) src(%dma_wait3A_64 : memref<80x128xf32, #tpu.memory_space<vmem_shared>>) dst(%dma_wait3A_62 : memref<80x128xf32, #tpu.memory_space<hbm>>)
      tpu.yield
    }) : () -> ()
    %add3A_36 = arith.constant 80 : i32
    %add3A_37 = arith.addi %multiple_of3A, %add3A_36 : i32
    "tpu.region"() ({
      %run_scoped3A = tpu.sem_alloc : memref<!tpu.dma_semaphore, #tpu.memory_space<semaphore_mem>>
      %dma_start3A = arith.constant 0 : i32
      %dma_start3A_57 = tpu.memref_slice %arg6[%arg0, %add3A_37, %dma_start3A] : memref<2x10000x128xf32, #tpu.memory_space<hbm>> -> memref<1x80x128xf32, #tpu.memory_space<hbm>>
      %dma_start3A_58 = tpu.memref_squeeze %dma_start3A_57 : memref<1x80x128xf32, #tpu.memory_space<hbm>> -> memref<80x128xf32, #tpu.memory_space<hbm>>
      %dma_start3A_59 = arith.constant 0 : i32
      %dma_start3A_60 = tpu.memref_slice %arg11[%add3A_37, %dma_start3A_59] : memref<10000x128xf32, #tpu.memory_space<vmem_shared>> -> memref<80x128xf32, #tpu.memory_space<vmem_shared>>
      tpu.enqueue_dma source(%dma_start3A_60 : memref<80x128xf32, #tpu.memory_space<vmem_shared>>) target(%dma_start3A_58 : memref<80x128xf32, #tpu.memory_space<hbm>>) target_semaphore(%run_scoped3A : memref<!tpu.dma_semaphore, #tpu.memory_space<semaphore_mem>>)
      %dma_wait3A = arith.constant 0 : i32
      %dma_wait3A_61 = tpu.memref_slice %arg6[%arg0, %add3A_37, %dma_wait3A] : memref<2x10000x128xf32, #tpu.memory_space<hbm>> -> memref<1x80x128xf32, #tpu.memory_space<hbm>>
      %dma_wait3A_62 = tpu.memref_squeeze %dma_wait3A_61 : memref<1x80x128xf32, #tpu.memory_space<hbm>> -> memref<80x128xf32, #tpu.memory_space<hbm>>
      %dma_wait3A_63 = arith.constant 0 : i32
      %dma_wait3A_64 = tpu.memref_slice %arg11[%add3A_37, %dma_wait3A_63] : memref<10000x128xf32, #tpu.memory_space<vmem_shared>> -> memref<80x128xf32, #tpu.memory_space<vmem_shared>>
      tpu.wait_dma2 semaphore(%run_scoped3A : memref<!tpu.dma_semaphore, #tpu.memory_space<semaphore_mem>>) src(%dma_wait3A_64 : memref<80x128xf32, #tpu.memory_space<vmem_shared>>) dst(%dma_wait3A_62 : memref<80x128xf32, #tpu.memory_space<hbm>>)
      tpu.yield
    }) : () -> ()
    %add3A_38 = arith.constant 160 : i32
    %add3A_39 = arith.addi %multiple_of3A, %add3A_38 : i32
    "tpu.region"() ({
      %run_scoped3A = tpu.sem_alloc : memref<!tpu.dma_semaphore, #tpu.memory_space<semaphore_mem>>
      %dma_start3A = arith.constant 0 : i32
      %dma_start3A_57 = tpu.memref_slice %arg6[%arg0, %add3A_39, %dma_start3A] : memref<2x10000x128xf32, #tpu.memory_space<hbm>> -> memref<1x80x128xf32, #tpu.memory_space<hbm>>
      %dma_start3A_58 = tpu.memref_squeeze %dma_start3A_57 : memref<1x80x128xf32, #tpu.memory_space<hbm>> -> memref<80x128xf32, #tpu.memory_space<hbm>>
      %dma_start3A_59 = arith.constant 0 : i32
      %dma_start3A_60 = tpu.memref_slice %arg11[%add3A_39, %dma_start3A_59] : memref<10000x128xf32, #tpu.memory_space<vmem_shared>> -> memref<80x128xf32, #tpu.memory_space<vmem_shared>>
      tpu.enqueue_dma source(%dma_start3A_60 : memref<80x128xf32, #tpu.memory_space<vmem_shared>>) target(%dma_start3A_58 : memref<80x128xf32, #tpu.memory_space<hbm>>) target_semaphore(%run_scoped3A : memref<!tpu.dma_semaphore, #tpu.memory_space<semaphore_mem>>)
      %dma_wait3A = arith.constant 0 : i32
      %dma_wait3A_61 = tpu.memref_slice %arg6[%arg0, %add3A_39, %dma_wait3A] : memref<2x10000x128xf32, #tpu.memory_space<hbm>> -> memref<1x80x128xf32, #tpu.memory_space<hbm>>
      %dma_wait3A_62 = tpu.memref_squeeze %dma_wait3A_61 : memref<1x80x128xf32, #tpu.memory_space<hbm>> -> memref<80x128xf32, #tpu.memory_space<hbm>>
      %dma_wait3A_63 = arith.constant 0 : i32
      %dma_wait3A_64 = tpu.memref_slice %arg11[%add3A_39, %dma_wait3A_63] : memref<10000x128xf32, #tpu.memory_space<vmem_shared>> -> memref<80x128xf32, #tpu.memory_space<vmem_shared>>
      tpu.wait_dma2 semaphore(%run_scoped3A : memref<!tpu.dma_semaphore, #tpu.memory_space<semaphore_mem>>) src(%dma_wait3A_64 : memref<80x128xf32, #tpu.memory_space<vmem_shared>>) dst(%dma_wait3A_62 : memref<80x128xf32, #tpu.memory_space<hbm>>)
      tpu.yield
    }) : () -> ()
    %add3A_40 = arith.constant 240 : i32
    %add3A_41 = arith.addi %multiple_of3A, %add3A_40 : i32
    "tpu.region"() ({
      %run_scoped3A = tpu.sem_alloc : memref<!tpu.dma_semaphore, #tpu.memory_space<semaphore_mem>>
      %dma_start3A = arith.constant 0 : i32
      %dma_start3A_57 = tpu.memref_slice %arg6[%arg0, %add3A_41, %dma_start3A] : memref<2x10000x128xf32, #tpu.memory_space<hbm>> -> memref<1x80x128xf32, #tpu.memory_space<hbm>>
      %dma_start3A_58 = tpu.memref_squeeze %dma_start3A_57 : memref<1x80x128xf32, #tpu.memory_space<hbm>> -> memref<80x128xf32, #tpu.memory_space<hbm>>
      %dma_start3A_59 = arith.constant 0 : i32
      %dma_start3A_60 = tpu.memref_slice %arg11[%add3A_41, %dma_start3A_59] : memref<10000x128xf32, #tpu.memory_space<vmem_shared>> -> memref<80x128xf32, #tpu.memory_space<vmem_shared>>
      tpu.enqueue_dma source(%dma_start3A_60 : memref<80x128xf32, #tpu.memory_space<vmem_shared>>) target(%dma_start3A_58 : memref<80x128xf32, #tpu.memory_space<hbm>>) target_semaphore(%run_scoped3A : memref<!tpu.dma_semaphore, #tpu.memory_space<semaphore_mem>>)
      %dma_wait3A = arith.constant 0 : i32
      %dma_wait3A_61 = tpu.memref_slice %arg6[%arg0, %add3A_41, %dma_wait3A] : memref<2x10000x128xf32, #tpu.memory_space<hbm>> -> memref<1x80x128xf32, #tpu.memory_space<hbm>>
      %dma_wait3A_62 = tpu.memref_squeeze %dma_wait3A_61 : memref<1x80x128xf32, #tpu.memory_space<hbm>> -> memref<80x128xf32, #tpu.memory_space<hbm>>
      %dma_wait3A_63 = arith.constant 0 : i32
      %dma_wait3A_64 = tpu.memref_slice %arg11[%add3A_41, %dma_wait3A_63] : memref<10000x128xf32, #tpu.memory_space<vmem_shared>> -> memref<80x128xf32, #tpu.memory_space<vmem_shared>>
      tpu.wait_dma2 semaphore(%run_scoped3A : memref<!tpu.dma_semaphore, #tpu.memory_space<semaphore_mem>>) src(%dma_wait3A_64 : memref<80x128xf32, #tpu.memory_space<vmem_shared>>) dst(%dma_wait3A_62 : memref<80x128xf32, #tpu.memory_space<hbm>>)
      tpu.yield
    }) : () -> ()
    %add3A_42 = arith.constant 320 : i32
    %add3A_43 = arith.addi %multiple_of3A, %add3A_42 : i32
    "tpu.region"() ({
      %run_scoped3A = tpu.sem_alloc : memref<!tpu.dma_semaphore, #tpu.memory_space<semaphore_mem>>
      %dma_start3A = arith.constant 0 : i32
      %dma_start3A_57 = tpu.memref_slice %arg6[%arg0, %add3A_43, %dma_start3A] : memref<2x10000x128xf32, #tpu.memory_space<hbm>> -> memref<1x80x128xf32, #tpu.memory_space<hbm>>
      %dma_start3A_58 = tpu.memref_squeeze %dma_start3A_57 : memref<1x80x128xf32, #tpu.memory_space<hbm>> -> memref<80x128xf32, #tpu.memory_space<hbm>>
      %dma_start3A_59 = arith.constant 0 : i32
      %dma_start3A_60 = tpu.memref_slice %arg11[%add3A_43, %dma_start3A_59] : memref<10000x128xf32, #tpu.memory_space<vmem_shared>> -> memref<80x128xf32, #tpu.memory_space<vmem_shared>>
      tpu.enqueue_dma source(%dma_start3A_60 : memref<80x128xf32, #tpu.memory_space<vmem_shared>>) target(%dma_start3A_58 : memref<80x128xf32, #tpu.memory_space<hbm>>) target_semaphore(%run_scoped3A : memref<!tpu.dma_semaphore, #tpu.memory_space<semaphore_mem>>)
      %dma_wait3A = arith.constant 0 : i32
      %dma_wait3A_61 = tpu.memref_slice %arg6[%arg0, %add3A_43, %dma_wait3A] : memref<2x10000x128xf32, #tpu.memory_space<hbm>> -> memref<1x80x128xf32, #tpu.memory_space<hbm>>
      %dma_wait3A_62 = tpu.memref_squeeze %dma_wait3A_61 : memref<1x80x128xf32, #tpu.memory_space<hbm>> -> memref<80x128xf32, #tpu.memory_space<hbm>>
      %dma_wait3A_63 = arith.constant 0 : i32
      %dma_wait3A_64 = tpu.memref_slice %arg11[%add3A_43, %dma_wait3A_63] : memref<10000x128xf32, #tpu.memory_space<vmem_shared>> -> memref<80x128xf32, #tpu.memory_space<vmem_shared>>
      tpu.wait_dma2 semaphore(%run_scoped3A : memref<!tpu.dma_semaphore, #tpu.memory_space<semaphore_mem>>) src(%dma_wait3A_64 : memref<80x128xf32, #tpu.memory_space<vmem_shared>>) dst(%dma_wait3A_62 : memref<80x128xf32, #tpu.memory_space<hbm>>)
      tpu.yield
    }) : () -> ()
    %add3A_44 = arith.constant 400 : i32
    %add3A_45 = arith.addi %multiple_of3A, %add3A_44 : i32
    "tpu.region"() ({
      %run_scoped3A = tpu.sem_alloc : memref<!tpu.dma_semaphore, #tpu.memory_space<semaphore_mem>>
      %dma_start3A = arith.constant 0 : i32
      %dma_start3A_57 = tpu.memref_slice %arg6[%arg0, %add3A_45, %dma_start3A] : memref<2x10000x128xf32, #tpu.memory_space<hbm>> -> memref<1x80x128xf32, #tpu.memory_space<hbm>>
      %dma_start3A_58 = tpu.memref_squeeze %dma_start3A_57 : memref<1x80x128xf32, #tpu.memory_space<hbm>> -> memref<80x128xf32, #tpu.memory_space<hbm>>
      %dma_start3A_59 = arith.constant 0 : i32
      %dma_start3A_60 = tpu.memref_slice %arg11[%add3A_45, %dma_start3A_59] : memref<10000x128xf32, #tpu.memory_space<vmem_shared>> -> memref<80x128xf32, #tpu.memory_space<vmem_shared>>
      tpu.enqueue_dma source(%dma_start3A_60 : memref<80x128xf32, #tpu.memory_space<vmem_shared>>) target(%dma_start3A_58 : memref<80x128xf32, #tpu.memory_space<hbm>>) target_semaphore(%run_scoped3A : memref<!tpu.dma_semaphore, #tpu.memory_space<semaphore_mem>>)
      %dma_wait3A = arith.constant 0 : i32
      %dma_wait3A_61 = tpu.memref_slice %arg6[%arg0, %add3A_45, %dma_wait3A] : memref<2x10000x128xf32, #tpu.memory_space<hbm>> -> memref<1x80x128xf32, #tpu.memory_space<hbm>>
      %dma_wait3A_62 = tpu.memref_squeeze %dma_wait3A_61 : memref<1x80x128xf32, #tpu.memory_space<hbm>> -> memref<80x128xf32, #tpu.memory_space<hbm>>
      %dma_wait3A_63 = arith.constant 0 : i32
      %dma_wait3A_64 = tpu.memref_slice %arg11[%add3A_45, %dma_wait3A_63] : memref<10000x128xf32, #tpu.memory_space<vmem_shared>> -> memref<80x128xf32, #tpu.memory_space<vmem_shared>>
      tpu.wait_dma2 semaphore(%run_scoped3A : memref<!tpu.dma_semaphore, #tpu.memory_space<semaphore_mem>>) src(%dma_wait3A_64 : memref<80x128xf32, #tpu.memory_space<vmem_shared>>) dst(%dma_wait3A_62 : memref<80x128xf32, #tpu.memory_space<hbm>>)
      tpu.yield
    }) : () -> ()
    %add3A_46 = arith.constant 480 : i32
    %add3A_47 = arith.addi %multiple_of3A, %add3A_46 : i32
    "tpu.region"() ({
      %run_scoped3A = tpu.sem_alloc : memref<!tpu.dma_semaphore, #tpu.memory_space<semaphore_mem>>
      %dma_start3A = arith.constant 0 : i32
      %dma_start3A_57 = tpu.memref_slice %arg6[%arg0, %add3A_47, %dma_start3A] : memref<2x10000x128xf32, #tpu.memory_space<hbm>> -> memref<1x80x128xf32, #tpu.memory_space<hbm>>
      %dma_start3A_58 = tpu.memref_squeeze %dma_start3A_57 : memref<1x80x128xf32, #tpu.memory_space<hbm>> -> memref<80x128xf32, #tpu.memory_space<hbm>>
      %dma_start3A_59 = arith.constant 0 : i32
      %dma_start3A_60 = tpu.memref_slice %arg11[%add3A_47, %dma_start3A_59] : memref<10000x128xf32, #tpu.memory_space<vmem_shared>> -> memref<80x128xf32, #tpu.memory_space<vmem_shared>>
      tpu.enqueue_dma source(%dma_start3A_60 : memref<80x128xf32, #tpu.memory_space<vmem_shared>>) target(%dma_start3A_58 : memref<80x128xf32, #tpu.memory_space<hbm>>) target_semaphore(%run_scoped3A : memref<!tpu.dma_semaphore, #tpu.memory_space<semaphore_mem>>)
      %dma_wait3A = arith.constant 0 : i32
      %dma_wait3A_61 = tpu.memref_slice %arg6[%arg0, %add3A_47, %dma_wait3A] : memref<2x10000x128xf32, #tpu.memory_space<hbm>> -> memref<1x80x128xf32, #tpu.memory_space<hbm>>
      %dma_wait3A_62 = tpu.memref_squeeze %dma_wait3A_61 : memref<1x80x128xf32, #tpu.memory_space<hbm>> -> memref<80x128xf32, #tpu.memory_space<hbm>>
      %dma_wait3A_63 = arith.constant 0 : i32
      %dma_wait3A_64 = tpu.memref_slice %arg11[%add3A_47, %dma_wait3A_63] : memref<10000x128xf32, #tpu.memory_space<vmem_shared>> -> memref<80x128xf32, #tpu.memory_space<vmem_shared>>
      tpu.wait_dma2 semaphore(%run_scoped3A : memref<!tpu.dma_semaphore, #tpu.memory_space<semaphore_mem>>) src(%dma_wait3A_64 : memref<80x128xf32, #tpu.memory_space<vmem_shared>>) dst(%dma_wait3A_62 : memref<80x128xf32, #tpu.memory_space<hbm>>)
      tpu.yield
    }) : () -> ()
    %add3A_48 = arith.constant 624 : i32
    %add3A_49 = arith.addi %multiple_of3A, %add3A_48 : i32
    %sub3A_50 = arith.constant 64 : i32
    %sub3A_51 = arith.subi %add3A_49, %sub3A_50 : i32
    "tpu.region"() ({
      %run_scoped3A = tpu.sem_alloc : memref<!tpu.dma_semaphore, #tpu.memory_space<semaphore_mem>>
      %dma_start3A = arith.constant 0 : i32
      %dma_start3A_57 = tpu.memref_slice %arg6[%arg0, %sub3A_51, %dma_start3A] : memref<2x10000x128xf32, #tpu.memory_space<hbm>> -> memref<1x64x128xf32, #tpu.memory_space<hbm>>
      %dma_start3A_58 = tpu.memref_squeeze %dma_start3A_57 : memref<1x64x128xf32, #tpu.memory_space<hbm>> -> memref<64x128xf32, #tpu.memory_space<hbm>>
      %dma_start3A_59 = arith.constant 0 : i32
      %dma_start3A_60 = tpu.memref_slice %arg11[%sub3A_51, %dma_start3A_59] : memref<10000x128xf32, #tpu.memory_space<vmem_shared>> -> memref<64x128xf32, #tpu.memory_space<vmem_shared>>
      tpu.enqueue_dma source(%dma_start3A_60 : memref<64x128xf32, #tpu.memory_space<vmem_shared>>) target(%dma_start3A_58 : memref<64x128xf32, #tpu.memory_space<hbm>>) target_semaphore(%run_scoped3A : memref<!tpu.dma_semaphore, #tpu.memory_space<semaphore_mem>>)
      %dma_wait3A = arith.constant 0 : i32
      %dma_wait3A_61 = tpu.memref_slice %arg6[%arg0, %sub3A_51, %dma_wait3A] : memref<2x10000x128xf32, #tpu.memory_space<hbm>> -> memref<1x64x128xf32, #tpu.memory_space<hbm>>
      %dma_wait3A_62 = tpu.memref_squeeze %dma_wait3A_61 : memref<1x64x128xf32, #tpu.memory_space<hbm>> -> memref<64x128xf32, #tpu.memory_space<hbm>>
      %dma_wait3A_63 = arith.constant 0 : i32
      %dma_wait3A_64 = tpu.memref_slice %arg11[%sub3A_51, %dma_wait3A_63] : memref<10000x128xf32, #tpu.memory_space<vmem_shared>> -> memref<64x128xf32, #tpu.memory_space<vmem_shared>>
      tpu.wait_dma2 semaphore(%run_scoped3A : memref<!tpu.dma_semaphore, #tpu.memory_space<semaphore_mem>>) src(%dma_wait3A_64 : memref<64x128xf32, #tpu.memory_space<vmem_shared>>) dst(%dma_wait3A_62 : memref<64x128xf32, #tpu.memory_space<hbm>>)
      tpu.yield
    }) : () -> ()
    %eq3A_52 = arith.constant 15 : i32
    %eq3A_53 = arith.cmpi eq, %arg1, %eq3A_52 : i32
    %convert_element_type3A_54 = arith.extui %eq3A_53 : i1 to i32
    %cond3A_55 = arith.constant 0 : i32
    %cond3A_56 = arith.cmpi ne, %convert_element_type3A_54, %cond3A_55 : i32
    scf.if %cond3A_56 {
      %multiple_of3A_57 = arith.constant 9984 : i32
      %multiple_of3A_58 = tpu.assume_multiple %multiple_of3A_57, 8 : i32
      "tpu.region"() ({
        %run_scoped3A = tpu.sem_alloc : memref<!tpu.dma_semaphore, #tpu.memory_space<semaphore_mem>>
        %dma_start3A = arith.constant 0 : i32
        %dma_start3A_59 = tpu.memref_slice %arg6[%arg0, %multiple_of3A_58, %dma_start3A] : memref<2x10000x128xf32, #tpu.memory_space<hbm>> -> memref<1x16x128xf32, #tpu.memory_space<hbm>>
        %dma_start3A_60 = tpu.memref_squeeze %dma_start3A_59 : memref<1x16x128xf32, #tpu.memory_space<hbm>> -> memref<16x128xf32, #tpu.memory_space<hbm>>
        %dma_start3A_61 = arith.constant 0 : i32
        %dma_start3A_62 = tpu.memref_slice %arg11[%multiple_of3A_58, %dma_start3A_61] : memref<10000x128xf32, #tpu.memory_space<vmem_shared>> -> memref<16x128xf32, #tpu.memory_space<vmem_shared>>
        tpu.enqueue_dma source(%dma_start3A_62 : memref<16x128xf32, #tpu.memory_space<vmem_shared>>) target(%dma_start3A_60 : memref<16x128xf32, #tpu.memory_space<hbm>>) target_semaphore(%run_scoped3A : memref<!tpu.dma_semaphore, #tpu.memory_space<semaphore_mem>>)
        %dma_wait3A = arith.constant 0 : i32
        %dma_wait3A_63 = tpu.memref_slice %arg6[%arg0, %multiple_of3A_58, %dma_wait3A] : memref<2x10000x128xf32, #tpu.memory_space<hbm>> -> memref<1x16x128xf32, #tpu.memory_space<hbm>>
        %dma_wait3A_64 = tpu.memref_squeeze %dma_wait3A_63 : memref<1x16x128xf32, #tpu.memory_space<hbm>> -> memref<16x128xf32, #tpu.memory_space<hbm>>
        %dma_wait3A_65 = arith.constant 0 : i32
        %dma_wait3A_66 = tpu.memref_slice %arg11[%multiple_of3A_58, %dma_wait3A_65] : memref<10000x128xf32, #tpu.memory_space<vmem_shared>> -> memref<16x128xf32, #tpu.memory_space<vmem_shared>>
        tpu.wait_dma2 semaphore(%run_scoped3A : memref<!tpu.dma_semaphore, #tpu.memory_space<semaphore_mem>>) src(%dma_wait3A_66 : memref<16x128xf32, #tpu.memory_space<vmem_shared>>) dst(%dma_wait3A_64 : memref<16x128xf32, #tpu.memory_space<hbm>>)
        tpu.yield
      }) : () -> ()
    } else {
    }
    return
  }
}

#map = affine_map<(d0, d1) -> (0, 0)>
#map1 = affine_map<(d0, d1) -> (0)>
#map2 = affine_map<(d0, d1) -> (0, 0, 0)>
module attributes {stable_mosaic.version = 14 : i64} {
  func.func @_edge_pass(%arg0: i32, %arg1: i32, %arg2: memref<10000x128xf32, #tpu.memory_space<hbm>>, %arg3: memref<10000x128xf32, #tpu.memory_space<hbm>>, %arg4: memref<320000xi32, #tpu.memory_space<hbm>>, %arg5: memref<320000xi32, #tpu.memory_space<hbm>>, %arg6: memref<2x10000x128xf32, #tpu.memory_space<hbm>>, %arg7: memref<80xi32, #tpu.memory_space<vmem>>, %arg8: memref<80xi32, #tpu.memory_space<vmem>>, %arg9: memref<80x128xf32, #tpu.memory_space<vmem>>, %arg10: memref<80x128xf32, #tpu.memory_space<vmem>>, %arg11: memref<10000x128xf32, #tpu.memory_space<vmem_shared>>, %arg12: memref<!tpu.dma_semaphore, #tpu.memory_space<semaphore_mem>>, %arg13: memref<!tpu.dma_semaphore, #tpu.memory_space<semaphore_mem>>) attributes {dimension_semantics = [#tpu.dimension_semantics<core_parallel>, #tpu.dimension_semantics<subcore_parallel>], iteration_bounds = array<i64: 2, 16>, scalar_prefetch = 0 : i64, scratch_operands = 7 : i64, tpu.core_type = #tpu.core_type<sc_vector_subcore>, window_params = [{transform_indices = #map}, {transform_indices = #map}, {transform_indices = #map1}, {transform_indices = #map1}, {transform_indices = #map2}]} {
    %scan3A = arith.constant 0 : i32
    %scan3A_0 = arith.constant 80 : i32
    %scan3A_1 = arith.addi %scan3A, %scan3A_0 : i32
    %scan3A_2 = arith.constant 1 : i32
    scf.for %scan3A_57 = %scan3A to %scan3A_1 step %scan3A_2  : i32 {
      %mul3A_58 = arith.constant 1 : i32
      %mul3A_59 = arith.muli %scan3A_57, %mul3A_58 : i32
      %add3A_60 = arith.constant 0 : i32
      %add3A_61 = arith.addi %add3A_60, %mul3A_59 : i32
      %broadcast_in_dim3A = arith.constant 0.000000e+00 : f32
      %broadcast_in_dim3A_62 = vector.broadcast %broadcast_in_dim3A : f32 to vector<16xf32>
      %swap3A = arith.index_cast %add3A_61 : i32 to index
      %swap3A_63 = arith.constant 0 : index
      %swap3A_64 = tpu.vector_load %arg9[%swap3A, %swap3A_63] {strides = array<i32>} : memref<80x128xf32, #tpu.memory_space<vmem>>, vector<1x16xf32>,
      %swap3A_65 = vector.shape_cast %swap3A_64 : vector<1x16xf32> to vector<16xf32>
      %swap3A_66 = vector.shape_cast %broadcast_in_dim3A_62 : vector<16xf32> to vector<1x16xf32>
      tpu.vector_store %arg9[%swap3A, %swap3A_63], %swap3A_66 {strides = array<i32>} : memref<80x128xf32, #tpu.memory_space<vmem>>, vector<1x16xf32>,
      %broadcast_in_dim3A_67 = arith.constant 0.000000e+00 : f32
      %broadcast_in_dim3A_68 = vector.broadcast %broadcast_in_dim3A_67 : f32 to vector<16xf32>
      %swap3A_69 = arith.index_cast %add3A_61 : i32 to index
      %swap3A_70 = arith.constant 16 : index
      %swap3A_71 = tpu.vector_load %arg9[%swap3A_69, %swap3A_70] {strides = array<i32>} : memref<80x128xf32, #tpu.memory_space<vmem>>, vector<1x16xf32>,
      %swap3A_72 = vector.shape_cast %swap3A_71 : vector<1x16xf32> to vector<16xf32>
      %swap3A_73 = vector.shape_cast %broadcast_in_dim3A_68 : vector<16xf32> to vector<1x16xf32>
      tpu.vector_store %arg9[%swap3A_69, %swap3A_70], %swap3A_73 {strides = array<i32>} : memref<80x128xf32, #tpu.memory_space<vmem>>, vector<1x16xf32>,
      %broadcast_in_dim3A_74 = arith.constant 0.000000e+00 : f32
      %broadcast_in_dim3A_75 = vector.broadcast %broadcast_in_dim3A_74 : f32 to vector<16xf32>
      %swap3A_76 = arith.index_cast %add3A_61 : i32 to index
      %swap3A_77 = arith.constant 32 : index
      %swap3A_78 = tpu.vector_load %arg9[%swap3A_76, %swap3A_77] {strides = array<i32>} : memref<80x128xf32, #tpu.memory_space<vmem>>, vector<1x16xf32>,
      %swap3A_79 = vector.shape_cast %swap3A_78 : vector<1x16xf32> to vector<16xf32>
      %swap3A_80 = vector.shape_cast %broadcast_in_dim3A_75 : vector<16xf32> to vector<1x16xf32>
      tpu.vector_store %arg9[%swap3A_76, %swap3A_77], %swap3A_80 {strides = array<i32>} : memref<80x128xf32, #tpu.memory_space<vmem>>, vector<1x16xf32>,
      %broadcast_in_dim3A_81 = arith.constant 0.000000e+00 : f32
      %broadcast_in_dim3A_82 = vector.broadcast %broadcast_in_dim3A_81 : f32 to vector<16xf32>
      %swap3A_83 = arith.index_cast %add3A_61 : i32 to index
      %swap3A_84 = arith.constant 48 : index
      %swap3A_85 = tpu.vector_load %arg9[%swap3A_83, %swap3A_84] {strides = array<i32>} : memref<80x128xf32, #tpu.memory_space<vmem>>, vector<1x16xf32>,
      %swap3A_86 = vector.shape_cast %swap3A_85 : vector<1x16xf32> to vector<16xf32>
      %swap3A_87 = vector.shape_cast %broadcast_in_dim3A_82 : vector<16xf32> to vector<1x16xf32>
      tpu.vector_store %arg9[%swap3A_83, %swap3A_84], %swap3A_87 {strides = array<i32>} : memref<80x128xf32, #tpu.memory_space<vmem>>, vector<1x16xf32>,
      %broadcast_in_dim3A_88 = arith.constant 0.000000e+00 : f32
      %broadcast_in_dim3A_89 = vector.broadcast %broadcast_in_dim3A_88 : f32 to vector<16xf32>
      %swap3A_90 = arith.index_cast %add3A_61 : i32 to index
      %swap3A_91 = arith.constant 64 : index
      %swap3A_92 = tpu.vector_load %arg9[%swap3A_90, %swap3A_91] {strides = array<i32>} : memref<80x128xf32, #tpu.memory_space<vmem>>, vector<1x16xf32>,
      %swap3A_93 = vector.shape_cast %swap3A_92 : vector<1x16xf32> to vector<16xf32>
      %swap3A_94 = vector.shape_cast %broadcast_in_dim3A_89 : vector<16xf32> to vector<1x16xf32>
      tpu.vector_store %arg9[%swap3A_90, %swap3A_91], %swap3A_94 {strides = array<i32>} : memref<80x128xf32, #tpu.memory_space<vmem>>, vector<1x16xf32>,
      %broadcast_in_dim3A_95 = arith.constant 0.000000e+00 : f32
      %broadcast_in_dim3A_96 = vector.broadcast %broadcast_in_dim3A_95 : f32 to vector<16xf32>
      %swap3A_97 = arith.index_cast %add3A_61 : i32 to index
      %swap3A_98 = arith.constant 80 : index
      %swap3A_99 = tpu.vector_load %arg9[%swap3A_97, %swap3A_98] {strides = array<i32>} : memref<80x128xf32, #tpu.memory_space<vmem>>, vector<1x16xf32>,
      %swap3A_100 = vector.shape_cast %swap3A_99 : vector<1x16xf32> to vector<16xf32>
      %swap3A_101 = vector.shape_cast %broadcast_in_dim3A_96 : vector<16xf32> to vector<1x16xf32>
      tpu.vector_store %arg9[%swap3A_97, %swap3A_98], %swap3A_101 {strides = array<i32>} : memref<80x128xf32, #tpu.memory_space<vmem>>, vector<1x16xf32>,
      %broadcast_in_dim3A_102 = arith.constant 0.000000e+00 : f32
      %broadcast_in_dim3A_103 = vector.broadcast %broadcast_in_dim3A_102 : f32 to vector<16xf32>
      %swap3A_104 = arith.index_cast %add3A_61 : i32 to index
      %swap3A_105 = arith.constant 96 : index
      %swap3A_106 = tpu.vector_load %arg9[%swap3A_104, %swap3A_105] {strides = array<i32>} : memref<80x128xf32, #tpu.memory_space<vmem>>, vector<1x16xf32>,
      %swap3A_107 = vector.shape_cast %swap3A_106 : vector<1x16xf32> to vector<16xf32>
      %swap3A_108 = vector.shape_cast %broadcast_in_dim3A_103 : vector<16xf32> to vector<1x16xf32>
      tpu.vector_store %arg9[%swap3A_104, %swap3A_105], %swap3A_108 {strides = array<i32>} : memref<80x128xf32, #tpu.memory_space<vmem>>, vector<1x16xf32>,
      %broadcast_in_dim3A_109 = arith.constant 0.000000e+00 : f32
      %broadcast_in_dim3A_110 = vector.broadcast %broadcast_in_dim3A_109 : f32 to vector<16xf32>
      %swap3A_111 = arith.index_cast %add3A_61 : i32 to index
      %swap3A_112 = arith.constant 112 : index
      %swap3A_113 = tpu.vector_load %arg9[%swap3A_111, %swap3A_112] {strides = array<i32>} : memref<80x128xf32, #tpu.memory_space<vmem>>, vector<1x16xf32>,
      %swap3A_114 = vector.shape_cast %swap3A_113 : vector<1x16xf32> to vector<16xf32>
      %swap3A_115 = vector.shape_cast %broadcast_in_dim3A_110 : vector<16xf32> to vector<1x16xf32>
      tpu.vector_store %arg9[%swap3A_111, %swap3A_112], %swap3A_115 {strides = array<i32>} : memref<80x128xf32, #tpu.memory_space<vmem>>, vector<1x16xf32>,
    }
    %scan3A_3 = arith.constant 80 : i32
    %mul3A = arith.constant 624 : i32
    %mul3A_4 = arith.muli %arg1, %mul3A : i32
    %multiple_of3A = tpu.assume_multiple %mul3A_4, 8 : i32
    %add3A = arith.constant 0 : i32
    %add3A_5 = arith.addi %multiple_of3A, %add3A : i32
    "tpu.region"() ({
      %run_scoped3A = tpu.sem_alloc : memref<!tpu.dma_semaphore, #tpu.memory_space<semaphore_mem>>
      %dma_start3A = arith.constant 0 : i32
      %dma_start3A_57 = arith.constant 0 : i32
      %dma_start3A_58 = tpu.memref_slice %arg9[%dma_start3A, %dma_start3A_57] : memref<80x128xf32, #tpu.memory_space<vmem>> -> memref<80x128xf32, #tpu.memory_space<vmem>>
      %dma_start3A_59 = arith.constant 0 : i32
      %dma_start3A_60 = tpu.memref_slice %arg11[%add3A_5, %dma_start3A_59] : memref<10000x128xf32, #tpu.memory_space<vmem_shared>> -> memref<80x128xf32, #tpu.memory_space<vmem_shared>>
      %dma_start3A_61 = arith.constant 0 : i32
      %dma_start3A_62 = tpu.memref_slice %arg11[%add3A_5, %dma_start3A_61] : memref<10000x128xf32, #tpu.memory_space<vmem_shared>> -> memref<80x128xf32, #tpu.memory_space<vmem_shared>>
      %dma_start3A_63 = arith.constant 0 : i32
      %dma_start3A_64 = arith.constant 0 : i32
      %dma_start3A_65 = tpu.memref_slice %arg9[%dma_start3A_63, %dma_start3A_64] : memref<80x128xf32, #tpu.memory_space<vmem>> -> memref<80x128xf32, #tpu.memory_space<vmem>>
      tpu.enqueue_dma source(%dma_start3A_65 : memref<80x128xf32, #tpu.memory_space<vmem>>) target(%dma_start3A_62 : memref<80x128xf32, #tpu.memory_space<vmem_shared>>) target_semaphore(%run_scoped3A : memref<!tpu.dma_semaphore, #tpu.memory_space<semaphore_mem>>)
      %dma_wait3A = arith.constant 0 : i32
      %dma_wait3A_66 = arith.constant 0 : i32
      %dma_wait3A_67 = tpu.memref_slice %arg9[%dma_wait3A, %dma_wait3A_66] : memref<80x128xf32, #tpu.memory_space<vmem>> -> memref<80x128xf32, #tpu.memory_space<vmem>>
      %dma_wait3A_68 = arith.constant 0 : i32
      %dma_wait3A_69 = tpu.memref_slice %arg11[%add3A_5, %dma_wait3A_68] : memref<10000x128xf32, #tpu.memory_space<vmem_shared>> -> memref<80x128xf32, #tpu.memory_space<vmem_shared>>
      %dma_wait3A_70 = arith.constant 0 : i32
      %dma_wait3A_71 = tpu.memref_slice %arg11[%add3A_5, %dma_wait3A_70] : memref<10000x128xf32, #tpu.memory_space<vmem_shared>> -> memref<80x128xf32, #tpu.memory_space<vmem_shared>>
      %dma_wait3A_72 = arith.constant 0 : i32
      %dma_wait3A_73 = arith.constant 0 : i32
      %dma_wait3A_74 = tpu.memref_slice %arg9[%dma_wait3A_72, %dma_wait3A_73] : memref<80x128xf32, #tpu.memory_space<vmem>> -> memref<80x128xf32, #tpu.memory_space<vmem>>
      tpu.wait_dma2 semaphore(%run_scoped3A : memref<!tpu.dma_semaphore, #tpu.memory_space<semaphore_mem>>) src(%dma_wait3A_74 : memref<80x128xf32, #tpu.memory_space<vmem>>) dst(%dma_wait3A_71 : memref<80x128xf32, #tpu.memory_space<vmem_shared>>)
      tpu.yield
    }) : () -> ()
    %add3A_6 = arith.constant 80 : i32
    %add3A_7 = arith.addi %multiple_of3A, %add3A_6 : i32
    "tpu.region"() ({
      %run_scoped3A = tpu.sem_alloc : memref<!tpu.dma_semaphore, #tpu.memory_space<semaphore_mem>>
      %dma_start3A = arith.constant 0 : i32
      %dma_start3A_57 = arith.constant 0 : i32
      %dma_start3A_58 = tpu.memref_slice %arg9[%dma_start3A, %dma_start3A_57] : memref<80x128xf32, #tpu.memory_space<vmem>> -> memref<80x128xf32, #tpu.memory_space<vmem>>
      %dma_start3A_59 = arith.constant 0 : i32
      %dma_start3A_60 = tpu.memref_slice %arg11[%add3A_7, %dma_start3A_59] : memref<10000x128xf32, #tpu.memory_space<vmem_shared>> -> memref<80x128xf32, #tpu.memory_space<vmem_shared>>
      %dma_start3A_61 = arith.constant 0 : i32
      %dma_start3A_62 = tpu.memref_slice %arg11[%add3A_7, %dma_start3A_61] : memref<10000x128xf32, #tpu.memory_space<vmem_shared>> -> memref<80x128xf32, #tpu.memory_space<vmem_shared>>
      %dma_start3A_63 = arith.constant 0 : i32
      %dma_start3A_64 = arith.constant 0 : i32
      %dma_start3A_65 = tpu.memref_slice %arg9[%dma_start3A_63, %dma_start3A_64] : memref<80x128xf32, #tpu.memory_space<vmem>> -> memref<80x128xf32, #tpu.memory_space<vmem>>
      tpu.enqueue_dma source(%dma_start3A_65 : memref<80x128xf32, #tpu.memory_space<vmem>>) target(%dma_start3A_62 : memref<80x128xf32, #tpu.memory_space<vmem_shared>>) target_semaphore(%run_scoped3A : memref<!tpu.dma_semaphore, #tpu.memory_space<semaphore_mem>>)
      %dma_wait3A = arith.constant 0 : i32
      %dma_wait3A_66 = arith.constant 0 : i32
      %dma_wait3A_67 = tpu.memref_slice %arg9[%dma_wait3A, %dma_wait3A_66] : memref<80x128xf32, #tpu.memory_space<vmem>> -> memref<80x128xf32, #tpu.memory_space<vmem>>
      %dma_wait3A_68 = arith.constant 0 : i32
      %dma_wait3A_69 = tpu.memref_slice %arg11[%add3A_7, %dma_wait3A_68] : memref<10000x128xf32, #tpu.memory_space<vmem_shared>> -> memref<80x128xf32, #tpu.memory_space<vmem_shared>>
      %dma_wait3A_70 = arith.constant 0 : i32
      %dma_wait3A_71 = tpu.memref_slice %arg11[%add3A_7, %dma_wait3A_70] : memref<10000x128xf32, #tpu.memory_space<vmem_shared>> -> memref<80x128xf32, #tpu.memory_space<vmem_shared>>
      %dma_wait3A_72 = arith.constant 0 : i32
      %dma_wait3A_73 = arith.constant 0 : i32
      %dma_wait3A_74 = tpu.memref_slice %arg9[%dma_wait3A_72, %dma_wait3A_73] : memref<80x128xf32, #tpu.memory_space<vmem>> -> memref<80x128xf32, #tpu.memory_space<vmem>>
      tpu.wait_dma2 semaphore(%run_scoped3A : memref<!tpu.dma_semaphore, #tpu.memory_space<semaphore_mem>>) src(%dma_wait3A_74 : memref<80x128xf32, #tpu.memory_space<vmem>>) dst(%dma_wait3A_71 : memref<80x128xf32, #tpu.memory_space<vmem_shared>>)
      tpu.yield
    }) : () -> ()
    %add3A_8 = arith.constant 160 : i32
    %add3A_9 = arith.addi %multiple_of3A, %add3A_8 : i32
    "tpu.region"() ({
      %run_scoped3A = tpu.sem_alloc : memref<!tpu.dma_semaphore, #tpu.memory_space<semaphore_mem>>
      %dma_start3A = arith.constant 0 : i32
      %dma_start3A_57 = arith.constant 0 : i32
      %dma_start3A_58 = tpu.memref_slice %arg9[%dma_start3A, %dma_start3A_57] : memref<80x128xf32, #tpu.memory_space<vmem>> -> memref<80x128xf32, #tpu.memory_space<vmem>>
      %dma_start3A_59 = arith.constant 0 : i32
      %dma_start3A_60 = tpu.memref_slice %arg11[%add3A_9, %dma_start3A_59] : memref<10000x128xf32, #tpu.memory_space<vmem_shared>> -> memref<80x128xf32, #tpu.memory_space<vmem_shared>>
      %dma_start3A_61 = arith.constant 0 : i32
      %dma_start3A_62 = tpu.memref_slice %arg11[%add3A_9, %dma_start3A_61] : memref<10000x128xf32, #tpu.memory_space<vmem_shared>> -> memref<80x128xf32, #tpu.memory_space<vmem_shared>>
      %dma_start3A_63 = arith.constant 0 : i32
      %dma_start3A_64 = arith.constant 0 : i32
      %dma_start3A_65 = tpu.memref_slice %arg9[%dma_start3A_63, %dma_start3A_64] : memref<80x128xf32, #tpu.memory_space<vmem>> -> memref<80x128xf32, #tpu.memory_space<vmem>>
      tpu.enqueue_dma source(%dma_start3A_65 : memref<80x128xf32, #tpu.memory_space<vmem>>) target(%dma_start3A_62 : memref<80x128xf32, #tpu.memory_space<vmem_shared>>) target_semaphore(%run_scoped3A : memref<!tpu.dma_semaphore, #tpu.memory_space<semaphore_mem>>)
      %dma_wait3A = arith.constant 0 : i32
      %dma_wait3A_66 = arith.constant 0 : i32
      %dma_wait3A_67 = tpu.memref_slice %arg9[%dma_wait3A, %dma_wait3A_66] : memref<80x128xf32, #tpu.memory_space<vmem>> -> memref<80x128xf32, #tpu.memory_space<vmem>>
      %dma_wait3A_68 = arith.constant 0 : i32
      %dma_wait3A_69 = tpu.memref_slice %arg11[%add3A_9, %dma_wait3A_68] : memref<10000x128xf32, #tpu.memory_space<vmem_shared>> -> memref<80x128xf32, #tpu.memory_space<vmem_shared>>
      %dma_wait3A_70 = arith.constant 0 : i32
      %dma_wait3A_71 = tpu.memref_slice %arg11[%add3A_9, %dma_wait3A_70] : memref<10000x128xf32, #tpu.memory_space<vmem_shared>> -> memref<80x128xf32, #tpu.memory_space<vmem_shared>>
      %dma_wait3A_72 = arith.constant 0 : i32
      %dma_wait3A_73 = arith.constant 0 : i32
      %dma_wait3A_74 = tpu.memref_slice %arg9[%dma_wait3A_72, %dma_wait3A_73] : memref<80x128xf32, #tpu.memory_space<vmem>> -> memref<80x128xf32, #tpu.memory_space<vmem>>
      tpu.wait_dma2 semaphore(%run_scoped3A : memref<!tpu.dma_semaphore, #tpu.memory_space<semaphore_mem>>) src(%dma_wait3A_74 : memref<80x128xf32, #tpu.memory_space<vmem>>) dst(%dma_wait3A_71 : memref<80x128xf32, #tpu.memory_space<vmem_shared>>)
      tpu.yield
    }) : () -> ()
    %add3A_10 = arith.constant 240 : i32
    %add3A_11 = arith.addi %multiple_of3A, %add3A_10 : i32
    "tpu.region"() ({
      %run_scoped3A = tpu.sem_alloc : memref<!tpu.dma_semaphore, #tpu.memory_space<semaphore_mem>>
      %dma_start3A = arith.constant 0 : i32
      %dma_start3A_57 = arith.constant 0 : i32
      %dma_start3A_58 = tpu.memref_slice %arg9[%dma_start3A, %dma_start3A_57] : memref<80x128xf32, #tpu.memory_space<vmem>> -> memref<80x128xf32, #tpu.memory_space<vmem>>
      %dma_start3A_59 = arith.constant 0 : i32
      %dma_start3A_60 = tpu.memref_slice %arg11[%add3A_11, %dma_start3A_59] : memref<10000x128xf32, #tpu.memory_space<vmem_shared>> -> memref<80x128xf32, #tpu.memory_space<vmem_shared>>
      %dma_start3A_61 = arith.constant 0 : i32
      %dma_start3A_62 = tpu.memref_slice %arg11[%add3A_11, %dma_start3A_61] : memref<10000x128xf32, #tpu.memory_space<vmem_shared>> -> memref<80x128xf32, #tpu.memory_space<vmem_shared>>
      %dma_start3A_63 = arith.constant 0 : i32
      %dma_start3A_64 = arith.constant 0 : i32
      %dma_start3A_65 = tpu.memref_slice %arg9[%dma_start3A_63, %dma_start3A_64] : memref<80x128xf32, #tpu.memory_space<vmem>> -> memref<80x128xf32, #tpu.memory_space<vmem>>
      tpu.enqueue_dma source(%dma_start3A_65 : memref<80x128xf32, #tpu.memory_space<vmem>>) target(%dma_start3A_62 : memref<80x128xf32, #tpu.memory_space<vmem_shared>>) target_semaphore(%run_scoped3A : memref<!tpu.dma_semaphore, #tpu.memory_space<semaphore_mem>>)
      %dma_wait3A = arith.constant 0 : i32
      %dma_wait3A_66 = arith.constant 0 : i32
      %dma_wait3A_67 = tpu.memref_slice %arg9[%dma_wait3A, %dma_wait3A_66] : memref<80x128xf32, #tpu.memory_space<vmem>> -> memref<80x128xf32, #tpu.memory_space<vmem>>
      %dma_wait3A_68 = arith.constant 0 : i32
      %dma_wait3A_69 = tpu.memref_slice %arg11[%add3A_11, %dma_wait3A_68] : memref<10000x128xf32, #tpu.memory_space<vmem_shared>> -> memref<80x128xf32, #tpu.memory_space<vmem_shared>>
      %dma_wait3A_70 = arith.constant 0 : i32
      %dma_wait3A_71 = tpu.memref_slice %arg11[%add3A_11, %dma_wait3A_70] : memref<10000x128xf32, #tpu.memory_space<vmem_shared>> -> memref<80x128xf32, #tpu.memory_space<vmem_shared>>
      %dma_wait3A_72 = arith.constant 0 : i32
      %dma_wait3A_73 = arith.constant 0 : i32
      %dma_wait3A_74 = tpu.memref_slice %arg9[%dma_wait3A_72, %dma_wait3A_73] : memref<80x128xf32, #tpu.memory_space<vmem>> -> memref<80x128xf32, #tpu.memory_space<vmem>>
      tpu.wait_dma2 semaphore(%run_scoped3A : memref<!tpu.dma_semaphore, #tpu.memory_space<semaphore_mem>>) src(%dma_wait3A_74 : memref<80x128xf32, #tpu.memory_space<vmem>>) dst(%dma_wait3A_71 : memref<80x128xf32, #tpu.memory_space<vmem_shared>>)
      tpu.yield
    }) : () -> ()
    %add3A_12 = arith.constant 320 : i32
    %add3A_13 = arith.addi %multiple_of3A, %add3A_12 : i32
    "tpu.region"() ({
      %run_scoped3A = tpu.sem_alloc : memref<!tpu.dma_semaphore, #tpu.memory_space<semaphore_mem>>
      %dma_start3A = arith.constant 0 : i32
      %dma_start3A_57 = arith.constant 0 : i32
      %dma_start3A_58 = tpu.memref_slice %arg9[%dma_start3A, %dma_start3A_57] : memref<80x128xf32, #tpu.memory_space<vmem>> -> memref<80x128xf32, #tpu.memory_space<vmem>>
      %dma_start3A_59 = arith.constant 0 : i32
      %dma_start3A_60 = tpu.memref_slice %arg11[%add3A_13, %dma_start3A_59] : memref<10000x128xf32, #tpu.memory_space<vmem_shared>> -> memref<80x128xf32, #tpu.memory_space<vmem_shared>>
      %dma_start3A_61 = arith.constant 0 : i32
      %dma_start3A_62 = tpu.memref_slice %arg11[%add3A_13, %dma_start3A_61] : memref<10000x128xf32, #tpu.memory_space<vmem_shared>> -> memref<80x128xf32, #tpu.memory_space<vmem_shared>>
      %dma_start3A_63 = arith.constant 0 : i32
      %dma_start3A_64 = arith.constant 0 : i32
      %dma_start3A_65 = tpu.memref_slice %arg9[%dma_start3A_63, %dma_start3A_64] : memref<80x128xf32, #tpu.memory_space<vmem>> -> memref<80x128xf32, #tpu.memory_space<vmem>>
      tpu.enqueue_dma source(%dma_start3A_65 : memref<80x128xf32, #tpu.memory_space<vmem>>) target(%dma_start3A_62 : memref<80x128xf32, #tpu.memory_space<vmem_shared>>) target_semaphore(%run_scoped3A : memref<!tpu.dma_semaphore, #tpu.memory_space<semaphore_mem>>)
      %dma_wait3A = arith.constant 0 : i32
      %dma_wait3A_66 = arith.constant 0 : i32
      %dma_wait3A_67 = tpu.memref_slice %arg9[%dma_wait3A, %dma_wait3A_66] : memref<80x128xf32, #tpu.memory_space<vmem>> -> memref<80x128xf32, #tpu.memory_space<vmem>>
      %dma_wait3A_68 = arith.constant 0 : i32
      %dma_wait3A_69 = tpu.memref_slice %arg11[%add3A_13, %dma_wait3A_68] : memref<10000x128xf32, #tpu.memory_space<vmem_shared>> -> memref<80x128xf32, #tpu.memory_space<vmem_shared>>
      %dma_wait3A_70 = arith.constant 0 : i32
      %dma_wait3A_71 = tpu.memref_slice %arg11[%add3A_13, %dma_wait3A_70] : memref<10000x128xf32, #tpu.memory_space<vmem_shared>> -> memref<80x128xf32, #tpu.memory_space<vmem_shared>>
      %dma_wait3A_72 = arith.constant 0 : i32
      %dma_wait3A_73 = arith.constant 0 : i32
      %dma_wait3A_74 = tpu.memref_slice %arg9[%dma_wait3A_72, %dma_wait3A_73] : memref<80x128xf32, #tpu.memory_space<vmem>> -> memref<80x128xf32, #tpu.memory_space<vmem>>
      tpu.wait_dma2 semaphore(%run_scoped3A : memref<!tpu.dma_semaphore, #tpu.memory_space<semaphore_mem>>) src(%dma_wait3A_74 : memref<80x128xf32, #tpu.memory_space<vmem>>) dst(%dma_wait3A_71 : memref<80x128xf32, #tpu.memory_space<vmem_shared>>)
      tpu.yield
    }) : () -> ()
    %add3A_14 = arith.constant 400 : i32
    %add3A_15 = arith.addi %multiple_of3A, %add3A_14 : i32
    "tpu.region"() ({
      %run_scoped3A = tpu.sem_alloc : memref<!tpu.dma_semaphore, #tpu.memory_space<semaphore_mem>>
      %dma_start3A = arith.constant 0 : i32
      %dma_start3A_57 = arith.constant 0 : i32
      %dma_start3A_58 = tpu.memref_slice %arg9[%dma_start3A, %dma_start3A_57] : memref<80x128xf32, #tpu.memory_space<vmem>> -> memref<80x128xf32, #tpu.memory_space<vmem>>
      %dma_start3A_59 = arith.constant 0 : i32
      %dma_start3A_60 = tpu.memref_slice %arg11[%add3A_15, %dma_start3A_59] : memref<10000x128xf32, #tpu.memory_space<vmem_shared>> -> memref<80x128xf32, #tpu.memory_space<vmem_shared>>
      %dma_start3A_61 = arith.constant 0 : i32
      %dma_start3A_62 = tpu.memref_slice %arg11[%add3A_15, %dma_start3A_61] : memref<10000x128xf32, #tpu.memory_space<vmem_shared>> -> memref<80x128xf32, #tpu.memory_space<vmem_shared>>
      %dma_start3A_63 = arith.constant 0 : i32
      %dma_start3A_64 = arith.constant 0 : i32
      %dma_start3A_65 = tpu.memref_slice %arg9[%dma_start3A_63, %dma_start3A_64] : memref<80x128xf32, #tpu.memory_space<vmem>> -> memref<80x128xf32, #tpu.memory_space<vmem>>
      tpu.enqueue_dma source(%dma_start3A_65 : memref<80x128xf32, #tpu.memory_space<vmem>>) target(%dma_start3A_62 : memref<80x128xf32, #tpu.memory_space<vmem_shared>>) target_semaphore(%run_scoped3A : memref<!tpu.dma_semaphore, #tpu.memory_space<semaphore_mem>>)
      %dma_wait3A = arith.constant 0 : i32
      %dma_wait3A_66 = arith.constant 0 : i32
      %dma_wait3A_67 = tpu.memref_slice %arg9[%dma_wait3A, %dma_wait3A_66] : memref<80x128xf32, #tpu.memory_space<vmem>> -> memref<80x128xf32, #tpu.memory_space<vmem>>
      %dma_wait3A_68 = arith.constant 0 : i32
      %dma_wait3A_69 = tpu.memref_slice %arg11[%add3A_15, %dma_wait3A_68] : memref<10000x128xf32, #tpu.memory_space<vmem_shared>> -> memref<80x128xf32, #tpu.memory_space<vmem_shared>>
      %dma_wait3A_70 = arith.constant 0 : i32
      %dma_wait3A_71 = tpu.memref_slice %arg11[%add3A_15, %dma_wait3A_70] : memref<10000x128xf32, #tpu.memory_space<vmem_shared>> -> memref<80x128xf32, #tpu.memory_space<vmem_shared>>
      %dma_wait3A_72 = arith.constant 0 : i32
      %dma_wait3A_73 = arith.constant 0 : i32
      %dma_wait3A_74 = tpu.memref_slice %arg9[%dma_wait3A_72, %dma_wait3A_73] : memref<80x128xf32, #tpu.memory_space<vmem>> -> memref<80x128xf32, #tpu.memory_space<vmem>>
      tpu.wait_dma2 semaphore(%run_scoped3A : memref<!tpu.dma_semaphore, #tpu.memory_space<semaphore_mem>>) src(%dma_wait3A_74 : memref<80x128xf32, #tpu.memory_space<vmem>>) dst(%dma_wait3A_71 : memref<80x128xf32, #tpu.memory_space<vmem_shared>>)
      tpu.yield
    }) : () -> ()
    %add3A_16 = arith.constant 480 : i32
    %add3A_17 = arith.addi %multiple_of3A, %add3A_16 : i32
    "tpu.region"() ({
      %run_scoped3A = tpu.sem_alloc : memref<!tpu.dma_semaphore, #tpu.memory_space<semaphore_mem>>
      %dma_start3A = arith.constant 0 : i32
      %dma_start3A_57 = arith.constant 0 : i32
      %dma_start3A_58 = tpu.memref_slice %arg9[%dma_start3A, %dma_start3A_57] : memref<80x128xf32, #tpu.memory_space<vmem>> -> memref<80x128xf32, #tpu.memory_space<vmem>>
      %dma_start3A_59 = arith.constant 0 : i32
      %dma_start3A_60 = tpu.memref_slice %arg11[%add3A_17, %dma_start3A_59] : memref<10000x128xf32, #tpu.memory_space<vmem_shared>> -> memref<80x128xf32, #tpu.memory_space<vmem_shared>>
      %dma_start3A_61 = arith.constant 0 : i32
      %dma_start3A_62 = tpu.memref_slice %arg11[%add3A_17, %dma_start3A_61] : memref<10000x128xf32, #tpu.memory_space<vmem_shared>> -> memref<80x128xf32, #tpu.memory_space<vmem_shared>>
      %dma_start3A_63 = arith.constant 0 : i32
      %dma_start3A_64 = arith.constant 0 : i32
      %dma_start3A_65 = tpu.memref_slice %arg9[%dma_start3A_63, %dma_start3A_64] : memref<80x128xf32, #tpu.memory_space<vmem>> -> memref<80x128xf32, #tpu.memory_space<vmem>>
      tpu.enqueue_dma source(%dma_start3A_65 : memref<80x128xf32, #tpu.memory_space<vmem>>) target(%dma_start3A_62 : memref<80x128xf32, #tpu.memory_space<vmem_shared>>) target_semaphore(%run_scoped3A : memref<!tpu.dma_semaphore, #tpu.memory_space<semaphore_mem>>)
      %dma_wait3A = arith.constant 0 : i32
      %dma_wait3A_66 = arith.constant 0 : i32
      %dma_wait3A_67 = tpu.memref_slice %arg9[%dma_wait3A, %dma_wait3A_66] : memref<80x128xf32, #tpu.memory_space<vmem>> -> memref<80x128xf32, #tpu.memory_space<vmem>>
      %dma_wait3A_68 = arith.constant 0 : i32
      %dma_wait3A_69 = tpu.memref_slice %arg11[%add3A_17, %dma_wait3A_68] : memref<10000x128xf32, #tpu.memory_space<vmem_shared>> -> memref<80x128xf32, #tpu.memory_space<vmem_shared>>
      %dma_wait3A_70 = arith.constant 0 : i32
      %dma_wait3A_71 = tpu.memref_slice %arg11[%add3A_17, %dma_wait3A_70] : memref<10000x128xf32, #tpu.memory_space<vmem_shared>> -> memref<80x128xf32, #tpu.memory_space<vmem_shared>>
      %dma_wait3A_72 = arith.constant 0 : i32
      %dma_wait3A_73 = arith.constant 0 : i32
      %dma_wait3A_74 = tpu.memref_slice %arg9[%dma_wait3A_72, %dma_wait3A_73] : memref<80x128xf32, #tpu.memory_space<vmem>> -> memref<80x128xf32, #tpu.memory_space<vmem>>
      tpu.wait_dma2 semaphore(%run_scoped3A : memref<!tpu.dma_semaphore, #tpu.memory_space<semaphore_mem>>) src(%dma_wait3A_74 : memref<80x128xf32, #tpu.memory_space<vmem>>) dst(%dma_wait3A_71 : memref<80x128xf32, #tpu.memory_space<vmem_shared>>)
      tpu.yield
    }) : () -> ()
    %add3A_18 = arith.constant 624 : i32
    %add3A_19 = arith.addi %multiple_of3A, %add3A_18 : i32
    %sub3A = arith.constant 64 : i32
    %sub3A_20 = arith.subi %add3A_19, %sub3A : i32
    "tpu.region"() ({
      %run_scoped3A = tpu.sem_alloc : memref<!tpu.dma_semaphore, #tpu.memory_space<semaphore_mem>>
      %dma_start3A = arith.constant 0 : i32
      %dma_start3A_57 = arith.constant 0 : i32
      %dma_start3A_58 = tpu.memref_slice %arg9[%dma_start3A, %dma_start3A_57] : memref<80x128xf32, #tpu.memory_space<vmem>> -> memref<64x128xf32, #tpu.memory_space<vmem>>
      %dma_start3A_59 = arith.constant 0 : i32
      %dma_start3A_60 = tpu.memref_slice %arg11[%sub3A_20, %dma_start3A_59] : memref<10000x128xf32, #tpu.memory_space<vmem_shared>> -> memref<64x128xf32, #tpu.memory_space<vmem_shared>>
      %dma_start3A_61 = arith.constant 0 : i32
      %dma_start3A_62 = tpu.memref_slice %arg11[%sub3A_20, %dma_start3A_61] : memref<10000x128xf32, #tpu.memory_space<vmem_shared>> -> memref<64x128xf32, #tpu.memory_space<vmem_shared>>
      %dma_start3A_63 = arith.constant 0 : i32
      %dma_start3A_64 = arith.constant 0 : i32
      %dma_start3A_65 = tpu.memref_slice %arg9[%dma_start3A_63, %dma_start3A_64] : memref<80x128xf32, #tpu.memory_space<vmem>> -> memref<64x128xf32, #tpu.memory_space<vmem>>
      tpu.enqueue_dma source(%dma_start3A_65 : memref<64x128xf32, #tpu.memory_space<vmem>>) target(%dma_start3A_62 : memref<64x128xf32, #tpu.memory_space<vmem_shared>>) target_semaphore(%run_scoped3A : memref<!tpu.dma_semaphore, #tpu.memory_space<semaphore_mem>>)
      %dma_wait3A = arith.constant 0 : i32
      %dma_wait3A_66 = arith.constant 0 : i32
      %dma_wait3A_67 = tpu.memref_slice %arg9[%dma_wait3A, %dma_wait3A_66] : memref<80x128xf32, #tpu.memory_space<vmem>> -> memref<64x128xf32, #tpu.memory_space<vmem>>
      %dma_wait3A_68 = arith.constant 0 : i32
      %dma_wait3A_69 = tpu.memref_slice %arg11[%sub3A_20, %dma_wait3A_68] : memref<10000x128xf32, #tpu.memory_space<vmem_shared>> -> memref<64x128xf32, #tpu.memory_space<vmem_shared>>
      %dma_wait3A_70 = arith.constant 0 : i32
      %dma_wait3A_71 = tpu.memref_slice %arg11[%sub3A_20, %dma_wait3A_70] : memref<10000x128xf32, #tpu.memory_space<vmem_shared>> -> memref<64x128xf32, #tpu.memory_space<vmem_shared>>
      %dma_wait3A_72 = arith.constant 0 : i32
      %dma_wait3A_73 = arith.constant 0 : i32
      %dma_wait3A_74 = tpu.memref_slice %arg9[%dma_wait3A_72, %dma_wait3A_73] : memref<80x128xf32, #tpu.memory_space<vmem>> -> memref<64x128xf32, #tpu.memory_space<vmem>>
      tpu.wait_dma2 semaphore(%run_scoped3A : memref<!tpu.dma_semaphore, #tpu.memory_space<semaphore_mem>>) src(%dma_wait3A_74 : memref<64x128xf32, #tpu.memory_space<vmem>>) dst(%dma_wait3A_71 : memref<64x128xf32, #tpu.memory_space<vmem_shared>>)
      tpu.yield
    }) : () -> ()
    %eq3A = arith.constant 15 : i32
    %eq3A_21 = arith.cmpi eq, %arg1, %eq3A : i32
    %convert_element_type3A = arith.extui %eq3A_21 : i1 to i32
    %cond3A = arith.constant 0 : i32
    %cond3A_22 = arith.cmpi ne, %convert_element_type3A, %cond3A : i32
    scf.if %cond3A_22 {
      %multiple_of3A_57 = arith.constant 9984 : i32
      %multiple_of3A_58 = tpu.assume_multiple %multiple_of3A_57, 8 : i32
      "tpu.region"() ({
        %run_scoped3A = tpu.sem_alloc : memref<!tpu.dma_semaphore, #tpu.memory_space<semaphore_mem>>
        %dma_start3A = arith.constant 0 : i32
        %dma_start3A_59 = arith.constant 0 : i32
        %dma_start3A_60 = tpu.memref_slice %arg9[%dma_start3A, %dma_start3A_59] : memref<80x128xf32, #tpu.memory_space<vmem>> -> memref<16x128xf32, #tpu.memory_space<vmem>>
        %dma_start3A_61 = arith.constant 0 : i32
        %dma_start3A_62 = tpu.memref_slice %arg11[%multiple_of3A_58, %dma_start3A_61] : memref<10000x128xf32, #tpu.memory_space<vmem_shared>> -> memref<16x128xf32, #tpu.memory_space<vmem_shared>>
        %dma_start3A_63 = arith.constant 0 : i32
        %dma_start3A_64 = tpu.memref_slice %arg11[%multiple_of3A_58, %dma_start3A_63] : memref<10000x128xf32, #tpu.memory_space<vmem_shared>> -> memref<16x128xf32, #tpu.memory_space<vmem_shared>>
        %dma_start3A_65 = arith.constant 0 : i32
        %dma_start3A_66 = arith.constant 0 : i32
        %dma_start3A_67 = tpu.memref_slice %arg9[%dma_start3A_65, %dma_start3A_66] : memref<80x128xf32, #tpu.memory_space<vmem>> -> memref<16x128xf32, #tpu.memory_space<vmem>>
        tpu.enqueue_dma source(%dma_start3A_67 : memref<16x128xf32, #tpu.memory_space<vmem>>) target(%dma_start3A_64 : memref<16x128xf32, #tpu.memory_space<vmem_shared>>) target_semaphore(%run_scoped3A : memref<!tpu.dma_semaphore, #tpu.memory_space<semaphore_mem>>)
        %dma_wait3A = arith.constant 0 : i32
        %dma_wait3A_68 = arith.constant 0 : i32
        %dma_wait3A_69 = tpu.memref_slice %arg9[%dma_wait3A, %dma_wait3A_68] : memref<80x128xf32, #tpu.memory_space<vmem>> -> memref<16x128xf32, #tpu.memory_space<vmem>>
        %dma_wait3A_70 = arith.constant 0 : i32
        %dma_wait3A_71 = tpu.memref_slice %arg11[%multiple_of3A_58, %dma_wait3A_70] : memref<10000x128xf32, #tpu.memory_space<vmem_shared>> -> memref<16x128xf32, #tpu.memory_space<vmem_shared>>
        %dma_wait3A_72 = arith.constant 0 : i32
        %dma_wait3A_73 = tpu.memref_slice %arg11[%multiple_of3A_58, %dma_wait3A_72] : memref<10000x128xf32, #tpu.memory_space<vmem_shared>> -> memref<16x128xf32, #tpu.memory_space<vmem_shared>>
        %dma_wait3A_74 = arith.constant 0 : i32
        %dma_wait3A_75 = arith.constant 0 : i32
        %dma_wait3A_76 = tpu.memref_slice %arg9[%dma_wait3A_74, %dma_wait3A_75] : memref<80x128xf32, #tpu.memory_space<vmem>> -> memref<16x128xf32, #tpu.memory_space<vmem>>
        tpu.wait_dma2 semaphore(%run_scoped3A : memref<!tpu.dma_semaphore, #tpu.memory_space<semaphore_mem>>) src(%dma_wait3A_76 : memref<16x128xf32, #tpu.memory_space<vmem>>) dst(%dma_wait3A_73 : memref<16x128xf32, #tpu.memory_space<vmem_shared>>)
        tpu.yield
      }) : () -> ()
    } else {
    }
    %barrier3A = arith.constant 0 : index
    tpu.barrier barrier_id(%barrier3A)
    %mul3A_23 = arith.constant 16 : i32
    %mul3A_24 = arith.muli %arg0, %mul3A_23 : i32
    %add3A_25 = arith.addi %mul3A_24, %arg1 : i32
    %mul3A_26 = arith.constant 10000 : i32
    %mul3A_27 = arith.muli %add3A_25, %mul3A_26 : i32
    %scan3A_28 = arith.constant 0 : i32
    %scan3A_29 = arith.constant 125 : i32
    %scan3A_30 = arith.addi %scan3A_28, %scan3A_29 : i32
    %scan3A_31 = arith.constant 1 : i32
    scf.for %scan3A_57 = %scan3A_28 to %scan3A_30 step %scan3A_31  : i32 {
      %mul3A_58 = arith.constant 1 : i32
      %mul3A_59 = arith.muli %scan3A_57, %mul3A_58 : i32
      %add3A_60 = arith.constant 0 : i32
      %add3A_61 = arith.addi %add3A_60, %mul3A_59 : i32
      %mul3A_62 = arith.constant 80 : i32
      %mul3A_63 = arith.muli %add3A_61, %mul3A_62 : i32
      %add3A_64 = arith.addi %mul3A_27, %mul3A_63 : i32
      %multiple_of3A_65 = tpu.assume_multiple %add3A_64, 8 : i32
      "tpu.region"() ({
        %run_scoped3A = tpu.sem_alloc : memref<!tpu.dma_semaphore, #tpu.memory_space<semaphore_mem>>
        %dma_start3A_81 = tpu.memref_slice %arg4[%multiple_of3A_65] : memref<320000xi32, #tpu.memory_space<hbm>> -> memref<80xi32, #tpu.memory_space<hbm>>
        %dma_start3A_82 = tpu.memref_slice %arg4[%multiple_of3A_65] : memref<320000xi32, #tpu.memory_space<hbm>> -> memref<80xi32, #tpu.memory_space<hbm>>
        tpu.enqueue_dma source(%dma_start3A_82 : memref<80xi32, #tpu.memory_space<hbm>>) target(%arg7 : memref<80xi32, #tpu.memory_space<vmem>>) target_semaphore(%run_scoped3A : memref<!tpu.dma_semaphore, #tpu.memory_space<semaphore_mem>>)
        %dma_wait3A_83 = tpu.memref_slice %arg4[%multiple_of3A_65] : memref<320000xi32, #tpu.memory_space<hbm>> -> memref<80xi32, #tpu.memory_space<hbm>>
        %dma_wait3A_84 = tpu.memref_slice %arg4[%multiple_of3A_65] : memref<320000xi32, #tpu.memory_space<hbm>> -> memref<80xi32, #tpu.memory_space<hbm>>
        tpu.wait_dma2 semaphore(%run_scoped3A : memref<!tpu.dma_semaphore, #tpu.memory_space<semaphore_mem>>) src(%dma_wait3A_84 : memref<80xi32, #tpu.memory_space<hbm>>) dst(%arg7 : memref<80xi32, #tpu.memory_space<vmem>>)
        tpu.yield
      }) : () -> ()
      "tpu.region"() ({
        %run_scoped3A = tpu.sem_alloc : memref<!tpu.dma_semaphore, #tpu.memory_space<semaphore_mem>>
        %dma_start3A_81 = tpu.memref_slice %arg5[%multiple_of3A_65] : memref<320000xi32, #tpu.memory_space<hbm>> -> memref<80xi32, #tpu.memory_space<hbm>>
        %dma_start3A_82 = tpu.memref_slice %arg5[%multiple_of3A_65] : memref<320000xi32, #tpu.memory_space<hbm>> -> memref<80xi32, #tpu.memory_space<hbm>>
        tpu.enqueue_dma source(%dma_start3A_82 : memref<80xi32, #tpu.memory_space<hbm>>) target(%arg8 : memref<80xi32, #tpu.memory_space<vmem>>) target_semaphore(%run_scoped3A : memref<!tpu.dma_semaphore, #tpu.memory_space<semaphore_mem>>)
        %dma_wait3A_83 = tpu.memref_slice %arg5[%multiple_of3A_65] : memref<320000xi32, #tpu.memory_space<hbm>> -> memref<80xi32, #tpu.memory_space<hbm>>
        %dma_wait3A_84 = tpu.memref_slice %arg5[%multiple_of3A_65] : memref<320000xi32, #tpu.memory_space<hbm>> -> memref<80xi32, #tpu.memory_space<hbm>>
        tpu.wait_dma2 semaphore(%run_scoped3A : memref<!tpu.dma_semaphore, #tpu.memory_space<semaphore_mem>>) src(%dma_wait3A_84 : memref<80xi32, #tpu.memory_space<hbm>>) dst(%arg8 : memref<80xi32, #tpu.memory_space<vmem>>)
        tpu.yield
      }) : () -> ()
      %dma_start3A = arith.constant 0 : i32
      %dma_start3A_66 = arith.constant 0 : i32
      %dma_start3A_67 = tpu.memref_slice %arg2[%dma_start3A, %dma_start3A_66] : memref<10000x128xf32, #tpu.memory_space<hbm>> -> memref<10000x128xf32, #tpu.memory_space<hbm>>
      tpu.enqueue_indirect_dma source(%dma_start3A_67 : memref<10000x128xf32, #tpu.memory_space<hbm>>) target(%arg9 : memref<80x128xf32, #tpu.memory_space<vmem>>) offsets(%arg7 : memref<80xi32, #tpu.memory_space<vmem>>) semaphore(%arg12 : memref<!tpu.dma_semaphore, #tpu.memory_space<semaphore_mem>>)
      %dma_start3A_68 = arith.constant 0 : i32
      %dma_start3A_69 = arith.constant 0 : i32
      %dma_start3A_70 = tpu.memref_slice %arg3[%dma_start3A_68, %dma_start3A_69] : memref<10000x128xf32, #tpu.memory_space<hbm>> -> memref<10000x128xf32, #tpu.memory_space<hbm>>
      tpu.enqueue_indirect_dma source(%dma_start3A_70 : memref<10000x128xf32, #tpu.memory_space<hbm>>) target(%arg10 : memref<80x128xf32, #tpu.memory_space<vmem>>) offsets(%arg8 : memref<80xi32, #tpu.memory_space<vmem>>) semaphore(%arg13 : memref<!tpu.dma_semaphore, #tpu.memory_space<semaphore_mem>>)
      %dma_wait3A = arith.constant 0 : i32
      %dma_wait3A_71 = arith.constant 0 : i32
      %dma_wait3A_72 = tpu.memref_slice %arg2[%dma_wait3A, %dma_wait3A_71] : memref<10000x128xf32, #tpu.memory_space<hbm>> -> memref<10000x128xf32, #tpu.memory_space<hbm>>
      tpu.wait_indirect_dma semaphore(%arg12 : memref<!tpu.dma_semaphore, #tpu.memory_space<semaphore_mem>>) src(%dma_wait3A_72 : memref<10000x128xf32, #tpu.memory_space<hbm>>) dst(%arg9 : memref<80x128xf32, #tpu.memory_space<vmem>>)
      %dma_wait3A_73 = arith.constant 0 : i32
      %dma_wait3A_74 = arith.constant 0 : i32
      %dma_wait3A_75 = tpu.memref_slice %arg3[%dma_wait3A_73, %dma_wait3A_74] : memref<10000x128xf32, #tpu.memory_space<hbm>> -> memref<10000x128xf32, #tpu.memory_space<hbm>>
      tpu.wait_indirect_dma semaphore(%arg13 : memref<!tpu.dma_semaphore, #tpu.memory_space<semaphore_mem>>) src(%dma_wait3A_75 : memref<10000x128xf32, #tpu.memory_space<hbm>>) dst(%arg10 : memref<80x128xf32, #tpu.memory_space<vmem>>)
      %scan3A_76 = arith.constant 0 : i32
      %scan3A_77 = arith.constant 80 : i32
      %scan3A_78 = arith.addi %scan3A_76, %scan3A_77 : i32
      %scan3A_79 = arith.constant 1 : i32
      scf.for %scan3A_81 = %scan3A_76 to %scan3A_78 step %scan3A_79  : i32 {
        %mul3A_82 = arith.constant 1 : i32
        %mul3A_83 = arith.muli %scan3A_81, %mul3A_82 : i32
        %add3A_84 = arith.constant 0 : i32
        %add3A_85 = arith.addi %add3A_84, %mul3A_83 : i32
        %get3A = arith.index_cast %add3A_85 : i32 to index
        %get3A_86 = arith.constant 0 : index
        %get3A_87 = tpu.vector_load %arg9[%get3A, %get3A_86] {strides = array<i32>} : memref<80x128xf32, #tpu.memory_space<vmem>>, vector<1x16xf32>,
        %get3A_88 = vector.shape_cast %get3A_87 : vector<1x16xf32> to vector<16xf32>
        %get3A_89 = arith.index_cast %add3A_85 : i32 to index
        %get3A_90 = arith.constant 0 : index
        %get3A_91 = tpu.vector_load %arg10[%get3A_89, %get3A_90] {strides = array<i32>} : memref<80x128xf32, #tpu.memory_space<vmem>>, vector<1x16xf32>,
        %get3A_92 = vector.shape_cast %get3A_91 : vector<1x16xf32> to vector<16xf32>
        %add3A_93 = arith.addf %get3A_88, %get3A_92 : vector<16xf32>
        %max3A = arith.constant 0.000000e+00 : f32
        %max3A_94 = vector.broadcast %max3A : f32 to vector<16xf32>
        %max3A_95 = arith.maximumf %add3A_93, %max3A_94 : vector<16xf32>
        %swap3A = arith.index_cast %add3A_85 : i32 to index
        %swap3A_96 = arith.constant 0 : index
        %swap3A_97 = tpu.vector_load %arg10[%swap3A, %swap3A_96] {strides = array<i32>} : memref<80x128xf32, #tpu.memory_space<vmem>>, vector<1x16xf32>,
        %swap3A_98 = vector.shape_cast %swap3A_97 : vector<1x16xf32> to vector<16xf32>
        %swap3A_99 = vector.shape_cast %max3A_95 : vector<16xf32> to vector<1x16xf32>
        tpu.vector_store %arg10[%swap3A, %swap3A_96], %swap3A_99 {strides = array<i32>} : memref<80x128xf32, #tpu.memory_space<vmem>>, vector<1x16xf32>,
        %get3A_100 = arith.index_cast %add3A_85 : i32 to index
        %get3A_101 = arith.constant 16 : index
        %get3A_102 = tpu.vector_load %arg9[%get3A_100, %get3A_101] {strides = array<i32>} : memref<80x128xf32, #tpu.memory_space<vmem>>, vector<1x16xf32>,
        %get3A_103 = vector.shape_cast %get3A_102 : vector<1x16xf32> to vector<16xf32>
        %get3A_104 = arith.index_cast %add3A_85 : i32 to index
        %get3A_105 = arith.constant 16 : index
        %get3A_106 = tpu.vector_load %arg10[%get3A_104, %get3A_105] {strides = array<i32>} : memref<80x128xf32, #tpu.memory_space<vmem>>, vector<1x16xf32>,
        %get3A_107 = vector.shape_cast %get3A_106 : vector<1x16xf32> to vector<16xf32>
        %add3A_108 = arith.addf %get3A_103, %get3A_107 : vector<16xf32>
        %max3A_109 = arith.constant 0.000000e+00 : f32
        %max3A_110 = vector.broadcast %max3A_109 : f32 to vector<16xf32>
        %max3A_111 = arith.maximumf %add3A_108, %max3A_110 : vector<16xf32>
        %swap3A_112 = arith.index_cast %add3A_85 : i32 to index
        %swap3A_113 = arith.constant 16 : index
        %swap3A_114 = tpu.vector_load %arg10[%swap3A_112, %swap3A_113] {strides = array<i32>} : memref<80x128xf32, #tpu.memory_space<vmem>>, vector<1x16xf32>,
        %swap3A_115 = vector.shape_cast %swap3A_114 : vector<1x16xf32> to vector<16xf32>
        %swap3A_116 = vector.shape_cast %max3A_111 : vector<16xf32> to vector<1x16xf32>
        tpu.vector_store %arg10[%swap3A_112, %swap3A_113], %swap3A_116 {strides = array<i32>} : memref<80x128xf32, #tpu.memory_space<vmem>>, vector<1x16xf32>,
        %get3A_117 = arith.index_cast %add3A_85 : i32 to index
        %get3A_118 = arith.constant 32 : index
        %get3A_119 = tpu.vector_load %arg9[%get3A_117, %get3A_118] {strides = array<i32>} : memref<80x128xf32, #tpu.memory_space<vmem>>, vector<1x16xf32>,
        %get3A_120 = vector.shape_cast %get3A_119 : vector<1x16xf32> to vector<16xf32>
        %get3A_121 = arith.index_cast %add3A_85 : i32 to index
        %get3A_122 = arith.constant 32 : index
        %get3A_123 = tpu.vector_load %arg10[%get3A_121, %get3A_122] {strides = array<i32>} : memref<80x128xf32, #tpu.memory_space<vmem>>, vector<1x16xf32>,
        %get3A_124 = vector.shape_cast %get3A_123 : vector<1x16xf32> to vector<16xf32>
        %add3A_125 = arith.addf %get3A_120, %get3A_124 : vector<16xf32>
        %max3A_126 = arith.constant 0.000000e+00 : f32
        %max3A_127 = vector.broadcast %max3A_126 : f32 to vector<16xf32>
        %max3A_128 = arith.maximumf %add3A_125, %max3A_127 : vector<16xf32>
        %swap3A_129 = arith.index_cast %add3A_85 : i32 to index
        %swap3A_130 = arith.constant 32 : index
        %swap3A_131 = tpu.vector_load %arg10[%swap3A_129, %swap3A_130] {strides = array<i32>} : memref<80x128xf32, #tpu.memory_space<vmem>>, vector<1x16xf32>,
        %swap3A_132 = vector.shape_cast %swap3A_131 : vector<1x16xf32> to vector<16xf32>
        %swap3A_133 = vector.shape_cast %max3A_128 : vector<16xf32> to vector<1x16xf32>
        tpu.vector_store %arg10[%swap3A_129, %swap3A_130], %swap3A_133 {strides = array<i32>} : memref<80x128xf32, #tpu.memory_space<vmem>>, vector<1x16xf32>,
        %get3A_134 = arith.index_cast %add3A_85 : i32 to index
        %get3A_135 = arith.constant 48 : index
        %get3A_136 = tpu.vector_load %arg9[%get3A_134, %get3A_135] {strides = array<i32>} : memref<80x128xf32, #tpu.memory_space<vmem>>, vector<1x16xf32>,
        %get3A_137 = vector.shape_cast %get3A_136 : vector<1x16xf32> to vector<16xf32>
        %get3A_138 = arith.index_cast %add3A_85 : i32 to index
        %get3A_139 = arith.constant 48 : index
        %get3A_140 = tpu.vector_load %arg10[%get3A_138, %get3A_139] {strides = array<i32>} : memref<80x128xf32, #tpu.memory_space<vmem>>, vector<1x16xf32>,
        %get3A_141 = vector.shape_cast %get3A_140 : vector<1x16xf32> to vector<16xf32>
        %add3A_142 = arith.addf %get3A_137, %get3A_141 : vector<16xf32>
        %max3A_143 = arith.constant 0.000000e+00 : f32
        %max3A_144 = vector.broadcast %max3A_143 : f32 to vector<16xf32>
        %max3A_145 = arith.maximumf %add3A_142, %max3A_144 : vector<16xf32>
        %swap3A_146 = arith.index_cast %add3A_85 : i32 to index
        %swap3A_147 = arith.constant 48 : index
        %swap3A_148 = tpu.vector_load %arg10[%swap3A_146, %swap3A_147] {strides = array<i32>} : memref<80x128xf32, #tpu.memory_space<vmem>>, vector<1x16xf32>,
        %swap3A_149 = vector.shape_cast %swap3A_148 : vector<1x16xf32> to vector<16xf32>
        %swap3A_150 = vector.shape_cast %max3A_145 : vector<16xf32> to vector<1x16xf32>
        tpu.vector_store %arg10[%swap3A_146, %swap3A_147], %swap3A_150 {strides = array<i32>} : memref<80x128xf32, #tpu.memory_space<vmem>>, vector<1x16xf32>,
        %get3A_151 = arith.index_cast %add3A_85 : i32 to index
        %get3A_152 = arith.constant 64 : index
        %get3A_153 = tpu.vector_load %arg9[%get3A_151, %get3A_152] {strides = array<i32>} : memref<80x128xf32, #tpu.memory_space<vmem>>, vector<1x16xf32>,
        %get3A_154 = vector.shape_cast %get3A_153 : vector<1x16xf32> to vector<16xf32>
        %get3A_155 = arith.index_cast %add3A_85 : i32 to index
        %get3A_156 = arith.constant 64 : index
        %get3A_157 = tpu.vector_load %arg10[%get3A_155, %get3A_156] {strides = array<i32>} : memref<80x128xf32, #tpu.memory_space<vmem>>, vector<1x16xf32>,
        %get3A_158 = vector.shape_cast %get3A_157 : vector<1x16xf32> to vector<16xf32>
        %add3A_159 = arith.addf %get3A_154, %get3A_158 : vector<16xf32>
        %max3A_160 = arith.constant 0.000000e+00 : f32
        %max3A_161 = vector.broadcast %max3A_160 : f32 to vector<16xf32>
        %max3A_162 = arith.maximumf %add3A_159, %max3A_161 : vector<16xf32>
        %swap3A_163 = arith.index_cast %add3A_85 : i32 to index
        %swap3A_164 = arith.constant 64 : index
        %swap3A_165 = tpu.vector_load %arg10[%swap3A_163, %swap3A_164] {strides = array<i32>} : memref<80x128xf32, #tpu.memory_space<vmem>>, vector<1x16xf32>,
        %swap3A_166 = vector.shape_cast %swap3A_165 : vector<1x16xf32> to vector<16xf32>
        %swap3A_167 = vector.shape_cast %max3A_162 : vector<16xf32> to vector<1x16xf32>
        tpu.vector_store %arg10[%swap3A_163, %swap3A_164], %swap3A_167 {strides = array<i32>} : memref<80x128xf32, #tpu.memory_space<vmem>>, vector<1x16xf32>,
        %get3A_168 = arith.index_cast %add3A_85 : i32 to index
        %get3A_169 = arith.constant 80 : index
        %get3A_170 = tpu.vector_load %arg9[%get3A_168, %get3A_169] {strides = array<i32>} : memref<80x128xf32, #tpu.memory_space<vmem>>, vector<1x16xf32>,
        %get3A_171 = vector.shape_cast %get3A_170 : vector<1x16xf32> to vector<16xf32>
        %get3A_172 = arith.index_cast %add3A_85 : i32 to index
        %get3A_173 = arith.constant 80 : index
        %get3A_174 = tpu.vector_load %arg10[%get3A_172, %get3A_173] {strides = array<i32>} : memref<80x128xf32, #tpu.memory_space<vmem>>, vector<1x16xf32>,
        %get3A_175 = vector.shape_cast %get3A_174 : vector<1x16xf32> to vector<16xf32>
        %add3A_176 = arith.addf %get3A_171, %get3A_175 : vector<16xf32>
        %max3A_177 = arith.constant 0.000000e+00 : f32
        %max3A_178 = vector.broadcast %max3A_177 : f32 to vector<16xf32>
        %max3A_179 = arith.maximumf %add3A_176, %max3A_178 : vector<16xf32>
        %swap3A_180 = arith.index_cast %add3A_85 : i32 to index
        %swap3A_181 = arith.constant 80 : index
        %swap3A_182 = tpu.vector_load %arg10[%swap3A_180, %swap3A_181] {strides = array<i32>} : memref<80x128xf32, #tpu.memory_space<vmem>>, vector<1x16xf32>,
        %swap3A_183 = vector.shape_cast %swap3A_182 : vector<1x16xf32> to vector<16xf32>
        %swap3A_184 = vector.shape_cast %max3A_179 : vector<16xf32> to vector<1x16xf32>
        tpu.vector_store %arg10[%swap3A_180, %swap3A_181], %swap3A_184 {strides = array<i32>} : memref<80x128xf32, #tpu.memory_space<vmem>>, vector<1x16xf32>,
        %get3A_185 = arith.index_cast %add3A_85 : i32 to index
        %get3A_186 = arith.constant 96 : index
        %get3A_187 = tpu.vector_load %arg9[%get3A_185, %get3A_186] {strides = array<i32>} : memref<80x128xf32, #tpu.memory_space<vmem>>, vector<1x16xf32>,
        %get3A_188 = vector.shape_cast %get3A_187 : vector<1x16xf32> to vector<16xf32>
        %get3A_189 = arith.index_cast %add3A_85 : i32 to index
        %get3A_190 = arith.constant 96 : index
        %get3A_191 = tpu.vector_load %arg10[%get3A_189, %get3A_190] {strides = array<i32>} : memref<80x128xf32, #tpu.memory_space<vmem>>, vector<1x16xf32>,
        %get3A_192 = vector.shape_cast %get3A_191 : vector<1x16xf32> to vector<16xf32>
        %add3A_193 = arith.addf %get3A_188, %get3A_192 : vector<16xf32>
        %max3A_194 = arith.constant 0.000000e+00 : f32
        %max3A_195 = vector.broadcast %max3A_194 : f32 to vector<16xf32>
        %max3A_196 = arith.maximumf %add3A_193, %max3A_195 : vector<16xf32>
        %swap3A_197 = arith.index_cast %add3A_85 : i32 to index
        %swap3A_198 = arith.constant 96 : index
        %swap3A_199 = tpu.vector_load %arg10[%swap3A_197, %swap3A_198] {strides = array<i32>} : memref<80x128xf32, #tpu.memory_space<vmem>>, vector<1x16xf32>,
        %swap3A_200 = vector.shape_cast %swap3A_199 : vector<1x16xf32> to vector<16xf32>
        %swap3A_201 = vector.shape_cast %max3A_196 : vector<16xf32> to vector<1x16xf32>
        tpu.vector_store %arg10[%swap3A_197, %swap3A_198], %swap3A_201 {strides = array<i32>} : memref<80x128xf32, #tpu.memory_space<vmem>>, vector<1x16xf32>,
        %get3A_202 = arith.index_cast %add3A_85 : i32 to index
        %get3A_203 = arith.constant 112 : index
        %get3A_204 = tpu.vector_load %arg9[%get3A_202, %get3A_203] {strides = array<i32>} : memref<80x128xf32, #tpu.memory_space<vmem>>, vector<1x16xf32>,
        %get3A_205 = vector.shape_cast %get3A_204 : vector<1x16xf32> to vector<16xf32>
        %get3A_206 = arith.index_cast %add3A_85 : i32 to index
        %get3A_207 = arith.constant 112 : index
        %get3A_208 = tpu.vector_load %arg10[%get3A_206, %get3A_207] {strides = array<i32>} : memref<80x128xf32, #tpu.memory_space<vmem>>, vector<1x16xf32>,
        %get3A_209 = vector.shape_cast %get3A_208 : vector<1x16xf32> to vector<16xf32>
        %add3A_210 = arith.addf %get3A_205, %get3A_209 : vector<16xf32>
        %max3A_211 = arith.constant 0.000000e+00 : f32
        %max3A_212 = vector.broadcast %max3A_211 : f32 to vector<16xf32>
        %max3A_213 = arith.maximumf %add3A_210, %max3A_212 : vector<16xf32>
        %swap3A_214 = arith.index_cast %add3A_85 : i32 to index
        %swap3A_215 = arith.constant 112 : index
        %swap3A_216 = tpu.vector_load %arg10[%swap3A_214, %swap3A_215] {strides = array<i32>} : memref<80x128xf32, #tpu.memory_space<vmem>>, vector<1x16xf32>,
        %swap3A_217 = vector.shape_cast %swap3A_216 : vector<1x16xf32> to vector<16xf32>
        %swap3A_218 = vector.shape_cast %max3A_213 : vector<16xf32> to vector<1x16xf32>
        tpu.vector_store %arg10[%swap3A_214, %swap3A_215], %swap3A_218 {strides = array<i32>} : memref<80x128xf32, #tpu.memory_space<vmem>>, vector<1x16xf32>,
      }
      %scan3A_80 = arith.constant 80 : i32
      "tpu.region"() ({
        %run_scoped3A = tpu.sem_alloc : memref<!tpu.dma_semaphore, #tpu.memory_space<semaphore_mem>>
        %dma_start3A_81 = arith.constant 0 : i32
        %dma_start3A_82 = arith.constant 0 : i32
        %dma_start3A_83 = tpu.memref_slice %arg11[%dma_start3A_81, %dma_start3A_82] : memref<10000x128xf32, #tpu.memory_space<vmem_shared>> -> memref<10000x128xf32, #tpu.memory_space<vmem_shared>>
        tpu.enqueue_indirect_dma source(%arg10 : memref<80x128xf32, #tpu.memory_space<vmem>>) target(%dma_start3A_83 : memref<10000x128xf32, #tpu.memory_space<vmem_shared>>) offsets(%arg7 : memref<80xi32, #tpu.memory_space<vmem>>) semaphore(%run_scoped3A : memref<!tpu.dma_semaphore, #tpu.memory_space<semaphore_mem>>) {add = true}
        %dma_wait3A_84 = arith.constant 0 : i32
        %dma_wait3A_85 = arith.constant 0 : i32
        %dma_wait3A_86 = tpu.memref_slice %arg11[%dma_wait3A_84, %dma_wait3A_85] : memref<10000x128xf32, #tpu.memory_space<vmem_shared>> -> memref<10000x128xf32, #tpu.memory_space<vmem_shared>>
        tpu.wait_indirect_dma semaphore(%run_scoped3A : memref<!tpu.dma_semaphore, #tpu.memory_space<semaphore_mem>>) src(%arg10 : memref<80x128xf32, #tpu.memory_space<vmem>>) dst(%dma_wait3A_86 : memref<10000x128xf32, #tpu.memory_space<vmem_shared>>)
        tpu.yield
      }) : () -> ()
    }
    %scan3A_32 = arith.constant 125 : i32
    %barrier3A_33 = arith.constant 0 : index
    tpu.barrier barrier_id(%barrier3A_33)
    %add3A_34 = arith.constant 0 : i32
    %add3A_35 = arith.addi %multiple_of3A, %add3A_34 : i32
    "tpu.region"() ({
      %run_scoped3A = tpu.sem_alloc : memref<!tpu.dma_semaphore, #tpu.memory_space<semaphore_mem>>
      %dma_start3A = arith.constant 0 : i32
      %dma_start3A_57 = tpu.memref_slice %arg6[%arg0, %add3A_35, %dma_start3A] : memref<2x10000x128xf32, #tpu.memory_space<hbm>> -> memref<1x80x128xf32, #tpu.memory_space<hbm>>
      %dma_start3A_58 = tpu.memref_squeeze %dma_start3A_57 : memref<1x80x128xf32, #tpu.memory_space<hbm>> -> memref<80x128xf32, #tpu.memory_space<hbm>>
      %dma_start3A_59 = arith.constant 0 : i32
      %dma_start3A_60 = tpu.memref_slice %arg11[%add3A_35, %dma_start3A_59] : memref<10000x128xf32, #tpu.memory_space<vmem_shared>> -> memref<80x128xf32, #tpu.memory_space<vmem_shared>>
      tpu.enqueue_dma source(%dma_start3A_60 : memref<80x128xf32, #tpu.memory_space<vmem_shared>>) target(%dma_start3A_58 : memref<80x128xf32, #tpu.memory_space<hbm>>) target_semaphore(%run_scoped3A : memref<!tpu.dma_semaphore, #tpu.memory_space<semaphore_mem>>)
      %dma_wait3A = arith.constant 0 : i32
      %dma_wait3A_61 = tpu.memref_slice %arg6[%arg0, %add3A_35, %dma_wait3A] : memref<2x10000x128xf32, #tpu.memory_space<hbm>> -> memref<1x80x128xf32, #tpu.memory_space<hbm>>
      %dma_wait3A_62 = tpu.memref_squeeze %dma_wait3A_61 : memref<1x80x128xf32, #tpu.memory_space<hbm>> -> memref<80x128xf32, #tpu.memory_space<hbm>>
      %dma_wait3A_63 = arith.constant 0 : i32
      %dma_wait3A_64 = tpu.memref_slice %arg11[%add3A_35, %dma_wait3A_63] : memref<10000x128xf32, #tpu.memory_space<vmem_shared>> -> memref<80x128xf32, #tpu.memory_space<vmem_shared>>
      tpu.wait_dma2 semaphore(%run_scoped3A : memref<!tpu.dma_semaphore, #tpu.memory_space<semaphore_mem>>) src(%dma_wait3A_64 : memref<80x128xf32, #tpu.memory_space<vmem_shared>>) dst(%dma_wait3A_62 : memref<80x128xf32, #tpu.memory_space<hbm>>)
      tpu.yield
    }) : () -> ()
    %add3A_36 = arith.constant 80 : i32
    %add3A_37 = arith.addi %multiple_of3A, %add3A_36 : i32
    "tpu.region"() ({
      %run_scoped3A = tpu.sem_alloc : memref<!tpu.dma_semaphore, #tpu.memory_space<semaphore_mem>>
      %dma_start3A = arith.constant 0 : i32
      %dma_start3A_57 = tpu.memref_slice %arg6[%arg0, %add3A_37, %dma_start3A] : memref<2x10000x128xf32, #tpu.memory_space<hbm>> -> memref<1x80x128xf32, #tpu.memory_space<hbm>>
      %dma_start3A_58 = tpu.memref_squeeze %dma_start3A_57 : memref<1x80x128xf32, #tpu.memory_space<hbm>> -> memref<80x128xf32, #tpu.memory_space<hbm>>
      %dma_start3A_59 = arith.constant 0 : i32
      %dma_start3A_60 = tpu.memref_slice %arg11[%add3A_37, %dma_start3A_59] : memref<10000x128xf32, #tpu.memory_space<vmem_shared>> -> memref<80x128xf32, #tpu.memory_space<vmem_shared>>
      tpu.enqueue_dma source(%dma_start3A_60 : memref<80x128xf32, #tpu.memory_space<vmem_shared>>) target(%dma_start3A_58 : memref<80x128xf32, #tpu.memory_space<hbm>>) target_semaphore(%run_scoped3A : memref<!tpu.dma_semaphore, #tpu.memory_space<semaphore_mem>>)
      %dma_wait3A = arith.constant 0 : i32
      %dma_wait3A_61 = tpu.memref_slice %arg6[%arg0, %add3A_37, %dma_wait3A] : memref<2x10000x128xf32, #tpu.memory_space<hbm>> -> memref<1x80x128xf32, #tpu.memory_space<hbm>>
      %dma_wait3A_62 = tpu.memref_squeeze %dma_wait3A_61 : memref<1x80x128xf32, #tpu.memory_space<hbm>> -> memref<80x128xf32, #tpu.memory_space<hbm>>
      %dma_wait3A_63 = arith.constant 0 : i32
      %dma_wait3A_64 = tpu.memref_slice %arg11[%add3A_37, %dma_wait3A_63] : memref<10000x128xf32, #tpu.memory_space<vmem_shared>> -> memref<80x128xf32, #tpu.memory_space<vmem_shared>>
      tpu.wait_dma2 semaphore(%run_scoped3A : memref<!tpu.dma_semaphore, #tpu.memory_space<semaphore_mem>>) src(%dma_wait3A_64 : memref<80x128xf32, #tpu.memory_space<vmem_shared>>) dst(%dma_wait3A_62 : memref<80x128xf32, #tpu.memory_space<hbm>>)
      tpu.yield
    }) : () -> ()
    %add3A_38 = arith.constant 160 : i32
    %add3A_39 = arith.addi %multiple_of3A, %add3A_38 : i32
    "tpu.region"() ({
      %run_scoped3A = tpu.sem_alloc : memref<!tpu.dma_semaphore, #tpu.memory_space<semaphore_mem>>
      %dma_start3A = arith.constant 0 : i32
      %dma_start3A_57 = tpu.memref_slice %arg6[%arg0, %add3A_39, %dma_start3A] : memref<2x10000x128xf32, #tpu.memory_space<hbm>> -> memref<1x80x128xf32, #tpu.memory_space<hbm>>
      %dma_start3A_58 = tpu.memref_squeeze %dma_start3A_57 : memref<1x80x128xf32, #tpu.memory_space<hbm>> -> memref<80x128xf32, #tpu.memory_space<hbm>>
      %dma_start3A_59 = arith.constant 0 : i32
      %dma_start3A_60 = tpu.memref_slice %arg11[%add3A_39, %dma_start3A_59] : memref<10000x128xf32, #tpu.memory_space<vmem_shared>> -> memref<80x128xf32, #tpu.memory_space<vmem_shared>>
      tpu.enqueue_dma source(%dma_start3A_60 : memref<80x128xf32, #tpu.memory_space<vmem_shared>>) target(%dma_start3A_58 : memref<80x128xf32, #tpu.memory_space<hbm>>) target_semaphore(%run_scoped3A : memref<!tpu.dma_semaphore, #tpu.memory_space<semaphore_mem>>)
      %dma_wait3A = arith.constant 0 : i32
      %dma_wait3A_61 = tpu.memref_slice %arg6[%arg0, %add3A_39, %dma_wait3A] : memref<2x10000x128xf32, #tpu.memory_space<hbm>> -> memref<1x80x128xf32, #tpu.memory_space<hbm>>
      %dma_wait3A_62 = tpu.memref_squeeze %dma_wait3A_61 : memref<1x80x128xf32, #tpu.memory_space<hbm>> -> memref<80x128xf32, #tpu.memory_space<hbm>>
      %dma_wait3A_63 = arith.constant 0 : i32
      %dma_wait3A_64 = tpu.memref_slice %arg11[%add3A_39, %dma_wait3A_63] : memref<10000x128xf32, #tpu.memory_space<vmem_shared>> -> memref<80x128xf32, #tpu.memory_space<vmem_shared>>
      tpu.wait_dma2 semaphore(%run_scoped3A : memref<!tpu.dma_semaphore, #tpu.memory_space<semaphore_mem>>) src(%dma_wait3A_64 : memref<80x128xf32, #tpu.memory_space<vmem_shared>>) dst(%dma_wait3A_62 : memref<80x128xf32, #tpu.memory_space<hbm>>)
      tpu.yield
    }) : () -> ()
    %add3A_40 = arith.constant 240 : i32
    %add3A_41 = arith.addi %multiple_of3A, %add3A_40 : i32
    "tpu.region"() ({
      %run_scoped3A = tpu.sem_alloc : memref<!tpu.dma_semaphore, #tpu.memory_space<semaphore_mem>>
      %dma_start3A = arith.constant 0 : i32
      %dma_start3A_57 = tpu.memref_slice %arg6[%arg0, %add3A_41, %dma_start3A] : memref<2x10000x128xf32, #tpu.memory_space<hbm>> -> memref<1x80x128xf32, #tpu.memory_space<hbm>>
      %dma_start3A_58 = tpu.memref_squeeze %dma_start3A_57 : memref<1x80x128xf32, #tpu.memory_space<hbm>> -> memref<80x128xf32, #tpu.memory_space<hbm>>
      %dma_start3A_59 = arith.constant 0 : i32
      %dma_start3A_60 = tpu.memref_slice %arg11[%add3A_41, %dma_start3A_59] : memref<10000x128xf32, #tpu.memory_space<vmem_shared>> -> memref<80x128xf32, #tpu.memory_space<vmem_shared>>
      tpu.enqueue_dma source(%dma_start3A_60 : memref<80x128xf32, #tpu.memory_space<vmem_shared>>) target(%dma_start3A_58 : memref<80x128xf32, #tpu.memory_space<hbm>>) target_semaphore(%run_scoped3A : memref<!tpu.dma_semaphore, #tpu.memory_space<semaphore_mem>>)
      %dma_wait3A = arith.constant 0 : i32
      %dma_wait3A_61 = tpu.memref_slice %arg6[%arg0, %add3A_41, %dma_wait3A] : memref<2x10000x128xf32, #tpu.memory_space<hbm>> -> memref<1x80x128xf32, #tpu.memory_space<hbm>>
      %dma_wait3A_62 = tpu.memref_squeeze %dma_wait3A_61 : memref<1x80x128xf32, #tpu.memory_space<hbm>> -> memref<80x128xf32, #tpu.memory_space<hbm>>
      %dma_wait3A_63 = arith.constant 0 : i32
      %dma_wait3A_64 = tpu.memref_slice %arg11[%add3A_41, %dma_wait3A_63] : memref<10000x128xf32, #tpu.memory_space<vmem_shared>> -> memref<80x128xf32, #tpu.memory_space<vmem_shared>>
      tpu.wait_dma2 semaphore(%run_scoped3A : memref<!tpu.dma_semaphore, #tpu.memory_space<semaphore_mem>>) src(%dma_wait3A_64 : memref<80x128xf32, #tpu.memory_space<vmem_shared>>) dst(%dma_wait3A_62 : memref<80x128xf32, #tpu.memory_space<hbm>>)
      tpu.yield
    }) : () -> ()
    %add3A_42 = arith.constant 320 : i32
    %add3A_43 = arith.addi %multiple_of3A, %add3A_42 : i32
    "tpu.region"() ({
      %run_scoped3A = tpu.sem_alloc : memref<!tpu.dma_semaphore, #tpu.memory_space<semaphore_mem>>
      %dma_start3A = arith.constant 0 : i32
      %dma_start3A_57 = tpu.memref_slice %arg6[%arg0, %add3A_43, %dma_start3A] : memref<2x10000x128xf32, #tpu.memory_space<hbm>> -> memref<1x80x128xf32, #tpu.memory_space<hbm>>
      %dma_start3A_58 = tpu.memref_squeeze %dma_start3A_57 : memref<1x80x128xf32, #tpu.memory_space<hbm>> -> memref<80x128xf32, #tpu.memory_space<hbm>>
      %dma_start3A_59 = arith.constant 0 : i32
      %dma_start3A_60 = tpu.memref_slice %arg11[%add3A_43, %dma_start3A_59] : memref<10000x128xf32, #tpu.memory_space<vmem_shared>> -> memref<80x128xf32, #tpu.memory_space<vmem_shared>>
      tpu.enqueue_dma source(%dma_start3A_60 : memref<80x128xf32, #tpu.memory_space<vmem_shared>>) target(%dma_start3A_58 : memref<80x128xf32, #tpu.memory_space<hbm>>) target_semaphore(%run_scoped3A : memref<!tpu.dma_semaphore, #tpu.memory_space<semaphore_mem>>)
      %dma_wait3A = arith.constant 0 : i32
      %dma_wait3A_61 = tpu.memref_slice %arg6[%arg0, %add3A_43, %dma_wait3A] : memref<2x10000x128xf32, #tpu.memory_space<hbm>> -> memref<1x80x128xf32, #tpu.memory_space<hbm>>
      %dma_wait3A_62 = tpu.memref_squeeze %dma_wait3A_61 : memref<1x80x128xf32, #tpu.memory_space<hbm>> -> memref<80x128xf32, #tpu.memory_space<hbm>>
      %dma_wait3A_63 = arith.constant 0 : i32
      %dma_wait3A_64 = tpu.memref_slice %arg11[%add3A_43, %dma_wait3A_63] : memref<10000x128xf32, #tpu.memory_space<vmem_shared>> -> memref<80x128xf32, #tpu.memory_space<vmem_shared>>
      tpu.wait_dma2 semaphore(%run_scoped3A : memref<!tpu.dma_semaphore, #tpu.memory_space<semaphore_mem>>) src(%dma_wait3A_64 : memref<80x128xf32, #tpu.memory_space<vmem_shared>>) dst(%dma_wait3A_62 : memref<80x128xf32, #tpu.memory_space<hbm>>)
      tpu.yield
    }) : () -> ()
    %add3A_44 = arith.constant 400 : i32
    %add3A_45 = arith.addi %multiple_of3A, %add3A_44 : i32
    "tpu.region"() ({
      %run_scoped3A = tpu.sem_alloc : memref<!tpu.dma_semaphore, #tpu.memory_space<semaphore_mem>>
      %dma_start3A = arith.constant 0 : i32
      %dma_start3A_57 = tpu.memref_slice %arg6[%arg0, %add3A_45, %dma_start3A] : memref<2x10000x128xf32, #tpu.memory_space<hbm>> -> memref<1x80x128xf32, #tpu.memory_space<hbm>>
      %dma_start3A_58 = tpu.memref_squeeze %dma_start3A_57 : memref<1x80x128xf32, #tpu.memory_space<hbm>> -> memref<80x128xf32, #tpu.memory_space<hbm>>
      %dma_start3A_59 = arith.constant 0 : i32
      %dma_start3A_60 = tpu.memref_slice %arg11[%add3A_45, %dma_start3A_59] : memref<10000x128xf32, #tpu.memory_space<vmem_shared>> -> memref<80x128xf32, #tpu.memory_space<vmem_shared>>
      tpu.enqueue_dma source(%dma_start3A_60 : memref<80x128xf32, #tpu.memory_space<vmem_shared>>) target(%dma_start3A_58 : memref<80x128xf32, #tpu.memory_space<hbm>>) target_semaphore(%run_scoped3A : memref<!tpu.dma_semaphore, #tpu.memory_space<semaphore_mem>>)
      %dma_wait3A = arith.constant 0 : i32
      %dma_wait3A_61 = tpu.memref_slice %arg6[%arg0, %add3A_45, %dma_wait3A] : memref<2x10000x128xf32, #tpu.memory_space<hbm>> -> memref<1x80x128xf32, #tpu.memory_space<hbm>>
      %dma_wait3A_62 = tpu.memref_squeeze %dma_wait3A_61 : memref<1x80x128xf32, #tpu.memory_space<hbm>> -> memref<80x128xf32, #tpu.memory_space<hbm>>
      %dma_wait3A_63 = arith.constant 0 : i32
      %dma_wait3A_64 = tpu.memref_slice %arg11[%add3A_45, %dma_wait3A_63] : memref<10000x128xf32, #tpu.memory_space<vmem_shared>> -> memref<80x128xf32, #tpu.memory_space<vmem_shared>>
      tpu.wait_dma2 semaphore(%run_scoped3A : memref<!tpu.dma_semaphore, #tpu.memory_space<semaphore_mem>>) src(%dma_wait3A_64 : memref<80x128xf32, #tpu.memory_space<vmem_shared>>) dst(%dma_wait3A_62 : memref<80x128xf32, #tpu.memory_space<hbm>>)
      tpu.yield
    }) : () -> ()
    %add3A_46 = arith.constant 480 : i32
    %add3A_47 = arith.addi %multiple_of3A, %add3A_46 : i32
    "tpu.region"() ({
      %run_scoped3A = tpu.sem_alloc : memref<!tpu.dma_semaphore, #tpu.memory_space<semaphore_mem>>
      %dma_start3A = arith.constant 0 : i32
      %dma_start3A_57 = tpu.memref_slice %arg6[%arg0, %add3A_47, %dma_start3A] : memref<2x10000x128xf32, #tpu.memory_space<hbm>> -> memref<1x80x128xf32, #tpu.memory_space<hbm>>
      %dma_start3A_58 = tpu.memref_squeeze %dma_start3A_57 : memref<1x80x128xf32, #tpu.memory_space<hbm>> -> memref<80x128xf32, #tpu.memory_space<hbm>>
      %dma_start3A_59 = arith.constant 0 : i32
      %dma_start3A_60 = tpu.memref_slice %arg11[%add3A_47, %dma_start3A_59] : memref<10000x128xf32, #tpu.memory_space<vmem_shared>> -> memref<80x128xf32, #tpu.memory_space<vmem_shared>>
      tpu.enqueue_dma source(%dma_start3A_60 : memref<80x128xf32, #tpu.memory_space<vmem_shared>>) target(%dma_start3A_58 : memref<80x128xf32, #tpu.memory_space<hbm>>) target_semaphore(%run_scoped3A : memref<!tpu.dma_semaphore, #tpu.memory_space<semaphore_mem>>)
      %dma_wait3A = arith.constant 0 : i32
      %dma_wait3A_61 = tpu.memref_slice %arg6[%arg0, %add3A_47, %dma_wait3A] : memref<2x10000x128xf32, #tpu.memory_space<hbm>> -> memref<1x80x128xf32, #tpu.memory_space<hbm>>
      %dma_wait3A_62 = tpu.memref_squeeze %dma_wait3A_61 : memref<1x80x128xf32, #tpu.memory_space<hbm>> -> memref<80x128xf32, #tpu.memory_space<hbm>>
      %dma_wait3A_63 = arith.constant 0 : i32
      %dma_wait3A_64 = tpu.memref_slice %arg11[%add3A_47, %dma_wait3A_63] : memref<10000x128xf32, #tpu.memory_space<vmem_shared>> -> memref<80x128xf32, #tpu.memory_space<vmem_shared>>
      tpu.wait_dma2 semaphore(%run_scoped3A : memref<!tpu.dma_semaphore, #tpu.memory_space<semaphore_mem>>) src(%dma_wait3A_64 : memref<80x128xf32, #tpu.memory_space<vmem_shared>>) dst(%dma_wait3A_62 : memref<80x128xf32, #tpu.memory_space<hbm>>)
      tpu.yield
    }) : () -> ()
    %add3A_48 = arith.constant 624 : i32
    %add3A_49 = arith.addi %multiple_of3A, %add3A_48 : i32
    %sub3A_50 = arith.constant 64 : i32
    %sub3A_51 = arith.subi %add3A_49, %sub3A_50 : i32
    "tpu.region"() ({
      %run_scoped3A = tpu.sem_alloc : memref<!tpu.dma_semaphore, #tpu.memory_space<semaphore_mem>>
      %dma_start3A = arith.constant 0 : i32
      %dma_start3A_57 = tpu.memref_slice %arg6[%arg0, %sub3A_51, %dma_start3A] : memref<2x10000x128xf32, #tpu.memory_space<hbm>> -> memref<1x64x128xf32, #tpu.memory_space<hbm>>
      %dma_start3A_58 = tpu.memref_squeeze %dma_start3A_57 : memref<1x64x128xf32, #tpu.memory_space<hbm>> -> memref<64x128xf32, #tpu.memory_space<hbm>>
      %dma_start3A_59 = arith.constant 0 : i32
      %dma_start3A_60 = tpu.memref_slice %arg11[%sub3A_51, %dma_start3A_59] : memref<10000x128xf32, #tpu.memory_space<vmem_shared>> -> memref<64x128xf32, #tpu.memory_space<vmem_shared>>
      tpu.enqueue_dma source(%dma_start3A_60 : memref<64x128xf32, #tpu.memory_space<vmem_shared>>) target(%dma_start3A_58 : memref<64x128xf32, #tpu.memory_space<hbm>>) target_semaphore(%run_scoped3A : memref<!tpu.dma_semaphore, #tpu.memory_space<semaphore_mem>>)
      %dma_wait3A = arith.constant 0 : i32
      %dma_wait3A_61 = tpu.memref_slice %arg6[%arg0, %sub3A_51, %dma_wait3A] : memref<2x10000x128xf32, #tpu.memory_space<hbm>> -> memref<1x64x128xf32, #tpu.memory_space<hbm>>
      %dma_wait3A_62 = tpu.memref_squeeze %dma_wait3A_61 : memref<1x64x128xf32, #tpu.memory_space<hbm>> -> memref<64x128xf32, #tpu.memory_space<hbm>>
      %dma_wait3A_63 = arith.constant 0 : i32
      %dma_wait3A_64 = tpu.memref_slice %arg11[%sub3A_51, %dma_wait3A_63] : memref<10000x128xf32, #tpu.memory_space<vmem_shared>> -> memref<64x128xf32, #tpu.memory_space<vmem_shared>>
      tpu.wait_dma2 semaphore(%run_scoped3A : memref<!tpu.dma_semaphore, #tpu.memory_space<semaphore_mem>>) src(%dma_wait3A_64 : memref<64x128xf32, #tpu.memory_space<vmem_shared>>) dst(%dma_wait3A_62 : memref<64x128xf32, #tpu.memory_space<hbm>>)
      tpu.yield
    }) : () -> ()
    %eq3A_52 = arith.constant 15 : i32
    %eq3A_53 = arith.cmpi eq, %arg1, %eq3A_52 : i32
    %convert_element_type3A_54 = arith.extui %eq3A_53 : i1 to i32
    %cond3A_55 = arith.constant 0 : i32
    %cond3A_56 = arith.cmpi ne, %convert_element_type3A_54, %cond3A_55 : i32
    scf.if %cond3A_56 {
      %multiple_of3A_57 = arith.constant 9984 : i32
      %multiple_of3A_58 = tpu.assume_multiple %multiple_of3A_57, 8 : i32
      "tpu.region"() ({
        %run_scoped3A = tpu.sem_alloc : memref<!tpu.dma_semaphore, #tpu.memory_space<semaphore_mem>>
        %dma_start3A = arith.constant 0 : i32
        %dma_start3A_59 = tpu.memref_slice %arg6[%arg0, %multiple_of3A_58, %dma_start3A] : memref<2x10000x128xf32, #tpu.memory_space<hbm>> -> memref<1x16x128xf32, #tpu.memory_space<hbm>>
        %dma_start3A_60 = tpu.memref_squeeze %dma_start3A_59 : memref<1x16x128xf32, #tpu.memory_space<hbm>> -> memref<16x128xf32, #tpu.memory_space<hbm>>
        %dma_start3A_61 = arith.constant 0 : i32
        %dma_start3A_62 = tpu.memref_slice %arg11[%multiple_of3A_58, %dma_start3A_61] : memref<10000x128xf32, #tpu.memory_space<vmem_shared>> -> memref<16x128xf32, #tpu.memory_space<vmem_shared>>
        tpu.enqueue_dma source(%dma_start3A_62 : memref<16x128xf32, #tpu.memory_space<vmem_shared>>) target(%dma_start3A_60 : memref<16x128xf32, #tpu.memory_space<hbm>>) target_semaphore(%run_scoped3A : memref<!tpu.dma_semaphore, #tpu.memory_space<semaphore_mem>>)
        %dma_wait3A = arith.constant 0 : i32
        %dma_wait3A_63 = tpu.memref_slice %arg6[%arg0, %multiple_of3A_58, %dma_wait3A] : memref<2x10000x128xf32, #tpu.memory_space<hbm>> -> memref<1x16x128xf32, #tpu.memory_space<hbm>>
        %dma_wait3A_64 = tpu.memref_squeeze %dma_wait3A_63 : memref<1x16x128xf32, #tpu.memory_space<hbm>> -> memref<16x128xf32, #tpu.memory_space<hbm>>
        %dma_wait3A_65 = arith.constant 0 : i32
        %dma_wait3A_66 = tpu.memref_slice %arg11[%multiple_of3A_58, %dma_wait3A_65] : memref<10000x128xf32, #tpu.memory_space<vmem_shared>> -> memref<16x128xf32, #tpu.memory_space<vmem_shared>>
        tpu.wait_dma2 semaphore(%run_scoped3A : memref<!tpu.dma_semaphore, #tpu.memory_space<semaphore_mem>>) src(%dma_wait3A_66 : memref<16x128xf32, #tpu.memory_space<vmem_shared>>) dst(%dma_wait3A_64 : memref<16x128xf32, #tpu.memory_space<hbm>>)
        tpu.yield
      }) : () -> ()
    } else {
    }
    return
  }
}

#map = affine_map<(d0, d1) -> (0, 0)>
#map1 = affine_map<(d0, d1) -> (0)>
#map2 = affine_map<(d0, d1) -> (0, 0, 0)>
module attributes {stable_mosaic.version = 14 : i64} {
  func.func @_edge_pass(%arg0: i32, %arg1: i32, %arg2: memref<10000x128xf32, #tpu.memory_space<hbm>>, %arg3: memref<10000x128xf32, #tpu.memory_space<hbm>>, %arg4: memref<320000xi32, #tpu.memory_space<hbm>>, %arg5: memref<320000xi32, #tpu.memory_space<hbm>>, %arg6: memref<2x10000x128xf32, #tpu.memory_space<hbm>>, %arg7: memref<80xi32, #tpu.memory_space<vmem>>, %arg8: memref<80xi32, #tpu.memory_space<vmem>>, %arg9: memref<80x128xf32, #tpu.memory_space<vmem>>, %arg10: memref<80x128xf32, #tpu.memory_space<vmem>>, %arg11: memref<10000x128xf32, #tpu.memory_space<vmem_shared>>, %arg12: memref<!tpu.dma_semaphore, #tpu.memory_space<semaphore_mem>>, %arg13: memref<!tpu.dma_semaphore, #tpu.memory_space<semaphore_mem>>) attributes {dimension_semantics = [#tpu.dimension_semantics<core_parallel>, #tpu.dimension_semantics<subcore_parallel>], iteration_bounds = array<i64: 2, 16>, scalar_prefetch = 0 : i64, scratch_operands = 7 : i64, tpu.core_type = #tpu.core_type<sc_vector_subcore>, window_params = [{transform_indices = #map}, {transform_indices = #map}, {transform_indices = #map1}, {transform_indices = #map1}, {transform_indices = #map2}]} {
    %scan3A = arith.constant 0 : i32
    %scan3A_0 = arith.constant 80 : i32
    %scan3A_1 = arith.addi %scan3A, %scan3A_0 : i32
    %scan3A_2 = arith.constant 1 : i32
    scf.for %scan3A_57 = %scan3A to %scan3A_1 step %scan3A_2  : i32 {
      %mul3A_58 = arith.constant 1 : i32
      %mul3A_59 = arith.muli %scan3A_57, %mul3A_58 : i32
      %add3A_60 = arith.constant 0 : i32
      %add3A_61 = arith.addi %add3A_60, %mul3A_59 : i32
      %broadcast_in_dim3A = arith.constant 0.000000e+00 : f32
      %broadcast_in_dim3A_62 = vector.broadcast %broadcast_in_dim3A : f32 to vector<16xf32>
      %swap3A = arith.index_cast %add3A_61 : i32 to index
      %swap3A_63 = arith.constant 0 : index
      %swap3A_64 = tpu.vector_load %arg9[%swap3A, %swap3A_63] {strides = array<i32>} : memref<80x128xf32, #tpu.memory_space<vmem>>, vector<1x16xf32>,
      %swap3A_65 = vector.shape_cast %swap3A_64 : vector<1x16xf32> to vector<16xf32>
      %swap3A_66 = vector.shape_cast %broadcast_in_dim3A_62 : vector<16xf32> to vector<1x16xf32>
      tpu.vector_store %arg9[%swap3A, %swap3A_63], %swap3A_66 {strides = array<i32>} : memref<80x128xf32, #tpu.memory_space<vmem>>, vector<1x16xf32>,
      %broadcast_in_dim3A_67 = arith.constant 0.000000e+00 : f32
      %broadcast_in_dim3A_68 = vector.broadcast %broadcast_in_dim3A_67 : f32 to vector<16xf32>
      %swap3A_69 = arith.index_cast %add3A_61 : i32 to index
      %swap3A_70 = arith.constant 16 : index
      %swap3A_71 = tpu.vector_load %arg9[%swap3A_69, %swap3A_70] {strides = array<i32>} : memref<80x128xf32, #tpu.memory_space<vmem>>, vector<1x16xf32>,
      %swap3A_72 = vector.shape_cast %swap3A_71 : vector<1x16xf32> to vector<16xf32>
      %swap3A_73 = vector.shape_cast %broadcast_in_dim3A_68 : vector<16xf32> to vector<1x16xf32>
      tpu.vector_store %arg9[%swap3A_69, %swap3A_70], %swap3A_73 {strides = array<i32>} : memref<80x128xf32, #tpu.memory_space<vmem>>, vector<1x16xf32>,
      %broadcast_in_dim3A_74 = arith.constant 0.000000e+00 : f32
      %broadcast_in_dim3A_75 = vector.broadcast %broadcast_in_dim3A_74 : f32 to vector<16xf32>
      %swap3A_76 = arith.index_cast %add3A_61 : i32 to index
      %swap3A_77 = arith.constant 32 : index
      %swap3A_78 = tpu.vector_load %arg9[%swap3A_76, %swap3A_77] {strides = array<i32>} : memref<80x128xf32, #tpu.memory_space<vmem>>, vector<1x16xf32>,
      %swap3A_79 = vector.shape_cast %swap3A_78 : vector<1x16xf32> to vector<16xf32>
      %swap3A_80 = vector.shape_cast %broadcast_in_dim3A_75 : vector<16xf32> to vector<1x16xf32>
      tpu.vector_store %arg9[%swap3A_76, %swap3A_77], %swap3A_80 {strides = array<i32>} : memref<80x128xf32, #tpu.memory_space<vmem>>, vector<1x16xf32>,
      %broadcast_in_dim3A_81 = arith.constant 0.000000e+00 : f32
      %broadcast_in_dim3A_82 = vector.broadcast %broadcast_in_dim3A_81 : f32 to vector<16xf32>
      %swap3A_83 = arith.index_cast %add3A_61 : i32 to index
      %swap3A_84 = arith.constant 48 : index
      %swap3A_85 = tpu.vector_load %arg9[%swap3A_83, %swap3A_84] {strides = array<i32>} : memref<80x128xf32, #tpu.memory_space<vmem>>, vector<1x16xf32>,
      %swap3A_86 = vector.shape_cast %swap3A_85 : vector<1x16xf32> to vector<16xf32>
      %swap3A_87 = vector.shape_cast %broadcast_in_dim3A_82 : vector<16xf32> to vector<1x16xf32>
      tpu.vector_store %arg9[%swap3A_83, %swap3A_84], %swap3A_87 {strides = array<i32>} : memref<80x128xf32, #tpu.memory_space<vmem>>, vector<1x16xf32>,
      %broadcast_in_dim3A_88 = arith.constant 0.000000e+00 : f32
      %broadcast_in_dim3A_89 = vector.broadcast %broadcast_in_dim3A_88 : f32 to vector<16xf32>
      %swap3A_90 = arith.index_cast %add3A_61 : i32 to index
      %swap3A_91 = arith.constant 64 : index
      %swap3A_92 = tpu.vector_load %arg9[%swap3A_90, %swap3A_91] {strides = array<i32>} : memref<80x128xf32, #tpu.memory_space<vmem>>, vector<1x16xf32>,
      %swap3A_93 = vector.shape_cast %swap3A_92 : vector<1x16xf32> to vector<16xf32>
      %swap3A_94 = vector.shape_cast %broadcast_in_dim3A_89 : vector<16xf32> to vector<1x16xf32>
      tpu.vector_store %arg9[%swap3A_90, %swap3A_91], %swap3A_94 {strides = array<i32>} : memref<80x128xf32, #tpu.memory_space<vmem>>, vector<1x16xf32>,
      %broadcast_in_dim3A_95 = arith.constant 0.000000e+00 : f32
      %broadcast_in_dim3A_96 = vector.broadcast %broadcast_in_dim3A_95 : f32 to vector<16xf32>
      %swap3A_97 = arith.index_cast %add3A_61 : i32 to index
      %swap3A_98 = arith.constant 80 : index
      %swap3A_99 = tpu.vector_load %arg9[%swap3A_97, %swap3A_98] {strides = array<i32>} : memref<80x128xf32, #tpu.memory_space<vmem>>, vector<1x16xf32>,
      %swap3A_100 = vector.shape_cast %swap3A_99 : vector<1x16xf32> to vector<16xf32>
      %swap3A_101 = vector.shape_cast %broadcast_in_dim3A_96 : vector<16xf32> to vector<1x16xf32>
      tpu.vector_store %arg9[%swap3A_97, %swap3A_98], %swap3A_101 {strides = array<i32>} : memref<80x128xf32, #tpu.memory_space<vmem>>, vector<1x16xf32>,
      %broadcast_in_dim3A_102 = arith.constant 0.000000e+00 : f32
      %broadcast_in_dim3A_103 = vector.broadcast %broadcast_in_dim3A_102 : f32 to vector<16xf32>
      %swap3A_104 = arith.index_cast %add3A_61 : i32 to index
      %swap3A_105 = arith.constant 96 : index
      %swap3A_106 = tpu.vector_load %arg9[%swap3A_104, %swap3A_105] {strides = array<i32>} : memref<80x128xf32, #tpu.memory_space<vmem>>, vector<1x16xf32>,
      %swap3A_107 = vector.shape_cast %swap3A_106 : vector<1x16xf32> to vector<16xf32>
      %swap3A_108 = vector.shape_cast %broadcast_in_dim3A_103 : vector<16xf32> to vector<1x16xf32>
      tpu.vector_store %arg9[%swap3A_104, %swap3A_105], %swap3A_108 {strides = array<i32>} : memref<80x128xf32, #tpu.memory_space<vmem>>, vector<1x16xf32>,
      %broadcast_in_dim3A_109 = arith.constant 0.000000e+00 : f32
      %broadcast_in_dim3A_110 = vector.broadcast %broadcast_in_dim3A_109 : f32 to vector<16xf32>
      %swap3A_111 = arith.index_cast %add3A_61 : i32 to index
      %swap3A_112 = arith.constant 112 : index
      %swap3A_113 = tpu.vector_load %arg9[%swap3A_111, %swap3A_112] {strides = array<i32>} : memref<80x128xf32, #tpu.memory_space<vmem>>, vector<1x16xf32>,
      %swap3A_114 = vector.shape_cast %swap3A_113 : vector<1x16xf32> to vector<16xf32>
      %swap3A_115 = vector.shape_cast %broadcast_in_dim3A_110 : vector<16xf32> to vector<1x16xf32>
      tpu.vector_store %arg9[%swap3A_111, %swap3A_112], %swap3A_115 {strides = array<i32>} : memref<80x128xf32, #tpu.memory_space<vmem>>, vector<1x16xf32>,
    }
    %scan3A_3 = arith.constant 80 : i32
    %mul3A = arith.constant 624 : i32
    %mul3A_4 = arith.muli %arg1, %mul3A : i32
    %multiple_of3A = tpu.assume_multiple %mul3A_4, 8 : i32
    %add3A = arith.constant 0 : i32
    %add3A_5 = arith.addi %multiple_of3A, %add3A : i32
    "tpu.region"() ({
      %run_scoped3A = tpu.sem_alloc : memref<!tpu.dma_semaphore, #tpu.memory_space<semaphore_mem>>
      %dma_start3A = arith.constant 0 : i32
      %dma_start3A_57 = arith.constant 0 : i32
      %dma_start3A_58 = tpu.memref_slice %arg9[%dma_start3A, %dma_start3A_57] : memref<80x128xf32, #tpu.memory_space<vmem>> -> memref<80x128xf32, #tpu.memory_space<vmem>>
      %dma_start3A_59 = arith.constant 0 : i32
      %dma_start3A_60 = tpu.memref_slice %arg11[%add3A_5, %dma_start3A_59] : memref<10000x128xf32, #tpu.memory_space<vmem_shared>> -> memref<80x128xf32, #tpu.memory_space<vmem_shared>>
      %dma_start3A_61 = arith.constant 0 : i32
      %dma_start3A_62 = tpu.memref_slice %arg11[%add3A_5, %dma_start3A_61] : memref<10000x128xf32, #tpu.memory_space<vmem_shared>> -> memref<80x128xf32, #tpu.memory_space<vmem_shared>>
      %dma_start3A_63 = arith.constant 0 : i32
      %dma_start3A_64 = arith.constant 0 : i32
      %dma_start3A_65 = tpu.memref_slice %arg9[%dma_start3A_63, %dma_start3A_64] : memref<80x128xf32, #tpu.memory_space<vmem>> -> memref<80x128xf32, #tpu.memory_space<vmem>>
      tpu.enqueue_dma source(%dma_start3A_65 : memref<80x128xf32, #tpu.memory_space<vmem>>) target(%dma_start3A_62 : memref<80x128xf32, #tpu.memory_space<vmem_shared>>) target_semaphore(%run_scoped3A : memref<!tpu.dma_semaphore, #tpu.memory_space<semaphore_mem>>)
      %dma_wait3A = arith.constant 0 : i32
      %dma_wait3A_66 = arith.constant 0 : i32
      %dma_wait3A_67 = tpu.memref_slice %arg9[%dma_wait3A, %dma_wait3A_66] : memref<80x128xf32, #tpu.memory_space<vmem>> -> memref<80x128xf32, #tpu.memory_space<vmem>>
      %dma_wait3A_68 = arith.constant 0 : i32
      %dma_wait3A_69 = tpu.memref_slice %arg11[%add3A_5, %dma_wait3A_68] : memref<10000x128xf32, #tpu.memory_space<vmem_shared>> -> memref<80x128xf32, #tpu.memory_space<vmem_shared>>
      %dma_wait3A_70 = arith.constant 0 : i32
      %dma_wait3A_71 = tpu.memref_slice %arg11[%add3A_5, %dma_wait3A_70] : memref<10000x128xf32, #tpu.memory_space<vmem_shared>> -> memref<80x128xf32, #tpu.memory_space<vmem_shared>>
      %dma_wait3A_72 = arith.constant 0 : i32
      %dma_wait3A_73 = arith.constant 0 : i32
      %dma_wait3A_74 = tpu.memref_slice %arg9[%dma_wait3A_72, %dma_wait3A_73] : memref<80x128xf32, #tpu.memory_space<vmem>> -> memref<80x128xf32, #tpu.memory_space<vmem>>
      tpu.wait_dma2 semaphore(%run_scoped3A : memref<!tpu.dma_semaphore, #tpu.memory_space<semaphore_mem>>) src(%dma_wait3A_74 : memref<80x128xf32, #tpu.memory_space<vmem>>) dst(%dma_wait3A_71 : memref<80x128xf32, #tpu.memory_space<vmem_shared>>)
      tpu.yield
    }) : () -> ()
    %add3A_6 = arith.constant 80 : i32
    %add3A_7 = arith.addi %multiple_of3A, %add3A_6 : i32
    "tpu.region"() ({
      %run_scoped3A = tpu.sem_alloc : memref<!tpu.dma_semaphore, #tpu.memory_space<semaphore_mem>>
      %dma_start3A = arith.constant 0 : i32
      %dma_start3A_57 = arith.constant 0 : i32
      %dma_start3A_58 = tpu.memref_slice %arg9[%dma_start3A, %dma_start3A_57] : memref<80x128xf32, #tpu.memory_space<vmem>> -> memref<80x128xf32, #tpu.memory_space<vmem>>
      %dma_start3A_59 = arith.constant 0 : i32
      %dma_start3A_60 = tpu.memref_slice %arg11[%add3A_7, %dma_start3A_59] : memref<10000x128xf32, #tpu.memory_space<vmem_shared>> -> memref<80x128xf32, #tpu.memory_space<vmem_shared>>
      %dma_start3A_61 = arith.constant 0 : i32
      %dma_start3A_62 = tpu.memref_slice %arg11[%add3A_7, %dma_start3A_61] : memref<10000x128xf32, #tpu.memory_space<vmem_shared>> -> memref<80x128xf32, #tpu.memory_space<vmem_shared>>
      %dma_start3A_63 = arith.constant 0 : i32
      %dma_start3A_64 = arith.constant 0 : i32
      %dma_start3A_65 = tpu.memref_slice %arg9[%dma_start3A_63, %dma_start3A_64] : memref<80x128xf32, #tpu.memory_space<vmem>> -> memref<80x128xf32, #tpu.memory_space<vmem>>
      tpu.enqueue_dma source(%dma_start3A_65 : memref<80x128xf32, #tpu.memory_space<vmem>>) target(%dma_start3A_62 : memref<80x128xf32, #tpu.memory_space<vmem_shared>>) target_semaphore(%run_scoped3A : memref<!tpu.dma_semaphore, #tpu.memory_space<semaphore_mem>>)
      %dma_wait3A = arith.constant 0 : i32
      %dma_wait3A_66 = arith.constant 0 : i32
      %dma_wait3A_67 = tpu.memref_slice %arg9[%dma_wait3A, %dma_wait3A_66] : memref<80x128xf32, #tpu.memory_space<vmem>> -> memref<80x128xf32, #tpu.memory_space<vmem>>
      %dma_wait3A_68 = arith.constant 0 : i32
      %dma_wait3A_69 = tpu.memref_slice %arg11[%add3A_7, %dma_wait3A_68] : memref<10000x128xf32, #tpu.memory_space<vmem_shared>> -> memref<80x128xf32, #tpu.memory_space<vmem_shared>>
      %dma_wait3A_70 = arith.constant 0 : i32
      %dma_wait3A_71 = tpu.memref_slice %arg11[%add3A_7, %dma_wait3A_70] : memref<10000x128xf32, #tpu.memory_space<vmem_shared>> -> memref<80x128xf32, #tpu.memory_space<vmem_shared>>
      %dma_wait3A_72 = arith.constant 0 : i32
      %dma_wait3A_73 = arith.constant 0 : i32
      %dma_wait3A_74 = tpu.memref_slice %arg9[%dma_wait3A_72, %dma_wait3A_73] : memref<80x128xf32, #tpu.memory_space<vmem>> -> memref<80x128xf32, #tpu.memory_space<vmem>>
      tpu.wait_dma2 semaphore(%run_scoped3A : memref<!tpu.dma_semaphore, #tpu.memory_space<semaphore_mem>>) src(%dma_wait3A_74 : memref<80x128xf32, #tpu.memory_space<vmem>>) dst(%dma_wait3A_71 : memref<80x128xf32, #tpu.memory_space<vmem_shared>>)
      tpu.yield
    }) : () -> ()
    %add3A_8 = arith.constant 160 : i32
    %add3A_9 = arith.addi %multiple_of3A, %add3A_8 : i32
    "tpu.region"() ({
      %run_scoped3A = tpu.sem_alloc : memref<!tpu.dma_semaphore, #tpu.memory_space<semaphore_mem>>
      %dma_start3A = arith.constant 0 : i32
      %dma_start3A_57 = arith.constant 0 : i32
      %dma_start3A_58 = tpu.memref_slice %arg9[%dma_start3A, %dma_start3A_57] : memref<80x128xf32, #tpu.memory_space<vmem>> -> memref<80x128xf32, #tpu.memory_space<vmem>>
      %dma_start3A_59 = arith.constant 0 : i32
      %dma_start3A_60 = tpu.memref_slice %arg11[%add3A_9, %dma_start3A_59] : memref<10000x128xf32, #tpu.memory_space<vmem_shared>> -> memref<80x128xf32, #tpu.memory_space<vmem_shared>>
      %dma_start3A_61 = arith.constant 0 : i32
      %dma_start3A_62 = tpu.memref_slice %arg11[%add3A_9, %dma_start3A_61] : memref<10000x128xf32, #tpu.memory_space<vmem_shared>> -> memref<80x128xf32, #tpu.memory_space<vmem_shared>>
      %dma_start3A_63 = arith.constant 0 : i32
      %dma_start3A_64 = arith.constant 0 : i32
      %dma_start3A_65 = tpu.memref_slice %arg9[%dma_start3A_63, %dma_start3A_64] : memref<80x128xf32, #tpu.memory_space<vmem>> -> memref<80x128xf32, #tpu.memory_space<vmem>>
      tpu.enqueue_dma source(%dma_start3A_65 : memref<80x128xf32, #tpu.memory_space<vmem>>) target(%dma_start3A_62 : memref<80x128xf32, #tpu.memory_space<vmem_shared>>) target_semaphore(%run_scoped3A : memref<!tpu.dma_semaphore, #tpu.memory_space<semaphore_mem>>)
      %dma_wait3A = arith.constant 0 : i32
      %dma_wait3A_66 = arith.constant 0 : i32
      %dma_wait3A_67 = tpu.memref_slice %arg9[%dma_wait3A, %dma_wait3A_66] : memref<80x128xf32, #tpu.memory_space<vmem>> -> memref<80x128xf32, #tpu.memory_space<vmem>>
      %dma_wait3A_68 = arith.constant 0 : i32
      %dma_wait3A_69 = tpu.memref_slice %arg11[%add3A_9, %dma_wait3A_68] : memref<10000x128xf32, #tpu.memory_space<vmem_shared>> -> memref<80x128xf32, #tpu.memory_space<vmem_shared>>
      %dma_wait3A_70 = arith.constant 0 : i32
      %dma_wait3A_71 = tpu.memref_slice %arg11[%add3A_9, %dma_wait3A_70] : memref<10000x128xf32, #tpu.memory_space<vmem_shared>> -> memref<80x128xf32, #tpu.memory_space<vmem_shared>>
      %dma_wait3A_72 = arith.constant 0 : i32
      %dma_wait3A_73 = arith.constant 0 : i32
      %dma_wait3A_74 = tpu.memref_slice %arg9[%dma_wait3A_72, %dma_wait3A_73] : memref<80x128xf32, #tpu.memory_space<vmem>> -> memref<80x128xf32, #tpu.memory_space<vmem>>
      tpu.wait_dma2 semaphore(%run_scoped3A : memref<!tpu.dma_semaphore, #tpu.memory_space<semaphore_mem>>) src(%dma_wait3A_74 : memref<80x128xf32, #tpu.memory_space<vmem>>) dst(%dma_wait3A_71 : memref<80x128xf32, #tpu.memory_space<vmem_shared>>)
      tpu.yield
    }) : () -> ()
    %add3A_10 = arith.constant 240 : i32
    %add3A_11 = arith.addi %multiple_of3A, %add3A_10 : i32
    "tpu.region"() ({
      %run_scoped3A = tpu.sem_alloc : memref<!tpu.dma_semaphore, #tpu.memory_space<semaphore_mem>>
      %dma_start3A = arith.constant 0 : i32
      %dma_start3A_57 = arith.constant 0 : i32
      %dma_start3A_58 = tpu.memref_slice %arg9[%dma_start3A, %dma_start3A_57] : memref<80x128xf32, #tpu.memory_space<vmem>> -> memref<80x128xf32, #tpu.memory_space<vmem>>
      %dma_start3A_59 = arith.constant 0 : i32
      %dma_start3A_60 = tpu.memref_slice %arg11[%add3A_11, %dma_start3A_59] : memref<10000x128xf32, #tpu.memory_space<vmem_shared>> -> memref<80x128xf32, #tpu.memory_space<vmem_shared>>
      %dma_start3A_61 = arith.constant 0 : i32
      %dma_start3A_62 = tpu.memref_slice %arg11[%add3A_11, %dma_start3A_61] : memref<10000x128xf32, #tpu.memory_space<vmem_shared>> -> memref<80x128xf32, #tpu.memory_space<vmem_shared>>
      %dma_start3A_63 = arith.constant 0 : i32
      %dma_start3A_64 = arith.constant 0 : i32
      %dma_start3A_65 = tpu.memref_slice %arg9[%dma_start3A_63, %dma_start3A_64] : memref<80x128xf32, #tpu.memory_space<vmem>> -> memref<80x128xf32, #tpu.memory_space<vmem>>
      tpu.enqueue_dma source(%dma_start3A_65 : memref<80x128xf32, #tpu.memory_space<vmem>>) target(%dma_start3A_62 : memref<80x128xf32, #tpu.memory_space<vmem_shared>>) target_semaphore(%run_scoped3A : memref<!tpu.dma_semaphore, #tpu.memory_space<semaphore_mem>>)
      %dma_wait3A = arith.constant 0 : i32
      %dma_wait3A_66 = arith.constant 0 : i32
      %dma_wait3A_67 = tpu.memref_slice %arg9[%dma_wait3A, %dma_wait3A_66] : memref<80x128xf32, #tpu.memory_space<vmem>> -> memref<80x128xf32, #tpu.memory_space<vmem>>
      %dma_wait3A_68 = arith.constant 0 : i32
      %dma_wait3A_69 = tpu.memref_slice %arg11[%add3A_11, %dma_wait3A_68] : memref<10000x128xf32, #tpu.memory_space<vmem_shared>> -> memref<80x128xf32, #tpu.memory_space<vmem_shared>>
      %dma_wait3A_70 = arith.constant 0 : i32
      %dma_wait3A_71 = tpu.memref_slice %arg11[%add3A_11, %dma_wait3A_70] : memref<10000x128xf32, #tpu.memory_space<vmem_shared>> -> memref<80x128xf32, #tpu.memory_space<vmem_shared>>
      %dma_wait3A_72 = arith.constant 0 : i32
      %dma_wait3A_73 = arith.constant 0 : i32
      %dma_wait3A_74 = tpu.memref_slice %arg9[%dma_wait3A_72, %dma_wait3A_73] : memref<80x128xf32, #tpu.memory_space<vmem>> -> memref<80x128xf32, #tpu.memory_space<vmem>>
      tpu.wait_dma2 semaphore(%run_scoped3A : memref<!tpu.dma_semaphore, #tpu.memory_space<semaphore_mem>>) src(%dma_wait3A_74 : memref<80x128xf32, #tpu.memory_space<vmem>>) dst(%dma_wait3A_71 : memref<80x128xf32, #tpu.memory_space<vmem_shared>>)
      tpu.yield
    }) : () -> ()
    %add3A_12 = arith.constant 320 : i32
    %add3A_13 = arith.addi %multiple_of3A, %add3A_12 : i32
    "tpu.region"() ({
      %run_scoped3A = tpu.sem_alloc : memref<!tpu.dma_semaphore, #tpu.memory_space<semaphore_mem>>
      %dma_start3A = arith.constant 0 : i32
      %dma_start3A_57 = arith.constant 0 : i32
      %dma_start3A_58 = tpu.memref_slice %arg9[%dma_start3A, %dma_start3A_57] : memref<80x128xf32, #tpu.memory_space<vmem>> -> memref<80x128xf32, #tpu.memory_space<vmem>>
      %dma_start3A_59 = arith.constant 0 : i32
      %dma_start3A_60 = tpu.memref_slice %arg11[%add3A_13, %dma_start3A_59] : memref<10000x128xf32, #tpu.memory_space<vmem_shared>> -> memref<80x128xf32, #tpu.memory_space<vmem_shared>>
      %dma_start3A_61 = arith.constant 0 : i32
      %dma_start3A_62 = tpu.memref_slice %arg11[%add3A_13, %dma_start3A_61] : memref<10000x128xf32, #tpu.memory_space<vmem_shared>> -> memref<80x128xf32, #tpu.memory_space<vmem_shared>>
      %dma_start3A_63 = arith.constant 0 : i32
      %dma_start3A_64 = arith.constant 0 : i32
      %dma_start3A_65 = tpu.memref_slice %arg9[%dma_start3A_63, %dma_start3A_64] : memref<80x128xf32, #tpu.memory_space<vmem>> -> memref<80x128xf32, #tpu.memory_space<vmem>>
      tpu.enqueue_dma source(%dma_start3A_65 : memref<80x128xf32, #tpu.memory_space<vmem>>) target(%dma_start3A_62 : memref<80x128xf32, #tpu.memory_space<vmem_shared>>) target_semaphore(%run_scoped3A : memref<!tpu.dma_semaphore, #tpu.memory_space<semaphore_mem>>)
      %dma_wait3A = arith.constant 0 : i32
      %dma_wait3A_66 = arith.constant 0 : i32
      %dma_wait3A_67 = tpu.memref_slice %arg9[%dma_wait3A, %dma_wait3A_66] : memref<80x128xf32, #tpu.memory_space<vmem>> -> memref<80x128xf32, #tpu.memory_space<vmem>>
      %dma_wait3A_68 = arith.constant 0 : i32
      %dma_wait3A_69 = tpu.memref_slice %arg11[%add3A_13, %dma_wait3A_68] : memref<10000x128xf32, #tpu.memory_space<vmem_shared>> -> memref<80x128xf32, #tpu.memory_space<vmem_shared>>
      %dma_wait3A_70 = arith.constant 0 : i32
      %dma_wait3A_71 = tpu.memref_slice %arg11[%add3A_13, %dma_wait3A_70] : memref<10000x128xf32, #tpu.memory_space<vmem_shared>> -> memref<80x128xf32, #tpu.memory_space<vmem_shared>>
      %dma_wait3A_72 = arith.constant 0 : i32
      %dma_wait3A_73 = arith.constant 0 : i32
      %dma_wait3A_74 = tpu.memref_slice %arg9[%dma_wait3A_72, %dma_wait3A_73] : memref<80x128xf32, #tpu.memory_space<vmem>> -> memref<80x128xf32, #tpu.memory_space<vmem>>
      tpu.wait_dma2 semaphore(%run_scoped3A : memref<!tpu.dma_semaphore, #tpu.memory_space<semaphore_mem>>) src(%dma_wait3A_74 : memref<80x128xf32, #tpu.memory_space<vmem>>) dst(%dma_wait3A_71 : memref<80x128xf32, #tpu.memory_space<vmem_shared>>)
      tpu.yield
    }) : () -> ()
    %add3A_14 = arith.constant 400 : i32
    %add3A_15 = arith.addi %multiple_of3A, %add3A_14 : i32
    "tpu.region"() ({
      %run_scoped3A = tpu.sem_alloc : memref<!tpu.dma_semaphore, #tpu.memory_space<semaphore_mem>>
      %dma_start3A = arith.constant 0 : i32
      %dma_start3A_57 = arith.constant 0 : i32
      %dma_start3A_58 = tpu.memref_slice %arg9[%dma_start3A, %dma_start3A_57] : memref<80x128xf32, #tpu.memory_space<vmem>> -> memref<80x128xf32, #tpu.memory_space<vmem>>
      %dma_start3A_59 = arith.constant 0 : i32
      %dma_start3A_60 = tpu.memref_slice %arg11[%add3A_15, %dma_start3A_59] : memref<10000x128xf32, #tpu.memory_space<vmem_shared>> -> memref<80x128xf32, #tpu.memory_space<vmem_shared>>
      %dma_start3A_61 = arith.constant 0 : i32
      %dma_start3A_62 = tpu.memref_slice %arg11[%add3A_15, %dma_start3A_61] : memref<10000x128xf32, #tpu.memory_space<vmem_shared>> -> memref<80x128xf32, #tpu.memory_space<vmem_shared>>
      %dma_start3A_63 = arith.constant 0 : i32
      %dma_start3A_64 = arith.constant 0 : i32
      %dma_start3A_65 = tpu.memref_slice %arg9[%dma_start3A_63, %dma_start3A_64] : memref<80x128xf32, #tpu.memory_space<vmem>> -> memref<80x128xf32, #tpu.memory_space<vmem>>
      tpu.enqueue_dma source(%dma_start3A_65 : memref<80x128xf32, #tpu.memory_space<vmem>>) target(%dma_start3A_62 : memref<80x128xf32, #tpu.memory_space<vmem_shared>>) target_semaphore(%run_scoped3A : memref<!tpu.dma_semaphore, #tpu.memory_space<semaphore_mem>>)
      %dma_wait3A = arith.constant 0 : i32
      %dma_wait3A_66 = arith.constant 0 : i32
      %dma_wait3A_67 = tpu.memref_slice %arg9[%dma_wait3A, %dma_wait3A_66] : memref<80x128xf32, #tpu.memory_space<vmem>> -> memref<80x128xf32, #tpu.memory_space<vmem>>
      %dma_wait3A_68 = arith.constant 0 : i32
      %dma_wait3A_69 = tpu.memref_slice %arg11[%add3A_15, %dma_wait3A_68] : memref<10000x128xf32, #tpu.memory_space<vmem_shared>> -> memref<80x128xf32, #tpu.memory_space<vmem_shared>>
      %dma_wait3A_70 = arith.constant 0 : i32
      %dma_wait3A_71 = tpu.memref_slice %arg11[%add3A_15, %dma_wait3A_70] : memref<10000x128xf32, #tpu.memory_space<vmem_shared>> -> memref<80x128xf32, #tpu.memory_space<vmem_shared>>
      %dma_wait3A_72 = arith.constant 0 : i32
      %dma_wait3A_73 = arith.constant 0 : i32
      %dma_wait3A_74 = tpu.memref_slice %arg9[%dma_wait3A_72, %dma_wait3A_73] : memref<80x128xf32, #tpu.memory_space<vmem>> -> memref<80x128xf32, #tpu.memory_space<vmem>>
      tpu.wait_dma2 semaphore(%run_scoped3A : memref<!tpu.dma_semaphore, #tpu.memory_space<semaphore_mem>>) src(%dma_wait3A_74 : memref<80x128xf32, #tpu.memory_space<vmem>>) dst(%dma_wait3A_71 : memref<80x128xf32, #tpu.memory_space<vmem_shared>>)
      tpu.yield
    }) : () -> ()
    %add3A_16 = arith.constant 480 : i32
    %add3A_17 = arith.addi %multiple_of3A, %add3A_16 : i32
    "tpu.region"() ({
      %run_scoped3A = tpu.sem_alloc : memref<!tpu.dma_semaphore, #tpu.memory_space<semaphore_mem>>
      %dma_start3A = arith.constant 0 : i32
      %dma_start3A_57 = arith.constant 0 : i32
      %dma_start3A_58 = tpu.memref_slice %arg9[%dma_start3A, %dma_start3A_57] : memref<80x128xf32, #tpu.memory_space<vmem>> -> memref<80x128xf32, #tpu.memory_space<vmem>>
      %dma_start3A_59 = arith.constant 0 : i32
      %dma_start3A_60 = tpu.memref_slice %arg11[%add3A_17, %dma_start3A_59] : memref<10000x128xf32, #tpu.memory_space<vmem_shared>> -> memref<80x128xf32, #tpu.memory_space<vmem_shared>>
      %dma_start3A_61 = arith.constant 0 : i32
      %dma_start3A_62 = tpu.memref_slice %arg11[%add3A_17, %dma_start3A_61] : memref<10000x128xf32, #tpu.memory_space<vmem_shared>> -> memref<80x128xf32, #tpu.memory_space<vmem_shared>>
      %dma_start3A_63 = arith.constant 0 : i32
      %dma_start3A_64 = arith.constant 0 : i32
      %dma_start3A_65 = tpu.memref_slice %arg9[%dma_start3A_63, %dma_start3A_64] : memref<80x128xf32, #tpu.memory_space<vmem>> -> memref<80x128xf32, #tpu.memory_space<vmem>>
      tpu.enqueue_dma source(%dma_start3A_65 : memref<80x128xf32, #tpu.memory_space<vmem>>) target(%dma_start3A_62 : memref<80x128xf32, #tpu.memory_space<vmem_shared>>) target_semaphore(%run_scoped3A : memref<!tpu.dma_semaphore, #tpu.memory_space<semaphore_mem>>)
      %dma_wait3A = arith.constant 0 : i32
      %dma_wait3A_66 = arith.constant 0 : i32
      %dma_wait3A_67 = tpu.memref_slice %arg9[%dma_wait3A, %dma_wait3A_66] : memref<80x128xf32, #tpu.memory_space<vmem>> -> memref<80x128xf32, #tpu.memory_space<vmem>>
      %dma_wait3A_68 = arith.constant 0 : i32
      %dma_wait3A_69 = tpu.memref_slice %arg11[%add3A_17, %dma_wait3A_68] : memref<10000x128xf32, #tpu.memory_space<vmem_shared>> -> memref<80x128xf32, #tpu.memory_space<vmem_shared>>
      %dma_wait3A_70 = arith.constant 0 : i32
      %dma_wait3A_71 = tpu.memref_slice %arg11[%add3A_17, %dma_wait3A_70] : memref<10000x128xf32, #tpu.memory_space<vmem_shared>> -> memref<80x128xf32, #tpu.memory_space<vmem_shared>>
      %dma_wait3A_72 = arith.constant 0 : i32
      %dma_wait3A_73 = arith.constant 0 : i32
      %dma_wait3A_74 = tpu.memref_slice %arg9[%dma_wait3A_72, %dma_wait3A_73] : memref<80x128xf32, #tpu.memory_space<vmem>> -> memref<80x128xf32, #tpu.memory_space<vmem>>
      tpu.wait_dma2 semaphore(%run_scoped3A : memref<!tpu.dma_semaphore, #tpu.memory_space<semaphore_mem>>) src(%dma_wait3A_74 : memref<80x128xf32, #tpu.memory_space<vmem>>) dst(%dma_wait3A_71 : memref<80x128xf32, #tpu.memory_space<vmem_shared>>)
      tpu.yield
    }) : () -> ()
    %add3A_18 = arith.constant 624 : i32
    %add3A_19 = arith.addi %multiple_of3A, %add3A_18 : i32
    %sub3A = arith.constant 64 : i32
    %sub3A_20 = arith.subi %add3A_19, %sub3A : i32
    "tpu.region"() ({
      %run_scoped3A = tpu.sem_alloc : memref<!tpu.dma_semaphore, #tpu.memory_space<semaphore_mem>>
      %dma_start3A = arith.constant 0 : i32
      %dma_start3A_57 = arith.constant 0 : i32
      %dma_start3A_58 = tpu.memref_slice %arg9[%dma_start3A, %dma_start3A_57] : memref<80x128xf32, #tpu.memory_space<vmem>> -> memref<64x128xf32, #tpu.memory_space<vmem>>
      %dma_start3A_59 = arith.constant 0 : i32
      %dma_start3A_60 = tpu.memref_slice %arg11[%sub3A_20, %dma_start3A_59] : memref<10000x128xf32, #tpu.memory_space<vmem_shared>> -> memref<64x128xf32, #tpu.memory_space<vmem_shared>>
      %dma_start3A_61 = arith.constant 0 : i32
      %dma_start3A_62 = tpu.memref_slice %arg11[%sub3A_20, %dma_start3A_61] : memref<10000x128xf32, #tpu.memory_space<vmem_shared>> -> memref<64x128xf32, #tpu.memory_space<vmem_shared>>
      %dma_start3A_63 = arith.constant 0 : i32
      %dma_start3A_64 = arith.constant 0 : i32
      %dma_start3A_65 = tpu.memref_slice %arg9[%dma_start3A_63, %dma_start3A_64] : memref<80x128xf32, #tpu.memory_space<vmem>> -> memref<64x128xf32, #tpu.memory_space<vmem>>
      tpu.enqueue_dma source(%dma_start3A_65 : memref<64x128xf32, #tpu.memory_space<vmem>>) target(%dma_start3A_62 : memref<64x128xf32, #tpu.memory_space<vmem_shared>>) target_semaphore(%run_scoped3A : memref<!tpu.dma_semaphore, #tpu.memory_space<semaphore_mem>>)
      %dma_wait3A = arith.constant 0 : i32
      %dma_wait3A_66 = arith.constant 0 : i32
      %dma_wait3A_67 = tpu.memref_slice %arg9[%dma_wait3A, %dma_wait3A_66] : memref<80x128xf32, #tpu.memory_space<vmem>> -> memref<64x128xf32, #tpu.memory_space<vmem>>
      %dma_wait3A_68 = arith.constant 0 : i32
      %dma_wait3A_69 = tpu.memref_slice %arg11[%sub3A_20, %dma_wait3A_68] : memref<10000x128xf32, #tpu.memory_space<vmem_shared>> -> memref<64x128xf32, #tpu.memory_space<vmem_shared>>
      %dma_wait3A_70 = arith.constant 0 : i32
      %dma_wait3A_71 = tpu.memref_slice %arg11[%sub3A_20, %dma_wait3A_70] : memref<10000x128xf32, #tpu.memory_space<vmem_shared>> -> memref<64x128xf32, #tpu.memory_space<vmem_shared>>
      %dma_wait3A_72 = arith.constant 0 : i32
      %dma_wait3A_73 = arith.constant 0 : i32
      %dma_wait3A_74 = tpu.memref_slice %arg9[%dma_wait3A_72, %dma_wait3A_73] : memref<80x128xf32, #tpu.memory_space<vmem>> -> memref<64x128xf32, #tpu.memory_space<vmem>>
      tpu.wait_dma2 semaphore(%run_scoped3A : memref<!tpu.dma_semaphore, #tpu.memory_space<semaphore_mem>>) src(%dma_wait3A_74 : memref<64x128xf32, #tpu.memory_space<vmem>>) dst(%dma_wait3A_71 : memref<64x128xf32, #tpu.memory_space<vmem_shared>>)
      tpu.yield
    }) : () -> ()
    %eq3A = arith.constant 15 : i32
    %eq3A_21 = arith.cmpi eq, %arg1, %eq3A : i32
    %convert_element_type3A = arith.extui %eq3A_21 : i1 to i32
    %cond3A = arith.constant 0 : i32
    %cond3A_22 = arith.cmpi ne, %convert_element_type3A, %cond3A : i32
    scf.if %cond3A_22 {
      %multiple_of3A_57 = arith.constant 9984 : i32
      %multiple_of3A_58 = tpu.assume_multiple %multiple_of3A_57, 8 : i32
      "tpu.region"() ({
        %run_scoped3A = tpu.sem_alloc : memref<!tpu.dma_semaphore, #tpu.memory_space<semaphore_mem>>
        %dma_start3A = arith.constant 0 : i32
        %dma_start3A_59 = arith.constant 0 : i32
        %dma_start3A_60 = tpu.memref_slice %arg9[%dma_start3A, %dma_start3A_59] : memref<80x128xf32, #tpu.memory_space<vmem>> -> memref<16x128xf32, #tpu.memory_space<vmem>>
        %dma_start3A_61 = arith.constant 0 : i32
        %dma_start3A_62 = tpu.memref_slice %arg11[%multiple_of3A_58, %dma_start3A_61] : memref<10000x128xf32, #tpu.memory_space<vmem_shared>> -> memref<16x128xf32, #tpu.memory_space<vmem_shared>>
        %dma_start3A_63 = arith.constant 0 : i32
        %dma_start3A_64 = tpu.memref_slice %arg11[%multiple_of3A_58, %dma_start3A_63] : memref<10000x128xf32, #tpu.memory_space<vmem_shared>> -> memref<16x128xf32, #tpu.memory_space<vmem_shared>>
        %dma_start3A_65 = arith.constant 0 : i32
        %dma_start3A_66 = arith.constant 0 : i32
        %dma_start3A_67 = tpu.memref_slice %arg9[%dma_start3A_65, %dma_start3A_66] : memref<80x128xf32, #tpu.memory_space<vmem>> -> memref<16x128xf32, #tpu.memory_space<vmem>>
        tpu.enqueue_dma source(%dma_start3A_67 : memref<16x128xf32, #tpu.memory_space<vmem>>) target(%dma_start3A_64 : memref<16x128xf32, #tpu.memory_space<vmem_shared>>) target_semaphore(%run_scoped3A : memref<!tpu.dma_semaphore, #tpu.memory_space<semaphore_mem>>)
        %dma_wait3A = arith.constant 0 : i32
        %dma_wait3A_68 = arith.constant 0 : i32
        %dma_wait3A_69 = tpu.memref_slice %arg9[%dma_wait3A, %dma_wait3A_68] : memref<80x128xf32, #tpu.memory_space<vmem>> -> memref<16x128xf32, #tpu.memory_space<vmem>>
        %dma_wait3A_70 = arith.constant 0 : i32
        %dma_wait3A_71 = tpu.memref_slice %arg11[%multiple_of3A_58, %dma_wait3A_70] : memref<10000x128xf32, #tpu.memory_space<vmem_shared>> -> memref<16x128xf32, #tpu.memory_space<vmem_shared>>
        %dma_wait3A_72 = arith.constant 0 : i32
        %dma_wait3A_73 = tpu.memref_slice %arg11[%multiple_of3A_58, %dma_wait3A_72] : memref<10000x128xf32, #tpu.memory_space<vmem_shared>> -> memref<16x128xf32, #tpu.memory_space<vmem_shared>>
        %dma_wait3A_74 = arith.constant 0 : i32
        %dma_wait3A_75 = arith.constant 0 : i32
        %dma_wait3A_76 = tpu.memref_slice %arg9[%dma_wait3A_74, %dma_wait3A_75] : memref<80x128xf32, #tpu.memory_space<vmem>> -> memref<16x128xf32, #tpu.memory_space<vmem>>
        tpu.wait_dma2 semaphore(%run_scoped3A : memref<!tpu.dma_semaphore, #tpu.memory_space<semaphore_mem>>) src(%dma_wait3A_76 : memref<16x128xf32, #tpu.memory_space<vmem>>) dst(%dma_wait3A_73 : memref<16x128xf32, #tpu.memory_space<vmem_shared>>)
        tpu.yield
      }) : () -> ()
    } else {
    }
    %barrier3A = arith.constant 0 : index
    tpu.barrier barrier_id(%barrier3A)
    %mul3A_23 = arith.constant 16 : i32
    %mul3A_24 = arith.muli %arg0, %mul3A_23 : i32
    %add3A_25 = arith.addi %mul3A_24, %arg1 : i32
    %mul3A_26 = arith.constant 10000 : i32
    %mul3A_27 = arith.muli %add3A_25, %mul3A_26 : i32
    %scan3A_28 = arith.constant 0 : i32
    %scan3A_29 = arith.constant 125 : i32
    %scan3A_30 = arith.addi %scan3A_28, %scan3A_29 : i32
    %scan3A_31 = arith.constant 1 : i32
    scf.for %scan3A_57 = %scan3A_28 to %scan3A_30 step %scan3A_31  : i32 {
      %mul3A_58 = arith.constant 1 : i32
      %mul3A_59 = arith.muli %scan3A_57, %mul3A_58 : i32
      %add3A_60 = arith.constant 0 : i32
      %add3A_61 = arith.addi %add3A_60, %mul3A_59 : i32
      %mul3A_62 = arith.constant 80 : i32
      %mul3A_63 = arith.muli %add3A_61, %mul3A_62 : i32
      %add3A_64 = arith.addi %mul3A_27, %mul3A_63 : i32
      %multiple_of3A_65 = tpu.assume_multiple %add3A_64, 8 : i32
      "tpu.region"() ({
        %run_scoped3A = tpu.sem_alloc : memref<!tpu.dma_semaphore, #tpu.memory_space<semaphore_mem>>
        %dma_start3A_81 = tpu.memref_slice %arg4[%multiple_of3A_65] : memref<320000xi32, #tpu.memory_space<hbm>> -> memref<80xi32, #tpu.memory_space<hbm>>
        %dma_start3A_82 = tpu.memref_slice %arg4[%multiple_of3A_65] : memref<320000xi32, #tpu.memory_space<hbm>> -> memref<80xi32, #tpu.memory_space<hbm>>
        tpu.enqueue_dma source(%dma_start3A_82 : memref<80xi32, #tpu.memory_space<hbm>>) target(%arg7 : memref<80xi32, #tpu.memory_space<vmem>>) target_semaphore(%run_scoped3A : memref<!tpu.dma_semaphore, #tpu.memory_space<semaphore_mem>>)
        %dma_wait3A_83 = tpu.memref_slice %arg4[%multiple_of3A_65] : memref<320000xi32, #tpu.memory_space<hbm>> -> memref<80xi32, #tpu.memory_space<hbm>>
        %dma_wait3A_84 = tpu.memref_slice %arg4[%multiple_of3A_65] : memref<320000xi32, #tpu.memory_space<hbm>> -> memref<80xi32, #tpu.memory_space<hbm>>
        tpu.wait_dma2 semaphore(%run_scoped3A : memref<!tpu.dma_semaphore, #tpu.memory_space<semaphore_mem>>) src(%dma_wait3A_84 : memref<80xi32, #tpu.memory_space<hbm>>) dst(%arg7 : memref<80xi32, #tpu.memory_space<vmem>>)
        tpu.yield
      }) : () -> ()
      "tpu.region"() ({
        %run_scoped3A = tpu.sem_alloc : memref<!tpu.dma_semaphore, #tpu.memory_space<semaphore_mem>>
        %dma_start3A_81 = tpu.memref_slice %arg5[%multiple_of3A_65] : memref<320000xi32, #tpu.memory_space<hbm>> -> memref<80xi32, #tpu.memory_space<hbm>>
        %dma_start3A_82 = tpu.memref_slice %arg5[%multiple_of3A_65] : memref<320000xi32, #tpu.memory_space<hbm>> -> memref<80xi32, #tpu.memory_space<hbm>>
        tpu.enqueue_dma source(%dma_start3A_82 : memref<80xi32, #tpu.memory_space<hbm>>) target(%arg8 : memref<80xi32, #tpu.memory_space<vmem>>) target_semaphore(%run_scoped3A : memref<!tpu.dma_semaphore, #tpu.memory_space<semaphore_mem>>)
        %dma_wait3A_83 = tpu.memref_slice %arg5[%multiple_of3A_65] : memref<320000xi32, #tpu.memory_space<hbm>> -> memref<80xi32, #tpu.memory_space<hbm>>
        %dma_wait3A_84 = tpu.memref_slice %arg5[%multiple_of3A_65] : memref<320000xi32, #tpu.memory_space<hbm>> -> memref<80xi32, #tpu.memory_space<hbm>>
        tpu.wait_dma2 semaphore(%run_scoped3A : memref<!tpu.dma_semaphore, #tpu.memory_space<semaphore_mem>>) src(%dma_wait3A_84 : memref<80xi32, #tpu.memory_space<hbm>>) dst(%arg8 : memref<80xi32, #tpu.memory_space<vmem>>)
        tpu.yield
      }) : () -> ()
      %dma_start3A = arith.constant 0 : i32
      %dma_start3A_66 = arith.constant 0 : i32
      %dma_start3A_67 = tpu.memref_slice %arg2[%dma_start3A, %dma_start3A_66] : memref<10000x128xf32, #tpu.memory_space<hbm>> -> memref<10000x128xf32, #tpu.memory_space<hbm>>
      tpu.enqueue_indirect_dma source(%dma_start3A_67 : memref<10000x128xf32, #tpu.memory_space<hbm>>) target(%arg9 : memref<80x128xf32, #tpu.memory_space<vmem>>) offsets(%arg7 : memref<80xi32, #tpu.memory_space<vmem>>) semaphore(%arg12 : memref<!tpu.dma_semaphore, #tpu.memory_space<semaphore_mem>>)
      %dma_start3A_68 = arith.constant 0 : i32
      %dma_start3A_69 = arith.constant 0 : i32
      %dma_start3A_70 = tpu.memref_slice %arg3[%dma_start3A_68, %dma_start3A_69] : memref<10000x128xf32, #tpu.memory_space<hbm>> -> memref<10000x128xf32, #tpu.memory_space<hbm>>
      tpu.enqueue_indirect_dma source(%dma_start3A_70 : memref<10000x128xf32, #tpu.memory_space<hbm>>) target(%arg10 : memref<80x128xf32, #tpu.memory_space<vmem>>) offsets(%arg8 : memref<80xi32, #tpu.memory_space<vmem>>) semaphore(%arg13 : memref<!tpu.dma_semaphore, #tpu.memory_space<semaphore_mem>>)
      %dma_wait3A = arith.constant 0 : i32
      %dma_wait3A_71 = arith.constant 0 : i32
      %dma_wait3A_72 = tpu.memref_slice %arg2[%dma_wait3A, %dma_wait3A_71] : memref<10000x128xf32, #tpu.memory_space<hbm>> -> memref<10000x128xf32, #tpu.memory_space<hbm>>
      tpu.wait_indirect_dma semaphore(%arg12 : memref<!tpu.dma_semaphore, #tpu.memory_space<semaphore_mem>>) src(%dma_wait3A_72 : memref<10000x128xf32, #tpu.memory_space<hbm>>) dst(%arg9 : memref<80x128xf32, #tpu.memory_space<vmem>>)
      %dma_wait3A_73 = arith.constant 0 : i32
      %dma_wait3A_74 = arith.constant 0 : i32
      %dma_wait3A_75 = tpu.memref_slice %arg3[%dma_wait3A_73, %dma_wait3A_74] : memref<10000x128xf32, #tpu.memory_space<hbm>> -> memref<10000x128xf32, #tpu.memory_space<hbm>>
      tpu.wait_indirect_dma semaphore(%arg13 : memref<!tpu.dma_semaphore, #tpu.memory_space<semaphore_mem>>) src(%dma_wait3A_75 : memref<10000x128xf32, #tpu.memory_space<hbm>>) dst(%arg10 : memref<80x128xf32, #tpu.memory_space<vmem>>)
      %scan3A_76 = arith.constant 0 : i32
      %scan3A_77 = arith.constant 80 : i32
      %scan3A_78 = arith.addi %scan3A_76, %scan3A_77 : i32
      %scan3A_79 = arith.constant 1 : i32
      scf.for %scan3A_81 = %scan3A_76 to %scan3A_78 step %scan3A_79  : i32 {
        %mul3A_82 = arith.constant 1 : i32
        %mul3A_83 = arith.muli %scan3A_81, %mul3A_82 : i32
        %add3A_84 = arith.constant 0 : i32
        %add3A_85 = arith.addi %add3A_84, %mul3A_83 : i32
        %get3A = arith.index_cast %add3A_85 : i32 to index
        %get3A_86 = arith.constant 0 : index
        %get3A_87 = tpu.vector_load %arg9[%get3A, %get3A_86] {strides = array<i32>} : memref<80x128xf32, #tpu.memory_space<vmem>>, vector<1x16xf32>,
        %get3A_88 = vector.shape_cast %get3A_87 : vector<1x16xf32> to vector<16xf32>
        %get3A_89 = arith.index_cast %add3A_85 : i32 to index
        %get3A_90 = arith.constant 0 : index
        %get3A_91 = tpu.vector_load %arg10[%get3A_89, %get3A_90] {strides = array<i32>} : memref<80x128xf32, #tpu.memory_space<vmem>>, vector<1x16xf32>,
        %get3A_92 = vector.shape_cast %get3A_91 : vector<1x16xf32> to vector<16xf32>
        %add3A_93 = arith.addf %get3A_88, %get3A_92 : vector<16xf32>
        %max3A = arith.constant 0.000000e+00 : f32
        %max3A_94 = vector.broadcast %max3A : f32 to vector<16xf32>
        %max3A_95 = arith.maximumf %add3A_93, %max3A_94 : vector<16xf32>
        %swap3A = arith.index_cast %add3A_85 : i32 to index
        %swap3A_96 = arith.constant 0 : index
        %swap3A_97 = tpu.vector_load %arg10[%swap3A, %swap3A_96] {strides = array<i32>} : memref<80x128xf32, #tpu.memory_space<vmem>>, vector<1x16xf32>,
        %swap3A_98 = vector.shape_cast %swap3A_97 : vector<1x16xf32> to vector<16xf32>
        %swap3A_99 = vector.shape_cast %max3A_95 : vector<16xf32> to vector<1x16xf32>
        tpu.vector_store %arg10[%swap3A, %swap3A_96], %swap3A_99 {strides = array<i32>} : memref<80x128xf32, #tpu.memory_space<vmem>>, vector<1x16xf32>,
        %get3A_100 = arith.index_cast %add3A_85 : i32 to index
        %get3A_101 = arith.constant 16 : index
        %get3A_102 = tpu.vector_load %arg9[%get3A_100, %get3A_101] {strides = array<i32>} : memref<80x128xf32, #tpu.memory_space<vmem>>, vector<1x16xf32>,
        %get3A_103 = vector.shape_cast %get3A_102 : vector<1x16xf32> to vector<16xf32>
        %get3A_104 = arith.index_cast %add3A_85 : i32 to index
        %get3A_105 = arith.constant 16 : index
        %get3A_106 = tpu.vector_load %arg10[%get3A_104, %get3A_105] {strides = array<i32>} : memref<80x128xf32, #tpu.memory_space<vmem>>, vector<1x16xf32>,
        %get3A_107 = vector.shape_cast %get3A_106 : vector<1x16xf32> to vector<16xf32>
        %add3A_108 = arith.addf %get3A_103, %get3A_107 : vector<16xf32>
        %max3A_109 = arith.constant 0.000000e+00 : f32
        %max3A_110 = vector.broadcast %max3A_109 : f32 to vector<16xf32>
        %max3A_111 = arith.maximumf %add3A_108, %max3A_110 : vector<16xf32>
        %swap3A_112 = arith.index_cast %add3A_85 : i32 to index
        %swap3A_113 = arith.constant 16 : index
        %swap3A_114 = tpu.vector_load %arg10[%swap3A_112, %swap3A_113] {strides = array<i32>} : memref<80x128xf32, #tpu.memory_space<vmem>>, vector<1x16xf32>,
        %swap3A_115 = vector.shape_cast %swap3A_114 : vector<1x16xf32> to vector<16xf32>
        %swap3A_116 = vector.shape_cast %max3A_111 : vector<16xf32> to vector<1x16xf32>
        tpu.vector_store %arg10[%swap3A_112, %swap3A_113], %swap3A_116 {strides = array<i32>} : memref<80x128xf32, #tpu.memory_space<vmem>>, vector<1x16xf32>,
        %get3A_117 = arith.index_cast %add3A_85 : i32 to index
        %get3A_118 = arith.constant 32 : index
        %get3A_119 = tpu.vector_load %arg9[%get3A_117, %get3A_118] {strides = array<i32>} : memref<80x128xf32, #tpu.memory_space<vmem>>, vector<1x16xf32>,
        %get3A_120 = vector.shape_cast %get3A_119 : vector<1x16xf32> to vector<16xf32>
        %get3A_121 = arith.index_cast %add3A_85 : i32 to index
        %get3A_122 = arith.constant 32 : index
        %get3A_123 = tpu.vector_load %arg10[%get3A_121, %get3A_122] {strides = array<i32>} : memref<80x128xf32, #tpu.memory_space<vmem>>, vector<1x16xf32>,
        %get3A_124 = vector.shape_cast %get3A_123 : vector<1x16xf32> to vector<16xf32>
        %add3A_125 = arith.addf %get3A_120, %get3A_124 : vector<16xf32>
        %max3A_126 = arith.constant 0.000000e+00 : f32
        %max3A_127 = vector.broadcast %max3A_126 : f32 to vector<16xf32>
        %max3A_128 = arith.maximumf %add3A_125, %max3A_127 : vector<16xf32>
        %swap3A_129 = arith.index_cast %add3A_85 : i32 to index
        %swap3A_130 = arith.constant 32 : index
        %swap3A_131 = tpu.vector_load %arg10[%swap3A_129, %swap3A_130] {strides = array<i32>} : memref<80x128xf32, #tpu.memory_space<vmem>>, vector<1x16xf32>,
        %swap3A_132 = vector.shape_cast %swap3A_131 : vector<1x16xf32> to vector<16xf32>
        %swap3A_133 = vector.shape_cast %max3A_128 : vector<16xf32> to vector<1x16xf32>
        tpu.vector_store %arg10[%swap3A_129, %swap3A_130], %swap3A_133 {strides = array<i32>} : memref<80x128xf32, #tpu.memory_space<vmem>>, vector<1x16xf32>,
        %get3A_134 = arith.index_cast %add3A_85 : i32 to index
        %get3A_135 = arith.constant 48 : index
        %get3A_136 = tpu.vector_load %arg9[%get3A_134, %get3A_135] {strides = array<i32>} : memref<80x128xf32, #tpu.memory_space<vmem>>, vector<1x16xf32>,
        %get3A_137 = vector.shape_cast %get3A_136 : vector<1x16xf32> to vector<16xf32>
        %get3A_138 = arith.index_cast %add3A_85 : i32 to index
        %get3A_139 = arith.constant 48 : index
        %get3A_140 = tpu.vector_load %arg10[%get3A_138, %get3A_139] {strides = array<i32>} : memref<80x128xf32, #tpu.memory_space<vmem>>, vector<1x16xf32>,
        %get3A_141 = vector.shape_cast %get3A_140 : vector<1x16xf32> to vector<16xf32>
        %add3A_142 = arith.addf %get3A_137, %get3A_141 : vector<16xf32>
        %max3A_143 = arith.constant 0.000000e+00 : f32
        %max3A_144 = vector.broadcast %max3A_143 : f32 to vector<16xf32>
        %max3A_145 = arith.maximumf %add3A_142, %max3A_144 : vector<16xf32>
        %swap3A_146 = arith.index_cast %add3A_85 : i32 to index
        %swap3A_147 = arith.constant 48 : index
        %swap3A_148 = tpu.vector_load %arg10[%swap3A_146, %swap3A_147] {strides = array<i32>} : memref<80x128xf32, #tpu.memory_space<vmem>>, vector<1x16xf32>,
        %swap3A_149 = vector.shape_cast %swap3A_148 : vector<1x16xf32> to vector<16xf32>
        %swap3A_150 = vector.shape_cast %max3A_145 : vector<16xf32> to vector<1x16xf32>
        tpu.vector_store %arg10[%swap3A_146, %swap3A_147], %swap3A_150 {strides = array<i32>} : memref<80x128xf32, #tpu.memory_space<vmem>>, vector<1x16xf32>,
        %get3A_151 = arith.index_cast %add3A_85 : i32 to index
        %get3A_152 = arith.constant 64 : index
        %get3A_153 = tpu.vector_load %arg9[%get3A_151, %get3A_152] {strides = array<i32>} : memref<80x128xf32, #tpu.memory_space<vmem>>, vector<1x16xf32>,
        %get3A_154 = vector.shape_cast %get3A_153 : vector<1x16xf32> to vector<16xf32>
        %get3A_155 = arith.index_cast %add3A_85 : i32 to index
        %get3A_156 = arith.constant 64 : index
        %get3A_157 = tpu.vector_load %arg10[%get3A_155, %get3A_156] {strides = array<i32>} : memref<80x128xf32, #tpu.memory_space<vmem>>, vector<1x16xf32>,
        %get3A_158 = vector.shape_cast %get3A_157 : vector<1x16xf32> to vector<16xf32>
        %add3A_159 = arith.addf %get3A_154, %get3A_158 : vector<16xf32>
        %max3A_160 = arith.constant 0.000000e+00 : f32
        %max3A_161 = vector.broadcast %max3A_160 : f32 to vector<16xf32>
        %max3A_162 = arith.maximumf %add3A_159, %max3A_161 : vector<16xf32>
        %swap3A_163 = arith.index_cast %add3A_85 : i32 to index
        %swap3A_164 = arith.constant 64 : index
        %swap3A_165 = tpu.vector_load %arg10[%swap3A_163, %swap3A_164] {strides = array<i32>} : memref<80x128xf32, #tpu.memory_space<vmem>>, vector<1x16xf32>,
        %swap3A_166 = vector.shape_cast %swap3A_165 : vector<1x16xf32> to vector<16xf32>
        %swap3A_167 = vector.shape_cast %max3A_162 : vector<16xf32> to vector<1x16xf32>
        tpu.vector_store %arg10[%swap3A_163, %swap3A_164], %swap3A_167 {strides = array<i32>} : memref<80x128xf32, #tpu.memory_space<vmem>>, vector<1x16xf32>,
        %get3A_168 = arith.index_cast %add3A_85 : i32 to index
        %get3A_169 = arith.constant 80 : index
        %get3A_170 = tpu.vector_load %arg9[%get3A_168, %get3A_169] {strides = array<i32>} : memref<80x128xf32, #tpu.memory_space<vmem>>, vector<1x16xf32>,
        %get3A_171 = vector.shape_cast %get3A_170 : vector<1x16xf32> to vector<16xf32>
        %get3A_172 = arith.index_cast %add3A_85 : i32 to index
        %get3A_173 = arith.constant 80 : index
        %get3A_174 = tpu.vector_load %arg10[%get3A_172, %get3A_173] {strides = array<i32>} : memref<80x128xf32, #tpu.memory_space<vmem>>, vector<1x16xf32>,
        %get3A_175 = vector.shape_cast %get3A_174 : vector<1x16xf32> to vector<16xf32>
        %add3A_176 = arith.addf %get3A_171, %get3A_175 : vector<16xf32>
        %max3A_177 = arith.constant 0.000000e+00 : f32
        %max3A_178 = vector.broadcast %max3A_177 : f32 to vector<16xf32>
        %max3A_179 = arith.maximumf %add3A_176, %max3A_178 : vector<16xf32>
        %swap3A_180 = arith.index_cast %add3A_85 : i32 to index
        %swap3A_181 = arith.constant 80 : index
        %swap3A_182 = tpu.vector_load %arg10[%swap3A_180, %swap3A_181] {strides = array<i32>} : memref<80x128xf32, #tpu.memory_space<vmem>>, vector<1x16xf32>,
        %swap3A_183 = vector.shape_cast %swap3A_182 : vector<1x16xf32> to vector<16xf32>
        %swap3A_184 = vector.shape_cast %max3A_179 : vector<16xf32> to vector<1x16xf32>
        tpu.vector_store %arg10[%swap3A_180, %swap3A_181], %swap3A_184 {strides = array<i32>} : memref<80x128xf32, #tpu.memory_space<vmem>>, vector<1x16xf32>,
        %get3A_185 = arith.index_cast %add3A_85 : i32 to index
        %get3A_186 = arith.constant 96 : index
        %get3A_187 = tpu.vector_load %arg9[%get3A_185, %get3A_186] {strides = array<i32>} : memref<80x128xf32, #tpu.memory_space<vmem>>, vector<1x16xf32>,
        %get3A_188 = vector.shape_cast %get3A_187 : vector<1x16xf32> to vector<16xf32>
        %get3A_189 = arith.index_cast %add3A_85 : i32 to index
        %get3A_190 = arith.constant 96 : index
        %get3A_191 = tpu.vector_load %arg10[%get3A_189, %get3A_190] {strides = array<i32>} : memref<80x128xf32, #tpu.memory_space<vmem>>, vector<1x16xf32>,
        %get3A_192 = vector.shape_cast %get3A_191 : vector<1x16xf32> to vector<16xf32>
        %add3A_193 = arith.addf %get3A_188, %get3A_192 : vector<16xf32>
        %max3A_194 = arith.constant 0.000000e+00 : f32
        %max3A_195 = vector.broadcast %max3A_194 : f32 to vector<16xf32>
        %max3A_196 = arith.maximumf %add3A_193, %max3A_195 : vector<16xf32>
        %swap3A_197 = arith.index_cast %add3A_85 : i32 to index
        %swap3A_198 = arith.constant 96 : index
        %swap3A_199 = tpu.vector_load %arg10[%swap3A_197, %swap3A_198] {strides = array<i32>} : memref<80x128xf32, #tpu.memory_space<vmem>>, vector<1x16xf32>,
        %swap3A_200 = vector.shape_cast %swap3A_199 : vector<1x16xf32> to vector<16xf32>
        %swap3A_201 = vector.shape_cast %max3A_196 : vector<16xf32> to vector<1x16xf32>
        tpu.vector_store %arg10[%swap3A_197, %swap3A_198], %swap3A_201 {strides = array<i32>} : memref<80x128xf32, #tpu.memory_space<vmem>>, vector<1x16xf32>,
        %get3A_202 = arith.index_cast %add3A_85 : i32 to index
        %get3A_203 = arith.constant 112 : index
        %get3A_204 = tpu.vector_load %arg9[%get3A_202, %get3A_203] {strides = array<i32>} : memref<80x128xf32, #tpu.memory_space<vmem>>, vector<1x16xf32>,
        %get3A_205 = vector.shape_cast %get3A_204 : vector<1x16xf32> to vector<16xf32>
        %get3A_206 = arith.index_cast %add3A_85 : i32 to index
        %get3A_207 = arith.constant 112 : index
        %get3A_208 = tpu.vector_load %arg10[%get3A_206, %get3A_207] {strides = array<i32>} : memref<80x128xf32, #tpu.memory_space<vmem>>, vector<1x16xf32>,
        %get3A_209 = vector.shape_cast %get3A_208 : vector<1x16xf32> to vector<16xf32>
        %add3A_210 = arith.addf %get3A_205, %get3A_209 : vector<16xf32>
        %max3A_211 = arith.constant 0.000000e+00 : f32
        %max3A_212 = vector.broadcast %max3A_211 : f32 to vector<16xf32>
        %max3A_213 = arith.maximumf %add3A_210, %max3A_212 : vector<16xf32>
        %swap3A_214 = arith.index_cast %add3A_85 : i32 to index
        %swap3A_215 = arith.constant 112 : index
        %swap3A_216 = tpu.vector_load %arg10[%swap3A_214, %swap3A_215] {strides = array<i32>} : memref<80x128xf32, #tpu.memory_space<vmem>>, vector<1x16xf32>,
        %swap3A_217 = vector.shape_cast %swap3A_216 : vector<1x16xf32> to vector<16xf32>
        %swap3A_218 = vector.shape_cast %max3A_213 : vector<16xf32> to vector<1x16xf32>
        tpu.vector_store %arg10[%swap3A_214, %swap3A_215], %swap3A_218 {strides = array<i32>} : memref<80x128xf32, #tpu.memory_space<vmem>>, vector<1x16xf32>,
      }
      %scan3A_80 = arith.constant 80 : i32
      "tpu.region"() ({
        %run_scoped3A = tpu.sem_alloc : memref<!tpu.dma_semaphore, #tpu.memory_space<semaphore_mem>>
        %dma_start3A_81 = arith.constant 0 : i32
        %dma_start3A_82 = arith.constant 0 : i32
        %dma_start3A_83 = tpu.memref_slice %arg11[%dma_start3A_81, %dma_start3A_82] : memref<10000x128xf32, #tpu.memory_space<vmem_shared>> -> memref<10000x128xf32, #tpu.memory_space<vmem_shared>>
        tpu.enqueue_indirect_dma source(%arg10 : memref<80x128xf32, #tpu.memory_space<vmem>>) target(%dma_start3A_83 : memref<10000x128xf32, #tpu.memory_space<vmem_shared>>) offsets(%arg7 : memref<80xi32, #tpu.memory_space<vmem>>) semaphore(%run_scoped3A : memref<!tpu.dma_semaphore, #tpu.memory_space<semaphore_mem>>) {add = true}
        %dma_wait3A_84 = arith.constant 0 : i32
        %dma_wait3A_85 = arith.constant 0 : i32
        %dma_wait3A_86 = tpu.memref_slice %arg11[%dma_wait3A_84, %dma_wait3A_85] : memref<10000x128xf32, #tpu.memory_space<vmem_shared>> -> memref<10000x128xf32, #tpu.memory_space<vmem_shared>>
        tpu.wait_indirect_dma semaphore(%run_scoped3A : memref<!tpu.dma_semaphore, #tpu.memory_space<semaphore_mem>>) src(%arg10 : memref<80x128xf32, #tpu.memory_space<vmem>>) dst(%dma_wait3A_86 : memref<10000x128xf32, #tpu.memory_space<vmem_shared>>)
        tpu.yield
      }) : () -> ()
    }
    %scan3A_32 = arith.constant 125 : i32
    %barrier3A_33 = arith.constant 0 : index
    tpu.barrier barrier_id(%barrier3A_33)
    %add3A_34 = arith.constant 0 : i32
    %add3A_35 = arith.addi %multiple_of3A, %add3A_34 : i32
    "tpu.region"() ({
      %run_scoped3A = tpu.sem_alloc : memref<!tpu.dma_semaphore, #tpu.memory_space<semaphore_mem>>
      %dma_start3A = arith.constant 0 : i32
      %dma_start3A_57 = tpu.memref_slice %arg6[%arg0, %add3A_35, %dma_start3A] : memref<2x10000x128xf32, #tpu.memory_space<hbm>> -> memref<1x80x128xf32, #tpu.memory_space<hbm>>
      %dma_start3A_58 = tpu.memref_squeeze %dma_start3A_57 : memref<1x80x128xf32, #tpu.memory_space<hbm>> -> memref<80x128xf32, #tpu.memory_space<hbm>>
      %dma_start3A_59 = arith.constant 0 : i32
      %dma_start3A_60 = tpu.memref_slice %arg11[%add3A_35, %dma_start3A_59] : memref<10000x128xf32, #tpu.memory_space<vmem_shared>> -> memref<80x128xf32, #tpu.memory_space<vmem_shared>>
      tpu.enqueue_dma source(%dma_start3A_60 : memref<80x128xf32, #tpu.memory_space<vmem_shared>>) target(%dma_start3A_58 : memref<80x128xf32, #tpu.memory_space<hbm>>) target_semaphore(%run_scoped3A : memref<!tpu.dma_semaphore, #tpu.memory_space<semaphore_mem>>)
      %dma_wait3A = arith.constant 0 : i32
      %dma_wait3A_61 = tpu.memref_slice %arg6[%arg0, %add3A_35, %dma_wait3A] : memref<2x10000x128xf32, #tpu.memory_space<hbm>> -> memref<1x80x128xf32, #tpu.memory_space<hbm>>
      %dma_wait3A_62 = tpu.memref_squeeze %dma_wait3A_61 : memref<1x80x128xf32, #tpu.memory_space<hbm>> -> memref<80x128xf32, #tpu.memory_space<hbm>>
      %dma_wait3A_63 = arith.constant 0 : i32
      %dma_wait3A_64 = tpu.memref_slice %arg11[%add3A_35, %dma_wait3A_63] : memref<10000x128xf32, #tpu.memory_space<vmem_shared>> -> memref<80x128xf32, #tpu.memory_space<vmem_shared>>
      tpu.wait_dma2 semaphore(%run_scoped3A : memref<!tpu.dma_semaphore, #tpu.memory_space<semaphore_mem>>) src(%dma_wait3A_64 : memref<80x128xf32, #tpu.memory_space<vmem_shared>>) dst(%dma_wait3A_62 : memref<80x128xf32, #tpu.memory_space<hbm>>)
      tpu.yield
    }) : () -> ()
    %add3A_36 = arith.constant 80 : i32
    %add3A_37 = arith.addi %multiple_of3A, %add3A_36 : i32
    "tpu.region"() ({
      %run_scoped3A = tpu.sem_alloc : memref<!tpu.dma_semaphore, #tpu.memory_space<semaphore_mem>>
      %dma_start3A = arith.constant 0 : i32
      %dma_start3A_57 = tpu.memref_slice %arg6[%arg0, %add3A_37, %dma_start3A] : memref<2x10000x128xf32, #tpu.memory_space<hbm>> -> memref<1x80x128xf32, #tpu.memory_space<hbm>>
      %dma_start3A_58 = tpu.memref_squeeze %dma_start3A_57 : memref<1x80x128xf32, #tpu.memory_space<hbm>> -> memref<80x128xf32, #tpu.memory_space<hbm>>
      %dma_start3A_59 = arith.constant 0 : i32
      %dma_start3A_60 = tpu.memref_slice %arg11[%add3A_37, %dma_start3A_59] : memref<10000x128xf32, #tpu.memory_space<vmem_shared>> -> memref<80x128xf32, #tpu.memory_space<vmem_shared>>
      tpu.enqueue_dma source(%dma_start3A_60 : memref<80x128xf32, #tpu.memory_space<vmem_shared>>) target(%dma_start3A_58 : memref<80x128xf32, #tpu.memory_space<hbm>>) target_semaphore(%run_scoped3A : memref<!tpu.dma_semaphore, #tpu.memory_space<semaphore_mem>>)
      %dma_wait3A = arith.constant 0 : i32
      %dma_wait3A_61 = tpu.memref_slice %arg6[%arg0, %add3A_37, %dma_wait3A] : memref<2x10000x128xf32, #tpu.memory_space<hbm>> -> memref<1x80x128xf32, #tpu.memory_space<hbm>>
      %dma_wait3A_62 = tpu.memref_squeeze %dma_wait3A_61 : memref<1x80x128xf32, #tpu.memory_space<hbm>> -> memref<80x128xf32, #tpu.memory_space<hbm>>
      %dma_wait3A_63 = arith.constant 0 : i32
      %dma_wait3A_64 = tpu.memref_slice %arg11[%add3A_37, %dma_wait3A_63] : memref<10000x128xf32, #tpu.memory_space<vmem_shared>> -> memref<80x128xf32, #tpu.memory_space<vmem_shared>>
      tpu.wait_dma2 semaphore(%run_scoped3A : memref<!tpu.dma_semaphore, #tpu.memory_space<semaphore_mem>>) src(%dma_wait3A_64 : memref<80x128xf32, #tpu.memory_space<vmem_shared>>) dst(%dma_wait3A_62 : memref<80x128xf32, #tpu.memory_space<hbm>>)
      tpu.yield
    }) : () -> ()
    %add3A_38 = arith.constant 160 : i32
    %add3A_39 = arith.addi %multiple_of3A, %add3A_38 : i32
    "tpu.region"() ({
      %run_scoped3A = tpu.sem_alloc : memref<!tpu.dma_semaphore, #tpu.memory_space<semaphore_mem>>
      %dma_start3A = arith.constant 0 : i32
      %dma_start3A_57 = tpu.memref_slice %arg6[%arg0, %add3A_39, %dma_start3A] : memref<2x10000x128xf32, #tpu.memory_space<hbm>> -> memref<1x80x128xf32, #tpu.memory_space<hbm>>
      %dma_start3A_58 = tpu.memref_squeeze %dma_start3A_57 : memref<1x80x128xf32, #tpu.memory_space<hbm>> -> memref<80x128xf32, #tpu.memory_space<hbm>>
      %dma_start3A_59 = arith.constant 0 : i32
      %dma_start3A_60 = tpu.memref_slice %arg11[%add3A_39, %dma_start3A_59] : memref<10000x128xf32, #tpu.memory_space<vmem_shared>> -> memref<80x128xf32, #tpu.memory_space<vmem_shared>>
      tpu.enqueue_dma source(%dma_start3A_60 : memref<80x128xf32, #tpu.memory_space<vmem_shared>>) target(%dma_start3A_58 : memref<80x128xf32, #tpu.memory_space<hbm>>) target_semaphore(%run_scoped3A : memref<!tpu.dma_semaphore, #tpu.memory_space<semaphore_mem>>)
      %dma_wait3A = arith.constant 0 : i32
      %dma_wait3A_61 = tpu.memref_slice %arg6[%arg0, %add3A_39, %dma_wait3A] : memref<2x10000x128xf32, #tpu.memory_space<hbm>> -> memref<1x80x128xf32, #tpu.memory_space<hbm>>
      %dma_wait3A_62 = tpu.memref_squeeze %dma_wait3A_61 : memref<1x80x128xf32, #tpu.memory_space<hbm>> -> memref<80x128xf32, #tpu.memory_space<hbm>>
      %dma_wait3A_63 = arith.constant 0 : i32
      %dma_wait3A_64 = tpu.memref_slice %arg11[%add3A_39, %dma_wait3A_63] : memref<10000x128xf32, #tpu.memory_space<vmem_shared>> -> memref<80x128xf32, #tpu.memory_space<vmem_shared>>
      tpu.wait_dma2 semaphore(%run_scoped3A : memref<!tpu.dma_semaphore, #tpu.memory_space<semaphore_mem>>) src(%dma_wait3A_64 : memref<80x128xf32, #tpu.memory_space<vmem_shared>>) dst(%dma_wait3A_62 : memref<80x128xf32, #tpu.memory_space<hbm>>)
      tpu.yield
    }) : () -> ()
    %add3A_40 = arith.constant 240 : i32
    %add3A_41 = arith.addi %multiple_of3A, %add3A_40 : i32
    "tpu.region"() ({
      %run_scoped3A = tpu.sem_alloc : memref<!tpu.dma_semaphore, #tpu.memory_space<semaphore_mem>>
      %dma_start3A = arith.constant 0 : i32
      %dma_start3A_57 = tpu.memref_slice %arg6[%arg0, %add3A_41, %dma_start3A] : memref<2x10000x128xf32, #tpu.memory_space<hbm>> -> memref<1x80x128xf32, #tpu.memory_space<hbm>>
      %dma_start3A_58 = tpu.memref_squeeze %dma_start3A_57 : memref<1x80x128xf32, #tpu.memory_space<hbm>> -> memref<80x128xf32, #tpu.memory_space<hbm>>
      %dma_start3A_59 = arith.constant 0 : i32
      %dma_start3A_60 = tpu.memref_slice %arg11[%add3A_41, %dma_start3A_59] : memref<10000x128xf32, #tpu.memory_space<vmem_shared>> -> memref<80x128xf32, #tpu.memory_space<vmem_shared>>
      tpu.enqueue_dma source(%dma_start3A_60 : memref<80x128xf32, #tpu.memory_space<vmem_shared>>) target(%dma_start3A_58 : memref<80x128xf32, #tpu.memory_space<hbm>>) target_semaphore(%run_scoped3A : memref<!tpu.dma_semaphore, #tpu.memory_space<semaphore_mem>>)
      %dma_wait3A = arith.constant 0 : i32
      %dma_wait3A_61 = tpu.memref_slice %arg6[%arg0, %add3A_41, %dma_wait3A] : memref<2x10000x128xf32, #tpu.memory_space<hbm>> -> memref<1x80x128xf32, #tpu.memory_space<hbm>>
      %dma_wait3A_62 = tpu.memref_squeeze %dma_wait3A_61 : memref<1x80x128xf32, #tpu.memory_space<hbm>> -> memref<80x128xf32, #tpu.memory_space<hbm>>
      %dma_wait3A_63 = arith.constant 0 : i32
      %dma_wait3A_64 = tpu.memref_slice %arg11[%add3A_41, %dma_wait3A_63] : memref<10000x128xf32, #tpu.memory_space<vmem_shared>> -> memref<80x128xf32, #tpu.memory_space<vmem_shared>>
      tpu.wait_dma2 semaphore(%run_scoped3A : memref<!tpu.dma_semaphore, #tpu.memory_space<semaphore_mem>>) src(%dma_wait3A_64 : memref<80x128xf32, #tpu.memory_space<vmem_shared>>) dst(%dma_wait3A_62 : memref<80x128xf32, #tpu.memory_space<hbm>>)
      tpu.yield
    }) : () -> ()
    %add3A_42 = arith.constant 320 : i32
    %add3A_43 = arith.addi %multiple_of3A, %add3A_42 : i32
    "tpu.region"() ({
      %run_scoped3A = tpu.sem_alloc : memref<!tpu.dma_semaphore, #tpu.memory_space<semaphore_mem>>
      %dma_start3A = arith.constant 0 : i32
      %dma_start3A_57 = tpu.memref_slice %arg6[%arg0, %add3A_43, %dma_start3A] : memref<2x10000x128xf32, #tpu.memory_space<hbm>> -> memref<1x80x128xf32, #tpu.memory_space<hbm>>
      %dma_start3A_58 = tpu.memref_squeeze %dma_start3A_57 : memref<1x80x128xf32, #tpu.memory_space<hbm>> -> memref<80x128xf32, #tpu.memory_space<hbm>>
      %dma_start3A_59 = arith.constant 0 : i32
      %dma_start3A_60 = tpu.memref_slice %arg11[%add3A_43, %dma_start3A_59] : memref<10000x128xf32, #tpu.memory_space<vmem_shared>> -> memref<80x128xf32, #tpu.memory_space<vmem_shared>>
      tpu.enqueue_dma source(%dma_start3A_60 : memref<80x128xf32, #tpu.memory_space<vmem_shared>>) target(%dma_start3A_58 : memref<80x128xf32, #tpu.memory_space<hbm>>) target_semaphore(%run_scoped3A : memref<!tpu.dma_semaphore, #tpu.memory_space<semaphore_mem>>)
      %dma_wait3A = arith.constant 0 : i32
      %dma_wait3A_61 = tpu.memref_slice %arg6[%arg0, %add3A_43, %dma_wait3A] : memref<2x10000x128xf32, #tpu.memory_space<hbm>> -> memref<1x80x128xf32, #tpu.memory_space<hbm>>
      %dma_wait3A_62 = tpu.memref_squeeze %dma_wait3A_61 : memref<1x80x128xf32, #tpu.memory_space<hbm>> -> memref<80x128xf32, #tpu.memory_space<hbm>>
      %dma_wait3A_63 = arith.constant 0 : i32
      %dma_wait3A_64 = tpu.memref_slice %arg11[%add3A_43, %dma_wait3A_63] : memref<10000x128xf32, #tpu.memory_space<vmem_shared>> -> memref<80x128xf32, #tpu.memory_space<vmem_shared>>
      tpu.wait_dma2 semaphore(%run_scoped3A : memref<!tpu.dma_semaphore, #tpu.memory_space<semaphore_mem>>) src(%dma_wait3A_64 : memref<80x128xf32, #tpu.memory_space<vmem_shared>>) dst(%dma_wait3A_62 : memref<80x128xf32, #tpu.memory_space<hbm>>)
      tpu.yield
    }) : () -> ()
    %add3A_44 = arith.constant 400 : i32
    %add3A_45 = arith.addi %multiple_of3A, %add3A_44 : i32
    "tpu.region"() ({
      %run_scoped3A = tpu.sem_alloc : memref<!tpu.dma_semaphore, #tpu.memory_space<semaphore_mem>>
      %dma_start3A = arith.constant 0 : i32
      %dma_start3A_57 = tpu.memref_slice %arg6[%arg0, %add3A_45, %dma_start3A] : memref<2x10000x128xf32, #tpu.memory_space<hbm>> -> memref<1x80x128xf32, #tpu.memory_space<hbm>>
      %dma_start3A_58 = tpu.memref_squeeze %dma_start3A_57 : memref<1x80x128xf32, #tpu.memory_space<hbm>> -> memref<80x128xf32, #tpu.memory_space<hbm>>
      %dma_start3A_59 = arith.constant 0 : i32
      %dma_start3A_60 = tpu.memref_slice %arg11[%add3A_45, %dma_start3A_59] : memref<10000x128xf32, #tpu.memory_space<vmem_shared>> -> memref<80x128xf32, #tpu.memory_space<vmem_shared>>
      tpu.enqueue_dma source(%dma_start3A_60 : memref<80x128xf32, #tpu.memory_space<vmem_shared>>) target(%dma_start3A_58 : memref<80x128xf32, #tpu.memory_space<hbm>>) target_semaphore(%run_scoped3A : memref<!tpu.dma_semaphore, #tpu.memory_space<semaphore_mem>>)
      %dma_wait3A = arith.constant 0 : i32
      %dma_wait3A_61 = tpu.memref_slice %arg6[%arg0, %add3A_45, %dma_wait3A] : memref<2x10000x128xf32, #tpu.memory_space<hbm>> -> memref<1x80x128xf32, #tpu.memory_space<hbm>>
      %dma_wait3A_62 = tpu.memref_squeeze %dma_wait3A_61 : memref<1x80x128xf32, #tpu.memory_space<hbm>> -> memref<80x128xf32, #tpu.memory_space<hbm>>
      %dma_wait3A_63 = arith.constant 0 : i32
      %dma_wait3A_64 = tpu.memref_slice %arg11[%add3A_45, %dma_wait3A_63] : memref<10000x128xf32, #tpu.memory_space<vmem_shared>> -> memref<80x128xf32, #tpu.memory_space<vmem_shared>>
      tpu.wait_dma2 semaphore(%run_scoped3A : memref<!tpu.dma_semaphore, #tpu.memory_space<semaphore_mem>>) src(%dma_wait3A_64 : memref<80x128xf32, #tpu.memory_space<vmem_shared>>) dst(%dma_wait3A_62 : memref<80x128xf32, #tpu.memory_space<hbm>>)
      tpu.yield
    }) : () -> ()
    %add3A_46 = arith.constant 480 : i32
    %add3A_47 = arith.addi %multiple_of3A, %add3A_46 : i32
    "tpu.region"() ({
      %run_scoped3A = tpu.sem_alloc : memref<!tpu.dma_semaphore, #tpu.memory_space<semaphore_mem>>
      %dma_start3A = arith.constant 0 : i32
      %dma_start3A_57 = tpu.memref_slice %arg6[%arg0, %add3A_47, %dma_start3A] : memref<2x10000x128xf32, #tpu.memory_space<hbm>> -> memref<1x80x128xf32, #tpu.memory_space<hbm>>
      %dma_start3A_58 = tpu.memref_squeeze %dma_start3A_57 : memref<1x80x128xf32, #tpu.memory_space<hbm>> -> memref<80x128xf32, #tpu.memory_space<hbm>>
      %dma_start3A_59 = arith.constant 0 : i32
      %dma_start3A_60 = tpu.memref_slice %arg11[%add3A_47, %dma_start3A_59] : memref<10000x128xf32, #tpu.memory_space<vmem_shared>> -> memref<80x128xf32, #tpu.memory_space<vmem_shared>>
      tpu.enqueue_dma source(%dma_start3A_60 : memref<80x128xf32, #tpu.memory_space<vmem_shared>>) target(%dma_start3A_58 : memref<80x128xf32, #tpu.memory_space<hbm>>) target_semaphore(%run_scoped3A : memref<!tpu.dma_semaphore, #tpu.memory_space<semaphore_mem>>)
      %dma_wait3A = arith.constant 0 : i32
      %dma_wait3A_61 = tpu.memref_slice %arg6[%arg0, %add3A_47, %dma_wait3A] : memref<2x10000x128xf32, #tpu.memory_space<hbm>> -> memref<1x80x128xf32, #tpu.memory_space<hbm>>
      %dma_wait3A_62 = tpu.memref_squeeze %dma_wait3A_61 : memref<1x80x128xf32, #tpu.memory_space<hbm>> -> memref<80x128xf32, #tpu.memory_space<hbm>>
      %dma_wait3A_63 = arith.constant 0 : i32
      %dma_wait3A_64 = tpu.memref_slice %arg11[%add3A_47, %dma_wait3A_63] : memref<10000x128xf32, #tpu.memory_space<vmem_shared>> -> memref<80x128xf32, #tpu.memory_space<vmem_shared>>
      tpu.wait_dma2 semaphore(%run_scoped3A : memref<!tpu.dma_semaphore, #tpu.memory_space<semaphore_mem>>) src(%dma_wait3A_64 : memref<80x128xf32, #tpu.memory_space<vmem_shared>>) dst(%dma_wait3A_62 : memref<80x128xf32, #tpu.memory_space<hbm>>)
      tpu.yield
    }) : () -> ()
    %add3A_48 = arith.constant 624 : i32
    %add3A_49 = arith.addi %multiple_of3A, %add3A_48 : i32
    %sub3A_50 = arith.constant 64 : i32
    %sub3A_51 = arith.subi %add3A_49, %sub3A_50 : i32
    "tpu.region"() ({
      %run_scoped3A = tpu.sem_alloc : memref<!tpu.dma_semaphore, #tpu.memory_space<semaphore_mem>>
      %dma_start3A = arith.constant 0 : i32
      %dma_start3A_57 = tpu.memref_slice %arg6[%arg0, %sub3A_51, %dma_start3A] : memref<2x10000x128xf32, #tpu.memory_space<hbm>> -> memref<1x64x128xf32, #tpu.memory_space<hbm>>
      %dma_start3A_58 = tpu.memref_squeeze %dma_start3A_57 : memref<1x64x128xf32, #tpu.memory_space<hbm>> -> memref<64x128xf32, #tpu.memory_space<hbm>>
      %dma_start3A_59 = arith.constant 0 : i32
      %dma_start3A_60 = tpu.memref_slice %arg11[%sub3A_51, %dma_start3A_59] : memref<10000x128xf32, #tpu.memory_space<vmem_shared>> -> memref<64x128xf32, #tpu.memory_space<vmem_shared>>
      tpu.enqueue_dma source(%dma_start3A_60 : memref<64x128xf32, #tpu.memory_space<vmem_shared>>) target(%dma_start3A_58 : memref<64x128xf32, #tpu.memory_space<hbm>>) target_semaphore(%run_scoped3A : memref<!tpu.dma_semaphore, #tpu.memory_space<semaphore_mem>>)
      %dma_wait3A = arith.constant 0 : i32
      %dma_wait3A_61 = tpu.memref_slice %arg6[%arg0, %sub3A_51, %dma_wait3A] : memref<2x10000x128xf32, #tpu.memory_space<hbm>> -> memref<1x64x128xf32, #tpu.memory_space<hbm>>
      %dma_wait3A_62 = tpu.memref_squeeze %dma_wait3A_61 : memref<1x64x128xf32, #tpu.memory_space<hbm>> -> memref<64x128xf32, #tpu.memory_space<hbm>>
      %dma_wait3A_63 = arith.constant 0 : i32
      %dma_wait3A_64 = tpu.memref_slice %arg11[%sub3A_51, %dma_wait3A_63] : memref<10000x128xf32, #tpu.memory_space<vmem_shared>> -> memref<64x128xf32, #tpu.memory_space<vmem_shared>>
      tpu.wait_dma2 semaphore(%run_scoped3A : memref<!tpu.dma_semaphore, #tpu.memory_space<semaphore_mem>>) src(%dma_wait3A_64 : memref<64x128xf32, #tpu.memory_space<vmem_shared>>) dst(%dma_wait3A_62 : memref<64x128xf32, #tpu.memory_space<hbm>>)
      tpu.yield
    }) : () -> ()
    %eq3A_52 = arith.constant 15 : i32
    %eq3A_53 = arith.cmpi eq, %arg1, %eq3A_52 : i32
    %convert_element_type3A_54 = arith.extui %eq3A_53 : i1 to i32
    %cond3A_55 = arith.constant 0 : i32
    %cond3A_56 = arith.cmpi ne, %convert_element_type3A_54, %cond3A_55 : i32
    scf.if %cond3A_56 {
      %multiple_of3A_57 = arith.constant 9984 : i32
      %multiple_of3A_58 = tpu.assume_multiple %multiple_of3A_57, 8 : i32
      "tpu.region"() ({
        %run_scoped3A = tpu.sem_alloc : memref<!tpu.dma_semaphore, #tpu.memory_space<semaphore_mem>>
        %dma_start3A = arith.constant 0 : i32
        %dma_start3A_59 = tpu.memref_slice %arg6[%arg0, %multiple_of3A_58, %dma_start3A] : memref<2x10000x128xf32, #tpu.memory_space<hbm>> -> memref<1x16x128xf32, #tpu.memory_space<hbm>>
        %dma_start3A_60 = tpu.memref_squeeze %dma_start3A_59 : memref<1x16x128xf32, #tpu.memory_space<hbm>> -> memref<16x128xf32, #tpu.memory_space<hbm>>
        %dma_start3A_61 = arith.constant 0 : i32
        %dma_start3A_62 = tpu.memref_slice %arg11[%multiple_of3A_58, %dma_start3A_61] : memref<10000x128xf32, #tpu.memory_space<vmem_shared>> -> memref<16x128xf32, #tpu.memory_space<vmem_shared>>
        tpu.enqueue_dma source(%dma_start3A_62 : memref<16x128xf32, #tpu.memory_space<vmem_shared>>) target(%dma_start3A_60 : memref<16x128xf32, #tpu.memory_space<hbm>>) target_semaphore(%run_scoped3A : memref<!tpu.dma_semaphore, #tpu.memory_space<semaphore_mem>>)
        %dma_wait3A = arith.constant 0 : i32
        %dma_wait3A_63 = tpu.memref_slice %arg6[%arg0, %multiple_of3A_58, %dma_wait3A] : memref<2x10000x128xf32, #tpu.memory_space<hbm>> -> memref<1x16x128xf32, #tpu.memory_space<hbm>>
        %dma_wait3A_64 = tpu.memref_squeeze %dma_wait3A_63 : memref<1x16x128xf32, #tpu.memory_space<hbm>> -> memref<16x128xf32, #tpu.memory_space<hbm>>
        %dma_wait3A_65 = arith.constant 0 : i32
        %dma_wait3A_66 = tpu.memref_slice %arg11[%multiple_of3A_58, %dma_wait3A_65] : memref<10000x128xf32, #tpu.memory_space<vmem_shared>> -> memref<16x128xf32, #tpu.memory_space<vmem_shared>>
        tpu.wait_dma2 semaphore(%run_scoped3A : memref<!tpu.dma_semaphore, #tpu.memory_space<semaphore_mem>>) src(%dma_wait3A_66 : memref<16x128xf32, #tpu.memory_space<vmem_shared>>) dst(%dma_wait3A_64 : memref<16x128xf32, #tpu.memory_space<hbm>>)
        tpu.yield
      }) : () -> ()
    } else {
    }
    return
  }
}

module attributes {stable_mosaic.version = 14 : i64} {
  func.func @_mid_body(%arg0: memref<10000x128xf32, #tpu.memory_space<vmem>>, %arg1: memref<2x10000x128xf32, #tpu.memory_space<vmem>>, %arg2: memref<128x128xf32, #tpu.memory_space<vmem>>, %arg3: memref<128x128xf32, #tpu.memory_space<vmem>>, %arg4: memref<128x128xf32, #tpu.memory_space<vmem>>, %arg5: memref<1x128xf32, #tpu.memory_space<vmem>>, %arg6: memref<1x128xf32, #tpu.memory_space<vmem>>, %arg7: memref<1x128xf32, #tpu.memory_space<vmem>>, %arg8: memref<128x128xf32, #tpu.memory_space<vmem>>, %arg9: memref<128x128xf32, #tpu.memory_space<vmem>>, %arg10: memref<1x128xf32, #tpu.memory_space<vmem>>, %arg11: memref<10000x128xf32, #tpu.memory_space<vmem>>, %arg12: memref<10000x128xf32, #tpu.memory_space<vmem>>, %arg13: memref<10000x128xf32, #tpu.memory_space<vmem>>) attributes {dimension_semantics = [], scalar_prefetch = 0 : i64, scratch_operands = 0 : i64, tpu.core_type = #tpu.core_type<tc>} {
    %get3A = arith.constant 0 : index
    %get3A_0 = arith.constant 0 : index
    %get3A_1 = vector.load %arg0[%get3A, %get3A_0] : memref<10000x128xf32, #tpu.memory_space<vmem>>, vector<10000x128xf32>
    %get3A_2 = arith.constant 0 : index
    %get3A_3 = arith.constant 0 : index
    %get3A_4 = arith.constant 0 : index
    %get3A_5 = vector.load %arg1[%get3A_2, %get3A_3, %get3A_4] : memref<2x10000x128xf32, #tpu.memory_space<vmem>>, vector<1x10000x128xf32>
    %get3A_6 = vector.shape_cast %get3A_5 : vector<1x10000x128xf32> to vector<10000x128xf32>
    %get3A_7 = arith.constant 1 : index
    %get3A_8 = arith.constant 0 : index
    %get3A_9 = arith.constant 0 : index
    %get3A_10 = vector.load %arg1[%get3A_7, %get3A_8, %get3A_9] : memref<2x10000x128xf32, #tpu.memory_space<vmem>>, vector<1x10000x128xf32>
    %get3A_11 = vector.shape_cast %get3A_10 : vector<1x10000x128xf32> to vector<10000x128xf32>
    %add3A = arith.addf %get3A_6, %get3A_11 : vector<10000x128xf32>
    %get3A_12 = arith.constant 0 : index
    %get3A_13 = arith.constant 0 : index
    %get3A_14 = vector.load %arg2[%get3A_12, %get3A_13] : memref<128x128xf32, #tpu.memory_space<vmem>>, vector<128x128xf32>
    %get3A_15 = arith.constant 0 : index
    %get3A_16 = arith.constant 0 : index
    %get3A_17 = vector.load %arg4[%get3A_15, %get3A_16] : memref<128x128xf32, #tpu.memory_space<vmem>>, vector<128x128xf32>
    %dot_general3A = arith.constant dense<0.000000e+00> : vector<128x128xf32>
    %dot_general3A_18 = tpu.matmul %get3A_14, %get3A_17, %dot_general3A {dimension_numbers = #tpu.dot_dimension_numbers<[1], [0], [0], [1], [0, 0, 1, 1], [], []>, transpose_lhs_hint = false} : vector<128x128xf32>, vector<128x128xf32>, vector<128x128xf32> -> vector<128x128xf32>
    %get3A_19 = arith.constant 0 : index
    %get3A_20 = arith.constant 0 : index
    %get3A_21 = vector.load %arg3[%get3A_19, %get3A_20] : memref<128x128xf32, #tpu.memory_space<vmem>>, vector<128x128xf32>
    %dot_general3A_22 = arith.constant dense<0.000000e+00> : vector<10000x128xf32>
    %dot_general3A_23 = tpu.matmul %get3A_1, %get3A_21, %dot_general3A_22 {dimension_numbers = #tpu.dot_dimension_numbers<[1], [0], [0], [1], [0, 0, 1, 1], [], []>, transpose_lhs_hint = false} : vector<10000x128xf32>, vector<128x128xf32>, vector<10000x128xf32> -> vector<10000x128xf32>
    %dot_general3A_24 = arith.constant dense<0.000000e+00> : vector<10000x128xf32>
    %dot_general3A_25 = tpu.matmul %add3A, %dot_general3A_18, %dot_general3A_24 {dimension_numbers = #tpu.dot_dimension_numbers<[1], [0], [0], [1], [0, 0, 1, 1], [], []>, transpose_lhs_hint = false} : vector<10000x128xf32>, vector<128x128xf32>, vector<10000x128xf32> -> vector<10000x128xf32>
    %add3A_26 = arith.addf %dot_general3A_23, %dot_general3A_25 : vector<10000x128xf32>
    %get3A_27 = arith.constant 0 : index
    %get3A_28 = arith.constant 0 : index
    %get3A_29 = vector.load %arg5[%get3A_27, %get3A_28] : memref<1x128xf32, #tpu.memory_space<vmem>>, vector<1x128xf32>
    %add3A_30 = vector.broadcast %get3A_29 : vector<1x128xf32> to vector<10000x128xf32>
    %add3A_31 = arith.addf %add3A_26, %add3A_30 : vector<10000x128xf32>
    %max3A = arith.constant 0.000000e+00 : f32
    %max3A_32 = vector.broadcast %max3A : f32 to vector<10000x128xf32>
    %max3A_33 = arith.maximumf %add3A_31, %max3A_32 : vector<10000x128xf32>
    %reduce_sum3A = arith.constant dense<0.000000e+00> : vector<10000xf32>
    %reduce_sum3A_34 = vector.multi_reduction <add>, %max3A_33, %reduce_sum3A [1] : vector<10000x128xf32> to vector<10000xf32>
    %broadcast_in_dim3A = vector.shape_cast %reduce_sum3A_34 : vector<10000xf32> to vector<10000x1xf32>
    %div3A = arith.constant 1.280000e+02 : f32
    %div3A_35 = vector.broadcast %div3A : f32 to vector<10000x1xf32>
    %div3A_36 = arith.divf %broadcast_in_dim3A, %div3A_35 : vector<10000x1xf32>
    %sub3A = vector.broadcast %div3A_36 : vector<10000x1xf32> to vector<10000x128xf32>
    %sub3A_37 = arith.subf %max3A_33, %sub3A : vector<10000x128xf32>
    %integer_pow3A = arith.mulf %sub3A_37, %sub3A_37 : vector<10000x128xf32>
    %reduce_sum3A_38 = arith.constant dense<0.000000e+00> : vector<10000xf32>
    %reduce_sum3A_39 = vector.multi_reduction <add>, %integer_pow3A, %reduce_sum3A_38 [1] : vector<10000x128xf32> to vector<10000xf32>
    %broadcast_in_dim3A_40 = vector.shape_cast %reduce_sum3A_39 : vector<10000xf32> to vector<10000x1xf32>
    %div3A_41 = arith.constant 1.280000e+02 : f32
    %div3A_42 = vector.broadcast %div3A_41 : f32 to vector<10000x1xf32>
    %div3A_43 = arith.divf %broadcast_in_dim3A_40, %div3A_42 : vector<10000x1xf32>
    %sub3A_44 = vector.broadcast %div3A_36 : vector<10000x1xf32> to vector<10000x128xf32>
    %sub3A_45 = arith.subf %max3A_33, %sub3A_44 : vector<10000x128xf32>
    %add3A_46 = arith.constant 9.99999974E-6 : f32
    %add3A_47 = vector.broadcast %add3A_46 : f32 to vector<10000x1xf32>
    %add3A_48 = arith.addf %div3A_43, %add3A_47 : vector<10000x1xf32>
    %rsqrt3A = math.rsqrt %add3A_48 : vector<10000x1xf32>
    %mul3A = vector.broadcast %rsqrt3A : vector<10000x1xf32> to vector<10000x128xf32>
    %mul3A_49 = arith.mulf %sub3A_45, %mul3A : vector<10000x128xf32>
    %get3A_50 = arith.constant 0 : index
    %get3A_51 = arith.constant 0 : index
    %get3A_52 = vector.load %arg6[%get3A_50, %get3A_51] : memref<1x128xf32, #tpu.memory_space<vmem>>, vector<1x128xf32>
    %mul3A_53 = vector.broadcast %get3A_52 : vector<1x128xf32> to vector<10000x128xf32>
    %mul3A_54 = arith.mulf %mul3A_49, %mul3A_53 : vector<10000x128xf32>
    %get3A_55 = arith.constant 0 : index
    %get3A_56 = arith.constant 0 : index
    %get3A_57 = vector.load %arg7[%get3A_55, %get3A_56] : memref<1x128xf32, #tpu.memory_space<vmem>>, vector<1x128xf32>
    %add3A_58 = vector.broadcast %get3A_57 : vector<1x128xf32> to vector<10000x128xf32>
    %add3A_59 = arith.addf %mul3A_54, %add3A_58 : vector<10000x128xf32>
    %swap3A = arith.constant 0 : index
    %swap3A_60 = arith.constant 0 : index
    %swap3A_61 = vector.load %arg11[%swap3A, %swap3A_60] : memref<10000x128xf32, #tpu.memory_space<vmem>>, vector<10000x128xf32>
    tpu.vector_store %arg11[%swap3A, %swap3A_60], %add3A_59 {strides = array<i32>} : memref<10000x128xf32, #tpu.memory_space<vmem>>, vector<10000x128xf32>,
    %get3A_62 = arith.constant 0 : index
    %get3A_63 = arith.constant 0 : index
    %get3A_64 = vector.load %arg8[%get3A_62, %get3A_63] : memref<128x128xf32, #tpu.memory_space<vmem>>, vector<128x128xf32>
    %dot_general3A_65 = arith.constant dense<0.000000e+00> : vector<10000x128xf32>
    %dot_general3A_66 = tpu.matmul %add3A_59, %get3A_64, %dot_general3A_65 {dimension_numbers = #tpu.dot_dimension_numbers<[1], [0], [0], [1], [0, 0, 1, 1], [], []>, transpose_lhs_hint = false} : vector<10000x128xf32>, vector<128x128xf32>, vector<10000x128xf32> -> vector<10000x128xf32>
    %get3A_67 = arith.constant 0 : index
    %get3A_68 = arith.constant 0 : index
    %get3A_69 = vector.load %arg10[%get3A_67, %get3A_68] : memref<1x128xf32, #tpu.memory_space<vmem>>, vector<1x128xf32>
    %add3A_70 = vector.broadcast %get3A_69 : vector<1x128xf32> to vector<10000x128xf32>
    %add3A_71 = arith.addf %dot_general3A_66, %add3A_70 : vector<10000x128xf32>
    %swap3A_72 = arith.constant 0 : index
    %swap3A_73 = arith.constant 0 : index
    %swap3A_74 = vector.load %arg12[%swap3A_72, %swap3A_73] : memref<10000x128xf32, #tpu.memory_space<vmem>>, vector<10000x128xf32>
    tpu.vector_store %arg12[%swap3A_72, %swap3A_73], %add3A_71 {strides = array<i32>} : memref<10000x128xf32, #tpu.memory_space<vmem>>, vector<10000x128xf32>,
    %get3A_75 = arith.constant 0 : index
    %get3A_76 = arith.constant 0 : index
    %get3A_77 = vector.load %arg9[%get3A_75, %get3A_76] : memref<128x128xf32, #tpu.memory_space<vmem>>, vector<128x128xf32>
    %dot_general3A_78 = arith.constant dense<0.000000e+00> : vector<10000x128xf32>
    %dot_general3A_79 = tpu.matmul %add3A_59, %get3A_77, %dot_general3A_78 {dimension_numbers = #tpu.dot_dimension_numbers<[1], [0], [0], [1], [0, 0, 1, 1], [], []>, transpose_lhs_hint = false} : vector<10000x128xf32>, vector<128x128xf32>, vector<10000x128xf32> -> vector<10000x128xf32>
    %swap3A_80 = arith.constant 0 : index
    %swap3A_81 = arith.constant 0 : index
    %swap3A_82 = vector.load %arg13[%swap3A_80, %swap3A_81] : memref<10000x128xf32, #tpu.memory_space<vmem>>, vector<10000x128xf32>
    tpu.vector_store %arg13[%swap3A_80, %swap3A_81], %dot_general3A_79 {strides = array<i32>} : memref<10000x128xf32, #tpu.memory_space<vmem>>, vector<10000x128xf32>,
    return
  }
}

module attributes {stable_mosaic.version = 14 : i64} {
  func.func @_prologue_body(%arg0: memref<10000x128xf32, #tpu.memory_space<vmem>>, %arg1: memref<128x128xf32, #tpu.memory_space<vmem>>, %arg2: memref<1x128xf32, #tpu.memory_space<vmem>>, %arg3: memref<128x128xf32, #tpu.memory_space<vmem>>, %arg4: memref<128x128xf32, #tpu.memory_space<vmem>>, %arg5: memref<1x128xf32, #tpu.memory_space<vmem>>, %arg6: memref<10000x128xf32, #tpu.memory_space<vmem>>, %arg7: memref<10000x128xf32, #tpu.memory_space<vmem>>, %arg8: memref<10000x128xf32, #tpu.memory_space<vmem>>) attributes {dimension_semantics = [], scalar_prefetch = 0 : i64, scratch_operands = 0 : i64, tpu.core_type = #tpu.core_type<tc>} {
    %get3A = arith.constant 0 : index
    %get3A_0 = arith.constant 0 : index
    %get3A_1 = vector.load %arg0[%get3A, %get3A_0] : memref<10000x128xf32, #tpu.memory_space<vmem>>, vector<10000x128xf32>
    %get3A_2 = arith.constant 0 : index
    %get3A_3 = arith.constant 0 : index
    %get3A_4 = vector.load %arg1[%get3A_2, %get3A_3] : memref<128x128xf32, #tpu.memory_space<vmem>>, vector<128x128xf32>
    %dot_general3A = arith.constant dense<0.000000e+00> : vector<10000x128xf32>
    %dot_general3A_5 = tpu.matmul %get3A_1, %get3A_4, %dot_general3A {dimension_numbers = #tpu.dot_dimension_numbers<[1], [0], [0], [1], [0, 0, 1, 1], [], []>, transpose_lhs_hint = false} : vector<10000x128xf32>, vector<128x128xf32>, vector<10000x128xf32> -> vector<10000x128xf32>
    %get3A_6 = arith.constant 0 : index
    %get3A_7 = arith.constant 0 : index
    %get3A_8 = vector.load %arg2[%get3A_6, %get3A_7] : memref<1x128xf32, #tpu.memory_space<vmem>>, vector<1x128xf32>
    %add3A = vector.broadcast %get3A_8 : vector<1x128xf32> to vector<10000x128xf32>
    %add3A_9 = arith.addf %dot_general3A_5, %add3A : vector<10000x128xf32>
    %max3A = arith.constant 0.000000e+00 : f32
    %max3A_10 = vector.broadcast %max3A : f32 to vector<10000x128xf32>
    %max3A_11 = arith.maximumf %add3A_9, %max3A_10 : vector<10000x128xf32>
    %swap3A = arith.constant 0 : index
    %swap3A_12 = arith.constant 0 : index
    %swap3A_13 = vector.load %arg6[%swap3A, %swap3A_12] : memref<10000x128xf32, #tpu.memory_space<vmem>>, vector<10000x128xf32>
    tpu.vector_store %arg6[%swap3A, %swap3A_12], %max3A_11 {strides = array<i32>} : memref<10000x128xf32, #tpu.memory_space<vmem>>, vector<10000x128xf32>,
    %get3A_14 = arith.constant 0 : index
    %get3A_15 = arith.constant 0 : index
    %get3A_16 = vector.load %arg3[%get3A_14, %get3A_15] : memref<128x128xf32, #tpu.memory_space<vmem>>, vector<128x128xf32>
    %dot_general3A_17 = arith.constant dense<0.000000e+00> : vector<10000x128xf32>
    %dot_general3A_18 = tpu.matmul %max3A_11, %get3A_16, %dot_general3A_17 {dimension_numbers = #tpu.dot_dimension_numbers<[1], [0], [0], [1], [0, 0, 1, 1], [], []>, transpose_lhs_hint = false} : vector<10000x128xf32>, vector<128x128xf32>, vector<10000x128xf32> -> vector<10000x128xf32>
    %get3A_19 = arith.constant 0 : index
    %get3A_20 = arith.constant 0 : index
    %get3A_21 = vector.load %arg5[%get3A_19, %get3A_20] : memref<1x128xf32, #tpu.memory_space<vmem>>, vector<1x128xf32>
    %add3A_22 = vector.broadcast %get3A_21 : vector<1x128xf32> to vector<10000x128xf32>
    %add3A_23 = arith.addf %dot_general3A_18, %add3A_22 : vector<10000x128xf32>
    %swap3A_24 = arith.constant 0 : index
    %swap3A_25 = arith.constant 0 : index
    %swap3A_26 = vector.load %arg7[%swap3A_24, %swap3A_25] : memref<10000x128xf32, #tpu.memory_space<vmem>>, vector<10000x128xf32>
    tpu.vector_store %arg7[%swap3A_24, %swap3A_25], %add3A_23 {strides = array<i32>} : memref<10000x128xf32, #tpu.memory_space<vmem>>, vector<10000x128xf32>,
    %get3A_27 = arith.constant 0 : index
    %get3A_28 = arith.constant 0 : index
    %get3A_29 = vector.load %arg4[%get3A_27, %get3A_28] : memref<128x128xf32, #tpu.memory_space<vmem>>, vector<128x128xf32>
    %dot_general3A_30 = arith.constant dense<0.000000e+00> : vector<10000x128xf32>
    %dot_general3A_31 = tpu.matmul %max3A_11, %get3A_29, %dot_general3A_30 {dimension_numbers = #tpu.dot_dimension_numbers<[1], [0], [0], [1], [0, 0, 1, 1], [], []>, transpose_lhs_hint = false} : vector<10000x128xf32>, vector<128x128xf32>, vector<10000x128xf32> -> vector<10000x128xf32>
    %swap3A_32 = arith.constant 0 : index
    %swap3A_33 = arith.constant 0 : index
    %swap3A_34 = vector.load %arg8[%swap3A_32, %swap3A_33] : memref<10000x128xf32, #tpu.memory_space<vmem>>, vector<10000x128xf32>
    tpu.vector_store %arg8[%swap3A_32, %swap3A_33], %dot_general3A_31 {strides = array<i32>} : memref<10000x128xf32, #tpu.memory_space<vmem>>, vector<10000x128xf32>,
    return
  }
}

module attributes {stable_mosaic.version = 14 : i64} {
  func.func @_final_body(%arg0: memref<10000x128xf32, #tpu.memory_space<vmem>>, %arg1: memref<2x10000x128xf32, #tpu.memory_space<vmem>>, %arg2: memref<128x128xf32, #tpu.memory_space<vmem>>, %arg3: memref<128x128xf32, #tpu.memory_space<vmem>>, %arg4: memref<128x128xf32, #tpu.memory_space<vmem>>, %arg5: memref<1x128xf32, #tpu.memory_space<vmem>>, %arg6: memref<1x128xf32, #tpu.memory_space<vmem>>, %arg7: memref<1x128xf32, #tpu.memory_space<vmem>>, %arg8: memref<128x64xf32, #tpu.memory_space<vmem>>, %arg9: memref<1x64xf32, #tpu.memory_space<vmem>>, %arg10: memref<1x64xf32, #tpu.memory_space<vmem>>, %arg11: memref<1x1xf32, #tpu.memory_space<vmem>>, %arg12: memref<128x128xf32, #tpu.memory_space<vmem>>, %arg13: memref<1x128xf32, #tpu.memory_space<vmem>>, %arg14: memref<1x128xf32, #tpu.memory_space<vmem>>, %arg15: memref<1x1xf32, #tpu.memory_space<vmem>>, %arg16: memref<10000x1xi32, #tpu.memory_space<vmem>>, %arg17: memref<1x10000xi32, #tpu.memory_space<vmem>>, %arg18: memref<64x1xf32, #tpu.memory_space<vmem>>) attributes {dimension_semantics = [], scalar_prefetch = 0 : i64, scratch_operands = 0 : i64, tpu.core_type = #tpu.core_type<tc>} {
    %get3A = arith.constant 0 : index
    %get3A_0 = arith.constant 0 : index
    %get3A_1 = vector.load %arg0[%get3A, %get3A_0] : memref<10000x128xf32, #tpu.memory_space<vmem>>, vector<10000x128xf32>
    %get3A_2 = arith.constant 0 : index
    %get3A_3 = arith.constant 0 : index
    %get3A_4 = arith.constant 0 : index
    %get3A_5 = vector.load %arg1[%get3A_2, %get3A_3, %get3A_4] : memref<2x10000x128xf32, #tpu.memory_space<vmem>>, vector<1x10000x128xf32>
    %get3A_6 = vector.shape_cast %get3A_5 : vector<1x10000x128xf32> to vector<10000x128xf32>
    %get3A_7 = arith.constant 1 : index
    %get3A_8 = arith.constant 0 : index
    %get3A_9 = arith.constant 0 : index
    %get3A_10 = vector.load %arg1[%get3A_7, %get3A_8, %get3A_9] : memref<2x10000x128xf32, #tpu.memory_space<vmem>>, vector<1x10000x128xf32>
    %get3A_11 = vector.shape_cast %get3A_10 : vector<1x10000x128xf32> to vector<10000x128xf32>
    %add3A = arith.addf %get3A_6, %get3A_11 : vector<10000x128xf32>
    %get3A_12 = arith.constant 0 : index
    %get3A_13 = arith.constant 0 : index
    %get3A_14 = vector.load %arg2[%get3A_12, %get3A_13] : memref<128x128xf32, #tpu.memory_space<vmem>>, vector<128x128xf32>
    %get3A_15 = arith.constant 0 : index
    %get3A_16 = arith.constant 0 : index
    %get3A_17 = vector.load %arg4[%get3A_15, %get3A_16] : memref<128x128xf32, #tpu.memory_space<vmem>>, vector<128x128xf32>
    %dot_general3A = arith.constant dense<0.000000e+00> : vector<128x128xf32>
    %dot_general3A_18 = tpu.matmul %get3A_14, %get3A_17, %dot_general3A {dimension_numbers = #tpu.dot_dimension_numbers<[1], [0], [0], [1], [0, 0, 1, 1], [], []>, transpose_lhs_hint = false} : vector<128x128xf32>, vector<128x128xf32>, vector<128x128xf32> -> vector<128x128xf32>
    %get3A_19 = arith.constant 0 : index
    %get3A_20 = arith.constant 0 : index
    %get3A_21 = vector.load %arg3[%get3A_19, %get3A_20] : memref<128x128xf32, #tpu.memory_space<vmem>>, vector<128x128xf32>
    %dot_general3A_22 = arith.constant dense<0.000000e+00> : vector<10000x128xf32>
    %dot_general3A_23 = tpu.matmul %get3A_1, %get3A_21, %dot_general3A_22 {dimension_numbers = #tpu.dot_dimension_numbers<[1], [0], [0], [1], [0, 0, 1, 1], [], []>, transpose_lhs_hint = false} : vector<10000x128xf32>, vector<128x128xf32>, vector<10000x128xf32> -> vector<10000x128xf32>
    %dot_general3A_24 = arith.constant dense<0.000000e+00> : vector<10000x128xf32>
    %dot_general3A_25 = tpu.matmul %add3A, %dot_general3A_18, %dot_general3A_24 {dimension_numbers = #tpu.dot_dimension_numbers<[1], [0], [0], [1], [0, 0, 1, 1], [], []>, transpose_lhs_hint = false} : vector<10000x128xf32>, vector<128x128xf32>, vector<10000x128xf32> -> vector<10000x128xf32>
    %add3A_26 = arith.addf %dot_general3A_23, %dot_general3A_25 : vector<10000x128xf32>
    %get3A_27 = arith.constant 0 : index
    %get3A_28 = arith.constant 0 : index
    %get3A_29 = vector.load %arg5[%get3A_27, %get3A_28] : memref<1x128xf32, #tpu.memory_space<vmem>>, vector<1x128xf32>
    %add3A_30 = vector.broadcast %get3A_29 : vector<1x128xf32> to vector<10000x128xf32>
    %add3A_31 = arith.addf %add3A_26, %add3A_30 : vector<10000x128xf32>
    %max3A = arith.constant 0.000000e+00 : f32
    %max3A_32 = vector.broadcast %max3A : f32 to vector<10000x128xf32>
    %max3A_33 = arith.maximumf %add3A_31, %max3A_32 : vector<10000x128xf32>
    %reduce_sum3A = arith.constant dense<0.000000e+00> : vector<10000xf32>
    %reduce_sum3A_34 = vector.multi_reduction <add>, %max3A_33, %reduce_sum3A [1] : vector<10000x128xf32> to vector<10000xf32>
    %broadcast_in_dim3A = vector.shape_cast %reduce_sum3A_34 : vector<10000xf32> to vector<10000x1xf32>
    %div3A = arith.constant 1.280000e+02 : f32
    %div3A_35 = vector.broadcast %div3A : f32 to vector<10000x1xf32>
    %div3A_36 = arith.divf %broadcast_in_dim3A, %div3A_35 : vector<10000x1xf32>
    %sub3A = vector.broadcast %div3A_36 : vector<10000x1xf32> to vector<10000x128xf32>
    %sub3A_37 = arith.subf %max3A_33, %sub3A : vector<10000x128xf32>
    %integer_pow3A = arith.mulf %sub3A_37, %sub3A_37 : vector<10000x128xf32>
    %reduce_sum3A_38 = arith.constant dense<0.000000e+00> : vector<10000xf32>
    %reduce_sum3A_39 = vector.multi_reduction <add>, %integer_pow3A, %reduce_sum3A_38 [1] : vector<10000x128xf32> to vector<10000xf32>
    %broadcast_in_dim3A_40 = vector.shape_cast %reduce_sum3A_39 : vector<10000xf32> to vector<10000x1xf32>
    %div3A_41 = arith.constant 1.280000e+02 : f32
    %div3A_42 = vector.broadcast %div3A_41 : f32 to vector<10000x1xf32>
    %div3A_43 = arith.divf %broadcast_in_dim3A_40, %div3A_42 : vector<10000x1xf32>
    %sub3A_44 = vector.broadcast %div3A_36 : vector<10000x1xf32> to vector<10000x128xf32>
    %sub3A_45 = arith.subf %max3A_33, %sub3A_44 : vector<10000x128xf32>
    %add3A_46 = arith.constant 9.99999974E-6 : f32
    %add3A_47 = vector.broadcast %add3A_46 : f32 to vector<10000x1xf32>
    %add3A_48 = arith.addf %div3A_43, %add3A_47 : vector<10000x1xf32>
    %rsqrt3A = math.rsqrt %add3A_48 : vector<10000x1xf32>
    %mul3A = vector.broadcast %rsqrt3A : vector<10000x1xf32> to vector<10000x128xf32>
    %mul3A_49 = arith.mulf %sub3A_45, %mul3A : vector<10000x128xf32>
    %get3A_50 = arith.constant 0 : index
    %get3A_51 = arith.constant 0 : index
    %get3A_52 = vector.load %arg6[%get3A_50, %get3A_51] : memref<1x128xf32, #tpu.memory_space<vmem>>, vector<1x128xf32>
    %mul3A_53 = vector.broadcast %get3A_52 : vector<1x128xf32> to vector<10000x128xf32>
    %mul3A_54 = arith.mulf %mul3A_49, %mul3A_53 : vector<10000x128xf32>
    %get3A_55 = arith.constant 0 : index
    %get3A_56 = arith.constant 0 : index
    %get3A_57 = vector.load %arg7[%get3A_55, %get3A_56] : memref<1x128xf32, #tpu.memory_space<vmem>>, vector<1x128xf32>
    %add3A_58 = vector.broadcast %get3A_57 : vector<1x128xf32> to vector<10000x128xf32>
    %add3A_59 = arith.addf %mul3A_54, %add3A_58 : vector<10000x128xf32>
    %get3A_60 = arith.constant 0 : index
    %get3A_61 = arith.constant 0 : index
    %get3A_62 = vector.load %arg8[%get3A_60, %get3A_61] : memref<128x64xf32, #tpu.memory_space<vmem>>, vector<128x64xf32>
    %dot_general3A_63 = arith.constant dense<0.000000e+00> : vector<10000x64xf32>
    %dot_general3A_64 = tpu.matmul %add3A_59, %get3A_62, %dot_general3A_63 {dimension_numbers = #tpu.dot_dimension_numbers<[1], [0], [0], [1], [0, 0, 1, 1], [], []>, transpose_lhs_hint = false} : vector<10000x128xf32>, vector<128x64xf32>, vector<10000x64xf32> -> vector<10000x64xf32>
    %get3A_65 = arith.constant 0 : index
    %get3A_66 = arith.constant 0 : index
    %get3A_67 = vector.load %arg9[%get3A_65, %get3A_66] : memref<1x64xf32, #tpu.memory_space<vmem>>, vector<1x64xf32>
    %add3A_68 = vector.broadcast %get3A_67 : vector<1x64xf32> to vector<10000x64xf32>
    %add3A_69 = arith.addf %dot_general3A_64, %add3A_68 : vector<10000x64xf32>
    %max3A_70 = arith.constant 0.000000e+00 : f32
    %max3A_71 = vector.broadcast %max3A_70 : f32 to vector<10000x64xf32>
    %max3A_72 = arith.maximumf %add3A_69, %max3A_71 : vector<10000x64xf32>
    %get3A_73 = arith.constant 0 : index
    %get3A_74 = arith.constant 0 : index
    %get3A_75 = vector.load %arg10[%get3A_73, %get3A_74] : memref<1x64xf32, #tpu.memory_space<vmem>>, vector<1x64xf32>
    %mul3A_76 = vector.broadcast %get3A_75 : vector<1x64xf32> to vector<10000x64xf32>
    %mul3A_77 = arith.mulf %max3A_72, %mul3A_76 : vector<10000x64xf32>
    %reduce_sum3A_78 = arith.constant dense<0.000000e+00> : vector<10000xf32>
    %reduce_sum3A_79 = vector.multi_reduction <add>, %mul3A_77, %reduce_sum3A_78 [1] : vector<10000x64xf32> to vector<10000xf32>
    %broadcast_in_dim3A_80 = vector.shape_cast %reduce_sum3A_79 : vector<10000xf32> to vector<10000x1xf32>
    %get3A_81 = arith.constant 0 : index
    %get3A_82 = arith.constant 0 : index
    %get3A_83 = vector.load %arg11[%get3A_81, %get3A_82] : memref<1x1xf32, #tpu.memory_space<vmem>>, vector<1x1xf32>
    %add3A_84 = vector.broadcast %get3A_83 : vector<1x1xf32> to vector<10000x1xf32>
    %add3A_85 = arith.addf %broadcast_in_dim3A_80, %add3A_84 : vector<10000x1xf32>
    %iota3A = tpu.iota {dimensions = array<i32: 1>} : vector<10000x64xi32>
    %get3A_86 = arith.constant 0 : index
    %get3A_87 = arith.constant 0 : index
    %get3A_88 = vector.load %arg16[%get3A_86, %get3A_87] : memref<10000x1xi32, #tpu.memory_space<vmem>>, vector<10000x1xi32>
    %eq3A = vector.broadcast %get3A_88 : vector<10000x1xi32> to vector<10000x64xi32>
    %eq3A_89 = arith.cmpi eq, %eq3A, %iota3A : vector<10000x64xi32>
    %jit3A = arith.constant -1.000000e+30 : f32
    %broadcast_in_dim3A_90 = vector.shape_cast %add3A_85 : vector<10000x1xf32> to vector<10000x1xf32>
    %broadcast_in_dim3A_91 = vector.broadcast %broadcast_in_dim3A_90 : vector<10000x1xf32> to vector<10000x64xf32>
    %broadcast_in_dim3A_92 = vector.broadcast %jit3A : f32 to vector<10000x64xf32>
    %select_n3A = arith.select %eq3A_89, %broadcast_in_dim3A_91, %broadcast_in_dim3A_92 : vector<10000x64xi1>, vector<10000x64xf32>
    %reduce_max3A = arith.constant dense<0xFF800000> : vector<64xf32>
    %reduce_max3A_93 = vector.multi_reduction <maximumf>, %select_n3A, %reduce_max3A [0] : vector<10000x64xf32> to vector<64xf32>
    %broadcast_in_dim3A_94 = vector.shape_cast %reduce_max3A_93 : vector<64xf32> to vector<1x64xf32>
    %jit3A_95 = arith.constant 0.000000e+00 : f32
    %broadcast_in_dim3A_96 = vector.shape_cast %broadcast_in_dim3A_94 : vector<1x64xf32> to vector<1x64xf32>
    %broadcast_in_dim3A_97 = vector.broadcast %broadcast_in_dim3A_96 : vector<1x64xf32> to vector<10000x64xf32>
    %broadcast_in_dim3A_98 = vector.broadcast %jit3A_95 : f32 to vector<10000x64xf32>
    %select_n3A_99 = arith.select %eq3A_89, %broadcast_in_dim3A_97, %broadcast_in_dim3A_98 : vector<10000x64xi1>, vector<10000x64xf32>
    %reduce_sum3A_100 = arith.constant dense<0.000000e+00> : vector<10000xf32>
    %reduce_sum3A_101 = vector.multi_reduction <add>, %select_n3A_99, %reduce_sum3A_100 [1] : vector<10000x64xf32> to vector<10000xf32>
    %broadcast_in_dim3A_102 = vector.shape_cast %reduce_sum3A_101 : vector<10000xf32> to vector<10000x1xf32>
    %sub3A_103 = arith.subf %add3A_85, %broadcast_in_dim3A_102 : vector<10000x1xf32>
    %exp3A = math.exp %sub3A_103 : vector<10000x1xf32>
    %jit3A_104 = arith.constant 0.000000e+00 : f32
    %broadcast_in_dim3A_105 = vector.shape_cast %exp3A : vector<10000x1xf32> to vector<10000x1xf32>
    %broadcast_in_dim3A_106 = vector.broadcast %broadcast_in_dim3A_105 : vector<10000x1xf32> to vector<10000x64xf32>
    %broadcast_in_dim3A_107 = vector.broadcast %jit3A_104 : f32 to vector<10000x64xf32>
    %select_n3A_108 = arith.select %eq3A_89, %broadcast_in_dim3A_106, %broadcast_in_dim3A_107 : vector<10000x64xi1>, vector<10000x64xf32>
    %reduce_sum3A_109 = arith.constant dense<0.000000e+00> : vector<64xf32>
    %reduce_sum3A_110 = vector.multi_reduction <add>, %select_n3A_108, %reduce_sum3A_109 [0] : vector<10000x64xf32> to vector<64xf32>
    %broadcast_in_dim3A_111 = vector.shape_cast %reduce_sum3A_110 : vector<64xf32> to vector<1x64xf32>
    %jit3A_112 = arith.constant 0.000000e+00 : f32
    %broadcast_in_dim3A_113 = vector.shape_cast %broadcast_in_dim3A_111 : vector<1x64xf32> to vector<1x64xf32>
    %broadcast_in_dim3A_114 = vector.broadcast %broadcast_in_dim3A_113 : vector<1x64xf32> to vector<10000x64xf32>
    %broadcast_in_dim3A_115 = vector.broadcast %jit3A_112 : f32 to vector<10000x64xf32>
    %select_n3A_116 = arith.select %eq3A_89, %broadcast_in_dim3A_114, %broadcast_in_dim3A_115 : vector<10000x64xi1>, vector<10000x64xf32>
    %reduce_sum3A_117 = arith.constant dense<0.000000e+00> : vector<10000xf32>
    %reduce_sum3A_118 = vector.multi_reduction <add>, %select_n3A_116, %reduce_sum3A_117 [1] : vector<10000x64xf32> to vector<10000xf32>
    %broadcast_in_dim3A_119 = vector.shape_cast %reduce_sum3A_118 : vector<10000xf32> to vector<10000x1xf32>
    %div3A_120 = arith.divf %exp3A, %broadcast_in_dim3A_119 : vector<10000x1xf32>
    %iota3A_121 = tpu.iota {dimensions = array<i32: 0>} : vector<64x10000xi32>
    %get3A_122 = arith.constant 0 : index
    %get3A_123 = arith.constant 0 : index
    %get3A_124 = vector.load %arg17[%get3A_122, %get3A_123] : memref<1x10000xi32, #tpu.memory_space<vmem>>, vector<1x10000xi32>
    %eq3A_125 = vector.broadcast %get3A_124 : vector<1x10000xi32> to vector<64x10000xi32>
    %eq3A_126 = arith.cmpi eq, %eq3A_125, %iota3A_121 : vector<64x10000xi32>
    %convert_element_type3A = arith.extui %eq3A_126 : vector<64x10000xi1> to vector<64x10000xi32>
    %convert_element_type3A_127 = arith.sitofp %convert_element_type3A : vector<64x10000xi32> to vector<64x10000xf32>
    %mul3A_128 = vector.broadcast %div3A_120 : vector<10000x1xf32> to vector<10000x128xf32>
    %mul3A_129 = arith.mulf %mul3A_128, %add3A_59 : vector<10000x128xf32>
    %dot_general3A_130 = arith.constant dense<0.000000e+00> : vector<64x128xf32>
    %dot_general3A_131 = tpu.matmul %convert_element_type3A_127, %mul3A_129, %dot_general3A_130 {dimension_numbers = #tpu.dot_dimension_numbers<[1], [0], [0], [1], [0, 0, 1, 1], [], []>, transpose_lhs_hint = false} : vector<64x10000xf32>, vector<10000x128xf32>, vector<64x128xf32> -> vector<64x128xf32>
    %get3A_132 = arith.constant 0 : index
    %get3A_133 = arith.constant 0 : index
    %get3A_134 = vector.load %arg12[%get3A_132, %get3A_133] : memref<128x128xf32, #tpu.memory_space<vmem>>, vector<128x128xf32>
    %dot_general3A_135 = arith.constant dense<0.000000e+00> : vector<64x128xf32>
    %dot_general3A_136 = tpu.matmul %dot_general3A_131, %get3A_134, %dot_general3A_135 {dimension_numbers = #tpu.dot_dimension_numbers<[1], [0], [0], [1], [0, 0, 1, 1], [], []>, transpose_lhs_hint = false} : vector<64x128xf32>, vector<128x128xf32>, vector<64x128xf32> -> vector<64x128xf32>
    %get3A_137 = arith.constant 0 : index
    %get3A_138 = arith.constant 0 : index
    %get3A_139 = vector.load %arg13[%get3A_137, %get3A_138] : memref<1x128xf32, #tpu.memory_space<vmem>>, vector<1x128xf32>
    %add3A_140 = vector.broadcast %get3A_139 : vector<1x128xf32> to vector<64x128xf32>
    %add3A_141 = arith.addf %dot_general3A_136, %add3A_140 : vector<64x128xf32>
    %max3A_142 = arith.constant 0.000000e+00 : f32
    %max3A_143 = vector.broadcast %max3A_142 : f32 to vector<64x128xf32>
    %max3A_144 = arith.maximumf %add3A_141, %max3A_143 : vector<64x128xf32>
    %get3A_145 = arith.constant 0 : index
    %get3A_146 = arith.constant 0 : index
    %get3A_147 = vector.load %arg14[%get3A_145, %get3A_146] : memref<1x128xf32, #tpu.memory_space<vmem>>, vector<1x128xf32>
    %mul3A_148 = vector.broadcast %get3A_147 : vector<1x128xf32> to vector<64x128xf32>
    %mul3A_149 = arith.mulf %max3A_144, %mul3A_148 : vector<64x128xf32>
    %reduce_sum3A_150 = arith.constant dense<0.000000e+00> : vector<64xf32>
    %reduce_sum3A_151 = vector.multi_reduction <add>, %mul3A_149, %reduce_sum3A_150 [1] : vector<64x128xf32> to vector<64xf32>
    %broadcast_in_dim3A_152 = vector.shape_cast %reduce_sum3A_151 : vector<64xf32> to vector<64x1xf32>
    %get3A_153 = arith.constant 0 : index
    %get3A_154 = arith.constant 0 : index
    %get3A_155 = vector.load %arg15[%get3A_153, %get3A_154] : memref<1x1xf32, #tpu.memory_space<vmem>>, vector<1x1xf32>
    %add3A_156 = vector.broadcast %get3A_155 : vector<1x1xf32> to vector<64x1xf32>
    %add3A_157 = arith.addf %broadcast_in_dim3A_152, %add3A_156 : vector<64x1xf32>
    %swap3A = arith.constant 0 : index
    %swap3A_158 = arith.constant 0 : index
    %swap3A_159 = vector.load %arg18[%swap3A, %swap3A_158] : memref<64x1xf32, #tpu.memory_space<vmem>>, vector<64x1xf32>
    tpu.vector_store %arg18[%swap3A, %swap3A_158], %add3A_157 {strides = array<i32>} : memref<64x1xf32, #tpu.memory_space<vmem>>, vector<64x1xf32>,
    return
  }
}

</mosaic_0001>

<sc_bundles>
// kernel: kernel.11.cloned.1.call-start
scs
__scs_entry_jumppad:
0x0: {  	(pc) =	sbr.rel $0x88, $3  }
0x1: {  	(tag) =	ssettag $0x0;
	lr =	simm.s32 $0x1  }
0x2: {  	[smem:$0x3F8D] =	sst lr;
	_ =	strace $0xD0000000  }
0x3: {  	_ = 	snop  }
0x4: {  	_ = 	snop  }
0x5: {  	_ = 	snop  }
0x6: {  	_ = 	snop  }
0x7: {  	_ = 	snop  }
__scs_overlays_trampoline_lowered:
0x8: {  	[smem:$0x3F9C] =	sst s0  }
0x9: {  	[smem:$0x3F9D] =	sst s1  }
0xa: {  	[smem:$0x3F9E] =	sst s2  }
0xb: {  	[smem:$0x3F9F] =	sst s3  }
0xc: {  	[smem:$0x3FA0] =	sst s4  }
0xd: {  	[smem:$0x3FA1] =	sst s5  }
0xe: {  	[smem:$0x3FA2] =	sst s6  }
0xf: {  	[smem:$0x3FA3] =	sst s7  }
0x10: {  	[smem:$0x3FA4] =	sst s8  }
0x11: {  	[smem:$0x3FA5] =	sst s9;
	s0 =	simm.s32 @!p0 $0x0  }
0x12: {  	s1 =	sld [smem:$0x3F8B];
	s0 =	simm.s32 @p0 $0x1  }
0x13: {  	[smem:$0x3FA6] =	sst s0;
	s0 =	simm.s32 @!p1 $0x0  }
0x14: {  	s2 =	sld [smem:$0x3F8A];
	s0 =	simm.s32 @p1 $0x1  }
0x15: {  	[smem:$0x3FA7] =	sst s0;
	s0 =	simm.s32 @!p2 $0x0  }
0x16: {  	s3 =	sld [smem:$0x3FDB];
	s0 =	simm.s32 @p2 $0x1  }
0x17: {  	s4 =	simm.s32 $0x1BF5;
	[smem:$0x3FA9] =	sst s0  }
0x18: {  	s0 =	sld [smem:$0x3F8C];
	_ =	swait.ge [sflag:s4], $0x0  }
0x19: {  	s7 =	sld [smem:$0x3F8D]  }
0x1a: {  	s8 =	sadd.s32 $0xFFFFE003, lr  }
0x1b: {  	s9 =	sadd.s32 $0xFFFFFEF7, lr;
	s5 =	simm.s32 $0xFFFFFFFF;
	p2 =	slt.u32 s8, $0xFFFFF086  }
0x1c: {  	p1 =	slt.u32 s9, $0xF7A;
	s5 =	simm.s32 @!p2 $0x0  }
0x1d: {  	s5 =	simm.s32 @p1 $0x1;
	p0 =	seq.s32 s7, s2  }
0x1e: {  	s7 =	smul.u32 @!p0 $0xF7A, s2;
	p2 =	seq.s32 @!p0 s5, $0x0  }
0x1f: {  	s9 =	smul.u32 $0xF7A, s1;
	s8 =	simm.s32 @!p0 $0x1BF5;
	p2 =	por !p2, p0  }
0x20: {  	[sflag:s8] =	ssyncset.s32 @!p0 $0xFFFFF086;
	s6 =	sadd.s32 @!p0 s3, s7;
	s7 =	simm.s32 @!p0 $0x108  }
0x21: {  	s3 =	sadd.s32 s3, s9;
	s6 =	sadd.s32 @!p0 $0x88, s6;
	s7 =	simm.s32 @p2 $0x1082  }
0x22: {  	[simem:s7], [sflag:s8] =	dma.local @!p0 [hbm:s6], $0xF7A  }
0x23: {  	s9 =	sor.u32 $0xD0000000, s2;
	s6 =	simm.s32 $0x108;
	_ =	swait.ge @!p0 [sflag:s8], $0x0  }
0x24: {  	s3 =	sadd.s32 $0x88, s3;
	s6 =	simm.s32 @!p1 $0x1082;
	[sflag:s4] =	ssyncset.s32 $0xFFFFF086  }
0x25: {  	[simem:s6], [sflag:s4] =	dma.local [hbm:s3], $0xF7A  }
0x26: {  	[smem:$0x3F8D] =	sst s1;
	(tag) =	ssettag s2;
	_ =	strace s9  }
0x27: {  	s1 =	sld [smem:$0x3F9D]  }
0x28: {  	s2 =	sld [smem:$0x3F9E]  }
0x29: {  	s4 =	sld [smem:$0x3FA0]  }
0x2a: {  	p0 =	seq.s32 s5, $0x0;
	s5 =	sld [smem:$0x3FA1]  }
0x2b: {  	s6 =	sld [smem:$0x3FA2]  }
0x2c: {  	s7 =	sld [smem:$0x3FA3]  }
0x2d: {  	s3 =	simm.s32 $0x108;
	s8 =	sld [smem:$0x3FA4]  }
0x2e: {  	s3 =	simm.s32 @!p0 $0x1082;
	s9 =	sld [smem:$0x3FA5]  }
0x2f: {  	lr =	sadd.s32 s0, s3;
	s0 =	sld [smem:$0x3F9C]  }
0x30: {  	s3 =	sld [smem:$0x3F9F]  }
0x31: {  	[smem:$0x3FA8] =	sst s10  }
0x32: {  	s10 =	sld [smem:$0x3FA6];
	_ =	sdelay $0x3  }
0x33: {  	p0 =	seq.s32 s10, $0x1;
	s10 =	sld [smem:$0x3FA8];
	_ =	sdelay $0x3  }
0x34: {  	[smem:$0x3FA8] =	sst s10  }
0x35: {  	s10 =	sld [smem:$0x3FA7];
	_ =	sdelay $0x3  }
0x36: {  	p1 =	seq.s32 s10, $0x1;
	s10 =	sld [smem:$0x3FA8];
	_ =	sdelay $0x3  }
0x37: {  	[smem:$0x3FA8] =	sst s10  }
0x38: {  	s10 =	sld [smem:$0x3FA9]  }
0x39: {  	_ = 	snop;
	(pc) =	sbr.ind lr, $3  }
0x3a: {  	_ = 	snop  }
0x3b: {  	_ = 	snop  }
0x3c: {  	p2 =	seq.s32 s10, $0x1;
	s10 =	sld [smem:$0x3FA8]  }
0x3d: {  	_ =	shalt  }
0x3e: {  	_ =	shalt  }
0x3f: {  	_ =	shalt  }
0x40: {  	_ =	shalt  }
0x41: {  	_ =	shalt  }
0x42: {  	_ =	shalt  }
0x43: {  	_ =	shalt  }
0x44: {  	_ =	shalt  }
0x45: {  	_ =	shalt  }
0x46: {  	_ =	shalt  }
0x47: {  	_ =	shalt  }
0x48: {  	_ =	shalt  }
0x49: {  	_ =	shalt  }
0x4a: {  	_ =	shalt  }
0x4b: {  	_ =	shalt  }
0x4c: {  	_ =	shalt  }
0x4d: {  	_ =	shalt  }
0x4e: {  	_ =	shalt  }
0x4f: {  	_ =	shalt  }
0x50: {  	_ =	shalt  }
0x51: {  	_ =	shalt  }
0x52: {  	_ =	shalt  }
0x53: {  	_ =	shalt  }
0x54: {  	_ =	shalt  }
0x55: {  	_ =	shalt  }
0x56: {  	_ =	shalt  }
0x57: {  	_ =	shalt  }
0x58: {  	_ =	shalt  }
0x59: {  	_ =	shalt  }
0x5a: {  	_ =	shalt  }
0x5b: {  	_ =	shalt  }
0x5c: {  	_ =	shalt  }
0x5d: {  	_ =	shalt  }
0x5e: {  	_ =	shalt  }
0x5f: {  	_ =	shalt  }
0x60: {  	_ =	shalt  }
0x61: {  	_ =	shalt  }
0x62: {  	_ =	shalt  }
0x63: {  	_ =	shalt  }
0x64: {  	_ =	shalt  }
0x65: {  	_ =	shalt  }
0x66: {  	_ =	shalt  }
0x67: {  	_ =	shalt  }
0x68: {  	_ =	shalt  }
0x69: {  	_ =	shalt  }
0x6a: {  	_ =	shalt  }
0x6b: {  	_ =	shalt  }
0x6c: {  	_ =	shalt  }
0x6d: {  	_ =	shalt  }
0x6e: {  	_ =	shalt  }
0x6f: {  	_ =	shalt  }
0x70: {  	_ =	shalt  }
0x71: {  	_ =	shalt  }
0x72: {  	_ =	shalt  }
0x73: {  	_ =	shalt  }
0x74: {  	_ =	shalt  }
0x75: {  	_ =	shalt  }
0x76: {  	_ =	shalt  }
0x77: {  	_ =	shalt  }
0x78: {  	_ =	shalt  }
0x79: {  	_ =	shalt  }
0x7a: {  	_ =	shalt  }
0x7b: {  	_ =	shalt  }
0x7c: {  	_ =	shalt  }
0x7d: {  	_ =	shalt  }
0x7e: {  	_ =	shalt  }
0x7f: {  	_ =	shalt  }
0x80: {  	_ =	shalt  }
0x81: {  	_ =	shalt  }
0x82: {  	_ =	shalt  }
0x83: {  	_ =	shalt  }
0x84: {  	_ =	shalt  }
0x85: {  	_ =	shalt  }
0x86: {  	_ =	shalt  }
0x87: {  	_ =	shalt  }
.Lfunc_end0:
.L_simem_size_0:
called_computation_lowered:
.L_overlay_start_0:
0x88: {  	s2 =	sld [smem:$0x3FD9]  }
0x89: {  	s3 =	sld [smem:$0x3FFE];
	_ =	sdelay $0x1  }
0x8a: {  	s1 =	srdreg.scid  }
0x8b: {  	s0 =	sand.u32 $0x1, s1  }
0x8c: {  	s16 =	sshll.u32 s0, $0xA;
	s2 =	sadd.s32 s3, s2  }
0x8d: {  	s2 =	sadd.s32 s2, s16  }
0x8e: {  	[smem:$0x3FB4] =	sst s2  }
0x8f: {  	_ = 	snop  }
0x90: {  	(tm) =	ssettm $0x1  }
0x91: {  	s17 =	sld [smem:$0x3FFB];
	_ =	sdelay $0x3  }
0x92: {  	_ =	strace s17  }
0x93: {  	s2 =	sld [smem:$0x3FFC];
	_ =	sdelay $0x3  }
0x94: {  	_ =	strace s2  }
0x95: {  	s2 =	sld [smem:$0x3FFD];
	_ =	sdelay $0x3  }
0x96: {  	_ =	strace s2  }
0x97: {  	_ =	strace $0x8FFFFFFF  }
0x98: {  	s18 =	sld [smem:$0x3FDB];
	_ =	sdelay $0x1  }
0x99: {  	s19 =	simm.s32 $_scs_section_size  }
0x9a: {  	s4 =	simm.s32 $_size__tile_overlayer_lowered;
	s5 =	simm.s32 $_tile_overlayer_lowered  }
0x9b: {  	s22 =	simm.s32 $0x1BFF;
	s21 =	sshll.u32 s5, $0x1;
	s2 =	sadd.s32 s19, s18  }
0x9c: {  	s6 =	simm.s32 $0x0;
	s20 =	sshll.u32 s4, $0x1;
	s4 =	sadd.s32 s21, s2  }
0x9d: {  	[timem:s6], [sflag:s22] =	dma.local [hbm:s4], s20  }
0x9e: {  	_ =	swait.ge [sflag:s22], s20  }
0x9f: {  	s3 =	ssub.s32 $0x0, s20;
	[sflag:s22] =	ssyncset.done $0x0  }
0xa0: {  	[sflag:s22] =	ssyncadd.s32 s3;
	_ =	sdelay $0x1  }
0xa1: {  	s23 =	simm.s32 $0x1B8B  }
0xa2: {  	_ =	swait.ge [sflag:s23], $0x1  }
0xa3: {  	[sflag:s23] =	ssyncset.done $0x0  }
0xa4: {  	s25 =	simm.s32 $0x1B8E;
	s24 =	sld [smem:$0x3FFE];
	[sflag:s23] =	ssyncadd.s32 $0xFFFFFFFF  }
0xa5: {  	s26 =	simm.s32 $execute0_lowered;
	[smem:$0x3FD2] =	sst s25  }
0xa6: {  	s4 =	sshll.u32 s26, $0x1;
	_ =	strace $0x80000046;
	[dreg:$0x1] =	wrdreg $0xFFFFFFFF  }
0xa7: {  	s28 =	simm.s32 $_size_execute0_lowered;
	s2 =	sadd.s32 s2, s4;
	[dreg:$0x0] =	wrdreg $0x0  }
0xa8: {  	s4 =	sshll.u32 s28, $0x1;
	[dreg:$0x2] =	wrdreg s2  }
0xa9: {  	[dreg:$0x3] =	wrdreg s4  }
0xaa: {  	[dreg:$0x4] =	wrdreg $0xC0  }
0xab: {  	_ =	task [dreg:s6], $0x5FFFF  }
0xac: {  	[dreg:$0x1] =	wrdreg $0xFFFFFFFF  }
0xad: {  	[dreg:$0x0] =	wrdreg $0x60  }
0xae: {  	[dreg:$0x2] =	wrdreg s24  }
0xaf: {  	[dreg:$0x3] =	wrdreg $0x51000  }
0xb0: {  	[dreg:$0x4] =	wrdreg $0x9  }
0xb1: {  	_ =	task.clear_ibuf [dreg:s6], $0x5FFFF;
	_ =	strace $0x90000046  }
0xb2: {  	s29 =	simm.s32 $0x9;
	_ =	strace $0x80000048  }
0xb3: {  	_ =	swait.ge [sflag:s29], $0x1  }
0xb4: {  	[sflag:s29] =	ssyncadd.s32 $0xFFFFFFFF  }
0xb5: {  	_ =	strace $0x90000048  }
0xb6: {  	_ =	sfence  }
0xb7: {  	s30 =	sld [smem:$0x0];
	_ =	sdelay $0x2  }
0xb8: {  	s31 =	sshll.u32 s1, $0xD;
	s1 =	sshrl.u32 s1, $0x2  }
0xb9: {  	s3 =	sand.u32 $0x4000, s31;
	s1 =	sadd.s32 s1, s30  }
0xba: {  	s0 =	sor.u32 s3, s0;
	s1 =	sshll.u32 s1, $0x11  }
0xbb: {  	s0 =	sor.u32 s1, s0  }
0xbc: {  	s0 =	sadd.s32 $0x8F2B, s0  }
0xbd: {  	[sflag:s0] =	ssyncadd.remote.s32 $0x1  }
0xbe: {  	_ =	sfence.sel $0xFFFF  }
0xbf: {  	[dreg:$0x0] =	wrdreg $0xFFFFFFFF;
	(pc) =	sbr.abs _section_cstart, $3  }
0xc0: {  	[dreg:$0x1] =	wrdreg $0xFFFFFFFF  }
0xc1: {  	_ =	task.clear_ibuf [dreg:s6], $0x2FFFF;
	_ =	strace $0x9FFFFFFF  }
0xc2: {  	(tm) =	ssettm $0x7FFFFFFF  }
0xc3: {  	_ =	shalt  }
tec
execute0_lowered:
.L_overlay_start_1:
0x0: {  	(tag) =	ssettag $0x1  }
0x1: {  	s0 =	rddreg [dreg:$0x0]  }
0x2: {  	s1 =	rddreg [dreg:$0x1];
	s3 =	simm.s32 $0x0  }
0x3: {  	s2 =	srdreg.scid;
	s28 =	stileid.u32;
	s29 =	simm.s32 $0x100  }
0x4: {  	s30 =	simm.s32 $0x3;
	s31 =	simm.s32 $0x80;
	[smem:$0x7FF] =	sst s3  }
0x5: {  	s2 =	sand.u32 $0x1, s2;
	s6 =	smul.u32 $0x13800, s28;
	s4 =	sadd.s32 $0x18000, s0  }
0x6: {  	s7 =	sadd.s32 $0x66400, s0;
	p0 =	sne.s32 s28, $0xF;
	s5 =	ssub.s32 $0x2, s2  }
0x7: {  	_ =	strace $0x80000047;
	s12 =	smul.u32 $0x138800, s2;
	s8 =	sshrl.u32 s5, $0x1  }
0x8: {  	s9 =	sadd.s32 $0x2800, s6;
	s10 =	sadd.s32 $0x5000, s6;
	s11 =	sadd.s32 $0x7800, s6  }
0x9: {  	s20 =	sadd.s32 $0xA000, s6;
	s21 =	sadd.s32 $0xC800, s6;
	s22 =	sadd.s32 $0xF000, s6  }
0xa: {  	s23 =	sadd.s32 $0x11800, s6;
	s5 =	ssub.s32 s5, s8;
	s8 =	smul.u32 $0x4E000, s28  }
0xb: {  	s6 =	sadd.s32 s6, s12;
	s13 =	sadd.s32 s12, s9;
	s14 =	sadd.s32 s12, s10  }
0xc: {  	s15 =	sadd.s32 s12, s20;
	s16 =	sadd.s32 s12, s21;
	s19 =	sadd.s32 s12, s22  }
0xd: {  	s24 =	sadd.s32 s12, s23;
	s25 =	sshrl.u32 s12, $0x3;
	s20 =	sadd.s32 s20, s1  }
0xe: {  	s21 =	sadd.s32 s21, s1;
	s22 =	sadd.s32 s22, s1;
	s23 =	sadd.s32 s23, s1  }
0xf: {  	s6 =	sshrl.u32 s6, $0x3;
	s13 =	sshrl.u32 s13, $0x3;
	s18 =	sshrl.u32 s16, $0x3  }
0x10: {  	s6 =	sadd.s32 s7, s6;
	s26 =	sadd.s32 s7, s13;
	s13 =	sshrl.u32 s14, $0x3  }
0x11: {  	s14 =	sadd.s32 s12, s11;
	s12 =	sadd.s32 s7, s25;
	[dreg:$0x3] =	wrdreg s6  }
0x12: {  	s25 =	sshrl.u32 s8, $0x2;
	[dreg:$0x4] =	wrdreg s26;
	s6 =	sadd.s32 s7, s13  }
0x13: {  	s13 =	sshrl.u32 s15, $0x3;
	s15 =	sadd.s32 $0x4400, s0;
	s16 =	sadd.s32 s25, s1  }
0x14: {  	s25 =	sadd.s32 $0x27000, s12;
	[dreg:$0x5] =	wrdreg s6;
	s6 =	sshrl.u32 s14, $0x3  }
0x15: {  	s17 =	sadd.s32 s7, s13;
	s13 =	sshrl.u32 s24, $0x3;
	s14 =	sadd.s32 $0xE200, s0  }
0x16: {  	s6 =	sadd.s32 s7, s6;
	[dreg:$0x7] =	wrdreg s17;
	s26 =	sadd.s32 s7, s13  }
0x17: {  	s13 =	sadd.s32 $0x3F200, s0;
	s17 =	sadd.s32 s9, s1;
	[dreg:$0x6] =	wrdreg s6  }
0x18: {  	s6 =	sadd.s32 s7, s18;
	[dreg:$0xa] =	wrdreg s26;
	s18 =	sadd.s32 s10, s1  }
0x19: {  	s26 =	sshll.u32 s2, $0x4;
	s2 =	simm.s32 $0x2900;
	[dreg:$0x8] =	wrdreg s6  }
0x1a: {  	s6 =	sshrl.u32 s19, $0x3;
	s19 =	sadd.s32 s11, s1;
	s0 =	sor.u32 s28, s26  }
0x1b: {  	s26 =	smax.u32 s5, $0x1;
	s28 =	sadd.s32 $0x138000, s1;
	s5 =	simm.s32 $0x1  }
0x1c: {  	s6 =	sadd.s32 s7, s6;
	s24 =	smul.u32 $0x2710, s0;
	s0 =	simm.s32 $0x50  }
0x1d: {  	v0 =	vimm.f32 $0.0e+00;
	s7 =	simm.s32 $0x0;
	[dreg:$0x9] =	wrdreg s6;
	s6 =	simm.s32 $0x2  }
.LBB2_1:
0x1e: {  	s8 =	simm.s32 $0x0;
	s9 =	simm.s32 $0x200  }
.LBB2_2:
0x1f: {  	p1 =	sne.s32 s9, $0x9E00;
	[tilespmem:s8+$0x170] =	vst v0  }
0x20: {  	[tilespmem:s8+$0x100] =	vst v0  }
0x21: {  	[tilespmem:s8+$0x110] =	vst v0  }
.Ltmp0:
0x22: {  	[tilespmem:s8+$0x120] =	vst v0;
	(pc) =	sbr.rel @p1 .LBB2_2-.Ltmp0, $4  }
0x23: {  	[tilespmem:s8+$0x130] =	vst v0  }
0x24: {  	[tilespmem:s8+$0x140] =	vst v0  }
0x25: {  	[tilespmem:s8+$0x150] =	vst v0  }
0x26: {  	[tilespmem:s8+$0x160] =	vst v0;
	s8 =	sshra.s32 s9, $0x2;
	s9 =	sadd.s32 $0x200, s9  }
0x27: {  	[tilespmem:s8+$0x170] =	vst v0  }
0x28: {  	[tilespmem:s8+$0x100] =	vst v0  }
0x29: {  	[tilespmem:s8+$0x110] =	vst v0  }
0x2a: {  	[tilespmem:s8+$0x120] =	vst v0  }
0x2b: {  	[tilespmem:s8+$0x130] =	vst v0  }
0x2c: {  	[tilespmem:s8+$0x140] =	vst v0  }
0x2d: {  	[tilespmem:s8+$0x150] =	vst v0  }
0x2e: {  	[tilespmem:s8+$0x160] =	vst v0  }
0x2f: {  	[spmem:s16] =	stream.linear.scatter [tilespmem:s29], [sflag:$0x3], $0x2800, $0x38;
	[tilespmem:$0x18980] =	vst v63  }
0x30: {  	_ =	swait.ge [sflag:s30], $0x2800  }
0x31: {  	[sflag:s30] =	ssyncset.done $0x0  }
0x32: {  	[sflag:s30] =	ssyncadd.s32 $0xFFFFD800  }
0x33: {  	[spmem:s17] =	stream.linear.scatter [tilespmem:s29], [sflag:$0x3], $0x2800, $0x38;
	[tilespmem:$0x18980] =	vst v63  }
0x34: {  	_ =	swait.ge [sflag:s30], $0x2800  }
0x35: {  	[sflag:s30] =	ssyncset.done $0x0  }
0x36: {  	[sflag:s30] =	ssyncadd.s32 $0xFFFFD800  }
0x37: {  	[spmem:s18] =	stream.linear.scatter [tilespmem:s29], [sflag:$0x3], $0x2800, $0x38;
	[tilespmem:$0x18980] =	vst v63  }
0x38: {  	_ =	swait.ge [sflag:s30], $0x2800  }
0x39: {  	[sflag:s30] =	ssyncset.done $0x0  }
0x3a: {  	[sflag:s30] =	ssyncadd.s32 $0xFFFFD800  }
0x3b: {  	[spmem:s19] =	stream.linear.scatter [tilespmem:s29], [sflag:$0x3], $0x2800, $0x38;
	[tilespmem:$0x18980] =	vst v63  }
0x3c: {  	_ =	swait.ge [sflag:s30], $0x2800  }
0x3d: {  	[sflag:s30] =	ssyncset.done $0x0  }
0x3e: {  	[sflag:s30] =	ssyncadd.s32 $0xFFFFD800  }
0x3f: {  	[spmem:s20] =	stream.linear.scatter [tilespmem:s29], [sflag:$0x3], $0x2800, $0x38;
	[tilespmem:$0x18980] =	vst v63  }
0x40: {  	_ =	swait.ge [sflag:s30], $0x2800  }
0x41: {  	[sflag:s30] =	ssyncset.done $0x0  }
0x42: {  	[sflag:s30] =	ssyncadd.s32 $0xFFFFD800  }
0x43: {  	[spmem:s21] =	stream.linear.scatter [tilespmem:s29], [sflag:$0x3], $0x2800, $0x38;
	[tilespmem:$0x18980] =	vst v63  }
0x44: {  	_ =	swait.ge [sflag:s30], $0x2800  }
0x45: {  	[sflag:s30] =	ssyncset.done $0x0  }
0x46: {  	[sflag:s30] =	ssyncadd.s32 $0xFFFFD800  }
0x47: {  	[spmem:s22] =	stream.linear.scatter [tilespmem:s29], [sflag:$0x3], $0x2800, $0x38;
	[tilespmem:$0x18980] =	vst v63  }
0x48: {  	_ =	swait.ge [sflag:s30], $0x2800  }
0x49: {  	[sflag:s30] =	ssyncset.done $0x0  }
0x4a: {  	[sflag:s30] =	ssyncadd.s32 $0xFFFFD800  }
0x4b: {  	[spmem:s23] =	stream.linear.scatter [tilespmem:s29], [sflag:$0x3], $0x2000, $0x38;
	[tilespmem:$0x18980] =	vst v63  }
0x4c: {  	_ =	swait.ge [sflag:s30], $0x2000  }
0x4d: {  	[sflag:s30] =	ssyncset.done $0x0  }
0x4e: {  	s8 =	simm.s32 @!p0 $0x100;
	[sflag:s30] =	ssyncadd.s32 $0xFFFFE000  }
0x4f: {  	[spmem:s28] =	stream.linear.scatter @!p0 [tilespmem:s8], [sflag:$0x3], $0x800, $0x38;
	[tilespmem:$0x18980] =	vst v63  }
0x50: {  	s8 =	simm.s32 @!p0 $0x3  }
0x51: {  	_ =	swait.ge @!p0 [sflag:s8], $0x800  }
0x52: {  	[sflag:s8] =	ssyncset.done @!p0 $0x0  }
0x53: {  	[sflag:s8] =	ssyncadd.s32 @!p0 $0xFFFFF800  }
0x54: {  	s9 =	simm.s32 $0x0;
	s8 =	simm.s32 $0x0;
	[bflag:$0x0] =	sbarrier.arrive $0xFFFF  }
.LBB2_4:
0x55: {  	s10 =	smul.u32 $0x50, s9;
	_ =	sdelay $0x1  }
0x56: {  	s10 =	sadd.s32 s24, s10  }
0x57: {  	s10 =	sshrl.u32 s10, $0x3  }
0x58: {  	s11 =	sadd.s32 s14, s10  }
0x59: {  	[tilespmem:s8], [sflag:$0x3] =	stream.linear.gather [hbm4b:s11+s8], $0x50, $0x38;
	[tilespmem:$0x18980] =	vst v63  }
0x5a: {  	_ =	swait.ge [sflag:s30], $0x50  }
0x5b: {  	[sflag:s30] =	ssyncset.done $0x0  }
0x5c: {  	s10 =	sadd.s32 s15, s10;
	[sflag:s30] =	ssyncadd.s32 $0xFFFFFFB0  }
0x5d: {  	[tilespmem:s31], [sflag:$0x3] =	stream.linear.gather [hbm4b:s10+s8], $0x50, $0x38;
	[tilespmem:$0x18980] =	vst v63  }
0x5e: {  	_ =	swait.ge [sflag:s30], $0x50  }
0x5f: {  	[sflag:s30] =	ssyncset.done $0x0  }
0x60: {  	[sflag:s30] =	ssyncadd.s32 $0xFFFFFFB0  }
0x61: {  	[tilespmem:s29], [sflag:$0x1] =	stream.indirect.gather [hbm4b:s4+s0], $0x80, s8, s0, $0xb8;
	[tilespmem:$0x18980] =	vst v63  }
0x62: {  	_ = 	snop  }
0x63: {  	[tilespmem:s2], [sflag:$0x2] =	stream.indirect.gather [hbm4b:s13+s0], $0x80, s31, s0, $0xb8;
	[tilespmem:$0x18980] =	vst v63  }
0x64: {  	_ =	swait.ge [sflag:s5], $0x2800  }
0x65: {  	[sflag:s5] =	ssyncset.done $0x0  }
0x66: {  	[sflag:s5] =	ssyncadd.s32 $0xFFFFD800  }
0x67: {  	_ =	swait.ge [sflag:s6], $0x2800  }
0x68: {  	[sflag:s6] =	ssyncset.done $0x0  }
0x69: {  	s10 =	simm.s32 $0x0;
	[sflag:s6] =	ssyncadd.s32 $0xFFFFD800  }
0x6a: {  	v7 =	vld [tilespmem:s10+$0x100]  }
0x6b: {  	v12 =	vld [tilespmem:s10+$0x110]  }
0x6c: {  	v6 =	vld [tilespmem:s10+$0x120]  }
0x6d: {  	v5 =	vld [tilespmem:s10+$0x130]  }
0x6e: {  	v4 =	vld [tilespmem:s10+$0x140]  }
0x6f: {  	v3 =	vld [tilespmem:s10+$0x150]  }
0x70: {  	v2 =	vld [tilespmem:s10+$0x160]  }
0x71: {  	v1 =	vld [tilespmem:s10+$0x170]  }
0x72: {  	v13 =	vld [tilespmem:s10+$0x2900]  }
0x73: {  	v14 =	vld [tilespmem:s10+$0x2910]  }
0x74: {  	v11 =	vld [tilespmem:s10+$0x2920]  }
0x75: {  	v10 =	vld [tilespmem:s10+$0x2930]  }
0x76: {  	v9 =	vld [tilespmem:s10+$0x2940]  }
0x77: {  	v8 =	vld [tilespmem:s10+$0x2950];
	v13 =	vadd.f32 v13, v7  }
0x78: {  	s11 =	simm.s32 $0x200;
	v12 =	vadd.f32 v14, v12;
	v7 =	vld [tilespmem:s10+$0x2960]  }
.LBB2_5:
0x79: {  	s12 =	sshra.s32 s11, $0x2;
	p1 =	sne.s32 s11, $0x9E00;
	v13 =	vmax.f32 v13, $0.0e+00;
	v6 =	vadd.f32 v11, v6;
	v11 =	vld [tilespmem:s10+$0x2970]  }
0x7a: {  	v14 =	vld [tilespmem:s12+$0x100];
	[tilespmem:s10+$0x2900] =	vst v13;
	v12 =	vmax.f32 v12, $0.0e+00;
	v5 =	vadd.f32 v10, v5  }
0x7b: {  	v15 =	vld [tilespmem:s12+$0x110];
	[tilespmem:s10+$0x2910] =	vst v12;
	v10 =	vmax.f32 v6, $0.0e+00;
	v4 =	vadd.f32 v9, v4  }
0x7c: {  	v6 =	vld [tilespmem:s12+$0x120];
	[tilespmem:s10+$0x2920] =	vst v10;
	v9 =	vmax.f32 v5, $0.0e+00;
	v3 =	vadd.f32 v8, v3  }
0x7d: {  	v5 =	vld [tilespmem:s12+$0x130];
	[tilespmem:s10+$0x2930] =	vst v9;
	v8 =	vmax.f32 v4, $0.0e+00;
	v2 =	vadd.f32 v7, v2  }
0x7e: {  	v4 =	vld [tilespmem:s12+$0x140];
	[tilespmem:s10+$0x2940] =	vst v8;
	v7 =	vmax.f32 v3, $0.0e+00;
	v1 =	vadd.f32 v11, v1  }
0x7f: {  	v3 =	vld [tilespmem:s12+$0x150];
	[tilespmem:s10+$0x2950] =	vst v7;
	v7 =	vmax.f32 v2, $0.0e+00  }
0x80: {  	v2 =	vld [tilespmem:s12+$0x160];
	[tilespmem:s10+$0x2960] =	vst v7;
	v7 =	vmax.f32 v1, $0.0e+00  }
0x81: {  	v1 =	vld [tilespmem:s12+$0x170];
	[tilespmem:s10+$0x2970] =	vst v7;
	s10 =	smov.u32 s12  }
0x82: {  	v7 =	vld [tilespmem:s10+$0x2900]  }
0x83: {  	v12 =	vld [tilespmem:s10+$0x2910]  }
.Ltmp1:
0x84: {  	v11 =	vld [tilespmem:s10+$0x2920];
	(pc) =	sbr.rel @p1 .LBB2_5-.Ltmp1, $4  }
0x85: {  	v10 =	vld [tilespmem:s10+$0x2930]  }
0x86: {  	v9 =	vld [tilespmem:s10+$0x2940]  }
0x87: {  	v13 =	vadd.f32 v7, v14;
	v8 =	vld [tilespmem:s10+$0x2950]  }
0x88: {  	s11 =	sadd.s32 $0x200, s11;
	v12 =	vadd.f32 v12, v15;
	v7 =	vld [tilespmem:s10+$0x2960]  }
0x89: {  	v13 =	vmax.f32 v13, $0.0e+00;
	v6 =	vadd.f32 v11, v6;
	v63 =	vld [tilespmem:s10+$0x2970]  }
0x8a: {  	[tilespmem:s10+$0x2900] =	vst v13;
	v12 =	vmax.f32 v12, $0.0e+00;
	v5 =	vadd.f32 v10, v5  }
0x8b: {  	[tilespmem:s10+$0x2910] =	vst v12;
	v6 =	vmax.f32 v6, $0.0e+00;
	v4 =	vadd.f32 v9, v4  }
0x8c: {  	[tilespmem:s10+$0x2920] =	vst v6;
	v5 =	vmax.f32 v5, $0.0e+00;
	v3 =	vadd.f32 v8, v3  }
0x8d: {  	[tilespmem:s10+$0x2930] =	vst v5;
	v4 =	vmax.f32 v4, $0.0e+00;
	v2 =	vadd.f32 v7, v2  }
0x8e: {  	[tilespmem:s10+$0x2940] =	vst v4;
	v3 =	vmax.f32 v3, $0.0e+00;
	v1 =	vadd.f32 v63, v1  }
0x8f: {  	s9 =	sadd.s32 $0x1, s9;
	[tilespmem:s10+$0x2950] =	vst v3;
	v2 =	vmax.f32 v2, $0.0e+00  }
0x90: {  	p1 =	sne.s32 s9, $0x7D;
	[tilespmem:s10+$0x2960] =	vst v2;
	v1 =	vmax.f32 v1, $0.0e+00  }
.Ltmp2:
0x91: {  	[tilespmem:s10+$0x2970] =	vst v1;
	(pc) =	sbr.rel @p1 .LBB2_4-.Ltmp2, $4  }
0x92: {  	[spmem:s1] =	stream.indirect.scatter.add.f32 [tilespmem:s2], [sflag:$0x3], $0x80, s3, s0, $0xb8;
	[tilespmem:$0x18980] =	vst v63  }
0x93: {  	_ =	swait.ge [sflag:s30], $0x2800  }
0x94: {  	[sflag:s30] =	ssyncset.done $0x0  }
0x95: {  	[sflag:s30] =	ssyncadd.s32 $0xFFFFD800  }
0x96: {  	s8 =	stileid.u32  }
0x97: {  	[bflag:$0x0] =	sbarrier.arrive $0xFFFF;
	s8 =	sshll.u32 s8, $0x6  }
0x98: {  	s9 =	sshrl.u32 s16, $0x3;
	s10 =	rddreg [dreg:$0x3];
	s8 =	sor.u32 $0x1C03, s8  }
0x99: {  	[hbm:s10], [sflag:s8] =	dma.local [spmem:s9], $0x500  }
0x9a: {  	_ =	swait.ge [sflag:s30], $0x500  }
0x9b: {  	[sflag:s30] =	ssyncset.done $0x0  }
0x9c: {  	s11 =	sshrl.u32 s17, $0x3;
	s12 =	rddreg [dreg:$0x4];
	[sflag:s30] =	ssyncadd.s32 $0xFFFFFB00  }
0x9d: {  	[hbm:s12], [sflag:s8] =	dma.local [spmem:s11], $0x500  }
0x9e: {  	_ =	swait.ge [sflag:s30], $0x500  }
0x9f: {  	[sflag:s30] =	ssyncset.done $0x0  }
0xa0: {  	s11 =	sshrl.u32 s18, $0x3;
	s12 =	rddreg [dreg:$0x5];
	[sflag:s30] =	ssyncadd.s32 $0xFFFFFB00  }
0xa1: {  	[hbm:s12], [sflag:s8] =	dma.local [spmem:s11], $0x500  }
0xa2: {  	_ =	swait.ge [sflag:s30], $0x500  }
0xa3: {  	[sflag:s30] =	ssyncset.done $0x0  }
0xa4: {  	s11 =	sshrl.u32 s19, $0x3;
	s12 =	rddreg [dreg:$0x6];
	[sflag:s30] =	ssyncadd.s32 $0xFFFFFB00  }
0xa5: {  	[hbm:s12], [sflag:s8] =	dma.local [spmem:s11], $0x500  }
0xa6: {  	_ =	swait.ge [sflag:s30], $0x500  }
0xa7: {  	[sflag:s30] =	ssyncset.done $0x0  }
0xa8: {  	s11 =	sshrl.u32 s20, $0x3;
	s12 =	rddreg [dreg:$0x7];
	[sflag:s30] =	ssyncadd.s32 $0xFFFFFB00  }
0xa9: {  	[hbm:s12], [sflag:s8] =	dma.local [spmem:s11], $0x500  }
0xaa: {  	_ =	swait.ge [sflag:s30], $0x500  }
0xab: {  	[sflag:s30] =	ssyncset.done $0x0  }
0xac: {  	s11 =	sshrl.u32 s21, $0x3;
	s12 =	rddreg [dreg:$0x8];
	[sflag:s30] =	ssyncadd.s32 $0xFFFFFB00  }
0xad: {  	[hbm:s12], [sflag:s8] =	dma.local [spmem:s11], $0x500  }
0xae: {  	_ =	swait.ge [sflag:s30], $0x500  }
0xaf: {  	[sflag:s30] =	ssyncset.done $0x0  }
0xb0: {  	s11 =	sshrl.u32 s22, $0x3;
	s12 =	rddreg [dreg:$0x9];
	[sflag:s30] =	ssyncadd.s32 $0xFFFFFB00  }
0xb1: {  	[hbm:s12], [sflag:s8] =	dma.local [spmem:s11], $0x500  }
0xb2: {  	_ =	swait.ge [sflag:s30], $0x500  }
0xb3: {  	[sflag:s30] =	ssyncset.done $0x0  }
0xb4: {  	s11 =	sshrl.u32 s23, $0x3;
	s12 =	rddreg [dreg:$0xa];
	[sflag:s30] =	ssyncadd.s32 $0xFFFFFB00  }
0xb5: {  	[hbm:s12], [sflag:s8] =	dma.local [spmem:s11], $0x400  }
0xb6: {  	_ =	swait.ge [sflag:s30], $0x400  }
0xb7: {  	s7 =	sadd.s32 $0x1, s7;
	[sflag:s30] =	ssyncset.done $0x0  }
0xb8: {  	p1 =	sne.s32 s7, s26;
	s9 =	sshrl.u32 @!p0 s28, $0x3;
	[sflag:s30] =	ssyncadd.s32 $0xFFFFFC00  }
0xb9: {  	[hbm:s25], [sflag:s8] =	dma.local @!p0 [spmem:s9], $0x100  }
.Ltmp3:
0xba: {  	_ = 	snop;
	(pc) =	sbr.rel @p1 .LBB2_1-.Ltmp3, $4  }
0xbb: {  	s8 =	simm.s32 @!p0 $0x3  }
0xbc: {  	_ =	swait.ge @!p0 [sflag:s8], $0x100  }
0xbd: {  	[sflag:s8] =	ssyncset.done @!p0 $0x0  }
0xbe: {  	[sflag:s8] =	ssyncadd.s32 @!p0 $0xFFFFFF00  }
0xbf: {  	_ =	sfence.sel $0x180000  }
0xc0: {  	[bflag:$0x0] =	sbarrier.arrive $0xFFFF  }
0xc1: {  	_ =	strace $0x90000047  }
0xc2: {  	s0 =	stileid.u32;
	[bflag:$0x2] =	sbarrier.arrive $0xFFFF  }
0xc3: {  	p0 =	sne.s32 s0, $0x0;
	s0 =	rddreg [dreg:$0x2]  }
0xc4: {  	s0 =	sadd.s32 @!p0 $0x100000, s0  }
0xc5: {  	[sflag:s0] =	ssyncadd.tile.s32 @!p0 $0x1;
	_ =	shalt  }
.Lfunc_end2:
_tile_overlayer_lowered:
.L_overlay_start_2:
0xc6: {  	(tag) =	ssettag $0x2  }
0xc7: {  	s0 =	rddreg [dreg:$0x0];
	s2 =	stileid.u32  }
0xc8: {  	s1 =	rddreg [dreg:$0x1];
	p0 =	sne.s32 s2, $0x0  }
0xc9: {  	s3 =	rddreg [dreg:$0x2];
	[bflag:$0x3] =	sbarrier.arrive $0xFFFF;
	s2 =	simm.s32 @!p0 $0x1C03  }
0xca: {  	[timem:s3], [sflag:s2] =	dma.local @!p0 [hbm:s0], s1  }
0xcb: {  	s0 =	simm.s32 @!p0 $0x3  }
0xcc: {  	_ =	swait.ge @!p0 [sflag:s0], s1  }
0xcd: {  	s1 =	ssub.s32 @!p0 $0x0, s1;
	[sflag:s0] =	ssyncset.done @!p0 $0x0  }
0xce: {  	[sflag:s0] =	ssyncadd.s32 @!p0 s1  }
0xcf: {  	[bflag:$0x3] =	sbarrier.arrive $0xFFFF  }
0xd0: {  	_ =	shalt  }

// kernel: kernel.14.cloned.1.call-start
scs
__scs_entry_jumppad:
0x0: {  	(pc) =	sbr.rel $0x88, $3  }
0x1: {  	(tag) =	ssettag $0x0;
	lr =	simm.s32 $0x1  }
0x2: {  	[smem:$0x3F8D] =	sst lr;
	_ =	strace $0xD0000000  }
0x3: {  	_ = 	snop  }
0x4: {  	_ = 	snop  }
0x5: {  	_ = 	snop  }
0x6: {  	_ = 	snop  }
0x7: {  	_ = 	snop  }
__scs_overlays_trampoline_lowered:
0x8: {  	[smem:$0x3F9C] =	sst s0  }
0x9: {  	[smem:$0x3F9D] =	sst s1  }
0xa: {  	[smem:$0x3F9E] =	sst s2  }
0xb: {  	[smem:$0x3F9F] =	sst s3  }
0xc: {  	[smem:$0x3FA0] =	sst s4  }
0xd: {  	[smem:$0x3FA1] =	sst s5  }
0xe: {  	[smem:$0x3FA2] =	sst s6  }
0xf: {  	[smem:$0x3FA3] =	sst s7  }
0x10: {  	[smem:$0x3FA4] =	sst s8  }
0x11: {  	[smem:$0x3FA5] =	sst s9;
	s0 =	simm.s32 @!p0 $0x0  }
0x12: {  	s1 =	sld [smem:$0x3F8B];
	s0 =	simm.s32 @p0 $0x1  }
0x13: {  	[smem:$0x3FA6] =	sst s0;
	s0 =	simm.s32 @!p1 $0x0  }
0x14: {  	s2 =	sld [smem:$0x3F8A];
	s0 =	simm.s32 @p1 $0x1  }
0x15: {  	[smem:$0x3FA7] =	sst s0;
	s0 =	simm.s32 @!p2 $0x0  }
0x16: {  	s3 =	sld [smem:$0x3FDB];
	s0 =	simm.s32 @p2 $0x1  }
0x17: {  	s4 =	simm.s32 $0x1BF5;
	[smem:$0x3FA9] =	sst s0  }
0x18: {  	s0 =	sld [smem:$0x3F8C];
	_ =	swait.ge [sflag:s4], $0x0  }
0x19: {  	s7 =	sld [smem:$0x3F8D]  }
0x1a: {  	s8 =	sadd.s32 $0xFFFFE003, lr  }
0x1b: {  	s9 =	sadd.s32 $0xFFFFFEF7, lr;
	s5 =	simm.s32 $0xFFFFFFFF;
	p2 =	slt.u32 s8, $0xFFFFF086  }
0x1c: {  	p1 =	slt.u32 s9, $0xF7A;
	s5 =	simm.s32 @!p2 $0x0  }
0x1d: {  	s5 =	simm.s32 @p1 $0x1;
	p0 =	seq.s32 s7, s2  }
0x1e: {  	s7 =	smul.u32 @!p0 $0xF7A, s2;
	p2 =	seq.s32 @!p0 s5, $0x0  }
0x1f: {  	s9 =	smul.u32 $0xF7A, s1;
	s8 =	simm.s32 @!p0 $0x1BF5;
	p2 =	por !p2, p0  }
0x20: {  	[sflag:s8] =	ssyncset.s32 @!p0 $0xFFFFF086;
	s6 =	sadd.s32 @!p0 s3, s7;
	s7 =	simm.s32 @!p0 $0x108  }
0x21: {  	s3 =	sadd.s32 s3, s9;
	s6 =	sadd.s32 @!p0 $0x88, s6;
	s7 =	simm.s32 @p2 $0x1082  }
0x22: {  	[simem:s7], [sflag:s8] =	dma.local @!p0 [hbm:s6], $0xF7A  }
0x23: {  	s9 =	sor.u32 $0xD0000000, s2;
	s6 =	simm.s32 $0x108;
	_ =	swait.ge @!p0 [sflag:s8], $0x0  }
0x24: {  	s3 =	sadd.s32 $0x88, s3;
	s6 =	simm.s32 @!p1 $0x1082;
	[sflag:s4] =	ssyncset.s32 $0xFFFFF086  }
0x25: {  	[simem:s6], [sflag:s4] =	dma.local [hbm:s3], $0xF7A  }
0x26: {  	[smem:$0x3F8D] =	sst s1;
	(tag) =	ssettag s2;
	_ =	strace s9  }
0x27: {  	s1 =	sld [smem:$0x3F9D]  }
0x28: {  	s2 =	sld [smem:$0x3F9E]  }
0x29: {  	s4 =	sld [smem:$0x3FA0]  }
0x2a: {  	p0 =	seq.s32 s5, $0x0;
	s5 =	sld [smem:$0x3FA1]  }
0x2b: {  	s6 =	sld [smem:$0x3FA2]  }
0x2c: {  	s7 =	sld [smem:$0x3FA3]  }
0x2d: {  	s3 =	simm.s32 $0x108;
	s8 =	sld [smem:$0x3FA4]  }
0x2e: {  	s3 =	simm.s32 @!p0 $0x1082;
	s9 =	sld [smem:$0x3FA5]  }
0x2f: {  	lr =	sadd.s32 s0, s3;
	s0 =	sld [smem:$0x3F9C]  }
0x30: {  	s3 =	sld [smem:$0x3F9F]  }
0x31: {  	[smem:$0x3FA8] =	sst s10  }
0x32: {  	s10 =	sld [smem:$0x3FA6];
	_ =	sdelay $0x3  }
0x33: {  	p0 =	seq.s32 s10, $0x1;
	s10 =	sld [smem:$0x3FA8];
	_ =	sdelay $0x3  }
0x34: {  	[smem:$0x3FA8] =	sst s10  }
0x35: {  	s10 =	sld [smem:$0x3FA7];
	_ =	sdelay $0x3  }
0x36: {  	p1 =	seq.s32 s10, $0x1;
	s10 =	sld [smem:$0x3FA8];
	_ =	sdelay $0x3  }
0x37: {  	[smem:$0x3FA8] =	sst s10  }
0x38: {  	s10 =	sld [smem:$0x3FA9]  }
0x39: {  	_ = 	snop;
	(pc) =	sbr.ind lr, $3  }
0x3a: {  	_ = 	snop  }
0x3b: {  	_ = 	snop  }
0x3c: {  	p2 =	seq.s32 s10, $0x1;
	s10 =	sld [smem:$0x3FA8]  }
0x3d: {  	_ =	shalt  }
0x3e: {  	_ =	shalt  }
0x3f: {  	_ =	shalt  }
0x40: {  	_ =	shalt  }
0x41: {  	_ =	shalt  }
0x42: {  	_ =	shalt  }
0x43: {  	_ =	shalt  }
0x44: {  	_ =	shalt  }
0x45: {  	_ =	shalt  }
0x46: {  	_ =	shalt  }
0x47: {  	_ =	shalt  }
0x48: {  	_ =	shalt  }
0x49: {  	_ =	shalt  }
0x4a: {  	_ =	shalt  }
0x4b: {  	_ =	shalt  }
0x4c: {  	_ =	shalt  }
0x4d: {  	_ =	shalt  }
0x4e: {  	_ =	shalt  }
0x4f: {  	_ =	shalt  }
0x50: {  	_ =	shalt  }
0x51: {  	_ =	shalt  }
0x52: {  	_ =	shalt  }
0x53: {  	_ =	shalt  }
0x54: {  	_ =	shalt  }
0x55: {  	_ =	shalt  }
0x56: {  	_ =	shalt  }
0x57: {  	_ =	shalt  }
0x58: {  	_ =	shalt  }
0x59: {  	_ =	shalt  }
0x5a: {  	_ =	shalt  }
0x5b: {  	_ =	shalt  }
0x5c: {  	_ =	shalt  }
0x5d: {  	_ =	shalt  }
0x5e: {  	_ =	shalt  }
0x5f: {  	_ =	shalt  }
0x60: {  	_ =	shalt  }
0x61: {  	_ =	shalt  }
0x62: {  	_ =	shalt  }
0x63: {  	_ =	shalt  }
0x64: {  	_ =	shalt  }
0x65: {  	_ =	shalt  }
0x66: {  	_ =	shalt  }
0x67: {  	_ =	shalt  }
0x68: {  	_ =	shalt  }
0x69: {  	_ =	shalt  }
0x6a: {  	_ =	shalt  }
0x6b: {  	_ =	shalt  }
0x6c: {  	_ =	shalt  }
0x6d: {  	_ =	shalt  }
0x6e: {  	_ =	shalt  }
0x6f: {  	_ =	shalt  }
0x70: {  	_ =	shalt  }
0x71: {  	_ =	shalt  }
0x72: {  	_ =	shalt  }
0x73: {  	_ =	shalt  }
0x74: {  	_ =	shalt  }
0x75: {  	_ =	shalt  }
0x76: {  	_ =	shalt  }
0x77: {  	_ =	shalt  }
0x78: {  	_ =	shalt  }
0x79: {  	_ =	shalt  }
0x7a: {  	_ =	shalt  }
0x7b: {  	_ =	shalt  }
0x7c: {  	_ =	shalt  }
0x7d: {  	_ =	shalt  }
0x7e: {  	_ =	shalt  }
0x7f: {  	_ =	shalt  }
0x80: {  	_ =	shalt  }
0x81: {  	_ =	shalt  }
0x82: {  	_ =	shalt  }
0x83: {  	_ =	shalt  }
0x84: {  	_ =	shalt  }
0x85: {  	_ =	shalt  }
0x86: {  	_ =	shalt  }
0x87: {  	_ =	shalt  }
.Lfunc_end0:
.L_simem_size_0:
called_computation.1_lowered:
.L_overlay_start_0:
0x88: {  	s2 =	sld [smem:$0x3FD9]  }
0x89: {  	s3 =	sld [smem:$0x3FFE];
	_ =	sdelay $0x1  }
0x8a: {  	s1 =	srdreg.scid  }
0x8b: {  	s0 =	sand.u32 $0x1, s1  }
0x8c: {  	s16 =	sshll.u32 s0, $0xA;
	s2 =	sadd.s32 s3, s2  }
0x8d: {  	s2 =	sadd.s32 s2, s16  }
0x8e: {  	[smem:$0x3FB4] =	sst s2  }
0x8f: {  	_ = 	snop  }
0x90: {  	(tm) =	ssettm $0x1  }
0x91: {  	s17 =	sld [smem:$0x3FFB];
	_ =	sdelay $0x3  }
0x92: {  	_ =	strace s17  }
0x93: {  	s2 =	sld [smem:$0x3FFC];
	_ =	sdelay $0x3  }
0x94: {  	_ =	strace s2  }
0x95: {  	s2 =	sld [smem:$0x3FFD];
	_ =	sdelay $0x3  }
0x96: {  	_ =	strace s2  }
0x97: {  	_ =	strace $0x8FFFFFFF  }
0x98: {  	s18 =	sld [smem:$0x3FDB];
	_ =	sdelay $0x1  }
0x99: {  	s19 =	simm.s32 $_scs_section_size  }
0x9a: {  	s4 =	simm.s32 $_size__tile_overlayer_lowered;
	s5 =	simm.s32 $_tile_overlayer_lowered  }
0x9b: {  	s22 =	simm.s32 $0x1BFF;
	s21 =	sshll.u32 s5, $0x1;
	s2 =	sadd.s32 s19, s18  }
0x9c: {  	s6 =	simm.s32 $0x0;
	s20 =	sshll.u32 s4, $0x1;
	s4 =	sadd.s32 s21, s2  }
0x9d: {  	[timem:s6], [sflag:s22] =	dma.local [hbm:s4], s20  }
0x9e: {  	_ =	swait.ge [sflag:s22], s20  }
0x9f: {  	s3 =	ssub.s32 $0x0, s20;
	[sflag:s22] =	ssyncset.done $0x0  }
0xa0: {  	[sflag:s22] =	ssyncadd.s32 s3;
	_ =	sdelay $0x1  }
0xa1: {  	s23 =	simm.s32 $0x1B8B  }
0xa2: {  	_ =	swait.ge [sflag:s23], $0x1  }
0xa3: {  	[sflag:s23] =	ssyncset.done $0x0  }
0xa4: {  	s25 =	simm.s32 $0x1B8E;
	s24 =	sld [smem:$0x3FFE];
	[sflag:s23] =	ssyncadd.s32 $0xFFFFFFFF  }
0xa5: {  	s26 =	simm.s32 $execute0_lowered;
	[smem:$0x3FD2] =	sst s25  }
0xa6: {  	s4 =	sshll.u32 s26, $0x1;
	_ =	strace $0x80000049;
	[dreg:$0x1] =	wrdreg $0xFFFFFFFF  }
0xa7: {  	s28 =	simm.s32 $_size_execute0_lowered;
	s2 =	sadd.s32 s2, s4;
	[dreg:$0x0] =	wrdreg $0x0  }
0xa8: {  	s4 =	sshll.u32 s28, $0x1;
	[dreg:$0x2] =	wrdreg s2  }
0xa9: {  	[dreg:$0x3] =	wrdreg s4  }
0xaa: {  	[dreg:$0x4] =	wrdreg $0xC0  }
0xab: {  	_ =	task [dreg:s6], $0x5FFFF  }
0xac: {  	[dreg:$0x1] =	wrdreg $0xFFFFFFFF  }
0xad: {  	[dreg:$0x0] =	wrdreg $0x60  }
0xae: {  	[dreg:$0x2] =	wrdreg s24  }
0xaf: {  	[dreg:$0x3] =	wrdreg $0x51000  }
0xb0: {  	[dreg:$0x4] =	wrdreg $0x9  }
0xb1: {  	_ =	task.clear_ibuf [dreg:s6], $0x5FFFF;
	_ =	strace $0x90000049  }
0xb2: {  	s29 =	simm.s32 $0x9;
	_ =	strace $0x8000004B  }
0xb3: {  	_ =	swait.ge [sflag:s29], $0x1  }
0xb4: {  	[sflag:s29] =	ssyncadd.s32 $0xFFFFFFFF  }
0xb5: {  	_ =	strace $0x9000004B  }
0xb6: {  	_ =	sfence  }
0xb7: {  	s30 =	sld [smem:$0x0];
	_ =	sdelay $0x2  }
0xb8: {  	s31 =	sshll.u32 s1, $0xD;
	s1 =	sshrl.u32 s1, $0x2  }
0xb9: {  	s3 =	sand.u32 $0x4000, s31;
	s1 =	sadd.s32 s1, s30  }
0xba: {  	s0 =	sor.u32 s3, s0;
	s1 =	sshll.u32 s1, $0x11  }
0xbb: {  	s0 =	sor.u32 s1, s0  }
0xbc: {  	s0 =	sadd.s32 $0x8F2B, s0  }
0xbd: {  	[sflag:s0] =	ssyncadd.remote.s32 $0x1  }
0xbe: {  	_ =	sfence.sel $0xFFFF  }
0xbf: {  	[dreg:$0x0] =	wrdreg $0xFFFFFFFF;
	(pc) =	sbr.abs _section_cstart, $3  }
0xc0: {  	[dreg:$0x1] =	wrdreg $0xFFFFFFFF  }
0xc1: {  	_ =	task.clear_ibuf [dreg:s6], $0x2FFFF;
	_ =	strace $0x9FFFFFFF  }
0xc2: {  	(tm) =	ssettm $0x7FFFFFFF  }
0xc3: {  	_ =	shalt  }
tec
execute0_lowered:
.L_overlay_start_1:
0x0: {  	(tag) =	ssettag $0x1  }
0x1: {  	s0 =	rddreg [dreg:$0x0]  }
0x2: {  	s1 =	rddreg [dreg:$0x1];
	s3 =	simm.s32 $0x0  }
0x3: {  	s2 =	srdreg.scid;
	s28 =	stileid.u32;
	s29 =	simm.s32 $0x100  }
0x4: {  	s30 =	simm.s32 $0x3;
	s31 =	simm.s32 $0x80;
	[smem:$0x7FF] =	sst s3  }
0x5: {  	s2 =	sand.u32 $0x1, s2;
	s6 =	smul.u32 $0x13800, s28;
	s4 =	sadd.s32 $0x18000, s0  }
0x6: {  	s7 =	sadd.s32 $0x66400, s0;
	p0 =	sne.s32 s28, $0xF;
	s5 =	ssub.s32 $0x2, s2  }
0x7: {  	_ =	strace $0x8000004A;
	s12 =	smul.u32 $0x138800, s2;
	s8 =	sshrl.u32 s5, $0x1  }
0x8: {  	s9 =	sadd.s32 $0x2800, s6;
	s10 =	sadd.s32 $0x5000, s6;
	s11 =	sadd.s32 $0x7800, s6  }
0x9: {  	s20 =	sadd.s32 $0xA000, s6;
	s21 =	sadd.s32 $0xC800, s6;
	s22 =	sadd.s32 $0xF000, s6  }
0xa: {  	s23 =	sadd.s32 $0x11800, s6;
	s5 =	ssub.s32 s5, s8;
	s8 =	smul.u32 $0x4E000, s28  }
0xb: {  	s6 =	sadd.s32 s6, s12;
	s13 =	sadd.s32 s12, s9;
	s14 =	sadd.s32 s12, s10  }
0xc: {  	s15 =	sadd.s32 s12, s20;
	s16 =	sadd.s32 s12, s21;
	s19 =	sadd.s32 s12, s22  }
0xd: {  	s24 =	sadd.s32 s12, s23;
	s25 =	sshrl.u32 s12, $0x3;
	s20 =	sadd.s32 s20, s1  }
0xe: {  	s21 =	sadd.s32 s21, s1;
	s22 =	sadd.s32 s22, s1;
	s23 =	sadd.s32 s23, s1  }
0xf: {  	s6 =	sshrl.u32 s6, $0x3;
	s13 =	sshrl.u32 s13, $0x3;
	s18 =	sshrl.u32 s16, $0x3  }
0x10: {  	s6 =	sadd.s32 s7, s6;
	s26 =	sadd.s32 s7, s13;
	s13 =	sshrl.u32 s14, $0x3  }
0x11: {  	s14 =	sadd.s32 s12, s11;
	s12 =	sadd.s32 s7, s25;
	[dreg:$0x3] =	wrdreg s6  }
0x12: {  	s25 =	sshrl.u32 s8, $0x2;
	[dreg:$0x4] =	wrdreg s26;
	s6 =	sadd.s32 s7, s13  }
0x13: {  	s13 =	sshrl.u32 s15, $0x3;
	s15 =	sadd.s32 $0x4400, s0;
	s16 =	sadd.s32 s25, s1  }
0x14: {  	s25 =	sadd.s32 $0x27000, s12;
	[dreg:$0x5] =	wrdreg s6;
	s6 =	sshrl.u32 s14, $0x3  }
0x15: {  	s17 =	sadd.s32 s7, s13;
	s13 =	sshrl.u32 s24, $0x3;
	s14 =	sadd.s32 $0xE200, s0  }
0x16: {  	s6 =	sadd.s32 s7, s6;
	[dreg:$0x7] =	wrdreg s17;
	s26 =	sadd.s32 s7, s13  }
0x17: {  	s13 =	sadd.s32 $0x3F200, s0;
	s17 =	sadd.s32 s9, s1;
	[dreg:$0x6] =	wrdreg s6  }
0x18: {  	s6 =	sadd.s32 s7, s18;
	[dreg:$0xa] =	wrdreg s26;
	s18 =	sadd.s32 s10, s1  }
0x19: {  	s26 =	sshll.u32 s2, $0x4;
	s2 =	simm.s32 $0x2900;
	[dreg:$0x8] =	wrdreg s6  }
0x1a: {  	s6 =	sshrl.u32 s19, $0x3;
	s19 =	sadd.s32 s11, s1;
	s0 =	sor.u32 s28, s26  }
0x1b: {  	s26 =	smax.u32 s5, $0x1;
	s28 =	sadd.s32 $0x138000, s1;
	s5 =	simm.s32 $0x1  }
0x1c: {  	s6 =	sadd.s32 s7, s6;
	s24 =	smul.u32 $0x2710, s0;
	s0 =	simm.s32 $0x50  }
0x1d: {  	v0 =	vimm.f32 $0.0e+00;
	s7 =	simm.s32 $0x0;
	[dreg:$0x9] =	wrdreg s6;
	s6 =	simm.s32 $0x2  }
.LBB2_1:
0x1e: {  	s8 =	simm.s32 $0x0;
	s9 =	simm.s32 $0x200  }
.LBB2_2:
0x1f: {  	p1 =	sne.s32 s9, $0x9E00;
	[tilespmem:s8+$0x170] =	vst v0  }
0x20: {  	[tilespmem:s8+$0x100] =	vst v0  }
0x21: {  	[tilespmem:s8+$0x110] =	vst v0  }
.Ltmp0:
0x22: {  	[tilespmem:s8+$0x120] =	vst v0;
	(pc) =	sbr.rel @p1 .LBB2_2-.Ltmp0, $4  }
0x23: {  	[tilespmem:s8+$0x130] =	vst v0  }
0x24: {  	[tilespmem:s8+$0x140] =	vst v0  }
0x25: {  	[tilespmem:s8+$0x150] =	vst v0  }
0x26: {  	[tilespmem:s8+$0x160] =	vst v0;
	s8 =	sshra.s32 s9, $0x2;
	s9 =	sadd.s32 $0x200, s9  }
0x27: {  	[tilespmem:s8+$0x170] =	vst v0  }
0x28: {  	[tilespmem:s8+$0x100] =	vst v0  }
0x29: {  	[tilespmem:s8+$0x110] =	vst v0  }
0x2a: {  	[tilespmem:s8+$0x120] =	vst v0  }
0x2b: {  	[tilespmem:s8+$0x130] =	vst v0  }
0x2c: {  	[tilespmem:s8+$0x140] =	vst v0  }
0x2d: {  	[tilespmem:s8+$0x150] =	vst v0  }
0x2e: {  	[tilespmem:s8+$0x160] =	vst v0  }
0x2f: {  	[spmem:s16] =	stream.linear.scatter [tilespmem:s29], [sflag:$0x3], $0x2800, $0x38;
	[tilespmem:$0x18980] =	vst v63  }
0x30: {  	_ =	swait.ge [sflag:s30], $0x2800  }
0x31: {  	[sflag:s30] =	ssyncset.done $0x0  }
0x32: {  	[sflag:s30] =	ssyncadd.s32 $0xFFFFD800  }
0x33: {  	[spmem:s17] =	stream.linear.scatter [tilespmem:s29], [sflag:$0x3], $0x2800, $0x38;
	[tilespmem:$0x18980] =	vst v63  }
0x34: {  	_ =	swait.ge [sflag:s30], $0x2800  }
0x35: {  	[sflag:s30] =	ssyncset.done $0x0  }
0x36: {  	[sflag:s30] =	ssyncadd.s32 $0xFFFFD800  }
0x37: {  	[spmem:s18] =	stream.linear.scatter [tilespmem:s29], [sflag:$0x3], $0x2800, $0x38;
	[tilespmem:$0x18980] =	vst v63  }
0x38: {  	_ =	swait.ge [sflag:s30], $0x2800  }
0x39: {  	[sflag:s30] =	ssyncset.done $0x0  }
0x3a: {  	[sflag:s30] =	ssyncadd.s32 $0xFFFFD800  }
0x3b: {  	[spmem:s19] =	stream.linear.scatter [tilespmem:s29], [sflag:$0x3], $0x2800, $0x38;
	[tilespmem:$0x18980] =	vst v63  }
0x3c: {  	_ =	swait.ge [sflag:s30], $0x2800  }
0x3d: {  	[sflag:s30] =	ssyncset.done $0x0  }
0x3e: {  	[sflag:s30] =	ssyncadd.s32 $0xFFFFD800  }
0x3f: {  	[spmem:s20] =	stream.linear.scatter [tilespmem:s29], [sflag:$0x3], $0x2800, $0x38;
	[tilespmem:$0x18980] =	vst v63  }
0x40: {  	_ =	swait.ge [sflag:s30], $0x2800  }
0x41: {  	[sflag:s30] =	ssyncset.done $0x0  }
0x42: {  	[sflag:s30] =	ssyncadd.s32 $0xFFFFD800  }
0x43: {  	[spmem:s21] =	stream.linear.scatter [tilespmem:s29], [sflag:$0x3], $0x2800, $0x38;
	[tilespmem:$0x18980] =	vst v63  }
0x44: {  	_ =	swait.ge [sflag:s30], $0x2800  }
0x45: {  	[sflag:s30] =	ssyncset.done $0x0  }
0x46: {  	[sflag:s30] =	ssyncadd.s32 $0xFFFFD800  }
0x47: {  	[spmem:s22] =	stream.linear.scatter [tilespmem:s29], [sflag:$0x3], $0x2800, $0x38;
	[tilespmem:$0x18980] =	vst v63  }
0x48: {  	_ =	swait.ge [sflag:s30], $0x2800  }
0x49: {  	[sflag:s30] =	ssyncset.done $0x0  }
0x4a: {  	[sflag:s30] =	ssyncadd.s32 $0xFFFFD800  }
0x4b: {  	[spmem:s23] =	stream.linear.scatter [tilespmem:s29], [sflag:$0x3], $0x2000, $0x38;
	[tilespmem:$0x18980] =	vst v63  }
0x4c: {  	_ =	swait.ge [sflag:s30], $0x2000  }
0x4d: {  	[sflag:s30] =	ssyncset.done $0x0  }
0x4e: {  	s8 =	simm.s32 @!p0 $0x100;
	[sflag:s30] =	ssyncadd.s32 $0xFFFFE000  }
0x4f: {  	[spmem:s28] =	stream.linear.scatter @!p0 [tilespmem:s8], [sflag:$0x3], $0x800, $0x38;
	[tilespmem:$0x18980] =	vst v63  }
0x50: {  	s8 =	simm.s32 @!p0 $0x3  }
0x51: {  	_ =	swait.ge @!p0 [sflag:s8], $0x800  }
0x52: {  	[sflag:s8] =	ssyncset.done @!p0 $0x0  }
0x53: {  	[sflag:s8] =	ssyncadd.s32 @!p0 $0xFFFFF800  }
0x54: {  	s9 =	simm.s32 $0x0;
	s8 =	simm.s32 $0x0;
	[bflag:$0x0] =	sbarrier.arrive $0xFFFF  }
.LBB2_4:
0x55: {  	s10 =	smul.u32 $0x50, s9;
	_ =	sdelay $0x1  }
0x56: {  	s10 =	sadd.s32 s24, s10  }
0x57: {  	s10 =	sshrl.u32 s10, $0x3  }
0x58: {  	s11 =	sadd.s32 s14, s10  }
0x59: {  	[tilespmem:s8], [sflag:$0x3] =	stream.linear.gather [hbm4b:s11+s8], $0x50, $0x38;
	[tilespmem:$0x18980] =	vst v63  }
0x5a: {  	_ =	swait.ge [sflag:s30], $0x50  }
0x5b: {  	[sflag:s30] =	ssyncset.done $0x0  }
0x5c: {  	s10 =	sadd.s32 s15, s10;
	[sflag:s30] =	ssyncadd.s32 $0xFFFFFFB0  }
0x5d: {  	[tilespmem:s31], [sflag:$0x3] =	stream.linear.gather [hbm4b:s10+s8], $0x50, $0x38;
	[tilespmem:$0x18980] =	vst v63  }
0x5e: {  	_ =	swait.ge [sflag:s30], $0x50  }
0x5f: {  	[sflag:s30] =	ssyncset.done $0x0  }
0x60: {  	[sflag:s30] =	ssyncadd.s32 $0xFFFFFFB0  }
0x61: {  	[tilespmem:s29], [sflag:$0x1] =	stream.indirect.gather [hbm4b:s4+s0], $0x80, s8, s0, $0xb8;
	[tilespmem:$0x18980] =	vst v63  }
0x62: {  	_ = 	snop  }
0x63: {  	[tilespmem:s2], [sflag:$0x2] =	stream.indirect.gather [hbm4b:s13+s0], $0x80, s31, s0, $0xb8;
	[tilespmem:$0x18980] =	vst v63  }
0x64: {  	_ =	swait.ge [sflag:s5], $0x2800  }
0x65: {  	[sflag:s5] =	ssyncset.done $0x0  }
0x66: {  	[sflag:s5] =	ssyncadd.s32 $0xFFFFD800  }
0x67: {  	_ =	swait.ge [sflag:s6], $0x2800  }
0x68: {  	[sflag:s6] =	ssyncset.done $0x0  }
0x69: {  	s10 =	simm.s32 $0x0;
	[sflag:s6] =	ssyncadd.s32 $0xFFFFD800  }
0x6a: {  	v7 =	vld [tilespmem:s10+$0x100]  }
0x6b: {  	v12 =	vld [tilespmem:s10+$0x110]  }
0x6c: {  	v6 =	vld [tilespmem:s10+$0x120]  }
0x6d: {  	v5 =	vld [tilespmem:s10+$0x130]  }
0x6e: {  	v4 =	vld [tilespmem:s10+$0x140]  }
0x6f: {  	v3 =	vld [tilespmem:s10+$0x150]  }
0x70: {  	v2 =	vld [tilespmem:s10+$0x160]  }
0x71: {  	v1 =	vld [tilespmem:s10+$0x170]  }
0x72: {  	v13 =	vld [tilespmem:s10+$0x2900]  }
0x73: {  	v14 =	vld [tilespmem:s10+$0x2910]  }
0x74: {  	v11 =	vld [tilespmem:s10+$0x2920]  }
0x75: {  	v10 =	vld [tilespmem:s10+$0x2930]  }
0x76: {  	v9 =	vld [tilespmem:s10+$0x2940]  }
0x77: {  	v8 =	vld [tilespmem:s10+$0x2950];
	v13 =	vadd.f32 v13, v7  }
0x78: {  	s11 =	simm.s32 $0x200;
	v12 =	vadd.f32 v14, v12;
	v7 =	vld [tilespmem:s10+$0x2960]  }
.LBB2_5:
0x79: {  	s12 =	sshra.s32 s11, $0x2;
	p1 =	sne.s32 s11, $0x9E00;
	v13 =	vmax.f32 v13, $0.0e+00;
	v6 =	vadd.f32 v11, v6;
	v11 =	vld [tilespmem:s10+$0x2970]  }
0x7a: {  	v14 =	vld [tilespmem:s12+$0x100];
	[tilespmem:s10+$0x2900] =	vst v13;
	v12 =	vmax.f32 v12, $0.0e+00;
	v5 =	vadd.f32 v10, v5  }
0x7b: {  	v15 =	vld [tilespmem:s12+$0x110];
	[tilespmem:s10+$0x2910] =	vst v12;
	v10 =	vmax.f32 v6, $0.0e+00;
	v4 =	vadd.f32 v9, v4  }
0x7c: {  	v6 =	vld [tilespmem:s12+$0x120];
	[tilespmem:s10+$0x2920] =	vst v10;
	v9 =	vmax.f32 v5, $0.0e+00;
	v3 =	vadd.f32 v8, v3  }
0x7d: {  	v5 =	vld [tilespmem:s12+$0x130];
	[tilespmem:s10+$0x2930] =	vst v9;
	v8 =	vmax.f32 v4, $0.0e+00;
	v2 =	vadd.f32 v7, v2  }
0x7e: {  	v4 =	vld [tilespmem:s12+$0x140];
	[tilespmem:s10+$0x2940] =	vst v8;
	v7 =	vmax.f32 v3, $0.0e+00;
	v1 =	vadd.f32 v11, v1  }
0x7f: {  	v3 =	vld [tilespmem:s12+$0x150];
	[tilespmem:s10+$0x2950] =	vst v7;
	v7 =	vmax.f32 v2, $0.0e+00  }
0x80: {  	v2 =	vld [tilespmem:s12+$0x160];
	[tilespmem:s10+$0x2960] =	vst v7;
	v7 =	vmax.f32 v1, $0.0e+00  }
0x81: {  	v1 =	vld [tilespmem:s12+$0x170];
	[tilespmem:s10+$0x2970] =	vst v7;
	s10 =	smov.u32 s12  }
0x82: {  	v7 =	vld [tilespmem:s10+$0x2900]  }
0x83: {  	v12 =	vld [tilespmem:s10+$0x2910]  }
.Ltmp1:
0x84: {  	v11 =	vld [tilespmem:s10+$0x2920];
	(pc) =	sbr.rel @p1 .LBB2_5-.Ltmp1, $4  }
0x85: {  	v10 =	vld [tilespmem:s10+$0x2930]  }
0x86: {  	v9 =	vld [tilespmem:s10+$0x2940]  }
0x87: {  	v13 =	vadd.f32 v7, v14;
	v8 =	vld [tilespmem:s10+$0x2950]  }
0x88: {  	s11 =	sadd.s32 $0x200, s11;
	v12 =	vadd.f32 v12, v15;
	v7 =	vld [tilespmem:s10+$0x2960]  }
0x89: {  	v13 =	vmax.f32 v13, $0.0e+00;
	v6 =	vadd.f32 v11, v6;
	v63 =	vld [tilespmem:s10+$0x2970]  }
0x8a: {  	[tilespmem:s10+$0x2900] =	vst v13;
	v12 =	vmax.f32 v12, $0.0e+00;
	v5 =	vadd.f32 v10, v5  }
0x8b: {  	[tilespmem:s10+$0x2910] =	vst v12;
	v6 =	vmax.f32 v6, $0.0e+00;
	v4 =	vadd.f32 v9, v4  }
0x8c: {  	[tilespmem:s10+$0x2920] =	vst v6;
	v5 =	vmax.f32 v5, $0.0e+00;
	v3 =	vadd.f32 v8, v3  }
0x8d: {  	[tilespmem:s10+$0x2930] =	vst v5;
	v4 =	vmax.f32 v4, $0.0e+00;
	v2 =	vadd.f32 v7, v2  }
0x8e: {  	[tilespmem:s10+$0x2940] =	vst v4;
	v3 =	vmax.f32 v3, $0.0e+00;
	v1 =	vadd.f32 v63, v1  }
0x8f: {  	s9 =	sadd.s32 $0x1, s9;
	[tilespmem:s10+$0x2950] =	vst v3;
	v2 =	vmax.f32 v2, $0.0e+00  }
0x90: {  	p1 =	sne.s32 s9, $0x7D;
	[tilespmem:s10+$0x2960] =	vst v2;
	v1 =	vmax.f32 v1, $0.0e+00  }
.Ltmp2:
0x91: {  	[tilespmem:s10+$0x2970] =	vst v1;
	(pc) =	sbr.rel @p1 .LBB2_4-.Ltmp2, $4  }
0x92: {  	[spmem:s1] =	stream.indirect.scatter.add.f32 [tilespmem:s2], [sflag:$0x3], $0x80, s3, s0, $0xb8;
	[tilespmem:$0x18980] =	vst v63  }
0x93: {  	_ =	swait.ge [sflag:s30], $0x2800  }
0x94: {  	[sflag:s30] =	ssyncset.done $0x0  }
0x95: {  	[sflag:s30] =	ssyncadd.s32 $0xFFFFD800  }
0x96: {  	s8 =	stileid.u32  }
0x97: {  	[bflag:$0x0] =	sbarrier.arrive $0xFFFF;
	s8 =	sshll.u32 s8, $0x6  }
0x98: {  	s9 =	sshrl.u32 s16, $0x3;
	s10 =	rddreg [dreg:$0x3];
	s8 =	sor.u32 $0x1C03, s8  }
0x99: {  	[hbm:s10], [sflag:s8] =	dma.local [spmem:s9], $0x500  }
0x9a: {  	_ =	swait.ge [sflag:s30], $0x500  }
0x9b: {  	[sflag:s30] =	ssyncset.done $0x0  }
0x9c: {  	s11 =	sshrl.u32 s17, $0x3;
	s12 =	rddreg [dreg:$0x4];
	[sflag:s30] =	ssyncadd.s32 $0xFFFFFB00  }
0x9d: {  	[hbm:s12], [sflag:s8] =	dma.local [spmem:s11], $0x500  }
0x9e: {  	_ =	swait.ge [sflag:s30], $0x500  }
0x9f: {  	[sflag:s30] =	ssyncset.done $0x0  }
0xa0: {  	s11 =	sshrl.u32 s18, $0x3;
	s12 =	rddreg [dreg:$0x5];
	[sflag:s30] =	ssyncadd.s32 $0xFFFFFB00  }
0xa1: {  	[hbm:s12], [sflag:s8] =	dma.local [spmem:s11], $0x500  }
0xa2: {  	_ =	swait.ge [sflag:s30], $0x500  }
0xa3: {  	[sflag:s30] =	ssyncset.done $0x0  }
0xa4: {  	s11 =	sshrl.u32 s19, $0x3;
	s12 =	rddreg [dreg:$0x6];
	[sflag:s30] =	ssyncadd.s32 $0xFFFFFB00  }
0xa5: {  	[hbm:s12], [sflag:s8] =	dma.local [spmem:s11], $0x500  }
0xa6: {  	_ =	swait.ge [sflag:s30], $0x500  }
0xa7: {  	[sflag:s30] =	ssyncset.done $0x0  }
0xa8: {  	s11 =	sshrl.u32 s20, $0x3;
	s12 =	rddreg [dreg:$0x7];
	[sflag:s30] =	ssyncadd.s32 $0xFFFFFB00  }
0xa9: {  	[hbm:s12], [sflag:s8] =	dma.local [spmem:s11], $0x500  }
0xaa: {  	_ =	swait.ge [sflag:s30], $0x500  }
0xab: {  	[sflag:s30] =	ssyncset.done $0x0  }
0xac: {  	s11 =	sshrl.u32 s21, $0x3;
	s12 =	rddreg [dreg:$0x8];
	[sflag:s30] =	ssyncadd.s32 $0xFFFFFB00  }
0xad: {  	[hbm:s12], [sflag:s8] =	dma.local [spmem:s11], $0x500  }
0xae: {  	_ =	swait.ge [sflag:s30], $0x500  }
0xaf: {  	[sflag:s30] =	ssyncset.done $0x0  }
0xb0: {  	s11 =	sshrl.u32 s22, $0x3;
	s12 =	rddreg [dreg:$0x9];
	[sflag:s30] =	ssyncadd.s32 $0xFFFFFB00  }
0xb1: {  	[hbm:s12], [sflag:s8] =	dma.local [spmem:s11], $0x500  }
0xb2: {  	_ =	swait.ge [sflag:s30], $0x500  }
0xb3: {  	[sflag:s30] =	ssyncset.done $0x0  }
0xb4: {  	s11 =	sshrl.u32 s23, $0x3;
	s12 =	rddreg [dreg:$0xa];
	[sflag:s30] =	ssyncadd.s32 $0xFFFFFB00  }
0xb5: {  	[hbm:s12], [sflag:s8] =	dma.local [spmem:s11], $0x400  }
0xb6: {  	_ =	swait.ge [sflag:s30], $0x400  }
0xb7: {  	s7 =	sadd.s32 $0x1, s7;
	[sflag:s30] =	ssyncset.done $0x0  }
0xb8: {  	p1 =	sne.s32 s7, s26;
	s9 =	sshrl.u32 @!p0 s28, $0x3;
	[sflag:s30] =	ssyncadd.s32 $0xFFFFFC00  }
0xb9: {  	[hbm:s25], [sflag:s8] =	dma.local @!p0 [spmem:s9], $0x100  }
.Ltmp3:
0xba: {  	_ = 	snop;
	(pc) =	sbr.rel @p1 .LBB2_1-.Ltmp3, $4  }
0xbb: {  	s8 =	simm.s32 @!p0 $0x3  }
0xbc: {  	_ =	swait.ge @!p0 [sflag:s8], $0x100  }
0xbd: {  	[sflag:s8] =	ssyncset.done @!p0 $0x0  }
0xbe: {  	[sflag:s8] =	ssyncadd.s32 @!p0 $0xFFFFFF00  }
0xbf: {  	_ =	sfence.sel $0x180000  }
0xc0: {  	[bflag:$0x0] =	sbarrier.arrive $0xFFFF  }
0xc1: {  	_ =	strace $0x9000004A  }
0xc2: {  	s0 =	stileid.u32;
	[bflag:$0x2] =	sbarrier.arrive $0xFFFF  }
0xc3: {  	p0 =	sne.s32 s0, $0x0;
	s0 =	rddreg [dreg:$0x2]  }
0xc4: {  	s0 =	sadd.s32 @!p0 $0x100000, s0  }
0xc5: {  	[sflag:s0] =	ssyncadd.tile.s32 @!p0 $0x1;
	_ =	shalt  }
.Lfunc_end2:
_tile_overlayer_lowered:
.L_overlay_start_2:
0xc6: {  	(tag) =	ssettag $0x2  }
0xc7: {  	s0 =	rddreg [dreg:$0x0];
	s2 =	stileid.u32  }
0xc8: {  	s1 =	rddreg [dreg:$0x1];
	p0 =	sne.s32 s2, $0x0  }
0xc9: {  	s3 =	rddreg [dreg:$0x2];
	[bflag:$0x3] =	sbarrier.arrive $0xFFFF;
	s2 =	simm.s32 @!p0 $0x1C03  }
0xca: {  	[timem:s3], [sflag:s2] =	dma.local @!p0 [hbm:s0], s1  }
0xcb: {  	s0 =	simm.s32 @!p0 $0x3  }
0xcc: {  	_ =	swait.ge @!p0 [sflag:s0], s1  }
0xcd: {  	s1 =	ssub.s32 @!p0 $0x0, s1;
	[sflag:s0] =	ssyncset.done @!p0 $0x0  }
0xce: {  	[sflag:s0] =	ssyncadd.s32 @!p0 s1  }
0xcf: {  	[bflag:$0x3] =	sbarrier.arrive $0xFFFF  }
0xd0: {  	_ =	shalt  }

// kernel: kernel.17.cloned.1.call-start
scs
__scs_entry_jumppad:
0x0: {  	(pc) =	sbr.rel $0x88, $3  }
0x1: {  	(tag) =	ssettag $0x0;
	lr =	simm.s32 $0x1  }
0x2: {  	[smem:$0x3F8D] =	sst lr;
	_ =	strace $0xD0000000  }
0x3: {  	_ = 	snop  }
0x4: {  	_ = 	snop  }
0x5: {  	_ = 	snop  }
0x6: {  	_ = 	snop  }
0x7: {  	_ = 	snop  }
__scs_overlays_trampoline_lowered:
0x8: {  	[smem:$0x3F9C] =	sst s0  }
0x9: {  	[smem:$0x3F9D] =	sst s1  }
0xa: {  	[smem:$0x3F9E] =	sst s2  }
0xb: {  	[smem:$0x3F9F] =	sst s3  }
0xc: {  	[smem:$0x3FA0] =	sst s4  }
0xd: {  	[smem:$0x3FA1] =	sst s5  }
0xe: {  	[smem:$0x3FA2] =	sst s6  }
0xf: {  	[smem:$0x3FA3] =	sst s7  }
0x10: {  	[smem:$0x3FA4] =	sst s8  }
0x11: {  	[smem:$0x3FA5] =	sst s9;
	s0 =	simm.s32 @!p0 $0x0  }
0x12: {  	s1 =	sld [smem:$0x3F8B];
	s0 =	simm.s32 @p0 $0x1  }
0x13: {  	[smem:$0x3FA6] =	sst s0;
	s0 =	simm.s32 @!p1 $0x0  }
0x14: {  	s2 =	sld [smem:$0x3F8A];
	s0 =	simm.s32 @p1 $0x1  }
0x15: {  	[smem:$0x3FA7] =	sst s0;
	s0 =	simm.s32 @!p2 $0x0  }
0x16: {  	s3 =	sld [smem:$0x3FDB];
	s0 =	simm.s32 @p2 $0x1  }
0x17: {  	s4 =	simm.s32 $0x1BF5;
	[smem:$0x3FA9] =	sst s0  }
0x18: {  	s0 =	sld [smem:$0x3F8C];
	_ =	swait.ge [sflag:s4], $0x0  }
0x19: {  	s7 =	sld [smem:$0x3F8D]  }
0x1a: {  	s8 =	sadd.s32 $0xFFFFE003, lr  }
0x1b: {  	s9 =	sadd.s32 $0xFFFFFEF7, lr;
	s5 =	simm.s32 $0xFFFFFFFF;
	p2 =	slt.u32 s8, $0xFFFFF086  }
0x1c: {  	p1 =	slt.u32 s9, $0xF7A;
	s5 =	simm.s32 @!p2 $0x0  }
0x1d: {  	s5 =	simm.s32 @p1 $0x1;
	p0 =	seq.s32 s7, s2  }
0x1e: {  	s7 =	smul.u32 @!p0 $0xF7A, s2;
	p2 =	seq.s32 @!p0 s5, $0x0  }
0x1f: {  	s9 =	smul.u32 $0xF7A, s1;
	s8 =	simm.s32 @!p0 $0x1BF5;
	p2 =	por !p2, p0  }
0x20: {  	[sflag:s8] =	ssyncset.s32 @!p0 $0xFFFFF086;
	s6 =	sadd.s32 @!p0 s3, s7;
	s7 =	simm.s32 @!p0 $0x108  }
0x21: {  	s3 =	sadd.s32 s3, s9;
	s6 =	sadd.s32 @!p0 $0x88, s6;
	s7 =	simm.s32 @p2 $0x1082  }
0x22: {  	[simem:s7], [sflag:s8] =	dma.local @!p0 [hbm:s6], $0xF7A  }
0x23: {  	s9 =	sor.u32 $0xD0000000, s2;
	s6 =	simm.s32 $0x108;
	_ =	swait.ge @!p0 [sflag:s8], $0x0  }
0x24: {  	s3 =	sadd.s32 $0x88, s3;
	s6 =	simm.s32 @!p1 $0x1082;
	[sflag:s4] =	ssyncset.s32 $0xFFFFF086  }
0x25: {  	[simem:s6], [sflag:s4] =	dma.local [hbm:s3], $0xF7A  }
0x26: {  	[smem:$0x3F8D] =	sst s1;
	(tag) =	ssettag s2;
	_ =	strace s9  }
0x27: {  	s1 =	sld [smem:$0x3F9D]  }
0x28: {  	s2 =	sld [smem:$0x3F9E]  }
0x29: {  	s4 =	sld [smem:$0x3FA0]  }
0x2a: {  	p0 =	seq.s32 s5, $0x0;
	s5 =	sld [smem:$0x3FA1]  }
0x2b: {  	s6 =	sld [smem:$0x3FA2]  }
0x2c: {  	s7 =	sld [smem:$0x3FA3]  }
0x2d: {  	s3 =	simm.s32 $0x108;
	s8 =	sld [smem:$0x3FA4]  }
0x2e: {  	s3 =	simm.s32 @!p0 $0x1082;
	s9 =	sld [smem:$0x3FA5]  }
0x2f: {  	lr =	sadd.s32 s0, s3;
	s0 =	sld [smem:$0x3F9C]  }
0x30: {  	s3 =	sld [smem:$0x3F9F]  }
0x31: {  	[smem:$0x3FA8] =	sst s10  }
0x32: {  	s10 =	sld [smem:$0x3FA6];
	_ =	sdelay $0x3  }
0x33: {  	p0 =	seq.s32 s10, $0x1;
	s10 =	sld [smem:$0x3FA8];
	_ =	sdelay $0x3  }
0x34: {  	[smem:$0x3FA8] =	sst s10  }
0x35: {  	s10 =	sld [smem:$0x3FA7];
	_ =	sdelay $0x3  }
0x36: {  	p1 =	seq.s32 s10, $0x1;
	s10 =	sld [smem:$0x3FA8];
	_ =	sdelay $0x3  }
0x37: {  	[smem:$0x3FA8] =	sst s10  }
0x38: {  	s10 =	sld [smem:$0x3FA9]  }
0x39: {  	_ = 	snop;
	(pc) =	sbr.ind lr, $3  }
0x3a: {  	_ = 	snop  }
0x3b: {  	_ = 	snop  }
0x3c: {  	p2 =	seq.s32 s10, $0x1;
	s10 =	sld [smem:$0x3FA8]  }
0x3d: {  	_ =	shalt  }
0x3e: {  	_ =	shalt  }
0x3f: {  	_ =	shalt  }
0x40: {  	_ =	shalt  }
0x41: {  	_ =	shalt  }
0x42: {  	_ =	shalt  }
0x43: {  	_ =	shalt  }
0x44: {  	_ =	shalt  }
0x45: {  	_ =	shalt  }
0x46: {  	_ =	shalt  }
0x47: {  	_ =	shalt  }
0x48: {  	_ =	shalt  }
0x49: {  	_ =	shalt  }
0x4a: {  	_ =	shalt  }
0x4b: {  	_ =	shalt  }
0x4c: {  	_ =	shalt  }
0x4d: {  	_ =	shalt  }
0x4e: {  	_ =	shalt  }
0x4f: {  	_ =	shalt  }
0x50: {  	_ =	shalt  }
0x51: {  	_ =	shalt  }
0x52: {  	_ =	shalt  }
0x53: {  	_ =	shalt  }
0x54: {  	_ =	shalt  }
0x55: {  	_ =	shalt  }
0x56: {  	_ =	shalt  }
0x57: {  	_ =	shalt  }
0x58: {  	_ =	shalt  }
0x59: {  	_ =	shalt  }
0x5a: {  	_ =	shalt  }
0x5b: {  	_ =	shalt  }
0x5c: {  	_ =	shalt  }
0x5d: {  	_ =	shalt  }
0x5e: {  	_ =	shalt  }
0x5f: {  	_ =	shalt  }
0x60: {  	_ =	shalt  }
0x61: {  	_ =	shalt  }
0x62: {  	_ =	shalt  }
0x63: {  	_ =	shalt  }
0x64: {  	_ =	shalt  }
0x65: {  	_ =	shalt  }
0x66: {  	_ =	shalt  }
0x67: {  	_ =	shalt  }
0x68: {  	_ =	shalt  }
0x69: {  	_ =	shalt  }
0x6a: {  	_ =	shalt  }
0x6b: {  	_ =	shalt  }
0x6c: {  	_ =	shalt  }
0x6d: {  	_ =	shalt  }
0x6e: {  	_ =	shalt  }
0x6f: {  	_ =	shalt  }
0x70: {  	_ =	shalt  }
0x71: {  	_ =	shalt  }
0x72: {  	_ =	shalt  }
0x73: {  	_ =	shalt  }
0x74: {  	_ =	shalt  }
0x75: {  	_ =	shalt  }
0x76: {  	_ =	shalt  }
0x77: {  	_ =	shalt  }
0x78: {  	_ =	shalt  }
0x79: {  	_ =	shalt  }
0x7a: {  	_ =	shalt  }
0x7b: {  	_ =	shalt  }
0x7c: {  	_ =	shalt  }
0x7d: {  	_ =	shalt  }
0x7e: {  	_ =	shalt  }
0x7f: {  	_ =	shalt  }
0x80: {  	_ =	shalt  }
0x81: {  	_ =	shalt  }
0x82: {  	_ =	shalt  }
0x83: {  	_ =	shalt  }
0x84: {  	_ =	shalt  }
0x85: {  	_ =	shalt  }
0x86: {  	_ =	shalt  }
0x87: {  	_ =	shalt  }
.Lfunc_end0:
.L_simem_size_0:
called_computation.2_lowered:
.L_overlay_start_0:
0x88: {  	s2 =	sld [smem:$0x3FD9]  }
0x89: {  	s3 =	sld [smem:$0x3FFE];
	_ =	sdelay $0x1  }
0x8a: {  	s1 =	srdreg.scid  }
0x8b: {  	s0 =	sand.u32 $0x1, s1  }
0x8c: {  	s16 =	sshll.u32 s0, $0xA;
	s2 =	sadd.s32 s3, s2  }
0x8d: {  	s2 =	sadd.s32 s2, s16  }
0x8e: {  	[smem:$0x3FB4] =	sst s2  }
0x8f: {  	_ = 	snop  }
0x90: {  	(tm) =	ssettm $0x1  }
0x91: {  	s17 =	sld [smem:$0x3FFB];
	_ =	sdelay $0x3  }
0x92: {  	_ =	strace s17  }
0x93: {  	s2 =	sld [smem:$0x3FFC];
	_ =	sdelay $0x3  }
0x94: {  	_ =	strace s2  }
0x95: {  	s2 =	sld [smem:$0x3FFD];
	_ =	sdelay $0x3  }
0x96: {  	_ =	strace s2  }
0x97: {  	_ =	strace $0x8FFFFFFF  }
0x98: {  	s18 =	sld [smem:$0x3FDB];
	_ =	sdelay $0x1  }
0x99: {  	s19 =	simm.s32 $_scs_section_size  }
0x9a: {  	s4 =	simm.s32 $_size__tile_overlayer_lowered;
	s5 =	simm.s32 $_tile_overlayer_lowered  }
0x9b: {  	s22 =	simm.s32 $0x1BFF;
	s21 =	sshll.u32 s5, $0x1;
	s2 =	sadd.s32 s19, s18  }
0x9c: {  	s6 =	simm.s32 $0x0;
	s20 =	sshll.u32 s4, $0x1;
	s4 =	sadd.s32 s21, s2  }
0x9d: {  	[timem:s6], [sflag:s22] =	dma.local [hbm:s4], s20  }
0x9e: {  	_ =	swait.ge [sflag:s22], s20  }
0x9f: {  	s3 =	ssub.s32 $0x0, s20;
	[sflag:s22] =	ssyncset.done $0x0  }
0xa0: {  	[sflag:s22] =	ssyncadd.s32 s3;
	_ =	sdelay $0x1  }
0xa1: {  	s23 =	simm.s32 $0x1B8B  }
0xa2: {  	_ =	swait.ge [sflag:s23], $0x1  }
0xa3: {  	[sflag:s23] =	ssyncset.done $0x0  }
0xa4: {  	s25 =	simm.s32 $0x1B8E;
	s24 =	sld [smem:$0x3FFE];
	[sflag:s23] =	ssyncadd.s32 $0xFFFFFFFF  }
0xa5: {  	s26 =	simm.s32 $execute0_lowered;
	[smem:$0x3FD2] =	sst s25  }
0xa6: {  	s4 =	sshll.u32 s26, $0x1;
	_ =	strace $0x8000004C;
	[dreg:$0x1] =	wrdreg $0xFFFFFFFF  }
0xa7: {  	s28 =	simm.s32 $_size_execute0_lowered;
	s2 =	sadd.s32 s2, s4;
	[dreg:$0x0] =	wrdreg $0x0  }
0xa8: {  	s4 =	sshll.u32 s28, $0x1;
	[dreg:$0x2] =	wrdreg s2  }
0xa9: {  	[dreg:$0x3] =	wrdreg s4  }
0xaa: {  	[dreg:$0x4] =	wrdreg $0xC0  }
0xab: {  	_ =	task [dreg:s6], $0x5FFFF  }
0xac: {  	[dreg:$0x1] =	wrdreg $0xFFFFFFFF  }
0xad: {  	[dreg:$0x0] =	wrdreg $0x60  }
0xae: {  	[dreg:$0x2] =	wrdreg s24  }
0xaf: {  	[dreg:$0x3] =	wrdreg $0x51000  }
0xb0: {  	[dreg:$0x4] =	wrdreg $0x9  }
0xb1: {  	_ =	task.clear_ibuf [dreg:s6], $0x5FFFF;
	_ =	strace $0x9000004C  }
0xb2: {  	s29 =	simm.s32 $0x9;
	_ =	strace $0x8000004E  }
0xb3: {  	_ =	swait.ge [sflag:s29], $0x1  }
0xb4: {  	[sflag:s29] =	ssyncadd.s32 $0xFFFFFFFF  }
0xb5: {  	_ =	strace $0x9000004E  }
0xb6: {  	_ =	sfence  }
0xb7: {  	s30 =	sld [smem:$0x0];
	_ =	sdelay $0x2  }
0xb8: {  	s31 =	sshll.u32 s1, $0xD;
	s1 =	sshrl.u32 s1, $0x2  }
0xb9: {  	s3 =	sand.u32 $0x4000, s31;
	s1 =	sadd.s32 s1, s30  }
0xba: {  	s0 =	sor.u32 s3, s0;
	s1 =	sshll.u32 s1, $0x11  }
0xbb: {  	s0 =	sor.u32 s1, s0  }
0xbc: {  	s0 =	sadd.s32 $0x8F2B, s0  }
0xbd: {  	[sflag:s0] =	ssyncadd.remote.s32 $0x1  }
0xbe: {  	_ =	sfence.sel $0xFFFF  }
0xbf: {  	[dreg:$0x0] =	wrdreg $0xFFFFFFFF;
	(pc) =	sbr.abs _section_cstart, $3  }
0xc0: {  	[dreg:$0x1] =	wrdreg $0xFFFFFFFF  }
0xc1: {  	_ =	task.clear_ibuf [dreg:s6], $0x2FFFF;
	_ =	strace $0x9FFFFFFF  }
0xc2: {  	(tm) =	ssettm $0x7FFFFFFF  }
0xc3: {  	_ =	shalt  }
tec
execute0_lowered:
.L_overlay_start_1:
0x0: {  	(tag) =	ssettag $0x1  }
0x1: {  	s0 =	rddreg [dreg:$0x0]  }
0x2: {  	s1 =	rddreg [dreg:$0x1];
	s3 =	simm.s32 $0x0  }
0x3: {  	s2 =	srdreg.scid;
	s28 =	stileid.u32;
	s29 =	simm.s32 $0x100  }
0x4: {  	s30 =	simm.s32 $0x3;
	s31 =	simm.s32 $0x80;
	[smem:$0x7FF] =	sst s3  }
0x5: {  	s2 =	sand.u32 $0x1, s2;
	s6 =	smul.u32 $0x13800, s28;
	s4 =	sadd.s32 $0x18000, s0  }
0x6: {  	s7 =	sadd.s32 $0x66400, s0;
	p0 =	sne.s32 s28, $0xF;
	s5 =	ssub.s32 $0x2, s2  }
0x7: {  	_ =	strace $0x8000004D;
	s12 =	smul.u32 $0x138800, s2;
	s8 =	sshrl.u32 s5, $0x1  }
0x8: {  	s9 =	sadd.s32 $0x2800, s6;
	s10 =	sadd.s32 $0x5000, s6;
	s11 =	sadd.s32 $0x7800, s6  }
0x9: {  	s20 =	sadd.s32 $0xA000, s6;
	s21 =	sadd.s32 $0xC800, s6;
	s22 =	sadd.s32 $0xF000, s6  }
0xa: {  	s23 =	sadd.s32 $0x11800, s6;
	s5 =	ssub.s32 s5, s8;
	s8 =	smul.u32 $0x4E000, s28  }
0xb: {  	s6 =	sadd.s32 s6, s12;
	s13 =	sadd.s32 s12, s9;
	s14 =	sadd.s32 s12, s10  }
0xc: {  	s15 =	sadd.s32 s12, s20;
	s16 =	sadd.s32 s12, s21;
	s19 =	sadd.s32 s12, s22  }
0xd: {  	s24 =	sadd.s32 s12, s23;
	s25 =	sshrl.u32 s12, $0x3;
	s20 =	sadd.s32 s20, s1  }
0xe: {  	s21 =	sadd.s32 s21, s1;
	s22 =	sadd.s32 s22, s1;
	s23 =	sadd.s32 s23, s1  }
0xf: {  	s6 =	sshrl.u32 s6, $0x3;
	s13 =	sshrl.u32 s13, $0x3;
	s18 =	sshrl.u32 s16, $0x3  }
0x10: {  	s6 =	sadd.s32 s7, s6;
	s26 =	sadd.s32 s7, s13;
	s13 =	sshrl.u32 s14, $0x3  }
0x11: {  	s14 =	sadd.s32 s12, s11;
	s12 =	sadd.s32 s7, s25;
	[dreg:$0x3] =	wrdreg s6  }
0x12: {  	s25 =	sshrl.u32 s8, $0x2;
	[dreg:$0x4] =	wrdreg s26;
	s6 =	sadd.s32 s7, s13  }
0x13: {  	s13 =	sshrl.u32 s15, $0x3;
	s15 =	sadd.s32 $0x4400, s0;
	s16 =	sadd.s32 s25, s1  }
0x14: {  	s25 =	sadd.s32 $0x27000, s12;
	[dreg:$0x5] =	wrdreg s6;
	s6 =	sshrl.u32 s14, $0x3  }
0x15: {  	s17 =	sadd.s32 s7, s13;
	s13 =	sshrl.u32 s24, $0x3;
	s14 =	sadd.s32 $0xE200, s0  }
0x16: {  	s6 =	sadd.s32 s7, s6;
	[dreg:$0x7] =	wrdreg s17;
	s26 =	sadd.s32 s7, s13  }
0x17: {  	s13 =	sadd.s32 $0x3F200, s0;
	s17 =	sadd.s32 s9, s1;
	[dreg:$0x6] =	wrdreg s6  }
0x18: {  	s6 =	sadd.s32 s7, s18;
	[dreg:$0xa] =	wrdreg s26;
	s18 =	sadd.s32 s10, s1  }
0x19: {  	s26 =	sshll.u32 s2, $0x4;
	s2 =	simm.s32 $0x2900;
	[dreg:$0x8] =	wrdreg s6  }
0x1a: {  	s6 =	sshrl.u32 s19, $0x3;
	s19 =	sadd.s32 s11, s1;
	s0 =	sor.u32 s28, s26  }
0x1b: {  	s26 =	smax.u32 s5, $0x1;
	s28 =	sadd.s32 $0x138000, s1;
	s5 =	simm.s32 $0x1  }
0x1c: {  	s6 =	sadd.s32 s7, s6;
	s24 =	smul.u32 $0x2710, s0;
	s0 =	simm.s32 $0x50  }
0x1d: {  	v0 =	vimm.f32 $0.0e+00;
	s7 =	simm.s32 $0x0;
	[dreg:$0x9] =	wrdreg s6;
	s6 =	simm.s32 $0x2  }
.LBB2_1:
0x1e: {  	s8 =	simm.s32 $0x0;
	s9 =	simm.s32 $0x200  }
.LBB2_2:
0x1f: {  	p1 =	sne.s32 s9, $0x9E00;
	[tilespmem:s8+$0x170] =	vst v0  }
0x20: {  	[tilespmem:s8+$0x100] =	vst v0  }
0x21: {  	[tilespmem:s8+$0x110] =	vst v0  }
.Ltmp0:
0x22: {  	[tilespmem:s8+$0x120] =	vst v0;
	(pc) =	sbr.rel @p1 .LBB2_2-.Ltmp0, $4  }
0x23: {  	[tilespmem:s8+$0x130] =	vst v0  }
0x24: {  	[tilespmem:s8+$0x140] =	vst v0  }
0x25: {  	[tilespmem:s8+$0x150] =	vst v0  }
0x26: {  	[tilespmem:s8+$0x160] =	vst v0;
	s8 =	sshra.s32 s9, $0x2;
	s9 =	sadd.s32 $0x200, s9  }
0x27: {  	[tilespmem:s8+$0x170] =	vst v0  }
0x28: {  	[tilespmem:s8+$0x100] =	vst v0  }
0x29: {  	[tilespmem:s8+$0x110] =	vst v0  }
0x2a: {  	[tilespmem:s8+$0x120] =	vst v0  }
0x2b: {  	[tilespmem:s8+$0x130] =	vst v0  }
0x2c: {  	[tilespmem:s8+$0x140] =	vst v0  }
0x2d: {  	[tilespmem:s8+$0x150] =	vst v0  }
0x2e: {  	[tilespmem:s8+$0x160] =	vst v0  }
0x2f: {  	[spmem:s16] =	stream.linear.scatter [tilespmem:s29], [sflag:$0x3], $0x2800, $0x38;
	[tilespmem:$0x18980] =	vst v63  }
0x30: {  	_ =	swait.ge [sflag:s30], $0x2800  }
0x31: {  	[sflag:s30] =	ssyncset.done $0x0  }
0x32: {  	[sflag:s30] =	ssyncadd.s32 $0xFFFFD800  }
0x33: {  	[spmem:s17] =	stream.linear.scatter [tilespmem:s29], [sflag:$0x3], $0x2800, $0x38;
	[tilespmem:$0x18980] =	vst v63  }
0x34: {  	_ =	swait.ge [sflag:s30], $0x2800  }
0x35: {  	[sflag:s30] =	ssyncset.done $0x0  }
0x36: {  	[sflag:s30] =	ssyncadd.s32 $0xFFFFD800  }
0x37: {  	[spmem:s18] =	stream.linear.scatter [tilespmem:s29], [sflag:$0x3], $0x2800, $0x38;
	[tilespmem:$0x18980] =	vst v63  }
0x38: {  	_ =	swait.ge [sflag:s30], $0x2800  }
0x39: {  	[sflag:s30] =	ssyncset.done $0x0  }
0x3a: {  	[sflag:s30] =	ssyncadd.s32 $0xFFFFD800  }
0x3b: {  	[spmem:s19] =	stream.linear.scatter [tilespmem:s29], [sflag:$0x3], $0x2800, $0x38;
	[tilespmem:$0x18980] =	vst v63  }
0x3c: {  	_ =	swait.ge [sflag:s30], $0x2800  }
0x3d: {  	[sflag:s30] =	ssyncset.done $0x0  }
0x3e: {  	[sflag:s30] =	ssyncadd.s32 $0xFFFFD800  }
0x3f: {  	[spmem:s20] =	stream.linear.scatter [tilespmem:s29], [sflag:$0x3], $0x2800, $0x38;
	[tilespmem:$0x18980] =	vst v63  }
0x40: {  	_ =	swait.ge [sflag:s30], $0x2800  }
0x41: {  	[sflag:s30] =	ssyncset.done $0x0  }
0x42: {  	[sflag:s30] =	ssyncadd.s32 $0xFFFFD800  }
0x43: {  	[spmem:s21] =	stream.linear.scatter [tilespmem:s29], [sflag:$0x3], $0x2800, $0x38;
	[tilespmem:$0x18980] =	vst v63  }
0x44: {  	_ =	swait.ge [sflag:s30], $0x2800  }
0x45: {  	[sflag:s30] =	ssyncset.done $0x0  }
0x46: {  	[sflag:s30] =	ssyncadd.s32 $0xFFFFD800  }
0x47: {  	[spmem:s22] =	stream.linear.scatter [tilespmem:s29], [sflag:$0x3], $0x2800, $0x38;
	[tilespmem:$0x18980] =	vst v63  }
0x48: {  	_ =	swait.ge [sflag:s30], $0x2800  }
0x49: {  	[sflag:s30] =	ssyncset.done $0x0  }
0x4a: {  	[sflag:s30] =	ssyncadd.s32 $0xFFFFD800  }
0x4b: {  	[spmem:s23] =	stream.linear.scatter [tilespmem:s29], [sflag:$0x3], $0x2000, $0x38;
	[tilespmem:$0x18980] =	vst v63  }
0x4c: {  	_ =	swait.ge [sflag:s30], $0x2000  }
0x4d: {  	[sflag:s30] =	ssyncset.done $0x0  }
0x4e: {  	s8 =	simm.s32 @!p0 $0x100;
	[sflag:s30] =	ssyncadd.s32 $0xFFFFE000  }
0x4f: {  	[spmem:s28] =	stream.linear.scatter @!p0 [tilespmem:s8], [sflag:$0x3], $0x800, $0x38;
	[tilespmem:$0x18980] =	vst v63  }
0x50: {  	s8 =	simm.s32 @!p0 $0x3  }
0x51: {  	_ =	swait.ge @!p0 [sflag:s8], $0x800  }
0x52: {  	[sflag:s8] =	ssyncset.done @!p0 $0x0  }
0x53: {  	[sflag:s8] =	ssyncadd.s32 @!p0 $0xFFFFF800  }
0x54: {  	s9 =	simm.s32 $0x0;
	s8 =	simm.s32 $0x0;
	[bflag:$0x0] =	sbarrier.arrive $0xFFFF  }
.LBB2_4:
0x55: {  	s10 =	smul.u32 $0x50, s9;
	_ =	sdelay $0x1  }
0x56: {  	s10 =	sadd.s32 s24, s10  }
0x57: {  	s10 =	sshrl.u32 s10, $0x3  }
0x58: {  	s11 =	sadd.s32 s14, s10  }
0x59: {  	[tilespmem:s8], [sflag:$0x3] =	stream.linear.gather [hbm4b:s11+s8], $0x50, $0x38;
	[tilespmem:$0x18980] =	vst v63  }
0x5a: {  	_ =	swait.ge [sflag:s30], $0x50  }
0x5b: {  	[sflag:s30] =	ssyncset.done $0x0  }
0x5c: {  	s10 =	sadd.s32 s15, s10;
	[sflag:s30] =	ssyncadd.s32 $0xFFFFFFB0  }
0x5d: {  	[tilespmem:s31], [sflag:$0x3] =	stream.linear.gather [hbm4b:s10+s8], $0x50, $0x38;
	[tilespmem:$0x18980] =	vst v63  }
0x5e: {  	_ =	swait.ge [sflag:s30], $0x50  }
0x5f: {  	[sflag:s30] =	ssyncset.done $0x0  }
0x60: {  	[sflag:s30] =	ssyncadd.s32 $0xFFFFFFB0  }
0x61: {  	[tilespmem:s29], [sflag:$0x1] =	stream.indirect.gather [hbm4b:s4+s0], $0x80, s8, s0, $0xb8;
	[tilespmem:$0x18980] =	vst v63  }
0x62: {  	_ = 	snop  }
0x63: {  	[tilespmem:s2], [sflag:$0x2] =	stream.indirect.gather [hbm4b:s13+s0], $0x80, s31, s0, $0xb8;
	[tilespmem:$0x18980] =	vst v63  }
0x64: {  	_ =	swait.ge [sflag:s5], $0x2800  }
0x65: {  	[sflag:s5] =	ssyncset.done $0x0  }
0x66: {  	[sflag:s5] =	ssyncadd.s32 $0xFFFFD800  }
0x67: {  	_ =	swait.ge [sflag:s6], $0x2800  }
0x68: {  	[sflag:s6] =	ssyncset.done $0x0  }
0x69: {  	s10 =	simm.s32 $0x0;
	[sflag:s6] =	ssyncadd.s32 $0xFFFFD800  }
0x6a: {  	v7 =	vld [tilespmem:s10+$0x100]  }
0x6b: {  	v12 =	vld [tilespmem:s10+$0x110]  }
0x6c: {  	v6 =	vld [tilespmem:s10+$0x120]  }
0x6d: {  	v5 =	vld [tilespmem:s10+$0x130]  }
0x6e: {  	v4 =	vld [tilespmem:s10+$0x140]  }
0x6f: {  	v3 =	vld [tilespmem:s10+$0x150]  }
0x70: {  	v2 =	vld [tilespmem:s10+$0x160]  }
0x71: {  	v1 =	vld [tilespmem:s10+$0x170]  }
0x72: {  	v13 =	vld [tilespmem:s10+$0x2900]  }
0x73: {  	v14 =	vld [tilespmem:s10+$0x2910]  }
0x74: {  	v11 =	vld [tilespmem:s10+$0x2920]  }
0x75: {  	v10 =	vld [tilespmem:s10+$0x2930]  }
0x76: {  	v9 =	vld [tilespmem:s10+$0x2940]  }
0x77: {  	v8 =	vld [tilespmem:s10+$0x2950];
	v13 =	vadd.f32 v13, v7  }
0x78: {  	s11 =	simm.s32 $0x200;
	v12 =	vadd.f32 v14, v12;
	v7 =	vld [tilespmem:s10+$0x2960]  }
.LBB2_5:
0x79: {  	s12 =	sshra.s32 s11, $0x2;
	p1 =	sne.s32 s11, $0x9E00;
	v13 =	vmax.f32 v13, $0.0e+00;
	v6 =	vadd.f32 v11, v6;
	v11 =	vld [tilespmem:s10+$0x2970]  }
0x7a: {  	v14 =	vld [tilespmem:s12+$0x100];
	[tilespmem:s10+$0x2900] =	vst v13;
	v12 =	vmax.f32 v12, $0.0e+00;
	v5 =	vadd.f32 v10, v5  }
0x7b: {  	v15 =	vld [tilespmem:s12+$0x110];
	[tilespmem:s10+$0x2910] =	vst v12;
	v10 =	vmax.f32 v6, $0.0e+00;
	v4 =	vadd.f32 v9, v4  }
0x7c: {  	v6 =	vld [tilespmem:s12+$0x120];
	[tilespmem:s10+$0x2920] =	vst v10;
	v9 =	vmax.f32 v5, $0.0e+00;
	v3 =	vadd.f32 v8, v3  }
0x7d: {  	v5 =	vld [tilespmem:s12+$0x130];
	[tilespmem:s10+$0x2930] =	vst v9;
	v8 =	vmax.f32 v4, $0.0e+00;
	v2 =	vadd.f32 v7, v2  }
0x7e: {  	v4 =	vld [tilespmem:s12+$0x140];
	[tilespmem:s10+$0x2940] =	vst v8;
	v7 =	vmax.f32 v3, $0.0e+00;
	v1 =	vadd.f32 v11, v1  }
0x7f: {  	v3 =	vld [tilespmem:s12+$0x150];
	[tilespmem:s10+$0x2950] =	vst v7;
	v7 =	vmax.f32 v2, $0.0e+00  }
0x80: {  	v2 =	vld [tilespmem:s12+$0x160];
	[tilespmem:s10+$0x2960] =	vst v7;
	v7 =	vmax.f32 v1, $0.0e+00  }
0x81: {  	v1 =	vld [tilespmem:s12+$0x170];
	[tilespmem:s10+$0x2970] =	vst v7;
	s10 =	smov.u32 s12  }
0x82: {  	v7 =	vld [tilespmem:s10+$0x2900]  }
0x83: {  	v12 =	vld [tilespmem:s10+$0x2910]  }
.Ltmp1:
0x84: {  	v11 =	vld [tilespmem:s10+$0x2920];
	(pc) =	sbr.rel @p1 .LBB2_5-.Ltmp1, $4  }
0x85: {  	v10 =	vld [tilespmem:s10+$0x2930]  }
0x86: {  	v9 =	vld [tilespmem:s10+$0x2940]  }
0x87: {  	v13 =	vadd.f32 v7, v14;
	v8 =	vld [tilespmem:s10+$0x2950]  }
0x88: {  	s11 =	sadd.s32 $0x200, s11;
	v12 =	vadd.f32 v12, v15;
	v7 =	vld [tilespmem:s10+$0x2960]  }
0x89: {  	v13 =	vmax.f32 v13, $0.0e+00;
	v6 =	vadd.f32 v11, v6;
	v63 =	vld [tilespmem:s10+$0x2970]  }
0x8a: {  	[tilespmem:s10+$0x2900] =	vst v13;
	v12 =	vmax.f32 v12, $0.0e+00;
	v5 =	vadd.f32 v10, v5  }
0x8b: {  	[tilespmem:s10+$0x2910] =	vst v12;
	v6 =	vmax.f32 v6, $0.0e+00;
	v4 =	vadd.f32 v9, v4  }
0x8c: {  	[tilespmem:s10+$0x2920] =	vst v6;
	v5 =	vmax.f32 v5, $0.0e+00;
	v3 =	vadd.f32 v8, v3  }
0x8d: {  	[tilespmem:s10+$0x2930] =	vst v5;
	v4 =	vmax.f32 v4, $0.0e+00;
	v2 =	vadd.f32 v7, v2  }
0x8e: {  	[tilespmem:s10+$0x2940] =	vst v4;
	v3 =	vmax.f32 v3, $0.0e+00;
	v1 =	vadd.f32 v63, v1  }
0x8f: {  	s9 =	sadd.s32 $0x1, s9;
	[tilespmem:s10+$0x2950] =	vst v3;
	v2 =	vmax.f32 v2, $0.0e+00  }
0x90: {  	p1 =	sne.s32 s9, $0x7D;
	[tilespmem:s10+$0x2960] =	vst v2;
	v1 =	vmax.f32 v1, $0.0e+00  }
.Ltmp2:
0x91: {  	[tilespmem:s10+$0x2970] =	vst v1;
	(pc) =	sbr.rel @p1 .LBB2_4-.Ltmp2, $4  }
0x92: {  	[spmem:s1] =	stream.indirect.scatter.add.f32 [tilespmem:s2], [sflag:$0x3], $0x80, s3, s0, $0xb8;
	[tilespmem:$0x18980] =	vst v63  }
0x93: {  	_ =	swait.ge [sflag:s30], $0x2800  }
0x94: {  	[sflag:s30] =	ssyncset.done $0x0  }
0x95: {  	[sflag:s30] =	ssyncadd.s32 $0xFFFFD800  }
0x96: {  	s8 =	stileid.u32  }
0x97: {  	[bflag:$0x0] =	sbarrier.arrive $0xFFFF;
	s8 =	sshll.u32 s8, $0x6  }
0x98: {  	s9 =	sshrl.u32 s16, $0x3;
	s10 =	rddreg [dreg:$0x3];
	s8 =	sor.u32 $0x1C03, s8  }
0x99: {  	[hbm:s10], [sflag:s8] =	dma.local [spmem:s9], $0x500  }
0x9a: {  	_ =	swait.ge [sflag:s30], $0x500  }
0x9b: {  	[sflag:s30] =	ssyncset.done $0x0  }
0x9c: {  	s11 =	sshrl.u32 s17, $0x3;
	s12 =	rddreg [dreg:$0x4];
	[sflag:s30] =	ssyncadd.s32 $0xFFFFFB00  }
0x9d: {  	[hbm:s12], [sflag:s8] =	dma.local [spmem:s11], $0x500  }
0x9e: {  	_ =	swait.ge [sflag:s30], $0x500  }
0x9f: {  	[sflag:s30] =	ssyncset.done $0x0  }
0xa0: {  	s11 =	sshrl.u32 s18, $0x3;
	s12 =	rddreg [dreg:$0x5];
	[sflag:s30] =	ssyncadd.s32 $0xFFFFFB00  }
0xa1: {  	[hbm:s12], [sflag:s8] =	dma.local [spmem:s11], $0x500  }
0xa2: {  	_ =	swait.ge [sflag:s30], $0x500  }
0xa3: {  	[sflag:s30] =	ssyncset.done $0x0  }
0xa4: {  	s11 =	sshrl.u32 s19, $0x3;
	s12 =	rddreg [dreg:$0x6];
	[sflag:s30] =	ssyncadd.s32 $0xFFFFFB00  }
0xa5: {  	[hbm:s12], [sflag:s8] =	dma.local [spmem:s11], $0x500  }
0xa6: {  	_ =	swait.ge [sflag:s30], $0x500  }
0xa7: {  	[sflag:s30] =	ssyncset.done $0x0  }
0xa8: {  	s11 =	sshrl.u32 s20, $0x3;
	s12 =	rddreg [dreg:$0x7];
	[sflag:s30] =	ssyncadd.s32 $0xFFFFFB00  }
0xa9: {  	[hbm:s12], [sflag:s8] =	dma.local [spmem:s11], $0x500  }
0xaa: {  	_ =	swait.ge [sflag:s30], $0x500  }
0xab: {  	[sflag:s30] =	ssyncset.done $0x0  }
0xac: {  	s11 =	sshrl.u32 s21, $0x3;
	s12 =	rddreg [dreg:$0x8];
	[sflag:s30] =	ssyncadd.s32 $0xFFFFFB00  }
0xad: {  	[hbm:s12], [sflag:s8] =	dma.local [spmem:s11], $0x500  }
0xae: {  	_ =	swait.ge [sflag:s30], $0x500  }
0xaf: {  	[sflag:s30] =	ssyncset.done $0x0  }
0xb0: {  	s11 =	sshrl.u32 s22, $0x3;
	s12 =	rddreg [dreg:$0x9];
	[sflag:s30] =	ssyncadd.s32 $0xFFFFFB00  }
0xb1: {  	[hbm:s12], [sflag:s8] =	dma.local [spmem:s11], $0x500  }
0xb2: {  	_ =	swait.ge [sflag:s30], $0x500  }
0xb3: {  	[sflag:s30] =	ssyncset.done $0x0  }
0xb4: {  	s11 =	sshrl.u32 s23, $0x3;
	s12 =	rddreg [dreg:$0xa];
	[sflag:s30] =	ssyncadd.s32 $0xFFFFFB00  }
0xb5: {  	[hbm:s12], [sflag:s8] =	dma.local [spmem:s11], $0x400  }
0xb6: {  	_ =	swait.ge [sflag:s30], $0x400  }
0xb7: {  	s7 =	sadd.s32 $0x1, s7;
	[sflag:s30] =	ssyncset.done $0x0  }
0xb8: {  	p1 =	sne.s32 s7, s26;
	s9 =	sshrl.u32 @!p0 s28, $0x3;
	[sflag:s30] =	ssyncadd.s32 $0xFFFFFC00  }
0xb9: {  	[hbm:s25], [sflag:s8] =	dma.local @!p0 [spmem:s9], $0x100  }
.Ltmp3:
0xba: {  	_ = 	snop;
	(pc) =	sbr.rel @p1 .LBB2_1-.Ltmp3, $4  }
0xbb: {  	s8 =	simm.s32 @!p0 $0x3  }
0xbc: {  	_ =	swait.ge @!p0 [sflag:s8], $0x100  }
0xbd: {  	[sflag:s8] =	ssyncset.done @!p0 $0x0  }
0xbe: {  	[sflag:s8] =	ssyncadd.s32 @!p0 $0xFFFFFF00  }
0xbf: {  	_ =	sfence.sel $0x180000  }
0xc0: {  	[bflag:$0x0] =	sbarrier.arrive $0xFFFF  }
0xc1: {  	_ =	strace $0x9000004D  }
0xc2: {  	s0 =	stileid.u32;
	[bflag:$0x2] =	sbarrier.arrive $0xFFFF  }
0xc3: {  	p0 =	sne.s32 s0, $0x0;
	s0 =	rddreg [dreg:$0x2]  }
0xc4: {  	s0 =	sadd.s32 @!p0 $0x100000, s0  }
0xc5: {  	[sflag:s0] =	ssyncadd.tile.s32 @!p0 $0x1;
	_ =	shalt  }
.Lfunc_end2:
_tile_overlayer_lowered:
.L_overlay_start_2:
0xc6: {  	(tag) =	ssettag $0x2  }
0xc7: {  	s0 =	rddreg [dreg:$0x0];
	s2 =	stileid.u32  }
0xc8: {  	s1 =	rddreg [dreg:$0x1];
	p0 =	sne.s32 s2, $0x0  }
0xc9: {  	s3 =	rddreg [dreg:$0x2];
	[bflag:$0x3] =	sbarrier.arrive $0xFFFF;
	s2 =	simm.s32 @!p0 $0x1C03  }
0xca: {  	[timem:s3], [sflag:s2] =	dma.local @!p0 [hbm:s0], s1  }
0xcb: {  	s0 =	simm.s32 @!p0 $0x3  }
0xcc: {  	_ =	swait.ge @!p0 [sflag:s0], s1  }
0xcd: {  	s1 =	ssub.s32 @!p0 $0x0, s1;
	[sflag:s0] =	ssyncset.done @!p0 $0x0  }
0xce: {  	[sflag:s0] =	ssyncadd.s32 @!p0 s1  }
0xcf: {  	[bflag:$0x3] =	sbarrier.arrive $0xFFFF  }
0xd0: {  	_ =	shalt  }

// kernel: kernel.20.cloned.1.call-start
scs
__scs_entry_jumppad:
0x0: {  	(pc) =	sbr.rel $0x88, $3  }
0x1: {  	(tag) =	ssettag $0x0;
	lr =	simm.s32 $0x1  }
0x2: {  	[smem:$0x3F8D] =	sst lr;
	_ =	strace $0xD0000000  }
0x3: {  	_ = 	snop  }
0x4: {  	_ = 	snop  }
0x5: {  	_ = 	snop  }
0x6: {  	_ = 	snop  }
0x7: {  	_ = 	snop  }
__scs_overlays_trampoline_lowered:
0x8: {  	[smem:$0x3F9C] =	sst s0  }
0x9: {  	[smem:$0x3F9D] =	sst s1  }
0xa: {  	[smem:$0x3F9E] =	sst s2  }
0xb: {  	[smem:$0x3F9F] =	sst s3  }
0xc: {  	[smem:$0x3FA0] =	sst s4  }
0xd: {  	[smem:$0x3FA1] =	sst s5  }
0xe: {  	[smem:$0x3FA2] =	sst s6  }
0xf: {  	[smem:$0x3FA3] =	sst s7  }
0x10: {  	[smem:$0x3FA4] =	sst s8  }
0x11: {  	[smem:$0x3FA5] =	sst s9;
	s0 =	simm.s32 @!p0 $0x0  }
0x12: {  	s1 =	sld [smem:$0x3F8B];
	s0 =	simm.s32 @p0 $0x1  }
0x13: {  	[smem:$0x3FA6] =	sst s0;
	s0 =	simm.s32 @!p1 $0x0  }
0x14: {  	s2 =	sld [smem:$0x3F8A];
	s0 =	simm.s32 @p1 $0x1  }
0x15: {  	[smem:$0x3FA7] =	sst s0;
	s0 =	simm.s32 @!p2 $0x0  }
0x16: {  	s3 =	sld [smem:$0x3FDB];
	s0 =	simm.s32 @p2 $0x1  }
0x17: {  	s4 =	simm.s32 $0x1BF5;
	[smem:$0x3FA9] =	sst s0  }
0x18: {  	s0 =	sld [smem:$0x3F8C];
	_ =	swait.ge [sflag:s4], $0x0  }
0x19: {  	s7 =	sld [smem:$0x3F8D]  }
0x1a: {  	s8 =	sadd.s32 $0xFFFFE003, lr  }
0x1b: {  	s9 =	sadd.s32 $0xFFFFFEF7, lr;
	s5 =	simm.s32 $0xFFFFFFFF;
	p2 =	slt.u32 s8, $0xFFFFF086  }
0x1c: {  	p1 =	slt.u32 s9, $0xF7A;
	s5 =	simm.s32 @!p2 $0x0  }
0x1d: {  	s5 =	simm.s32 @p1 $0x1;
	p0 =	seq.s32 s7, s2  }
0x1e: {  	s7 =	smul.u32 @!p0 $0xF7A, s2;
	p2 =	seq.s32 @!p0 s5, $0x0  }
0x1f: {  	s9 =	smul.u32 $0xF7A, s1;
	s8 =	simm.s32 @!p0 $0x1BF5;
	p2 =	por !p2, p0  }
0x20: {  	[sflag:s8] =	ssyncset.s32 @!p0 $0xFFFFF086;
	s6 =	sadd.s32 @!p0 s3, s7;
	s7 =	simm.s32 @!p0 $0x108  }
0x21: {  	s3 =	sadd.s32 s3, s9;
	s6 =	sadd.s32 @!p0 $0x88, s6;
	s7 =	simm.s32 @p2 $0x1082  }
0x22: {  	[simem:s7], [sflag:s8] =	dma.local @!p0 [hbm:s6], $0xF7A  }
0x23: {  	s9 =	sor.u32 $0xD0000000, s2;
	s6 =	simm.s32 $0x108;
	_ =	swait.ge @!p0 [sflag:s8], $0x0  }
0x24: {  	s3 =	sadd.s32 $0x88, s3;
	s6 =	simm.s32 @!p1 $0x1082;
	[sflag:s4] =	ssyncset.s32 $0xFFFFF086  }
0x25: {  	[simem:s6], [sflag:s4] =	dma.local [hbm:s3], $0xF7A  }
0x26: {  	[smem:$0x3F8D] =	sst s1;
	(tag) =	ssettag s2;
	_ =	strace s9  }
0x27: {  	s1 =	sld [smem:$0x3F9D]  }
0x28: {  	s2 =	sld [smem:$0x3F9E]  }
0x29: {  	s4 =	sld [smem:$0x3FA0]  }
0x2a: {  	p0 =	seq.s32 s5, $0x0;
	s5 =	sld [smem:$0x3FA1]  }
0x2b: {  	s6 =	sld [smem:$0x3FA2]  }
0x2c: {  	s7 =	sld [smem:$0x3FA3]  }
0x2d: {  	s3 =	simm.s32 $0x108;
	s8 =	sld [smem:$0x3FA4]  }
0x2e: {  	s3 =	simm.s32 @!p0 $0x1082;
	s9 =	sld [smem:$0x3FA5]  }
0x2f: {  	lr =	sadd.s32 s0, s3;
	s0 =	sld [smem:$0x3F9C]  }
0x30: {  	s3 =	sld [smem:$0x3F9F]  }
0x31: {  	[smem:$0x3FA8] =	sst s10  }
0x32: {  	s10 =	sld [smem:$0x3FA6];
	_ =	sdelay $0x3  }
0x33: {  	p0 =	seq.s32 s10, $0x1;
	s10 =	sld [smem:$0x3FA8];
	_ =	sdelay $0x3  }
0x34: {  	[smem:$0x3FA8] =	sst s10  }
0x35: {  	s10 =	sld [smem:$0x3FA7];
	_ =	sdelay $0x3  }
0x36: {  	p1 =	seq.s32 s10, $0x1;
	s10 =	sld [smem:$0x3FA8];
	_ =	sdelay $0x3  }
0x37: {  	[smem:$0x3FA8] =	sst s10  }
0x38: {  	s10 =	sld [smem:$0x3FA9]  }
0x39: {  	_ = 	snop;
	(pc) =	sbr.ind lr, $3  }
0x3a: {  	_ = 	snop  }
0x3b: {  	_ = 	snop  }
0x3c: {  	p2 =	seq.s32 s10, $0x1;
	s10 =	sld [smem:$0x3FA8]  }
0x3d: {  	_ =	shalt  }
0x3e: {  	_ =	shalt  }
0x3f: {  	_ =	shalt  }
0x40: {  	_ =	shalt  }
0x41: {  	_ =	shalt  }
0x42: {  	_ =	shalt  }
0x43: {  	_ =	shalt  }
0x44: {  	_ =	shalt  }
0x45: {  	_ =	shalt  }
0x46: {  	_ =	shalt  }
0x47: {  	_ =	shalt  }
0x48: {  	_ =	shalt  }
0x49: {  	_ =	shalt  }
0x4a: {  	_ =	shalt  }
0x4b: {  	_ =	shalt  }
0x4c: {  	_ =	shalt  }
0x4d: {  	_ =	shalt  }
0x4e: {  	_ =	shalt  }
0x4f: {  	_ =	shalt  }
0x50: {  	_ =	shalt  }
0x51: {  	_ =	shalt  }
0x52: {  	_ =	shalt  }
0x53: {  	_ =	shalt  }
0x54: {  	_ =	shalt  }
0x55: {  	_ =	shalt  }
0x56: {  	_ =	shalt  }
0x57: {  	_ =	shalt  }
0x58: {  	_ =	shalt  }
0x59: {  	_ =	shalt  }
0x5a: {  	_ =	shalt  }
0x5b: {  	_ =	shalt  }
0x5c: {  	_ =	shalt  }
0x5d: {  	_ =	shalt  }
0x5e: {  	_ =	shalt  }
0x5f: {  	_ =	shalt  }
0x60: {  	_ =	shalt  }
0x61: {  	_ =	shalt  }
0x62: {  	_ =	shalt  }
0x63: {  	_ =	shalt  }
0x64: {  	_ =	shalt  }
0x65: {  	_ =	shalt  }
0x66: {  	_ =	shalt  }
0x67: {  	_ =	shalt  }
0x68: {  	_ =	shalt  }
0x69: {  	_ =	shalt  }
0x6a: {  	_ =	shalt  }
0x6b: {  	_ =	shalt  }
0x6c: {  	_ =	shalt  }
0x6d: {  	_ =	shalt  }
0x6e: {  	_ =	shalt  }
0x6f: {  	_ =	shalt  }
0x70: {  	_ =	shalt  }
0x71: {  	_ =	shalt  }
0x72: {  	_ =	shalt  }
0x73: {  	_ =	shalt  }
0x74: {  	_ =	shalt  }
0x75: {  	_ =	shalt  }
0x76: {  	_ =	shalt  }
0x77: {  	_ =	shalt  }
0x78: {  	_ =	shalt  }
0x79: {  	_ =	shalt  }
0x7a: {  	_ =	shalt  }
0x7b: {  	_ =	shalt  }
0x7c: {  	_ =	shalt  }
0x7d: {  	_ =	shalt  }
0x7e: {  	_ =	shalt  }
0x7f: {  	_ =	shalt  }
0x80: {  	_ =	shalt  }
0x81: {  	_ =	shalt  }
0x82: {  	_ =	shalt  }
0x83: {  	_ =	shalt  }
0x84: {  	_ =	shalt  }
0x85: {  	_ =	shalt  }
0x86: {  	_ =	shalt  }
0x87: {  	_ =	shalt  }
.Lfunc_end0:
.L_simem_size_0:
called_computation.3_lowered:
.L_overlay_start_0:
0x88: {  	s2 =	sld [smem:$0x3FD9]  }
0x89: {  	s3 =	sld [smem:$0x3FFE];
	_ =	sdelay $0x1  }
0x8a: {  	s1 =	srdreg.scid  }
0x8b: {  	s0 =	sand.u32 $0x1, s1  }
0x8c: {  	s16 =	sshll.u32 s0, $0xA;
	s2 =	sadd.s32 s3, s2  }
0x8d: {  	s2 =	sadd.s32 s2, s16  }
0x8e: {  	[smem:$0x3FB4] =	sst s2  }
0x8f: {  	_ = 	snop  }
0x90: {  	(tm) =	ssettm $0x1  }
0x91: {  	s17 =	sld [smem:$0x3FFB];
	_ =	sdelay $0x3  }
0x92: {  	_ =	strace s17  }
0x93: {  	s2 =	sld [smem:$0x3FFC];
	_ =	sdelay $0x3  }
0x94: {  	_ =	strace s2  }
0x95: {  	s2 =	sld [smem:$0x3FFD];
	_ =	sdelay $0x3  }
0x96: {  	_ =	strace s2  }
0x97: {  	_ =	strace $0x8FFFFFFF  }
0x98: {  	s18 =	sld [smem:$0x3FDB];
	_ =	sdelay $0x1  }
0x99: {  	s19 =	simm.s32 $_scs_section_size  }
0x9a: {  	s4 =	simm.s32 $_size__tile_overlayer_lowered;
	s5 =	simm.s32 $_tile_overlayer_lowered  }
0x9b: {  	s22 =	simm.s32 $0x1BFF;
	s21 =	sshll.u32 s5, $0x1;
	s2 =	sadd.s32 s19, s18  }
0x9c: {  	s6 =	simm.s32 $0x0;
	s20 =	sshll.u32 s4, $0x1;
	s4 =	sadd.s32 s21, s2  }
0x9d: {  	[timem:s6], [sflag:s22] =	dma.local [hbm:s4], s20  }
0x9e: {  	_ =	swait.ge [sflag:s22], s20  }
0x9f: {  	s3 =	ssub.s32 $0x0, s20;
	[sflag:s22] =	ssyncset.done $0x0  }
0xa0: {  	[sflag:s22] =	ssyncadd.s32 s3;
	_ =	sdelay $0x1  }
0xa1: {  	s23 =	simm.s32 $0x1B8B  }
0xa2: {  	_ =	swait.ge [sflag:s23], $0x1  }
0xa3: {  	[sflag:s23] =	ssyncset.done $0x0  }
0xa4: {  	s25 =	simm.s32 $0x1B8E;
	s24 =	sld [smem:$0x3FFE];
	[sflag:s23] =	ssyncadd.s32 $0xFFFFFFFF  }
0xa5: {  	s26 =	simm.s32 $execute0_lowered;
	[smem:$0x3FD2] =	sst s25  }
0xa6: {  	s4 =	sshll.u32 s26, $0x1;
	_ =	strace $0x8000004F;
	[dreg:$0x1] =	wrdreg $0xFFFFFFFF  }
0xa7: {  	s28 =	simm.s32 $_size_execute0_lowered;
	s2 =	sadd.s32 s2, s4;
	[dreg:$0x0] =	wrdreg $0x0  }
0xa8: {  	s4 =	sshll.u32 s28, $0x1;
	[dreg:$0x2] =	wrdreg s2  }
0xa9: {  	[dreg:$0x3] =	wrdreg s4  }
0xaa: {  	[dreg:$0x4] =	wrdreg $0xC0  }
0xab: {  	_ =	task [dreg:s6], $0x5FFFF  }
0xac: {  	[dreg:$0x1] =	wrdreg $0xFFFFFFFF  }
0xad: {  	[dreg:$0x0] =	wrdreg $0x60  }
0xae: {  	[dreg:$0x2] =	wrdreg s24  }
0xaf: {  	[dreg:$0x3] =	wrdreg $0x51000  }
0xb0: {  	[dreg:$0x4] =	wrdreg $0x9  }
0xb1: {  	_ =	task.clear_ibuf [dreg:s6], $0x5FFFF;
	_ =	strace $0x9000004F  }
0xb2: {  	s29 =	simm.s32 $0x9;
	_ =	strace $0x80000051  }
0xb3: {  	_ =	swait.ge [sflag:s29], $0x1  }
0xb4: {  	[sflag:s29] =	ssyncadd.s32 $0xFFFFFFFF  }
0xb5: {  	_ =	strace $0x90000051  }
0xb6: {  	_ =	sfence  }
0xb7: {  	s30 =	sld [smem:$0x0];
	_ =	sdelay $0x2  }
0xb8: {  	s31 =	sshll.u32 s1, $0xD;
	s1 =	sshrl.u32 s1, $0x2  }
0xb9: {  	s3 =	sand.u32 $0x4000, s31;
	s1 =	sadd.s32 s1, s30  }
0xba: {  	s0 =	sor.u32 s3, s0;
	s1 =	sshll.u32 s1, $0x11  }
0xbb: {  	s0 =	sor.u32 s1, s0  }
0xbc: {  	s0 =	sadd.s32 $0x8F2B, s0  }
0xbd: {  	[sflag:s0] =	ssyncadd.remote.s32 $0x1  }
0xbe: {  	_ =	sfence.sel $0xFFFF  }
0xbf: {  	[dreg:$0x0] =	wrdreg $0xFFFFFFFF;
	(pc) =	sbr.abs _section_cstart, $3  }
0xc0: {  	[dreg:$0x1] =	wrdreg $0xFFFFFFFF  }
0xc1: {  	_ =	task.clear_ibuf [dreg:s6], $0x2FFFF;
	_ =	strace $0x9FFFFFFF  }
0xc2: {  	(tm) =	ssettm $0x7FFFFFFF  }
0xc3: {  	_ =	shalt  }
tec
execute0_lowered:
.L_overlay_start_1:
0x0: {  	(tag) =	ssettag $0x1  }
0x1: {  	s0 =	rddreg [dreg:$0x0]  }
0x2: {  	s1 =	rddreg [dreg:$0x1];
	s3 =	simm.s32 $0x0  }
0x3: {  	s2 =	srdreg.scid;
	s28 =	stileid.u32;
	s29 =	simm.s32 $0x100  }
0x4: {  	s30 =	simm.s32 $0x3;
	s31 =	simm.s32 $0x80;
	[smem:$0x7FF] =	sst s3  }
0x5: {  	s2 =	sand.u32 $0x1, s2;
	s6 =	smul.u32 $0x13800, s28;
	s4 =	sadd.s32 $0x18000, s0  }
0x6: {  	s7 =	sadd.s32 $0x66400, s0;
	p0 =	sne.s32 s28, $0xF;
	s5 =	ssub.s32 $0x2, s2  }
0x7: {  	_ =	strace $0x80000050;
	s12 =	smul.u32 $0x138800, s2;
	s8 =	sshrl.u32 s5, $0x1  }
0x8: {  	s9 =	sadd.s32 $0x2800, s6;
	s10 =	sadd.s32 $0x5000, s6;
	s11 =	sadd.s32 $0x7800, s6  }
0x9: {  	s20 =	sadd.s32 $0xA000, s6;
	s21 =	sadd.s32 $0xC800, s6;
	s22 =	sadd.s32 $0xF000, s6  }
0xa: {  	s23 =	sadd.s32 $0x11800, s6;
	s5 =	ssub.s32 s5, s8;
	s8 =	smul.u32 $0x4E000, s28  }
0xb: {  	s6 =	sadd.s32 s6, s12;
	s13 =	sadd.s32 s12, s9;
	s14 =	sadd.s32 s12, s10  }
0xc: {  	s15 =	sadd.s32 s12, s20;
	s16 =	sadd.s32 s12, s21;
	s19 =	sadd.s32 s12, s22  }
0xd: {  	s24 =	sadd.s32 s12, s23;
	s25 =	sshrl.u32 s12, $0x3;
	s20 =	sadd.s32 s20, s1  }
0xe: {  	s21 =	sadd.s32 s21, s1;
	s22 =	sadd.s32 s22, s1;
	s23 =	sadd.s32 s23, s1  }
0xf: {  	s6 =	sshrl.u32 s6, $0x3;
	s13 =	sshrl.u32 s13, $0x3;
	s18 =	sshrl.u32 s16, $0x3  }
0x10: {  	s6 =	sadd.s32 s7, s6;
	s26 =	sadd.s32 s7, s13;
	s13 =	sshrl.u32 s14, $0x3  }
0x11: {  	s14 =	sadd.s32 s12, s11;
	s12 =	sadd.s32 s7, s25;
	[dreg:$0x3] =	wrdreg s6  }
0x12: {  	s25 =	sshrl.u32 s8, $0x2;
	[dreg:$0x4] =	wrdreg s26;
	s6 =	sadd.s32 s7, s13  }
0x13: {  	s13 =	sshrl.u32 s15, $0x3;
	s15 =	sadd.s32 $0x4400, s0;
	s16 =	sadd.s32 s25, s1  }
0x14: {  	s25 =	sadd.s32 $0x27000, s12;
	[dreg:$0x5] =	wrdreg s6;
	s6 =	sshrl.u32 s14, $0x3  }
0x15: {  	s17 =	sadd.s32 s7, s13;
	s13 =	sshrl.u32 s24, $0x3;
	s14 =	sadd.s32 $0xE200, s0  }
0x16: {  	s6 =	sadd.s32 s7, s6;
	[dreg:$0x7] =	wrdreg s17;
	s26 =	sadd.s32 s7, s13  }
0x17: {  	s13 =	sadd.s32 $0x3F200, s0;
	s17 =	sadd.s32 s9, s1;
	[dreg:$0x6] =	wrdreg s6  }
0x18: {  	s6 =	sadd.s32 s7, s18;
	[dreg:$0xa] =	wrdreg s26;
	s18 =	sadd.s32 s10, s1  }
0x19: {  	s26 =	sshll.u32 s2, $0x4;
	s2 =	simm.s32 $0x2900;
	[dreg:$0x8] =	wrdreg s6  }
0x1a: {  	s6 =	sshrl.u32 s19, $0x3;
	s19 =	sadd.s32 s11, s1;
	s0 =	sor.u32 s28, s26  }
0x1b: {  	s26 =	smax.u32 s5, $0x1;
	s28 =	sadd.s32 $0x138000, s1;
	s5 =	simm.s32 $0x1  }
0x1c: {  	s6 =	sadd.s32 s7, s6;
	s24 =	smul.u32 $0x2710, s0;
	s0 =	simm.s32 $0x50  }
0x1d: {  	v0 =	vimm.f32 $0.0e+00;
	s7 =	simm.s32 $0x0;
	[dreg:$0x9] =	wrdreg s6;
	s6 =	simm.s32 $0x2  }
.LBB2_1:
0x1e: {  	s8 =	simm.s32 $0x0;
	s9 =	simm.s32 $0x200  }
.LBB2_2:
0x1f: {  	p1 =	sne.s32 s9, $0x9E00;
	[tilespmem:s8+$0x170] =	vst v0  }
0x20: {  	[tilespmem:s8+$0x100] =	vst v0  }
0x21: {  	[tilespmem:s8+$0x110] =	vst v0  }
.Ltmp0:
0x22: {  	[tilespmem:s8+$0x120] =	vst v0;
	(pc) =	sbr.rel @p1 .LBB2_2-.Ltmp0, $4  }
0x23: {  	[tilespmem:s8+$0x130] =	vst v0  }
0x24: {  	[tilespmem:s8+$0x140] =	vst v0  }
0x25: {  	[tilespmem:s8+$0x150] =	vst v0  }
0x26: {  	[tilespmem:s8+$0x160] =	vst v0;
	s8 =	sshra.s32 s9, $0x2;
	s9 =	sadd.s32 $0x200, s9  }
0x27: {  	[tilespmem:s8+$0x170] =	vst v0  }
0x28: {  	[tilespmem:s8+$0x100] =	vst v0  }
0x29: {  	[tilespmem:s8+$0x110] =	vst v0  }
0x2a: {  	[tilespmem:s8+$0x120] =	vst v0  }
0x2b: {  	[tilespmem:s8+$0x130] =	vst v0  }
0x2c: {  	[tilespmem:s8+$0x140] =	vst v0  }
0x2d: {  	[tilespmem:s8+$0x150] =	vst v0  }
0x2e: {  	[tilespmem:s8+$0x160] =	vst v0  }
0x2f: {  	[spmem:s16] =	stream.linear.scatter [tilespmem:s29], [sflag:$0x3], $0x2800, $0x38;
	[tilespmem:$0x18980] =	vst v63  }
0x30: {  	_ =	swait.ge [sflag:s30], $0x2800  }
0x31: {  	[sflag:s30] =	ssyncset.done $0x0  }
0x32: {  	[sflag:s30] =	ssyncadd.s32 $0xFFFFD800  }
0x33: {  	[spmem:s17] =	stream.linear.scatter [tilespmem:s29], [sflag:$0x3], $0x2800, $0x38;
	[tilespmem:$0x18980] =	vst v63  }
0x34: {  	_ =	swait.ge [sflag:s30], $0x2800  }
0x35: {  	[sflag:s30] =	ssyncset.done $0x0  }
0x36: {  	[sflag:s30] =	ssyncadd.s32 $0xFFFFD800  }
0x37: {  	[spmem:s18] =	stream.linear.scatter [tilespmem:s29], [sflag:$0x3], $0x2800, $0x38;
	[tilespmem:$0x18980] =	vst v63  }
0x38: {  	_ =	swait.ge [sflag:s30], $0x2800  }
0x39: {  	[sflag:s30] =	ssyncset.done $0x0  }
0x3a: {  	[sflag:s30] =	ssyncadd.s32 $0xFFFFD800  }
0x3b: {  	[spmem:s19] =	stream.linear.scatter [tilespmem:s29], [sflag:$0x3], $0x2800, $0x38;
	[tilespmem:$0x18980] =	vst v63  }
0x3c: {  	_ =	swait.ge [sflag:s30], $0x2800  }
0x3d: {  	[sflag:s30] =	ssyncset.done $0x0  }
0x3e: {  	[sflag:s30] =	ssyncadd.s32 $0xFFFFD800  }
0x3f: {  	[spmem:s20] =	stream.linear.scatter [tilespmem:s29], [sflag:$0x3], $0x2800, $0x38;
	[tilespmem:$0x18980] =	vst v63  }
0x40: {  	_ =	swait.ge [sflag:s30], $0x2800  }
0x41: {  	[sflag:s30] =	ssyncset.done $0x0  }
0x42: {  	[sflag:s30] =	ssyncadd.s32 $0xFFFFD800  }
0x43: {  	[spmem:s21] =	stream.linear.scatter [tilespmem:s29], [sflag:$0x3], $0x2800, $0x38;
	[tilespmem:$0x18980] =	vst v63  }
0x44: {  	_ =	swait.ge [sflag:s30], $0x2800  }
0x45: {  	[sflag:s30] =	ssyncset.done $0x0  }
0x46: {  	[sflag:s30] =	ssyncadd.s32 $0xFFFFD800  }
0x47: {  	[spmem:s22] =	stream.linear.scatter [tilespmem:s29], [sflag:$0x3], $0x2800, $0x38;
	[tilespmem:$0x18980] =	vst v63  }
0x48: {  	_ =	swait.ge [sflag:s30], $0x2800  }
0x49: {  	[sflag:s30] =	ssyncset.done $0x0  }
0x4a: {  	[sflag:s30] =	ssyncadd.s32 $0xFFFFD800  }
0x4b: {  	[spmem:s23] =	stream.linear.scatter [tilespmem:s29], [sflag:$0x3], $0x2000, $0x38;
	[tilespmem:$0x18980] =	vst v63  }
0x4c: {  	_ =	swait.ge [sflag:s30], $0x2000  }
0x4d: {  	[sflag:s30] =	ssyncset.done $0x0  }
0x4e: {  	s8 =	simm.s32 @!p0 $0x100;
	[sflag:s30] =	ssyncadd.s32 $0xFFFFE000  }
0x4f: {  	[spmem:s28] =	stream.linear.scatter @!p0 [tilespmem:s8], [sflag:$0x3], $0x800, $0x38;
	[tilespmem:$0x18980] =	vst v63  }
0x50: {  	s8 =	simm.s32 @!p0 $0x3  }
0x51: {  	_ =	swait.ge @!p0 [sflag:s8], $0x800  }
0x52: {  	[sflag:s8] =	ssyncset.done @!p0 $0x0  }
0x53: {  	[sflag:s8] =	ssyncadd.s32 @!p0 $0xFFFFF800  }
0x54: {  	s9 =	simm.s32 $0x0;
	s8 =	simm.s32 $0x0;
	[bflag:$0x0] =	sbarrier.arrive $0xFFFF  }
.LBB2_4:
0x55: {  	s10 =	smul.u32 $0x50, s9;
	_ =	sdelay $0x1  }
0x56: {  	s10 =	sadd.s32 s24, s10  }
0x57: {  	s10 =	sshrl.u32 s10, $0x3  }
0x58: {  	s11 =	sadd.s32 s14, s10  }
0x59: {  	[tilespmem:s8], [sflag:$0x3] =	stream.linear.gather [hbm4b:s11+s8], $0x50, $0x38;
	[tilespmem:$0x18980] =	vst v63  }
0x5a: {  	_ =	swait.ge [sflag:s30], $0x50  }
0x5b: {  	[sflag:s30] =	ssyncset.done $0x0  }
0x5c: {  	s10 =	sadd.s32 s15, s10;
	[sflag:s30] =	ssyncadd.s32 $0xFFFFFFB0  }
0x5d: {  	[tilespmem:s31], [sflag:$0x3] =	stream.linear.gather [hbm4b:s10+s8], $0x50, $0x38;
	[tilespmem:$0x18980] =	vst v63  }
0x5e: {  	_ =	swait.ge [sflag:s30], $0x50  }
0x5f: {  	[sflag:s30] =	ssyncset.done $0x0  }
0x60: {  	[sflag:s30] =	ssyncadd.s32 $0xFFFFFFB0  }
0x61: {  	[tilespmem:s29], [sflag:$0x1] =	stream.indirect.gather [hbm4b:s4+s0], $0x80, s8, s0, $0xb8;
	[tilespmem:$0x18980] =	vst v63  }
0x62: {  	_ = 	snop  }
0x63: {  	[tilespmem:s2], [sflag:$0x2] =	stream.indirect.gather [hbm4b:s13+s0], $0x80, s31, s0, $0xb8;
	[tilespmem:$0x18980] =	vst v63  }
0x64: {  	_ =	swait.ge [sflag:s5], $0x2800  }
0x65: {  	[sflag:s5] =	ssyncset.done $0x0  }
0x66: {  	[sflag:s5] =	ssyncadd.s32 $0xFFFFD800  }
0x67: {  	_ =	swait.ge [sflag:s6], $0x2800  }
0x68: {  	[sflag:s6] =	ssyncset.done $0x0  }
0x69: {  	s10 =	simm.s32 $0x0;
	[sflag:s6] =	ssyncadd.s32 $0xFFFFD800  }
0x6a: {  	v7 =	vld [tilespmem:s10+$0x100]  }
0x6b: {  	v12 =	vld [tilespmem:s10+$0x110]  }
0x6c: {  	v6 =	vld [tilespmem:s10+$0x120]  }
0x6d: {  	v5 =	vld [tilespmem:s10+$0x130]  }
0x6e: {  	v4 =	vld [tilespmem:s10+$0x140]  }
0x6f: {  	v3 =	vld [tilespmem:s10+$0x150]  }
0x70: {  	v2 =	vld [tilespmem:s10+$0x160]  }
0x71: {  	v1 =	vld [tilespmem:s10+$0x170]  }
0x72: {  	v13 =	vld [tilespmem:s10+$0x2900]  }
0x73: {  	v14 =	vld [tilespmem:s10+$0x2910]  }
0x74: {  	v11 =	vld [tilespmem:s10+$0x2920]  }
0x75: {  	v10 =	vld [tilespmem:s10+$0x2930]  }
0x76: {  	v9 =	vld [tilespmem:s10+$0x2940]  }
0x77: {  	v8 =	vld [tilespmem:s10+$0x2950];
	v13 =	vadd.f32 v13, v7  }
0x78: {  	s11 =	simm.s32 $0x200;
	v12 =	vadd.f32 v14, v12;
	v7 =	vld [tilespmem:s10+$0x2960]  }
.LBB2_5:
0x79: {  	s12 =	sshra.s32 s11, $0x2;
	p1 =	sne.s32 s11, $0x9E00;
	v13 =	vmax.f32 v13, $0.0e+00;
	v6 =	vadd.f32 v11, v6;
	v11 =	vld [tilespmem:s10+$0x2970]  }
0x7a: {  	v14 =	vld [tilespmem:s12+$0x100];
	[tilespmem:s10+$0x2900] =	vst v13;
	v12 =	vmax.f32 v12, $0.0e+00;
	v5 =	vadd.f32 v10, v5  }
0x7b: {  	v15 =	vld [tilespmem:s12+$0x110];
	[tilespmem:s10+$0x2910] =	vst v12;
	v10 =	vmax.f32 v6, $0.0e+00;
	v4 =	vadd.f32 v9, v4  }
0x7c: {  	v6 =	vld [tilespmem:s12+$0x120];
	[tilespmem:s10+$0x2920] =	vst v10;
	v9 =	vmax.f32 v5, $0.0e+00;
	v3 =	vadd.f32 v8, v3  }
0x7d: {  	v5 =	vld [tilespmem:s12+$0x130];
	[tilespmem:s10+$0x2930] =	vst v9;
	v8 =	vmax.f32 v4, $0.0e+00;
	v2 =	vadd.f32 v7, v2  }
0x7e: {  	v4 =	vld [tilespmem:s12+$0x140];
	[tilespmem:s10+$0x2940] =	vst v8;
	v7 =	vmax.f32 v3, $0.0e+00;
	v1 =	vadd.f32 v11, v1  }
0x7f: {  	v3 =	vld [tilespmem:s12+$0x150];
	[tilespmem:s10+$0x2950] =	vst v7;
	v7 =	vmax.f32 v2, $0.0e+00  }
0x80: {  	v2 =	vld [tilespmem:s12+$0x160];
	[tilespmem:s10+$0x2960] =	vst v7;
	v7 =	vmax.f32 v1, $0.0e+00  }
0x81: {  	v1 =	vld [tilespmem:s12+$0x170];
	[tilespmem:s10+$0x2970] =	vst v7;
	s10 =	smov.u32 s12  }
0x82: {  	v7 =	vld [tilespmem:s10+$0x2900]  }
0x83: {  	v12 =	vld [tilespmem:s10+$0x2910]  }
.Ltmp1:
0x84: {  	v11 =	vld [tilespmem:s10+$0x2920];
	(pc) =	sbr.rel @p1 .LBB2_5-.Ltmp1, $4  }
0x85: {  	v10 =	vld [tilespmem:s10+$0x2930]  }
0x86: {  	v9 =	vld [tilespmem:s10+$0x2940]  }
0x87: {  	v13 =	vadd.f32 v7, v14;
	v8 =	vld [tilespmem:s10+$0x2950]  }
0x88: {  	s11 =	sadd.s32 $0x200, s11;
	v12 =	vadd.f32 v12, v15;
	v7 =	vld [tilespmem:s10+$0x2960]  }
0x89: {  	v13 =	vmax.f32 v13, $0.0e+00;
	v6 =	vadd.f32 v11, v6;
	v63 =	vld [tilespmem:s10+$0x2970]  }
0x8a: {  	[tilespmem:s10+$0x2900] =	vst v13;
	v12 =	vmax.f32 v12, $0.0e+00;
	v5 =	vadd.f32 v10, v5  }
0x8b: {  	[tilespmem:s10+$0x2910] =	vst v12;
	v6 =	vmax.f32 v6, $0.0e+00;
	v4 =	vadd.f32 v9, v4  }
0x8c: {  	[tilespmem:s10+$0x2920] =	vst v6;
	v5 =	vmax.f32 v5, $0.0e+00;
	v3 =	vadd.f32 v8, v3  }
0x8d: {  	[tilespmem:s10+$0x2930] =	vst v5;
	v4 =	vmax.f32 v4, $0.0e+00;
	v2 =	vadd.f32 v7, v2  }
0x8e: {  	[tilespmem:s10+$0x2940] =	vst v4;
	v3 =	vmax.f32 v3, $0.0e+00;
	v1 =	vadd.f32 v63, v1  }
0x8f: {  	s9 =	sadd.s32 $0x1, s9;
	[tilespmem:s10+$0x2950] =	vst v3;
	v2 =	vmax.f32 v2, $0.0e+00  }
0x90: {  	p1 =	sne.s32 s9, $0x7D;
	[tilespmem:s10+$0x2960] =	vst v2;
	v1 =	vmax.f32 v1, $0.0e+00  }
.Ltmp2:
0x91: {  	[tilespmem:s10+$0x2970] =	vst v1;
	(pc) =	sbr.rel @p1 .LBB2_4-.Ltmp2, $4  }
0x92: {  	[spmem:s1] =	stream.indirect.scatter.add.f32 [tilespmem:s2], [sflag:$0x3], $0x80, s3, s0, $0xb8;
	[tilespmem:$0x18980] =	vst v63  }
0x93: {  	_ =	swait.ge [sflag:s30], $0x2800  }
0x94: {  	[sflag:s30] =	ssyncset.done $0x0  }
0x95: {  	[sflag:s30] =	ssyncadd.s32 $0xFFFFD800  }
0x96: {  	s8 =	stileid.u32  }
0x97: {  	[bflag:$0x0] =	sbarrier.arrive $0xFFFF;
	s8 =	sshll.u32 s8, $0x6  }
0x98: {  	s9 =	sshrl.u32 s16, $0x3;
	s10 =	rddreg [dreg:$0x3];
	s8 =	sor.u32 $0x1C03, s8  }
0x99: {  	[hbm:s10], [sflag:s8] =	dma.local [spmem:s9], $0x500  }
0x9a: {  	_ =	swait.ge [sflag:s30], $0x500  }
0x9b: {  	[sflag:s30] =	ssyncset.done $0x0  }
0x9c: {  	s11 =	sshrl.u32 s17, $0x3;
	s12 =	rddreg [dreg:$0x4];
	[sflag:s30] =	ssyncadd.s32 $0xFFFFFB00  }
0x9d: {  	[hbm:s12], [sflag:s8] =	dma.local [spmem:s11], $0x500  }
0x9e: {  	_ =	swait.ge [sflag:s30], $0x500  }
0x9f: {  	[sflag:s30] =	ssyncset.done $0x0  }
0xa0: {  	s11 =	sshrl.u32 s18, $0x3;
	s12 =	rddreg [dreg:$0x5];
	[sflag:s30] =	ssyncadd.s32 $0xFFFFFB00  }
0xa1: {  	[hbm:s12], [sflag:s8] =	dma.local [spmem:s11], $0x500  }
0xa2: {  	_ =	swait.ge [sflag:s30], $0x500  }
0xa3: {  	[sflag:s30] =	ssyncset.done $0x0  }
0xa4: {  	s11 =	sshrl.u32 s19, $0x3;
	s12 =	rddreg [dreg:$0x6];
	[sflag:s30] =	ssyncadd.s32 $0xFFFFFB00  }
0xa5: {  	[hbm:s12], [sflag:s8] =	dma.local [spmem:s11], $0x500  }
0xa6: {  	_ =	swait.ge [sflag:s30], $0x500  }
0xa7: {  	[sflag:s30] =	ssyncset.done $0x0  }
0xa8: {  	s11 =	sshrl.u32 s20, $0x3;
	s12 =	rddreg [dreg:$0x7];
	[sflag:s30] =	ssyncadd.s32 $0xFFFFFB00  }
0xa9: {  	[hbm:s12], [sflag:s8] =	dma.local [spmem:s11], $0x500  }
0xaa: {  	_ =	swait.ge [sflag:s30], $0x500  }
0xab: {  	[sflag:s30] =	ssyncset.done $0x0  }
0xac: {  	s11 =	sshrl.u32 s21, $0x3;
	s12 =	rddreg [dreg:$0x8];
	[sflag:s30] =	ssyncadd.s32 $0xFFFFFB00  }
0xad: {  	[hbm:s12], [sflag:s8] =	dma.local [spmem:s11], $0x500  }
0xae: {  	_ =	swait.ge [sflag:s30], $0x500  }
0xaf: {  	[sflag:s30] =	ssyncset.done $0x0  }
0xb0: {  	s11 =	sshrl.u32 s22, $0x3;
	s12 =	rddreg [dreg:$0x9];
	[sflag:s30] =	ssyncadd.s32 $0xFFFFFB00  }
0xb1: {  	[hbm:s12], [sflag:s8] =	dma.local [spmem:s11], $0x500  }
0xb2: {  	_ =	swait.ge [sflag:s30], $0x500  }
0xb3: {  	[sflag:s30] =	ssyncset.done $0x0  }
0xb4: {  	s11 =	sshrl.u32 s23, $0x3;
	s12 =	rddreg [dreg:$0xa];
	[sflag:s30] =	ssyncadd.s32 $0xFFFFFB00  }
0xb5: {  	[hbm:s12], [sflag:s8] =	dma.local [spmem:s11], $0x400  }
0xb6: {  	_ =	swait.ge [sflag:s30], $0x400  }
0xb7: {  	s7 =	sadd.s32 $0x1, s7;
	[sflag:s30] =	ssyncset.done $0x0  }
0xb8: {  	p1 =	sne.s32 s7, s26;
	s9 =	sshrl.u32 @!p0 s28, $0x3;
	[sflag:s30] =	ssyncadd.s32 $0xFFFFFC00  }
0xb9: {  	[hbm:s25], [sflag:s8] =	dma.local @!p0 [spmem:s9], $0x100  }
.Ltmp3:
0xba: {  	_ = 	snop;
	(pc) =	sbr.rel @p1 .LBB2_1-.Ltmp3, $4  }
0xbb: {  	s8 =	simm.s32 @!p0 $0x3  }
0xbc: {  	_ =	swait.ge @!p0 [sflag:s8], $0x100  }
0xbd: {  	[sflag:s8] =	ssyncset.done @!p0 $0x0  }
0xbe: {  	[sflag:s8] =	ssyncadd.s32 @!p0 $0xFFFFFF00  }
0xbf: {  	_ =	sfence.sel $0x180000  }
0xc0: {  	[bflag:$0x0] =	sbarrier.arrive $0xFFFF  }
0xc1: {  	_ =	strace $0x90000050  }
0xc2: {  	s0 =	stileid.u32;
	[bflag:$0x2] =	sbarrier.arrive $0xFFFF  }
0xc3: {  	p0 =	sne.s32 s0, $0x0;
	s0 =	rddreg [dreg:$0x2]  }
0xc4: {  	s0 =	sadd.s32 @!p0 $0x100000, s0  }
0xc5: {  	[sflag:s0] =	ssyncadd.tile.s32 @!p0 $0x1;
	_ =	shalt  }
.Lfunc_end2:
_tile_overlayer_lowered:
.L_overlay_start_2:
0xc6: {  	(tag) =	ssettag $0x2  }
0xc7: {  	s0 =	rddreg [dreg:$0x0];
	s2 =	stileid.u32  }
0xc8: {  	s1 =	rddreg [dreg:$0x1];
	p0 =	sne.s32 s2, $0x0  }
0xc9: {  	s3 =	rddreg [dreg:$0x2];
	[bflag:$0x3] =	sbarrier.arrive $0xFFFF;
	s2 =	simm.s32 @!p0 $0x1C03  }
0xca: {  	[timem:s3], [sflag:s2] =	dma.local @!p0 [hbm:s0], s1  }
0xcb: {  	s0 =	simm.s32 @!p0 $0x3  }
0xcc: {  	_ =	swait.ge @!p0 [sflag:s0], s1  }
0xcd: {  	s1 =	ssub.s32 @!p0 $0x0, s1;
	[sflag:s0] =	ssyncset.done @!p0 $0x0  }
0xce: {  	[sflag:s0] =	ssyncadd.s32 @!p0 s1  }
0xcf: {  	[bflag:$0x3] =	sbarrier.arrive $0xFFFF  }
0xd0: {  	_ =	shalt  }

</sc_bundles>
